<compile_context>
chip_gen: v7x
topology: tpu7x:2x2x1
jax: 0.10.2.dev20260603
libtpu: 0.0.44.dev20260713+nightly
codegen_flags: <defaults>
</compile_context>

<pallas_src>
import functools
import jax
import jax.numpy as jnp
from jax import lax
from jax.experimental import pallas as pl
from jax.experimental.pallas import tpu as pltpu
from jax.experimental.pallas import tpu_sc as plsc

BATCH = 4
SEQ_LEN = 8192
D_MODEL = 768

N_CORES = 2
N_SUBCORES = 16
N_WORKERS = N_CORES * N_SUBCORES
ROWS_PER_W = SEQ_LEN // N_WORKERS
CHUNK_ROWS = 32
N_CHUNKS = ROWS_PER_W // CHUNK_ROWS
CHUNK_W = CHUNK_ROWS * D_MODEL
N_VECS = CHUNK_W // 16
D_X = 3
NITER = N_CHUNKS * BATCH
XSTRIDE = SEQ_LEN * D_MODEL


def _sc_body(x_ref, pe_ref, out_ref, xbufs, pebufs, xsems, osems, psems):
    wid = lax.axis_index("s") * N_CORES + lax.axis_index("c")
    base = wid * ROWS_PER_W * D_MODEL

    def x_in(k):
        c, b = divmod(k, BATCH)
        return pltpu.make_async_copy(
            x_ref.at[pl.ds(b * XSTRIDE + base + c * CHUNK_W, CHUNK_W)],
            xbufs[k % D_X],
            xsems[k % D_X],
        )

    def x_out(k):
        c, b = divmod(k, BATCH)
        return pltpu.make_async_copy(
            xbufs[k % D_X],
            out_ref.at[pl.ds(b * XSTRIDE + base + c * CHUNK_W, CHUNK_W)],
            osems[k % D_X],
        )

    def pe_in(c):
        return pltpu.make_async_copy(
            pe_ref.at[pl.ds(base + c * CHUNK_W, CHUNK_W)],
            pebufs[c % 2],
            psems[c % 2],
        )

    for k in range(D_X):
        x_in(k).start()
    pe_in(0).start()
    pe_in(1).start()

    for k in range(NITER):
        c, b = divmod(k, BATCH)

        m = k - 1
        if m >= 0 and m + D_X < NITER:
            x_out(m).wait()
            x_in(m + D_X).start()

        x_in(k).wait()
        if b == 0:
            pe_in(c).wait()

        xb, pb = xbufs[k % D_X], pebufs[c % 2]

        def add8(i, _):
            for j in range(8):
                sl = pl.ds((i * 8 + j) * 16, 16)
                plsc.addupdate(xb.at[sl], pb[sl])
            return 0

        lax.fori_loop(0, N_VECS // 8, add8, 0)

        x_out(k).start()
        if b == BATCH - 1 and c + 2 < N_CHUNKS:
            pe_in(c + 2).start()

    for k in range(max(NITER - D_X, 0), NITER):
        x_out(k).wait()


@functools.partial(
    pl.kernel,
    out_type=jax.ShapeDtypeStruct((BATCH * SEQ_LEN * D_MODEL,), jnp.float32),
    mesh=plsc.VectorSubcoreMesh(core_axis_name="c", subcore_axis_name="s"),
    scratch_types=[
        [pltpu.VMEM((CHUNK_W,), jnp.float32)] * D_X,
        [pltpu.VMEM((CHUNK_W,), jnp.float32)] * 2,
        [pltpu.SemaphoreType.DMA] * D_X,
        [pltpu.SemaphoreType.DMA] * D_X,
        [pltpu.SemaphoreType.DMA] * 2,
    ],
)
def _sc_add(x_ref, pe_ref, out_ref, xbufs, pebufs, xsems, osems, psems):
    _sc_body(x_ref, pe_ref, out_ref, xbufs, pebufs, xsems, osems, psems)


def kernel(x, pe):
    out = _sc_add(x.reshape(-1), pe.reshape(-1))
    return out.reshape(BATCH, SEQ_LEN, D_MODEL)

# --- scband reference (transcript-rebuilt; emitter-appended) ---
"""Pipeline reference for scband-learned-positional-embedding-27771258536880 (READ-ONLY COPY).

The authoritative reference and input builder live on the scoring server;
editing this copy changes nothing except your own understanding.
"""

import jax, jax.numpy as jnp
import numpy as np

SEQ_LEN = 8192
D_MODEL = 768
BATCH = 4

def setup_inputs(seed: int = 0) -> dict:
    key = jax.random.key(seed)
    k1, k2 = jax.random.split(key)
    x = jax.random.normal(k1, (BATCH, SEQ_LEN, D_MODEL), dtype=jnp.float32)
    pe = jax.random.normal(k2, (SEQ_LEN, D_MODEL), dtype=jnp.float32) * 0.02
    return {"x": x, "pe": pe}

def reference(x, pe):
    seq_len = x.shape[1]
    positions = jnp.arange(seq_len)
    pos_emb = jnp.take(pe, positions, axis=0)
    return x + pos_emb

if __name__ == "__main__":
    import jax
    _d = setup_inputs()
    print(jax.jit(kernel)(*tuple(_d.values())))

</pallas_src>

<mosaic_0001>
#map = affine_map<(d0, d1) -> (0)>
module attributes {stable_mosaic.version = 14 : i64} {
  func.func @_sc_add(%arg0: i32, %arg1: i32, %arg2: memref<25165824xf32, #tpu.memory_space<hbm>>, %arg3: memref<6291456xf32, #tpu.memory_space<hbm>>, %arg4: memref<25165824xf32, #tpu.memory_space<hbm>>, %arg5: memref<24576xf32, #tpu.memory_space<vmem>>, %arg6: memref<24576xf32, #tpu.memory_space<vmem>>, %arg7: memref<24576xf32, #tpu.memory_space<vmem>>, %arg8: memref<24576xf32, #tpu.memory_space<vmem>>, %arg9: memref<24576xf32, #tpu.memory_space<vmem>>, %arg10: memref<!tpu.dma_semaphore, #tpu.memory_space<semaphore_mem>>, %arg11: memref<!tpu.dma_semaphore, #tpu.memory_space<semaphore_mem>>, %arg12: memref<!tpu.dma_semaphore, #tpu.memory_space<semaphore_mem>>, %arg13: memref<!tpu.dma_semaphore, #tpu.memory_space<semaphore_mem>>, %arg14: memref<!tpu.dma_semaphore, #tpu.memory_space<semaphore_mem>>, %arg15: memref<!tpu.dma_semaphore, #tpu.memory_space<semaphore_mem>>, %arg16: memref<!tpu.dma_semaphore, #tpu.memory_space<semaphore_mem>>, %arg17: memref<!tpu.dma_semaphore, #tpu.memory_space<semaphore_mem>>) attributes {dimension_semantics = [#tpu.dimension_semantics<core_parallel>, #tpu.dimension_semantics<subcore_parallel>], iteration_bounds = array<i64: 2, 16>, scalar_prefetch = 0 : i64, scratch_operands = 13 : i64, tpu.core_type = #tpu.core_type<sc_vector_subcore>, window_params = [{transform_indices = #map}, {transform_indices = #map}, {transform_indices = #map}]} {
    %mul3A = arith.constant 2 : i32
    %mul3A_0 = arith.muli %arg1, %mul3A : i32
    %add3A = arith.addi %mul3A_0, %arg0 : i32
    %mul3A_1 = arith.constant 256 : i32
    %mul3A_2 = arith.muli %add3A, %mul3A_1 : i32
    %mul3A_3 = arith.constant 768 : i32
    %mul3A_4 = arith.muli %mul3A_2, %mul3A_3 : i32
    %add3A_5 = arith.constant 0 : i32
    %add3A_6 = arith.addi %add3A_5, %mul3A_4 : i32
    %add3A_7 = arith.constant 0 : i32
    %add3A_8 = arith.addi %add3A_6, %add3A_7 : i32
    %dma_start3A = tpu.memref_slice %arg2[%add3A_8] : memref<25165824xf32, #tpu.memory_space<hbm>> -> memref<24576xf32, #tpu.memory_space<hbm>>
    %dma_start3A_9 = tpu.memref_slice %arg2[%add3A_8] : memref<25165824xf32, #tpu.memory_space<hbm>> -> memref<24576xf32, #tpu.memory_space<hbm>>
    tpu.enqueue_dma source(%dma_start3A_9 : memref<24576xf32, #tpu.memory_space<hbm>>) target(%arg5 : memref<24576xf32, #tpu.memory_space<vmem>>) target_semaphore(%arg10 : memref<!tpu.dma_semaphore, #tpu.memory_space<semaphore_mem>>)
    %add3A_10 = arith.constant 6291456 : i32
    %add3A_11 = arith.addi %add3A_10, %mul3A_4 : i32
    %add3A_12 = arith.constant 0 : i32
    %add3A_13 = arith.addi %add3A_11, %add3A_12 : i32
    %dma_start3A_14 = tpu.memref_slice %arg2[%add3A_13] : memref<25165824xf32, #tpu.memory_space<hbm>> -> memref<24576xf32, #tpu.memory_space<hbm>>
    %dma_start3A_15 = tpu.memref_slice %arg2[%add3A_13] : memref<25165824xf32, #tpu.memory_space<hbm>> -> memref<24576xf32, #tpu.memory_space<hbm>>
    tpu.enqueue_dma source(%dma_start3A_15 : memref<24576xf32, #tpu.memory_space<hbm>>) target(%arg6 : memref<24576xf32, #tpu.memory_space<vmem>>) target_semaphore(%arg11 : memref<!tpu.dma_semaphore, #tpu.memory_space<semaphore_mem>>)
    %add3A_16 = arith.constant 12582912 : i32
    %add3A_17 = arith.addi %add3A_16, %mul3A_4 : i32
    %add3A_18 = arith.constant 0 : i32
    %add3A_19 = arith.addi %add3A_17, %add3A_18 : i32
    %dma_start3A_20 = tpu.memref_slice %arg2[%add3A_19] : memref<25165824xf32, #tpu.memory_space<hbm>> -> memref<24576xf32, #tpu.memory_space<hbm>>
    %dma_start3A_21 = tpu.memref_slice %arg2[%add3A_19] : memref<25165824xf32, #tpu.memory_space<hbm>> -> memref<24576xf32, #tpu.memory_space<hbm>>
    tpu.enqueue_dma source(%dma_start3A_21 : memref<24576xf32, #tpu.memory_space<hbm>>) target(%arg7 : memref<24576xf32, #tpu.memory_space<vmem>>) target_semaphore(%arg12 : memref<!tpu.dma_semaphore, #tpu.memory_space<semaphore_mem>>)
    %add3A_22 = arith.constant 0 : i32
    %add3A_23 = arith.addi %mul3A_4, %add3A_22 : i32
    %dma_start3A_24 = tpu.memref_slice %arg3[%add3A_23] : memref<6291456xf32, #tpu.memory_space<hbm>> -> memref<24576xf32, #tpu.memory_space<hbm>>
    %dma_start3A_25 = tpu.memref_slice %arg3[%add3A_23] : memref<6291456xf32, #tpu.memory_space<hbm>> -> memref<24576xf32, #tpu.memory_space<hbm>>
    tpu.enqueue_dma source(%dma_start3A_25 : memref<24576xf32, #tpu.memory_space<hbm>>) target(%arg8 : memref<24576xf32, #tpu.memory_space<vmem>>) target_semaphore(%arg16 : memref<!tpu.dma_semaphore, #tpu.memory_space<semaphore_mem>>)
    %add3A_26 = arith.constant 24576 : i32
    %add3A_27 = arith.addi %mul3A_4, %add3A_26 : i32
    %dma_start3A_28 = tpu.memref_slice %arg3[%add3A_27] : memref<6291456xf32, #tpu.memory_space<hbm>> -> memref<24576xf32, #tpu.memory_space<hbm>>
    %dma_start3A_29 = tpu.memref_slice %arg3[%add3A_27] : memref<6291456xf32, #tpu.memory_space<hbm>> -> memref<24576xf32, #tpu.memory_space<hbm>>
    tpu.enqueue_dma source(%dma_start3A_29 : memref<24576xf32, #tpu.memory_space<hbm>>) target(%arg9 : memref<24576xf32, #tpu.memory_space<vmem>>) target_semaphore(%arg17 : memref<!tpu.dma_semaphore, #tpu.memory_space<semaphore_mem>>)
    %add3A_30 = arith.constant 0 : i32
    %add3A_31 = arith.addi %add3A_30, %mul3A_4 : i32
    %add3A_32 = arith.constant 0 : i32
    %add3A_33 = arith.addi %add3A_31, %add3A_32 : i32
    %dma_wait3A = tpu.memref_slice %arg2[%add3A_33] : memref<25165824xf32, #tpu.memory_space<hbm>> -> memref<24576xf32, #tpu.memory_space<hbm>>
    %dma_wait3A_34 = tpu.memref_slice %arg2[%add3A_33] : memref<25165824xf32, #tpu.memory_space<hbm>> -> memref<24576xf32, #tpu.memory_space<hbm>>
    tpu.wait_dma2 semaphore(%arg10 : memref<!tpu.dma_semaphore, #tpu.memory_space<semaphore_mem>>) src(%dma_wait3A_34 : memref<24576xf32, #tpu.memory_space<hbm>>) dst(%arg5 : memref<24576xf32, #tpu.memory_space<vmem>>)
    %add3A_35 = arith.constant 0 : i32
    %add3A_36 = arith.addi %mul3A_4, %add3A_35 : i32
    %dma_wait3A_37 = tpu.memref_slice %arg3[%add3A_36] : memref<6291456xf32, #tpu.memory_space<hbm>> -> memref<24576xf32, #tpu.memory_space<hbm>>
    %dma_wait3A_38 = tpu.memref_slice %arg3[%add3A_36] : memref<6291456xf32, #tpu.memory_space<hbm>> -> memref<24576xf32, #tpu.memory_space<hbm>>
    tpu.wait_dma2 semaphore(%arg16 : memref<!tpu.dma_semaphore, #tpu.memory_space<semaphore_mem>>) src(%dma_wait3A_38 : memref<24576xf32, #tpu.memory_space<hbm>>) dst(%arg8 : memref<24576xf32, #tpu.memory_space<vmem>>)
    %scan3A = arith.constant 0 : i32
    %scan3A_39 = arith.constant 0 : i32
    %scan3A_40 = arith.constant 192 : i32
    %scan3A_41 = arith.addi %scan3A_39, %scan3A_40 : i32
    %scan3A_42 = arith.constant 1 : i32
    %scan3A_43 = scf.for %scan3A_1058 = %scan3A_39 to %scan3A_41 step %scan3A_42 iter_args(%scan3A_1059 = %scan3A) -> (i32)  : i32 {
      %mul3A_1060 = arith.constant 8 : i32
      %mul3A_1061 = arith.muli %scan3A_1058, %mul3A_1060 : i32
      %add3A_1062 = arith.constant 0 : i32
      %add3A_1063 = arith.addi %mul3A_1061, %add3A_1062 : i32
      %mul3A_1064 = arith.constant 16 : i32
      %mul3A_1065 = arith.muli %add3A_1063, %mul3A_1064 : i32
      %get3A = arith.index_cast %mul3A_1065 : i32 to index
      %get3A_1066 = tpu.vector_load %arg8[%get3A] {strides = array<i32>} : memref<24576xf32, #tpu.memory_space<vmem>>, vector<16xf32>,
      %get3A_1067 = vector.shape_cast %get3A_1066 : vector<16xf32> to vector<16xf32>
      %swap3A = arith.index_cast %mul3A_1065 : i32 to index
      %swap3A_1068 = tpu.vector_load %arg5[%swap3A] {strides = array<i32>} : memref<24576xf32, #tpu.memory_space<vmem>>, vector<16xf32>,
      %swap3A_1069 = vector.shape_cast %swap3A_1068 : vector<16xf32> to vector<16xf32>
      %swap3A_1070 = vector.shape_cast %get3A_1067 : vector<16xf32> to vector<16xf32>
      tpu.vector_store %arg5[%swap3A], %swap3A_1070 {add = true, strides = array<i32>} : memref<24576xf32, #tpu.memory_space<vmem>>, vector<16xf32>,
      %mul3A_1071 = arith.constant 8 : i32
      %mul3A_1072 = arith.muli %scan3A_1058, %mul3A_1071 : i32
      %add3A_1073 = arith.constant 1 : i32
      %add3A_1074 = arith.addi %mul3A_1072, %add3A_1073 : i32
      %mul3A_1075 = arith.constant 16 : i32
      %mul3A_1076 = arith.muli %add3A_1074, %mul3A_1075 : i32
      %get3A_1077 = arith.index_cast %mul3A_1076 : i32 to index
      %get3A_1078 = tpu.vector_load %arg8[%get3A_1077] {strides = array<i32>} : memref<24576xf32, #tpu.memory_space<vmem>>, vector<16xf32>,
      %get3A_1079 = vector.shape_cast %get3A_1078 : vector<16xf32> to vector<16xf32>
      %swap3A_1080 = arith.index_cast %mul3A_1076 : i32 to index
      %swap3A_1081 = tpu.vector_load %arg5[%swap3A_1080] {strides = array<i32>} : memref<24576xf32, #tpu.memory_space<vmem>>, vector<16xf32>,
      %swap3A_1082 = vector.shape_cast %swap3A_1081 : vector<16xf32> to vector<16xf32>
      %swap3A_1083 = vector.shape_cast %get3A_1079 : vector<16xf32> to vector<16xf32>
      tpu.vector_store %arg5[%swap3A_1080], %swap3A_1083 {add = true, strides = array<i32>} : memref<24576xf32, #tpu.memory_space<vmem>>, vector<16xf32>,
      %mul3A_1084 = arith.constant 8 : i32
      %mul3A_1085 = arith.muli %scan3A_1058, %mul3A_1084 : i32
      %add3A_1086 = arith.constant 2 : i32
      %add3A_1087 = arith.addi %mul3A_1085, %add3A_1086 : i32
      %mul3A_1088 = arith.constant 16 : i32
      %mul3A_1089 = arith.muli %add3A_1087, %mul3A_1088 : i32
      %get3A_1090 = arith.index_cast %mul3A_1089 : i32 to index
      %get3A_1091 = tpu.vector_load %arg8[%get3A_1090] {strides = array<i32>} : memref<24576xf32, #tpu.memory_space<vmem>>, vector<16xf32>,
      %get3A_1092 = vector.shape_cast %get3A_1091 : vector<16xf32> to vector<16xf32>
      %swap3A_1093 = arith.index_cast %mul3A_1089 : i32 to index
      %swap3A_1094 = tpu.vector_load %arg5[%swap3A_1093] {strides = array<i32>} : memref<24576xf32, #tpu.memory_space<vmem>>, vector<16xf32>,
      %swap3A_1095 = vector.shape_cast %swap3A_1094 : vector<16xf32> to vector<16xf32>
      %swap3A_1096 = vector.shape_cast %get3A_1092 : vector<16xf32> to vector<16xf32>
      tpu.vector_store %arg5[%swap3A_1093], %swap3A_1096 {add = true, strides = array<i32>} : memref<24576xf32, #tpu.memory_space<vmem>>, vector<16xf32>,
      %mul3A_1097 = arith.constant 8 : i32
      %mul3A_1098 = arith.muli %scan3A_1058, %mul3A_1097 : i32
      %add3A_1099 = arith.constant 3 : i32
      %add3A_1100 = arith.addi %mul3A_1098, %add3A_1099 : i32
      %mul3A_1101 = arith.constant 16 : i32
      %mul3A_1102 = arith.muli %add3A_1100, %mul3A_1101 : i32
      %get3A_1103 = arith.index_cast %mul3A_1102 : i32 to index
      %get3A_1104 = tpu.vector_load %arg8[%get3A_1103] {strides = array<i32>} : memref<24576xf32, #tpu.memory_space<vmem>>, vector<16xf32>,
      %get3A_1105 = vector.shape_cast %get3A_1104 : vector<16xf32> to vector<16xf32>
      %swap3A_1106 = arith.index_cast %mul3A_1102 : i32 to index
      %swap3A_1107 = tpu.vector_load %arg5[%swap3A_1106] {strides = array<i32>} : memref<24576xf32, #tpu.memory_space<vmem>>, vector<16xf32>,
      %swap3A_1108 = vector.shape_cast %swap3A_1107 : vector<16xf32> to vector<16xf32>
      %swap3A_1109 = vector.shape_cast %get3A_1105 : vector<16xf32> to vector<16xf32>
      tpu.vector_store %arg5[%swap3A_1106], %swap3A_1109 {add = true, strides = array<i32>} : memref<24576xf32, #tpu.memory_space<vmem>>, vector<16xf32>,
      %mul3A_1110 = arith.constant 8 : i32
      %mul3A_1111 = arith.muli %scan3A_1058, %mul3A_1110 : i32
      %add3A_1112 = arith.constant 4 : i32
      %add3A_1113 = arith.addi %mul3A_1111, %add3A_1112 : i32
      %mul3A_1114 = arith.constant 16 : i32
      %mul3A_1115 = arith.muli %add3A_1113, %mul3A_1114 : i32
      %get3A_1116 = arith.index_cast %mul3A_1115 : i32 to index
      %get3A_1117 = tpu.vector_load %arg8[%get3A_1116] {strides = array<i32>} : memref<24576xf32, #tpu.memory_space<vmem>>, vector<16xf32>,
      %get3A_1118 = vector.shape_cast %get3A_1117 : vector<16xf32> to vector<16xf32>
      %swap3A_1119 = arith.index_cast %mul3A_1115 : i32 to index
      %swap3A_1120 = tpu.vector_load %arg5[%swap3A_1119] {strides = array<i32>} : memref<24576xf32, #tpu.memory_space<vmem>>, vector<16xf32>,
      %swap3A_1121 = vector.shape_cast %swap3A_1120 : vector<16xf32> to vector<16xf32>
      %swap3A_1122 = vector.shape_cast %get3A_1118 : vector<16xf32> to vector<16xf32>
      tpu.vector_store %arg5[%swap3A_1119], %swap3A_1122 {add = true, strides = array<i32>} : memref<24576xf32, #tpu.memory_space<vmem>>, vector<16xf32>,
      %mul3A_1123 = arith.constant 8 : i32
      %mul3A_1124 = arith.muli %scan3A_1058, %mul3A_1123 : i32
      %add3A_1125 = arith.constant 5 : i32
      %add3A_1126 = arith.addi %mul3A_1124, %add3A_1125 : i32
      %mul3A_1127 = arith.constant 16 : i32
      %mul3A_1128 = arith.muli %add3A_1126, %mul3A_1127 : i32
      %get3A_1129 = arith.index_cast %mul3A_1128 : i32 to index
      %get3A_1130 = tpu.vector_load %arg8[%get3A_1129] {strides = array<i32>} : memref<24576xf32, #tpu.memory_space<vmem>>, vector<16xf32>,
      %get3A_1131 = vector.shape_cast %get3A_1130 : vector<16xf32> to vector<16xf32>
      %swap3A_1132 = arith.index_cast %mul3A_1128 : i32 to index
      %swap3A_1133 = tpu.vector_load %arg5[%swap3A_1132] {strides = array<i32>} : memref<24576xf32, #tpu.memory_space<vmem>>, vector<16xf32>,
      %swap3A_1134 = vector.shape_cast %swap3A_1133 : vector<16xf32> to vector<16xf32>
      %swap3A_1135 = vector.shape_cast %get3A_1131 : vector<16xf32> to vector<16xf32>
      tpu.vector_store %arg5[%swap3A_1132], %swap3A_1135 {add = true, strides = array<i32>} : memref<24576xf32, #tpu.memory_space<vmem>>, vector<16xf32>,
      %mul3A_1136 = arith.constant 8 : i32
      %mul3A_1137 = arith.muli %scan3A_1058, %mul3A_1136 : i32
      %add3A_1138 = arith.constant 6 : i32
      %add3A_1139 = arith.addi %mul3A_1137, %add3A_1138 : i32
      %mul3A_1140 = arith.constant 16 : i32
      %mul3A_1141 = arith.muli %add3A_1139, %mul3A_1140 : i32
      %get3A_1142 = arith.index_cast %mul3A_1141 : i32 to index
      %get3A_1143 = tpu.vector_load %arg8[%get3A_1142] {strides = array<i32>} : memref<24576xf32, #tpu.memory_space<vmem>>, vector<16xf32>,
      %get3A_1144 = vector.shape_cast %get3A_1143 : vector<16xf32> to vector<16xf32>
      %swap3A_1145 = arith.index_cast %mul3A_1141 : i32 to index
      %swap3A_1146 = tpu.vector_load %arg5[%swap3A_1145] {strides = array<i32>} : memref<24576xf32, #tpu.memory_space<vmem>>, vector<16xf32>,
      %swap3A_1147 = vector.shape_cast %swap3A_1146 : vector<16xf32> to vector<16xf32>
      %swap3A_1148 = vector.shape_cast %get3A_1144 : vector<16xf32> to vector<16xf32>
      tpu.vector_store %arg5[%swap3A_1145], %swap3A_1148 {add = true, strides = array<i32>} : memref<24576xf32, #tpu.memory_space<vmem>>, vector<16xf32>,
      %mul3A_1149 = arith.constant 8 : i32
      %mul3A_1150 = arith.muli %scan3A_1058, %mul3A_1149 : i32
      %add3A_1151 = arith.constant 7 : i32
      %add3A_1152 = arith.addi %mul3A_1150, %add3A_1151 : i32
      %mul3A_1153 = arith.constant 16 : i32
      %mul3A_1154 = arith.muli %add3A_1152, %mul3A_1153 : i32
      %get3A_1155 = arith.index_cast %mul3A_1154 : i32 to index
      %get3A_1156 = tpu.vector_load %arg8[%get3A_1155] {strides = array<i32>} : memref<24576xf32, #tpu.memory_space<vmem>>, vector<16xf32>,
      %get3A_1157 = vector.shape_cast %get3A_1156 : vector<16xf32> to vector<16xf32>
      %swap3A_1158 = arith.index_cast %mul3A_1154 : i32 to index
      %swap3A_1159 = tpu.vector_load %arg5[%swap3A_1158] {strides = array<i32>} : memref<24576xf32, #tpu.memory_space<vmem>>, vector<16xf32>,
      %swap3A_1160 = vector.shape_cast %swap3A_1159 : vector<16xf32> to vector<16xf32>
      %swap3A_1161 = vector.shape_cast %get3A_1157 : vector<16xf32> to vector<16xf32>
      tpu.vector_store %arg5[%swap3A_1158], %swap3A_1161 {add = true, strides = array<i32>} : memref<24576xf32, #tpu.memory_space<vmem>>, vector<16xf32>,
      %scan3A_1162 = arith.constant 0 : i32
      scf.yield %scan3A_1162 : i32
    }
    %scan3A_44 = arith.constant 192 : i32
    %add3A_45 = arith.constant 0 : i32
    %add3A_46 = arith.addi %add3A_45, %mul3A_4 : i32
    %add3A_47 = arith.constant 0 : i32
    %add3A_48 = arith.addi %add3A_46, %add3A_47 : i32
    %dma_start3A_49 = tpu.memref_slice %arg4[%add3A_48] : memref<25165824xf32, #tpu.memory_space<hbm>> -> memref<24576xf32, #tpu.memory_space<hbm>>
    %dma_start3A_50 = tpu.memref_slice %arg4[%add3A_48] : memref<25165824xf32, #tpu.memory_space<hbm>> -> memref<24576xf32, #tpu.memory_space<hbm>>
    tpu.enqueue_dma source(%arg5 : memref<24576xf32, #tpu.memory_space<vmem>>) target(%dma_start3A_50 : memref<24576xf32, #tpu.memory_space<hbm>>) target_semaphore(%arg13 : memref<!tpu.dma_semaphore, #tpu.memory_space<semaphore_mem>>)
    %add3A_51 = arith.constant 0 : i32
    %add3A_52 = arith.addi %add3A_51, %mul3A_4 : i32
    %add3A_53 = arith.constant 0 : i32
    %add3A_54 = arith.addi %add3A_52, %add3A_53 : i32
    %dma_wait3A_55 = tpu.memref_slice %arg4[%add3A_54] : memref<25165824xf32, #tpu.memory_space<hbm>> -> memref<24576xf32, #tpu.memory_space<hbm>>
    %dma_wait3A_56 = tpu.memref_slice %arg4[%add3A_54] : memref<25165824xf32, #tpu.memory_space<hbm>> -> memref<24576xf32, #tpu.memory_space<hbm>>
    tpu.wait_dma2 semaphore(%arg13 : memref<!tpu.dma_semaphore, #tpu.memory_space<semaphore_mem>>) src(%arg5 : memref<24576xf32, #tpu.memory_space<vmem>>) dst(%dma_wait3A_56 : memref<24576xf32, #tpu.memory_space<hbm>>)
    %add3A_57 = arith.constant 18874368 : i32
    %add3A_58 = arith.addi %add3A_57, %mul3A_4 : i32
    %add3A_59 = arith.constant 0 : i32
    %add3A_60 = arith.addi %add3A_58, %add3A_59 : i32
    %dma_start3A_61 = tpu.memref_slice %arg2[%add3A_60] : memref<25165824xf32, #tpu.memory_space<hbm>> -> memref<24576xf32, #tpu.memory_space<hbm>>
    %dma_start3A_62 = tpu.memref_slice %arg2[%add3A_60] : memref<25165824xf32, #tpu.memory_space<hbm>> -> memref<24576xf32, #tpu.memory_space<hbm>>
    tpu.enqueue_dma source(%dma_start3A_62 : memref<24576xf32, #tpu.memory_space<hbm>>) target(%arg5 : memref<24576xf32, #tpu.memory_space<vmem>>) target_semaphore(%arg10 : memref<!tpu.dma_semaphore, #tpu.memory_space<semaphore_mem>>)
    %add3A_63 = arith.constant 6291456 : i32
    %add3A_64 = arith.addi %add3A_63, %mul3A_4 : i32
    %add3A_65 = arith.constant 0 : i32
    %add3A_66 = arith.addi %add3A_64, %add3A_65 : i32
    %dma_wait3A_67 = tpu.memref_slice %arg2[%add3A_66] : memref<25165824xf32, #tpu.memory_space<hbm>> -> memref<24576xf32, #tpu.memory_space<hbm>>
    %dma_wait3A_68 = tpu.memref_slice %arg2[%add3A_66] : memref<25165824xf32, #tpu.memory_space<hbm>> -> memref<24576xf32, #tpu.memory_space<hbm>>
    tpu.wait_dma2 semaphore(%arg11 : memref<!tpu.dma_semaphore, #tpu.memory_space<semaphore_mem>>) src(%dma_wait3A_68 : memref<24576xf32, #tpu.memory_space<hbm>>) dst(%arg6 : memref<24576xf32, #tpu.memory_space<vmem>>)
    %scan3A_69 = arith.constant 0 : i32
    %scan3A_70 = arith.constant 0 : i32
    %scan3A_71 = arith.constant 192 : i32
    %scan3A_72 = arith.addi %scan3A_70, %scan3A_71 : i32
    %scan3A_73 = arith.constant 1 : i32
    %scan3A_74 = scf.for %scan3A_1058 = %scan3A_70 to %scan3A_72 step %scan3A_73 iter_args(%scan3A_1059 = %scan3A_69) -> (i32)  : i32 {
      %mul3A_1060 = arith.constant 8 : i32
      %mul3A_1061 = arith.muli %scan3A_1058, %mul3A_1060 : i32
      %add3A_1062 = arith.constant 0 : i32
      %add3A_1063 = arith.addi %mul3A_1061, %add3A_1062 : i32
      %mul3A_1064 = arith.constant 16 : i32
      %mul3A_1065 = arith.muli %add3A_1063, %mul3A_1064 : i32
      %get3A = arith.index_cast %mul3A_1065 : i32 to index
      %get3A_1066 = tpu.vector_load %arg8[%get3A] {strides = array<i32>} : memref<24576xf32, #tpu.memory_space<vmem>>, vector<16xf32>,
      %get3A_1067 = vector.shape_cast %get3A_1066 : vector<16xf32> to vector<16xf32>
      %swap3A = arith.index_cast %mul3A_1065 : i32 to index
      %swap3A_1068 = tpu.vector_load %arg6[%swap3A] {strides = array<i32>} : memref<24576xf32, #tpu.memory_space<vmem>>, vector<16xf32>,
      %swap3A_1069 = vector.shape_cast %swap3A_1068 : vector<16xf32> to vector<16xf32>
      %swap3A_1070 = vector.shape_cast %get3A_1067 : vector<16xf32> to vector<16xf32>
      tpu.vector_store %arg6[%swap3A], %swap3A_1070 {add = true, strides = array<i32>} : memref<24576xf32, #tpu.memory_space<vmem>>, vector<16xf32>,
      %mul3A_1071 = arith.constant 8 : i32
      %mul3A_1072 = arith.muli %scan3A_1058, %mul3A_1071 : i32
      %add3A_1073 = arith.constant 1 : i32
      %add3A_1074 = arith.addi %mul3A_1072, %add3A_1073 : i32
      %mul3A_1075 = arith.constant 16 : i32
      %mul3A_1076 = arith.muli %add3A_1074, %mul3A_1075 : i32
      %get3A_1077 = arith.index_cast %mul3A_1076 : i32 to index
      %get3A_1078 = tpu.vector_load %arg8[%get3A_1077] {strides = array<i32>} : memref<24576xf32, #tpu.memory_space<vmem>>, vector<16xf32>,
      %get3A_1079 = vector.shape_cast %get3A_1078 : vector<16xf32> to vector<16xf32>
      %swap3A_1080 = arith.index_cast %mul3A_1076 : i32 to index
      %swap3A_1081 = tpu.vector_load %arg6[%swap3A_1080] {strides = array<i32>} : memref<24576xf32, #tpu.memory_space<vmem>>, vector<16xf32>,
      %swap3A_1082 = vector.shape_cast %swap3A_1081 : vector<16xf32> to vector<16xf32>
      %swap3A_1083 = vector.shape_cast %get3A_1079 : vector<16xf32> to vector<16xf32>
      tpu.vector_store %arg6[%swap3A_1080], %swap3A_1083 {add = true, strides = array<i32>} : memref<24576xf32, #tpu.memory_space<vmem>>, vector<16xf32>,
      %mul3A_1084 = arith.constant 8 : i32
      %mul3A_1085 = arith.muli %scan3A_1058, %mul3A_1084 : i32
      %add3A_1086 = arith.constant 2 : i32
      %add3A_1087 = arith.addi %mul3A_1085, %add3A_1086 : i32
      %mul3A_1088 = arith.constant 16 : i32
      %mul3A_1089 = arith.muli %add3A_1087, %mul3A_1088 : i32
      %get3A_1090 = arith.index_cast %mul3A_1089 : i32 to index
      %get3A_1091 = tpu.vector_load %arg8[%get3A_1090] {strides = array<i32>} : memref<24576xf32, #tpu.memory_space<vmem>>, vector<16xf32>,
      %get3A_1092 = vector.shape_cast %get3A_1091 : vector<16xf32> to vector<16xf32>
      %swap3A_1093 = arith.index_cast %mul3A_1089 : i32 to index
      %swap3A_1094 = tpu.vector_load %arg6[%swap3A_1093] {strides = array<i32>} : memref<24576xf32, #tpu.memory_space<vmem>>, vector<16xf32>,
      %swap3A_1095 = vector.shape_cast %swap3A_1094 : vector<16xf32> to vector<16xf32>
      %swap3A_1096 = vector.shape_cast %get3A_1092 : vector<16xf32> to vector<16xf32>
      tpu.vector_store %arg6[%swap3A_1093], %swap3A_1096 {add = true, strides = array<i32>} : memref<24576xf32, #tpu.memory_space<vmem>>, vector<16xf32>,
      %mul3A_1097 = arith.constant 8 : i32
      %mul3A_1098 = arith.muli %scan3A_1058, %mul3A_1097 : i32
      %add3A_1099 = arith.constant 3 : i32
      %add3A_1100 = arith.addi %mul3A_1098, %add3A_1099 : i32
      %mul3A_1101 = arith.constant 16 : i32
      %mul3A_1102 = arith.muli %add3A_1100, %mul3A_1101 : i32
      %get3A_1103 = arith.index_cast %mul3A_1102 : i32 to index
      %get3A_1104 = tpu.vector_load %arg8[%get3A_1103] {strides = array<i32>} : memref<24576xf32, #tpu.memory_space<vmem>>, vector<16xf32>,
      %get3A_1105 = vector.shape_cast %get3A_1104 : vector<16xf32> to vector<16xf32>
      %swap3A_1106 = arith.index_cast %mul3A_1102 : i32 to index
      %swap3A_1107 = tpu.vector_load %arg6[%swap3A_1106] {strides = array<i32>} : memref<24576xf32, #tpu.memory_space<vmem>>, vector<16xf32>,
      %swap3A_1108 = vector.shape_cast %swap3A_1107 : vector<16xf32> to vector<16xf32>
      %swap3A_1109 = vector.shape_cast %get3A_1105 : vector<16xf32> to vector<16xf32>
      tpu.vector_store %arg6[%swap3A_1106], %swap3A_1109 {add = true, strides = array<i32>} : memref<24576xf32, #tpu.memory_space<vmem>>, vector<16xf32>,
      %mul3A_1110 = arith.constant 8 : i32
      %mul3A_1111 = arith.muli %scan3A_1058, %mul3A_1110 : i32
      %add3A_1112 = arith.constant 4 : i32
      %add3A_1113 = arith.addi %mul3A_1111, %add3A_1112 : i32
      %mul3A_1114 = arith.constant 16 : i32
      %mul3A_1115 = arith.muli %add3A_1113, %mul3A_1114 : i32
      %get3A_1116 = arith.index_cast %mul3A_1115 : i32 to index
      %get3A_1117 = tpu.vector_load %arg8[%get3A_1116] {strides = array<i32>} : memref<24576xf32, #tpu.memory_space<vmem>>, vector<16xf32>,
      %get3A_1118 = vector.shape_cast %get3A_1117 : vector<16xf32> to vector<16xf32>
      %swap3A_1119 = arith.index_cast %mul3A_1115 : i32 to index
      %swap3A_1120 = tpu.vector_load %arg6[%swap3A_1119] {strides = array<i32>} : memref<24576xf32, #tpu.memory_space<vmem>>, vector<16xf32>,
      %swap3A_1121 = vector.shape_cast %swap3A_1120 : vector<16xf32> to vector<16xf32>
      %swap3A_1122 = vector.shape_cast %get3A_1118 : vector<16xf32> to vector<16xf32>
      tpu.vector_store %arg6[%swap3A_1119], %swap3A_1122 {add = true, strides = array<i32>} : memref<24576xf32, #tpu.memory_space<vmem>>, vector<16xf32>,
      %mul3A_1123 = arith.constant 8 : i32
      %mul3A_1124 = arith.muli %scan3A_1058, %mul3A_1123 : i32
      %add3A_1125 = arith.constant 5 : i32
      %add3A_1126 = arith.addi %mul3A_1124, %add3A_1125 : i32
      %mul3A_1127 = arith.constant 16 : i32
      %mul3A_1128 = arith.muli %add3A_1126, %mul3A_1127 : i32
      %get3A_1129 = arith.index_cast %mul3A_1128 : i32 to index
      %get3A_1130 = tpu.vector_load %arg8[%get3A_1129] {strides = array<i32>} : memref<24576xf32, #tpu.memory_space<vmem>>, vector<16xf32>,
      %get3A_1131 = vector.shape_cast %get3A_1130 : vector<16xf32> to vector<16xf32>
      %swap3A_1132 = arith.index_cast %mul3A_1128 : i32 to index
      %swap3A_1133 = tpu.vector_load %arg6[%swap3A_1132] {strides = array<i32>} : memref<24576xf32, #tpu.memory_space<vmem>>, vector<16xf32>,
      %swap3A_1134 = vector.shape_cast %swap3A_1133 : vector<16xf32> to vector<16xf32>
      %swap3A_1135 = vector.shape_cast %get3A_1131 : vector<16xf32> to vector<16xf32>
      tpu.vector_store %arg6[%swap3A_1132], %swap3A_1135 {add = true, strides = array<i32>} : memref<24576xf32, #tpu.memory_space<vmem>>, vector<16xf32>,
      %mul3A_1136 = arith.constant 8 : i32
      %mul3A_1137 = arith.muli %scan3A_1058, %mul3A_1136 : i32
      %add3A_1138 = arith.constant 6 : i32
      %add3A_1139 = arith.addi %mul3A_1137, %add3A_1138 : i32
      %mul3A_1140 = arith.constant 16 : i32
      %mul3A_1141 = arith.muli %add3A_1139, %mul3A_1140 : i32
      %get3A_1142 = arith.index_cast %mul3A_1141 : i32 to index
      %get3A_1143 = tpu.vector_load %arg8[%get3A_1142] {strides = array<i32>} : memref<24576xf32, #tpu.memory_space<vmem>>, vector<16xf32>,
      %get3A_1144 = vector.shape_cast %get3A_1143 : vector<16xf32> to vector<16xf32>
      %swap3A_1145 = arith.index_cast %mul3A_1141 : i32 to index
      %swap3A_1146 = tpu.vector_load %arg6[%swap3A_1145] {strides = array<i32>} : memref<24576xf32, #tpu.memory_space<vmem>>, vector<16xf32>,
      %swap3A_1147 = vector.shape_cast %swap3A_1146 : vector<16xf32> to vector<16xf32>
      %swap3A_1148 = vector.shape_cast %get3A_1144 : vector<16xf32> to vector<16xf32>
      tpu.vector_store %arg6[%swap3A_1145], %swap3A_1148 {add = true, strides = array<i32>} : memref<24576xf32, #tpu.memory_space<vmem>>, vector<16xf32>,
      %mul3A_1149 = arith.constant 8 : i32
      %mul3A_1150 = arith.muli %scan3A_1058, %mul3A_1149 : i32
      %add3A_1151 = arith.constant 7 : i32
      %add3A_1152 = arith.addi %mul3A_1150, %add3A_1151 : i32
      %mul3A_1153 = arith.constant 16 : i32
      %mul3A_1154 = arith.muli %add3A_1152, %mul3A_1153 : i32
      %get3A_1155 = arith.index_cast %mul3A_1154 : i32 to index
      %get3A_1156 = tpu.vector_load %arg8[%get3A_1155] {strides = array<i32>} : memref<24576xf32, #tpu.memory_space<vmem>>, vector<16xf32>,
      %get3A_1157 = vector.shape_cast %get3A_1156 : vector<16xf32> to vector<16xf32>
      %swap3A_1158 = arith.index_cast %mul3A_1154 : i32 to index
      %swap3A_1159 = tpu.vector_load %arg6[%swap3A_1158] {strides = array<i32>} : memref<24576xf32, #tpu.memory_space<vmem>>, vector<16xf32>,
      %swap3A_1160 = vector.shape_cast %swap3A_1159 : vector<16xf32> to vector<16xf32>
      %swap3A_1161 = vector.shape_cast %get3A_1157 : vector<16xf32> to vector<16xf32>
      tpu.vector_store %arg6[%swap3A_1158], %swap3A_1161 {add = true, strides = array<i32>} : memref<24576xf32, #tpu.memory_space<vmem>>, vector<16xf32>,
      %scan3A_1162 = arith.constant 0 : i32
      scf.yield %scan3A_1162 : i32
    }
    %scan3A_75 = arith.constant 192 : i32
    %add3A_76 = arith.constant 6291456 : i32
    %add3A_77 = arith.addi %add3A_76, %mul3A_4 : i32
    %add3A_78 = arith.constant 0 : i32
    %add3A_79 = arith.addi %add3A_77, %add3A_78 : i32
    %dma_start3A_80 = tpu.memref_slice %arg4[%add3A_79] : memref<25165824xf32, #tpu.memory_space<hbm>> -> memref<24576xf32, #tpu.memory_space<hbm>>
    %dma_start3A_81 = tpu.memref_slice %arg4[%add3A_79] : memref<25165824xf32, #tpu.memory_space<hbm>> -> memref<24576xf32, #tpu.memory_space<hbm>>
    tpu.enqueue_dma source(%arg6 : memref<24576xf32, #tpu.memory_space<vmem>>) target(%dma_start3A_81 : memref<24576xf32, #tpu.memory_space<hbm>>) target_semaphore(%arg14 : memref<!tpu.dma_semaphore, #tpu.memory_space<semaphore_mem>>)
    %add3A_82 = arith.constant 6291456 : i32
    %add3A_83 = arith.addi %add3A_82, %mul3A_4 : i32
    %add3A_84 = arith.constant 0 : i32
    %add3A_85 = arith.addi %add3A_83, %add3A_84 : i32
    %dma_wait3A_86 = tpu.memref_slice %arg4[%add3A_85] : memref<25165824xf32, #tpu.memory_space<hbm>> -> memref<24576xf32, #tpu.memory_space<hbm>>
    %dma_wait3A_87 = tpu.memref_slice %arg4[%add3A_85] : memref<25165824xf32, #tpu.memory_space<hbm>> -> memref<24576xf32, #tpu.memory_space<hbm>>
    tpu.wait_dma2 semaphore(%arg14 : memref<!tpu.dma_semaphore, #tpu.memory_space<semaphore_mem>>) src(%arg6 : memref<24576xf32, #tpu.memory_space<vmem>>) dst(%dma_wait3A_87 : memref<24576xf32, #tpu.memory_space<hbm>>)
    %add3A_88 = arith.constant 0 : i32
    %add3A_89 = arith.addi %add3A_88, %mul3A_4 : i32
    %add3A_90 = arith.constant 24576 : i32
    %add3A_91 = arith.addi %add3A_89, %add3A_90 : i32
    %dma_start3A_92 = tpu.memref_slice %arg2[%add3A_91] : memref<25165824xf32, #tpu.memory_space<hbm>> -> memref<24576xf32, #tpu.memory_space<hbm>>
    %dma_start3A_93 = tpu.memref_slice %arg2[%add3A_91] : memref<25165824xf32, #tpu.memory_space<hbm>> -> memref<24576xf32, #tpu.memory_space<hbm>>
    tpu.enqueue_dma source(%dma_start3A_93 : memref<24576xf32, #tpu.memory_space<hbm>>) target(%arg6 : memref<24576xf32, #tpu.memory_space<vmem>>) target_semaphore(%arg11 : memref<!tpu.dma_semaphore, #tpu.memory_space<semaphore_mem>>)
    %add3A_94 = arith.constant 12582912 : i32
    %add3A_95 = arith.addi %add3A_94, %mul3A_4 : i32
    %add3A_96 = arith.constant 0 : i32
    %add3A_97 = arith.addi %add3A_95, %add3A_96 : i32
    %dma_wait3A_98 = tpu.memref_slice %arg2[%add3A_97] : memref<25165824xf32, #tpu.memory_space<hbm>> -> memref<24576xf32, #tpu.memory_space<hbm>>
    %dma_wait3A_99 = tpu.memref_slice %arg2[%add3A_97] : memref<25165824xf32, #tpu.memory_space<hbm>> -> memref<24576xf32, #tpu.memory_space<hbm>>
    tpu.wait_dma2 semaphore(%arg12 : memref<!tpu.dma_semaphore, #tpu.memory_space<semaphore_mem>>) src(%dma_wait3A_99 : memref<24576xf32, #tpu.memory_space<hbm>>) dst(%arg7 : memref<24576xf32, #tpu.memory_space<vmem>>)
    %scan3A_100 = arith.constant 0 : i32
    %scan3A_101 = arith.constant 0 : i32
    %scan3A_102 = arith.constant 192 : i32
    %scan3A_103 = arith.addi %scan3A_101, %scan3A_102 : i32
    %scan3A_104 = arith.constant 1 : i32
    %scan3A_105 = scf.for %scan3A_1058 = %scan3A_101 to %scan3A_103 step %scan3A_104 iter_args(%scan3A_1059 = %scan3A_100) -> (i32)  : i32 {
      %mul3A_1060 = arith.constant 8 : i32
      %mul3A_1061 = arith.muli %scan3A_1058, %mul3A_1060 : i32
      %add3A_1062 = arith.constant 0 : i32
      %add3A_1063 = arith.addi %mul3A_1061, %add3A_1062 : i32
      %mul3A_1064 = arith.constant 16 : i32
      %mul3A_1065 = arith.muli %add3A_1063, %mul3A_1064 : i32
      %get3A = arith.index_cast %mul3A_1065 : i32 to index
      %get3A_1066 = tpu.vector_load %arg8[%get3A] {strides = array<i32>} : memref<24576xf32, #tpu.memory_space<vmem>>, vector<16xf32>,
      %get3A_1067 = vector.shape_cast %get3A_1066 : vector<16xf32> to vector<16xf32>
      %swap3A = arith.index_cast %mul3A_1065 : i32 to index
      %swap3A_1068 = tpu.vector_load %arg7[%swap3A] {strides = array<i32>} : memref<24576xf32, #tpu.memory_space<vmem>>, vector<16xf32>,
      %swap3A_1069 = vector.shape_cast %swap3A_1068 : vector<16xf32> to vector<16xf32>
      %swap3A_1070 = vector.shape_cast %get3A_1067 : vector<16xf32> to vector<16xf32>
      tpu.vector_store %arg7[%swap3A], %swap3A_1070 {add = true, strides = array<i32>} : memref<24576xf32, #tpu.memory_space<vmem>>, vector<16xf32>,
      %mul3A_1071 = arith.constant 8 : i32
      %mul3A_1072 = arith.muli %scan3A_1058, %mul3A_1071 : i32
      %add3A_1073 = arith.constant 1 : i32
      %add3A_1074 = arith.addi %mul3A_1072, %add3A_1073 : i32
      %mul3A_1075 = arith.constant 16 : i32
      %mul3A_1076 = arith.muli %add3A_1074, %mul3A_1075 : i32
      %get3A_1077 = arith.index_cast %mul3A_1076 : i32 to index
      %get3A_1078 = tpu.vector_load %arg8[%get3A_1077] {strides = array<i32>} : memref<24576xf32, #tpu.memory_space<vmem>>, vector<16xf32>,
      %get3A_1079 = vector.shape_cast %get3A_1078 : vector<16xf32> to vector<16xf32>
      %swap3A_1080 = arith.index_cast %mul3A_1076 : i32 to index
      %swap3A_1081 = tpu.vector_load %arg7[%swap3A_1080] {strides = array<i32>} : memref<24576xf32, #tpu.memory_space<vmem>>, vector<16xf32>,
      %swap3A_1082 = vector.shape_cast %swap3A_1081 : vector<16xf32> to vector<16xf32>
      %swap3A_1083 = vector.shape_cast %get3A_1079 : vector<16xf32> to vector<16xf32>
      tpu.vector_store %arg7[%swap3A_1080], %swap3A_1083 {add = true, strides = array<i32>} : memref<24576xf32, #tpu.memory_space<vmem>>, vector<16xf32>,
      %mul3A_1084 = arith.constant 8 : i32
      %mul3A_1085 = arith.muli %scan3A_1058, %mul3A_1084 : i32
      %add3A_1086 = arith.constant 2 : i32
      %add3A_1087 = arith.addi %mul3A_1085, %add3A_1086 : i32
      %mul3A_1088 = arith.constant 16 : i32
      %mul3A_1089 = arith.muli %add3A_1087, %mul3A_1088 : i32
      %get3A_1090 = arith.index_cast %mul3A_1089 : i32 to index
      %get3A_1091 = tpu.vector_load %arg8[%get3A_1090] {strides = array<i32>} : memref<24576xf32, #tpu.memory_space<vmem>>, vector<16xf32>,
      %get3A_1092 = vector.shape_cast %get3A_1091 : vector<16xf32> to vector<16xf32>
      %swap3A_1093 = arith.index_cast %mul3A_1089 : i32 to index
      %swap3A_1094 = tpu.vector_load %arg7[%swap3A_1093] {strides = array<i32>} : memref<24576xf32, #tpu.memory_space<vmem>>, vector<16xf32>,
      %swap3A_1095 = vector.shape_cast %swap3A_1094 : vector<16xf32> to vector<16xf32>
      %swap3A_1096 = vector.shape_cast %get3A_1092 : vector<16xf32> to vector<16xf32>
      tpu.vector_store %arg7[%swap3A_1093], %swap3A_1096 {add = true, strides = array<i32>} : memref<24576xf32, #tpu.memory_space<vmem>>, vector<16xf32>,
      %mul3A_1097 = arith.constant 8 : i32
      %mul3A_1098 = arith.muli %scan3A_1058, %mul3A_1097 : i32
      %add3A_1099 = arith.constant 3 : i32
      %add3A_1100 = arith.addi %mul3A_1098, %add3A_1099 : i32
      %mul3A_1101 = arith.constant 16 : i32
      %mul3A_1102 = arith.muli %add3A_1100, %mul3A_1101 : i32
      %get3A_1103 = arith.index_cast %mul3A_1102 : i32 to index
      %get3A_1104 = tpu.vector_load %arg8[%get3A_1103] {strides = array<i32>} : memref<24576xf32, #tpu.memory_space<vmem>>, vector<16xf32>,
      %get3A_1105 = vector.shape_cast %get3A_1104 : vector<16xf32> to vector<16xf32>
      %swap3A_1106 = arith.index_cast %mul3A_1102 : i32 to index
      %swap3A_1107 = tpu.vector_load %arg7[%swap3A_1106] {strides = array<i32>} : memref<24576xf32, #tpu.memory_space<vmem>>, vector<16xf32>,
      %swap3A_1108 = vector.shape_cast %swap3A_1107 : vector<16xf32> to vector<16xf32>
      %swap3A_1109 = vector.shape_cast %get3A_1105 : vector<16xf32> to vector<16xf32>
      tpu.vector_store %arg7[%swap3A_1106], %swap3A_1109 {add = true, strides = array<i32>} : memref<24576xf32, #tpu.memory_space<vmem>>, vector<16xf32>,
      %mul3A_1110 = arith.constant 8 : i32
      %mul3A_1111 = arith.muli %scan3A_1058, %mul3A_1110 : i32
      %add3A_1112 = arith.constant 4 : i32
      %add3A_1113 = arith.addi %mul3A_1111, %add3A_1112 : i32
      %mul3A_1114 = arith.constant 16 : i32
      %mul3A_1115 = arith.muli %add3A_1113, %mul3A_1114 : i32
      %get3A_1116 = arith.index_cast %mul3A_1115 : i32 to index
      %get3A_1117 = tpu.vector_load %arg8[%get3A_1116] {strides = array<i32>} : memref<24576xf32, #tpu.memory_space<vmem>>, vector<16xf32>,
      %get3A_1118 = vector.shape_cast %get3A_1117 : vector<16xf32> to vector<16xf32>
      %swap3A_1119 = arith.index_cast %mul3A_1115 : i32 to index
      %swap3A_1120 = tpu.vector_load %arg7[%swap3A_1119] {strides = array<i32>} : memref<24576xf32, #tpu.memory_space<vmem>>, vector<16xf32>,
      %swap3A_1121 = vector.shape_cast %swap3A_1120 : vector<16xf32> to vector<16xf32>
      %swap3A_1122 = vector.shape_cast %get3A_1118 : vector<16xf32> to vector<16xf32>
      tpu.vector_store %arg7[%swap3A_1119], %swap3A_1122 {add = true, strides = array<i32>} : memref<24576xf32, #tpu.memory_space<vmem>>, vector<16xf32>,
      %mul3A_1123 = arith.constant 8 : i32
      %mul3A_1124 = arith.muli %scan3A_1058, %mul3A_1123 : i32
      %add3A_1125 = arith.constant 5 : i32
      %add3A_1126 = arith.addi %mul3A_1124, %add3A_1125 : i32
      %mul3A_1127 = arith.constant 16 : i32
      %mul3A_1128 = arith.muli %add3A_1126, %mul3A_1127 : i32
      %get3A_1129 = arith.index_cast %mul3A_1128 : i32 to index
      %get3A_1130 = tpu.vector_load %arg8[%get3A_1129] {strides = array<i32>} : memref<24576xf32, #tpu.memory_space<vmem>>, vector<16xf32>,
      %get3A_1131 = vector.shape_cast %get3A_1130 : vector<16xf32> to vector<16xf32>
      %swap3A_1132 = arith.index_cast %mul3A_1128 : i32 to index
      %swap3A_1133 = tpu.vector_load %arg7[%swap3A_1132] {strides = array<i32>} : memref<24576xf32, #tpu.memory_space<vmem>>, vector<16xf32>,
      %swap3A_1134 = vector.shape_cast %swap3A_1133 : vector<16xf32> to vector<16xf32>
      %swap3A_1135 = vector.shape_cast %get3A_1131 : vector<16xf32> to vector<16xf32>
      tpu.vector_store %arg7[%swap3A_1132], %swap3A_1135 {add = true, strides = array<i32>} : memref<24576xf32, #tpu.memory_space<vmem>>, vector<16xf32>,
      %mul3A_1136 = arith.constant 8 : i32
      %mul3A_1137 = arith.muli %scan3A_1058, %mul3A_1136 : i32
      %add3A_1138 = arith.constant 6 : i32
      %add3A_1139 = arith.addi %mul3A_1137, %add3A_1138 : i32
      %mul3A_1140 = arith.constant 16 : i32
      %mul3A_1141 = arith.muli %add3A_1139, %mul3A_1140 : i32
      %get3A_1142 = arith.index_cast %mul3A_1141 : i32 to index
      %get3A_1143 = tpu.vector_load %arg8[%get3A_1142] {strides = array<i32>} : memref<24576xf32, #tpu.memory_space<vmem>>, vector<16xf32>,
      %get3A_1144 = vector.shape_cast %get3A_1143 : vector<16xf32> to vector<16xf32>
      %swap3A_1145 = arith.index_cast %mul3A_1141 : i32 to index
      %swap3A_1146 = tpu.vector_load %arg7[%swap3A_1145] {strides = array<i32>} : memref<24576xf32, #tpu.memory_space<vmem>>, vector<16xf32>,
      %swap3A_1147 = vector.shape_cast %swap3A_1146 : vector<16xf32> to vector<16xf32>
      %swap3A_1148 = vector.shape_cast %get3A_1144 : vector<16xf32> to vector<16xf32>
      tpu.vector_store %arg7[%swap3A_1145], %swap3A_1148 {add = true, strides = array<i32>} : memref<24576xf32, #tpu.memory_space<vmem>>, vector<16xf32>,
      %mul3A_1149 = arith.constant 8 : i32
      %mul3A_1150 = arith.muli %scan3A_1058, %mul3A_1149 : i32
      %add3A_1151 = arith.constant 7 : i32
      %add3A_1152 = arith.addi %mul3A_1150, %add3A_1151 : i32
      %mul3A_1153 = arith.constant 16 : i32
      %mul3A_1154 = arith.muli %add3A_1152, %mul3A_1153 : i32
      %get3A_1155 = arith.index_cast %mul3A_1154 : i32 to index
      %get3A_1156 = tpu.vector_load %arg8[%get3A_1155] {strides = array<i32>} : memref<24576xf32, #tpu.memory_space<vmem>>, vector<16xf32>,
      %get3A_1157 = vector.shape_cast %get3A_1156 : vector<16xf32> to vector<16xf32>
      %swap3A_1158 = arith.index_cast %mul3A_1154 : i32 to index
      %swap3A_1159 = tpu.vector_load %arg7[%swap3A_1158] {strides = array<i32>} : memref<24576xf32, #tpu.memory_space<vmem>>, vector<16xf32>,
      %swap3A_1160 = vector.shape_cast %swap3A_1159 : vector<16xf32> to vector<16xf32>
      %swap3A_1161 = vector.shape_cast %get3A_1157 : vector<16xf32> to vector<16xf32>
      tpu.vector_store %arg7[%swap3A_1158], %swap3A_1161 {add = true, strides = array<i32>} : memref<24576xf32, #tpu.memory_space<vmem>>, vector<16xf32>,
      %scan3A_1162 = arith.constant 0 : i32
      scf.yield %scan3A_1162 : i32
    }
    %scan3A_106 = arith.constant 192 : i32
    %add3A_107 = arith.constant 12582912 : i32
    %add3A_108 = arith.addi %add3A_107, %mul3A_4 : i32
    %add3A_109 = arith.constant 0 : i32
    %add3A_110 = arith.addi %add3A_108, %add3A_109 : i32
    %dma_start3A_111 = tpu.memref_slice %arg4[%add3A_110] : memref<25165824xf32, #tpu.memory_space<hbm>> -> memref<24576xf32, #tpu.memory_space<hbm>>
    %dma_start3A_112 = tpu.memref_slice %arg4[%add3A_110] : memref<25165824xf32, #tpu.memory_space<hbm>> -> memref<24576xf32, #tpu.memory_space<hbm>>
    tpu.enqueue_dma source(%arg7 : memref<24576xf32, #tpu.memory_space<vmem>>) target(%dma_start3A_112 : memref<24576xf32, #tpu.memory_space<hbm>>) target_semaphore(%arg15 : memref<!tpu.dma_semaphore, #tpu.memory_space<semaphore_mem>>)
    %add3A_113 = arith.constant 12582912 : i32
    %add3A_114 = arith.addi %add3A_113, %mul3A_4 : i32
    %add3A_115 = arith.constant 0 : i32
    %add3A_116 = arith.addi %add3A_114, %add3A_115 : i32
    %dma_wait3A_117 = tpu.memref_slice %arg4[%add3A_116] : memref<25165824xf32, #tpu.memory_space<hbm>> -> memref<24576xf32, #tpu.memory_space<hbm>>
    %dma_wait3A_118 = tpu.memref_slice %arg4[%add3A_116] : memref<25165824xf32, #tpu.memory_space<hbm>> -> memref<24576xf32, #tpu.memory_space<hbm>>
    tpu.wait_dma2 semaphore(%arg15 : memref<!tpu.dma_semaphore, #tpu.memory_space<semaphore_mem>>) src(%arg7 : memref<24576xf32, #tpu.memory_space<vmem>>) dst(%dma_wait3A_118 : memref<24576xf32, #tpu.memory_space<hbm>>)
    %add3A_119 = arith.constant 6291456 : i32
    %add3A_120 = arith.addi %add3A_119, %mul3A_4 : i32
    %add3A_121 = arith.constant 24576 : i32
    %add3A_122 = arith.addi %add3A_120, %add3A_121 : i32
    %dma_start3A_123 = tpu.memref_slice %arg2[%add3A_122] : memref<25165824xf32, #tpu.memory_space<hbm>> -> memref<24576xf32, #tpu.memory_space<hbm>>
    %dma_start3A_124 = tpu.memref_slice %arg2[%add3A_122] : memref<25165824xf32, #tpu.memory_space<hbm>> -> memref<24576xf32, #tpu.memory_space<hbm>>
    tpu.enqueue_dma source(%dma_start3A_124 : memref<24576xf32, #tpu.memory_space<hbm>>) target(%arg7 : memref<24576xf32, #tpu.memory_space<vmem>>) target_semaphore(%arg12 : memref<!tpu.dma_semaphore, #tpu.memory_space<semaphore_mem>>)
    %add3A_125 = arith.constant 18874368 : i32
    %add3A_126 = arith.addi %add3A_125, %mul3A_4 : i32
    %add3A_127 = arith.constant 0 : i32
    %add3A_128 = arith.addi %add3A_126, %add3A_127 : i32
    %dma_wait3A_129 = tpu.memref_slice %arg2[%add3A_128] : memref<25165824xf32, #tpu.memory_space<hbm>> -> memref<24576xf32, #tpu.memory_space<hbm>>
    %dma_wait3A_130 = tpu.memref_slice %arg2[%add3A_128] : memref<25165824xf32, #tpu.memory_space<hbm>> -> memref<24576xf32, #tpu.memory_space<hbm>>
    tpu.wait_dma2 semaphore(%arg10 : memref<!tpu.dma_semaphore, #tpu.memory_space<semaphore_mem>>) src(%dma_wait3A_130 : memref<24576xf32, #tpu.memory_space<hbm>>) dst(%arg5 : memref<24576xf32, #tpu.memory_space<vmem>>)
    %scan3A_131 = arith.constant 0 : i32
    %scan3A_132 = arith.constant 0 : i32
    %scan3A_133 = arith.constant 192 : i32
    %scan3A_134 = arith.addi %scan3A_132, %scan3A_133 : i32
    %scan3A_135 = arith.constant 1 : i32
    %scan3A_136 = scf.for %scan3A_1058 = %scan3A_132 to %scan3A_134 step %scan3A_135 iter_args(%scan3A_1059 = %scan3A_131) -> (i32)  : i32 {
      %mul3A_1060 = arith.constant 8 : i32
      %mul3A_1061 = arith.muli %scan3A_1058, %mul3A_1060 : i32
      %add3A_1062 = arith.constant 0 : i32
      %add3A_1063 = arith.addi %mul3A_1061, %add3A_1062 : i32
      %mul3A_1064 = arith.constant 16 : i32
      %mul3A_1065 = arith.muli %add3A_1063, %mul3A_1064 : i32
      %get3A = arith.index_cast %mul3A_1065 : i32 to index
      %get3A_1066 = tpu.vector_load %arg8[%get3A] {strides = array<i32>} : memref<24576xf32, #tpu.memory_space<vmem>>, vector<16xf32>,
      %get3A_1067 = vector.shape_cast %get3A_1066 : vector<16xf32> to vector<16xf32>
      %swap3A = arith.index_cast %mul3A_1065 : i32 to index
      %swap3A_1068 = tpu.vector_load %arg5[%swap3A] {strides = array<i32>} : memref<24576xf32, #tpu.memory_space<vmem>>, vector<16xf32>,
      %swap3A_1069 = vector.shape_cast %swap3A_1068 : vector<16xf32> to vector<16xf32>
      %swap3A_1070 = vector.shape_cast %get3A_1067 : vector<16xf32> to vector<16xf32>
      tpu.vector_store %arg5[%swap3A], %swap3A_1070 {add = true, strides = array<i32>} : memref<24576xf32, #tpu.memory_space<vmem>>, vector<16xf32>,
      %mul3A_1071 = arith.constant 8 : i32
      %mul3A_1072 = arith.muli %scan3A_1058, %mul3A_1071 : i32
      %add3A_1073 = arith.constant 1 : i32
      %add3A_1074 = arith.addi %mul3A_1072, %add3A_1073 : i32
      %mul3A_1075 = arith.constant 16 : i32
      %mul3A_1076 = arith.muli %add3A_1074, %mul3A_1075 : i32
      %get3A_1077 = arith.index_cast %mul3A_1076 : i32 to index
      %get3A_1078 = tpu.vector_load %arg8[%get3A_1077] {strides = array<i32>} : memref<24576xf32, #tpu.memory_space<vmem>>, vector<16xf32>,
      %get3A_1079 = vector.shape_cast %get3A_1078 : vector<16xf32> to vector<16xf32>
      %swap3A_1080 = arith.index_cast %mul3A_1076 : i32 to index
      %swap3A_1081 = tpu.vector_load %arg5[%swap3A_1080] {strides = array<i32>} : memref<24576xf32, #tpu.memory_space<vmem>>, vector<16xf32>,
      %swap3A_1082 = vector.shape_cast %swap3A_1081 : vector<16xf32> to vector<16xf32>
      %swap3A_1083 = vector.shape_cast %get3A_1079 : vector<16xf32> to vector<16xf32>
      tpu.vector_store %arg5[%swap3A_1080], %swap3A_1083 {add = true, strides = array<i32>} : memref<24576xf32, #tpu.memory_space<vmem>>, vector<16xf32>,
      %mul3A_1084 = arith.constant 8 : i32
      %mul3A_1085 = arith.muli %scan3A_1058, %mul3A_1084 : i32
      %add3A_1086 = arith.constant 2 : i32
      %add3A_1087 = arith.addi %mul3A_1085, %add3A_1086 : i32
      %mul3A_1088 = arith.constant 16 : i32
      %mul3A_1089 = arith.muli %add3A_1087, %mul3A_1088 : i32
      %get3A_1090 = arith.index_cast %mul3A_1089 : i32 to index
      %get3A_1091 = tpu.vector_load %arg8[%get3A_1090] {strides = array<i32>} : memref<24576xf32, #tpu.memory_space<vmem>>, vector<16xf32>,
      %get3A_1092 = vector.shape_cast %get3A_1091 : vector<16xf32> to vector<16xf32>
      %swap3A_1093 = arith.index_cast %mul3A_1089 : i32 to index
      %swap3A_1094 = tpu.vector_load %arg5[%swap3A_1093] {strides = array<i32>} : memref<24576xf32, #tpu.memory_space<vmem>>, vector<16xf32>,
      %swap3A_1095 = vector.shape_cast %swap3A_1094 : vector<16xf32> to vector<16xf32>
      %swap3A_1096 = vector.shape_cast %get3A_1092 : vector<16xf32> to vector<16xf32>
      tpu.vector_store %arg5[%swap3A_1093], %swap3A_1096 {add = true, strides = array<i32>} : memref<24576xf32, #tpu.memory_space<vmem>>, vector<16xf32>,
      %mul3A_1097 = arith.constant 8 : i32
      %mul3A_1098 = arith.muli %scan3A_1058, %mul3A_1097 : i32
      %add3A_1099 = arith.constant 3 : i32
      %add3A_1100 = arith.addi %mul3A_1098, %add3A_1099 : i32
      %mul3A_1101 = arith.constant 16 : i32
      %mul3A_1102 = arith.muli %add3A_1100, %mul3A_1101 : i32
      %get3A_1103 = arith.index_cast %mul3A_1102 : i32 to index
      %get3A_1104 = tpu.vector_load %arg8[%get3A_1103] {strides = array<i32>} : memref<24576xf32, #tpu.memory_space<vmem>>, vector<16xf32>,
      %get3A_1105 = vector.shape_cast %get3A_1104 : vector<16xf32> to vector<16xf32>
      %swap3A_1106 = arith.index_cast %mul3A_1102 : i32 to index
      %swap3A_1107 = tpu.vector_load %arg5[%swap3A_1106] {strides = array<i32>} : memref<24576xf32, #tpu.memory_space<vmem>>, vector<16xf32>,
      %swap3A_1108 = vector.shape_cast %swap3A_1107 : vector<16xf32> to vector<16xf32>
      %swap3A_1109 = vector.shape_cast %get3A_1105 : vector<16xf32> to vector<16xf32>
      tpu.vector_store %arg5[%swap3A_1106], %swap3A_1109 {add = true, strides = array<i32>} : memref<24576xf32, #tpu.memory_space<vmem>>, vector<16xf32>,
      %mul3A_1110 = arith.constant 8 : i32
      %mul3A_1111 = arith.muli %scan3A_1058, %mul3A_1110 : i32
      %add3A_1112 = arith.constant 4 : i32
      %add3A_1113 = arith.addi %mul3A_1111, %add3A_1112 : i32
      %mul3A_1114 = arith.constant 16 : i32
      %mul3A_1115 = arith.muli %add3A_1113, %mul3A_1114 : i32
      %get3A_1116 = arith.index_cast %mul3A_1115 : i32 to index
      %get3A_1117 = tpu.vector_load %arg8[%get3A_1116] {strides = array<i32>} : memref<24576xf32, #tpu.memory_space<vmem>>, vector<16xf32>,
      %get3A_1118 = vector.shape_cast %get3A_1117 : vector<16xf32> to vector<16xf32>
      %swap3A_1119 = arith.index_cast %mul3A_1115 : i32 to index
      %swap3A_1120 = tpu.vector_load %arg5[%swap3A_1119] {strides = array<i32>} : memref<24576xf32, #tpu.memory_space<vmem>>, vector<16xf32>,
      %swap3A_1121 = vector.shape_cast %swap3A_1120 : vector<16xf32> to vector<16xf32>
      %swap3A_1122 = vector.shape_cast %get3A_1118 : vector<16xf32> to vector<16xf32>
      tpu.vector_store %arg5[%swap3A_1119], %swap3A_1122 {add = true, strides = array<i32>} : memref<24576xf32, #tpu.memory_space<vmem>>, vector<16xf32>,
      %mul3A_1123 = arith.constant 8 : i32
      %mul3A_1124 = arith.muli %scan3A_1058, %mul3A_1123 : i32
      %add3A_1125 = arith.constant 5 : i32
      %add3A_1126 = arith.addi %mul3A_1124, %add3A_1125 : i32
      %mul3A_1127 = arith.constant 16 : i32
      %mul3A_1128 = arith.muli %add3A_1126, %mul3A_1127 : i32
      %get3A_1129 = arith.index_cast %mul3A_1128 : i32 to index
      %get3A_1130 = tpu.vector_load %arg8[%get3A_1129] {strides = array<i32>} : memref<24576xf32, #tpu.memory_space<vmem>>, vector<16xf32>,
      %get3A_1131 = vector.shape_cast %get3A_1130 : vector<16xf32> to vector<16xf32>
      %swap3A_1132 = arith.index_cast %mul3A_1128 : i32 to index
      %swap3A_1133 = tpu.vector_load %arg5[%swap3A_1132] {strides = array<i32>} : memref<24576xf32, #tpu.memory_space<vmem>>, vector<16xf32>,
      %swap3A_1134 = vector.shape_cast %swap3A_1133 : vector<16xf32> to vector<16xf32>
      %swap3A_1135 = vector.shape_cast %get3A_1131 : vector<16xf32> to vector<16xf32>
      tpu.vector_store %arg5[%swap3A_1132], %swap3A_1135 {add = true, strides = array<i32>} : memref<24576xf32, #tpu.memory_space<vmem>>, vector<16xf32>,
      %mul3A_1136 = arith.constant 8 : i32
      %mul3A_1137 = arith.muli %scan3A_1058, %mul3A_1136 : i32
      %add3A_1138 = arith.constant 6 : i32
      %add3A_1139 = arith.addi %mul3A_1137, %add3A_1138 : i32
      %mul3A_1140 = arith.constant 16 : i32
      %mul3A_1141 = arith.muli %add3A_1139, %mul3A_1140 : i32
      %get3A_1142 = arith.index_cast %mul3A_1141 : i32 to index
      %get3A_1143 = tpu.vector_load %arg8[%get3A_1142] {strides = array<i32>} : memref<24576xf32, #tpu.memory_space<vmem>>, vector<16xf32>,
      %get3A_1144 = vector.shape_cast %get3A_1143 : vector<16xf32> to vector<16xf32>
      %swap3A_1145 = arith.index_cast %mul3A_1141 : i32 to index
      %swap3A_1146 = tpu.vector_load %arg5[%swap3A_1145] {strides = array<i32>} : memref<24576xf32, #tpu.memory_space<vmem>>, vector<16xf32>,
      %swap3A_1147 = vector.shape_cast %swap3A_1146 : vector<16xf32> to vector<16xf32>
      %swap3A_1148 = vector.shape_cast %get3A_1144 : vector<16xf32> to vector<16xf32>
      tpu.vector_store %arg5[%swap3A_1145], %swap3A_1148 {add = true, strides = array<i32>} : memref<24576xf32, #tpu.memory_space<vmem>>, vector<16xf32>,
      %mul3A_1149 = arith.constant 8 : i32
      %mul3A_1150 = arith.muli %scan3A_1058, %mul3A_1149 : i32
      %add3A_1151 = arith.constant 7 : i32
      %add3A_1152 = arith.addi %mul3A_1150, %add3A_1151 : i32
      %mul3A_1153 = arith.constant 16 : i32
      %mul3A_1154 = arith.muli %add3A_1152, %mul3A_1153 : i32
      %get3A_1155 = arith.index_cast %mul3A_1154 : i32 to index
      %get3A_1156 = tpu.vector_load %arg8[%get3A_1155] {strides = array<i32>} : memref<24576xf32, #tpu.memory_space<vmem>>, vector<16xf32>,
      %get3A_1157 = vector.shape_cast %get3A_1156 : vector<16xf32> to vector<16xf32>
      %swap3A_1158 = arith.index_cast %mul3A_1154 : i32 to index
      %swap3A_1159 = tpu.vector_load %arg5[%swap3A_1158] {strides = array<i32>} : memref<24576xf32, #tpu.memory_space<vmem>>, vector<16xf32>,
      %swap3A_1160 = vector.shape_cast %swap3A_1159 : vector<16xf32> to vector<16xf32>
      %swap3A_1161 = vector.shape_cast %get3A_1157 : vector<16xf32> to vector<16xf32>
      tpu.vector_store %arg5[%swap3A_1158], %swap3A_1161 {add = true, strides = array<i32>} : memref<24576xf32, #tpu.memory_space<vmem>>, vector<16xf32>,
      %scan3A_1162 = arith.constant 0 : i32
      scf.yield %scan3A_1162 : i32
    }
    %scan3A_137 = arith.constant 192 : i32
    %add3A_138 = arith.constant 18874368 : i32
    %add3A_139 = arith.addi %add3A_138, %mul3A_4 : i32
    %add3A_140 = arith.constant 0 : i32
    %add3A_141 = arith.addi %add3A_139, %add3A_140 : i32
    %dma_start3A_142 = tpu.memref_slice %arg4[%add3A_141] : memref<25165824xf32, #tpu.memory_space<hbm>> -> memref<24576xf32, #tpu.memory_space<hbm>>
    %dma_start3A_143 = tpu.memref_slice %arg4[%add3A_141] : memref<25165824xf32, #tpu.memory_space<hbm>> -> memref<24576xf32, #tpu.memory_space<hbm>>
    tpu.enqueue_dma source(%arg5 : memref<24576xf32, #tpu.memory_space<vmem>>) target(%dma_start3A_143 : memref<24576xf32, #tpu.memory_space<hbm>>) target_semaphore(%arg13 : memref<!tpu.dma_semaphore, #tpu.memory_space<semaphore_mem>>)
    %add3A_144 = arith.constant 49152 : i32
    %add3A_145 = arith.addi %mul3A_4, %add3A_144 : i32
    %dma_start3A_146 = tpu.memref_slice %arg3[%add3A_145] : memref<6291456xf32, #tpu.memory_space<hbm>> -> memref<24576xf32, #tpu.memory_space<hbm>>
    %dma_start3A_147 = tpu.memref_slice %arg3[%add3A_145] : memref<6291456xf32, #tpu.memory_space<hbm>> -> memref<24576xf32, #tpu.memory_space<hbm>>
    tpu.enqueue_dma source(%dma_start3A_147 : memref<24576xf32, #tpu.memory_space<hbm>>) target(%arg8 : memref<24576xf32, #tpu.memory_space<vmem>>) target_semaphore(%arg16 : memref<!tpu.dma_semaphore, #tpu.memory_space<semaphore_mem>>)
    %add3A_148 = arith.constant 18874368 : i32
    %add3A_149 = arith.addi %add3A_148, %mul3A_4 : i32
    %add3A_150 = arith.constant 0 : i32
    %add3A_151 = arith.addi %add3A_149, %add3A_150 : i32
    %dma_wait3A_152 = tpu.memref_slice %arg4[%add3A_151] : memref<25165824xf32, #tpu.memory_space<hbm>> -> memref<24576xf32, #tpu.memory_space<hbm>>
    %dma_wait3A_153 = tpu.memref_slice %arg4[%add3A_151] : memref<25165824xf32, #tpu.memory_space<hbm>> -> memref<24576xf32, #tpu.memory_space<hbm>>
    tpu.wait_dma2 semaphore(%arg13 : memref<!tpu.dma_semaphore, #tpu.memory_space<semaphore_mem>>) src(%arg5 : memref<24576xf32, #tpu.memory_space<vmem>>) dst(%dma_wait3A_153 : memref<24576xf32, #tpu.memory_space<hbm>>)
    %add3A_154 = arith.constant 12582912 : i32
    %add3A_155 = arith.addi %add3A_154, %mul3A_4 : i32
    %add3A_156 = arith.constant 24576 : i32
    %add3A_157 = arith.addi %add3A_155, %add3A_156 : i32
    %dma_start3A_158 = tpu.memref_slice %arg2[%add3A_157] : memref<25165824xf32, #tpu.memory_space<hbm>> -> memref<24576xf32, #tpu.memory_space<hbm>>
    %dma_start3A_159 = tpu.memref_slice %arg2[%add3A_157] : memref<25165824xf32, #tpu.memory_space<hbm>> -> memref<24576xf32, #tpu.memory_space<hbm>>
    tpu.enqueue_dma source(%dma_start3A_159 : memref<24576xf32, #tpu.memory_space<hbm>>) target(%arg5 : memref<24576xf32, #tpu.memory_space<vmem>>) target_semaphore(%arg10 : memref<!tpu.dma_semaphore, #tpu.memory_space<semaphore_mem>>)
    %add3A_160 = arith.constant 0 : i32
    %add3A_161 = arith.addi %add3A_160, %mul3A_4 : i32
    %add3A_162 = arith.constant 24576 : i32
    %add3A_163 = arith.addi %add3A_161, %add3A_162 : i32
    %dma_wait3A_164 = tpu.memref_slice %arg2[%add3A_163] : memref<25165824xf32, #tpu.memory_space<hbm>> -> memref<24576xf32, #tpu.memory_space<hbm>>
    %dma_wait3A_165 = tpu.memref_slice %arg2[%add3A_163] : memref<25165824xf32, #tpu.memory_space<hbm>> -> memref<24576xf32, #tpu.memory_space<hbm>>
    tpu.wait_dma2 semaphore(%arg11 : memref<!tpu.dma_semaphore, #tpu.memory_space<semaphore_mem>>) src(%dma_wait3A_165 : memref<24576xf32, #tpu.memory_space<hbm>>) dst(%arg6 : memref<24576xf32, #tpu.memory_space<vmem>>)
    %add3A_166 = arith.constant 24576 : i32
    %add3A_167 = arith.addi %mul3A_4, %add3A_166 : i32
    %dma_wait3A_168 = tpu.memref_slice %arg3[%add3A_167] : memref<6291456xf32, #tpu.memory_space<hbm>> -> memref<24576xf32, #tpu.memory_space<hbm>>
    %dma_wait3A_169 = tpu.memref_slice %arg3[%add3A_167] : memref<6291456xf32, #tpu.memory_space<hbm>> -> memref<24576xf32, #tpu.memory_space<hbm>>
    tpu.wait_dma2 semaphore(%arg17 : memref<!tpu.dma_semaphore, #tpu.memory_space<semaphore_mem>>) src(%dma_wait3A_169 : memref<24576xf32, #tpu.memory_space<hbm>>) dst(%arg9 : memref<24576xf32, #tpu.memory_space<vmem>>)
    %scan3A_170 = arith.constant 0 : i32
    %scan3A_171 = arith.constant 0 : i32
    %scan3A_172 = arith.constant 192 : i32
    %scan3A_173 = arith.addi %scan3A_171, %scan3A_172 : i32
    %scan3A_174 = arith.constant 1 : i32
    %scan3A_175 = scf.for %scan3A_1058 = %scan3A_171 to %scan3A_173 step %scan3A_174 iter_args(%scan3A_1059 = %scan3A_170) -> (i32)  : i32 {
      %mul3A_1060 = arith.constant 8 : i32
      %mul3A_1061 = arith.muli %scan3A_1058, %mul3A_1060 : i32
      %add3A_1062 = arith.constant 0 : i32
      %add3A_1063 = arith.addi %mul3A_1061, %add3A_1062 : i32
      %mul3A_1064 = arith.constant 16 : i32
      %mul3A_1065 = arith.muli %add3A_1063, %mul3A_1064 : i32
      %get3A = arith.index_cast %mul3A_1065 : i32 to index
      %get3A_1066 = tpu.vector_load %arg9[%get3A] {strides = array<i32>} : memref<24576xf32, #tpu.memory_space<vmem>>, vector<16xf32>,
      %get3A_1067 = vector.shape_cast %get3A_1066 : vector<16xf32> to vector<16xf32>
      %swap3A = arith.index_cast %mul3A_1065 : i32 to index
      %swap3A_1068 = tpu.vector_load %arg6[%swap3A] {strides = array<i32>} : memref<24576xf32, #tpu.memory_space<vmem>>, vector<16xf32>,
      %swap3A_1069 = vector.shape_cast %swap3A_1068 : vector<16xf32> to vector<16xf32>
      %swap3A_1070 = vector.shape_cast %get3A_1067 : vector<16xf32> to vector<16xf32>
      tpu.vector_store %arg6[%swap3A], %swap3A_1070 {add = true, strides = array<i32>} : memref<24576xf32, #tpu.memory_space<vmem>>, vector<16xf32>,
      %mul3A_1071 = arith.constant 8 : i32
      %mul3A_1072 = arith.muli %scan3A_1058, %mul3A_1071 : i32
      %add3A_1073 = arith.constant 1 : i32
      %add3A_1074 = arith.addi %mul3A_1072, %add3A_1073 : i32
      %mul3A_1075 = arith.constant 16 : i32
      %mul3A_1076 = arith.muli %add3A_1074, %mul3A_1075 : i32
      %get3A_1077 = arith.index_cast %mul3A_1076 : i32 to index
      %get3A_1078 = tpu.vector_load %arg9[%get3A_1077] {strides = array<i32>} : memref<24576xf32, #tpu.memory_space<vmem>>, vector<16xf32>,
      %get3A_1079 = vector.shape_cast %get3A_1078 : vector<16xf32> to vector<16xf32>
      %swap3A_1080 = arith.index_cast %mul3A_1076 : i32 to index
      %swap3A_1081 = tpu.vector_load %arg6[%swap3A_1080] {strides = array<i32>} : memref<24576xf32, #tpu.memory_space<vmem>>, vector<16xf32>,
      %swap3A_1082 = vector.shape_cast %swap3A_1081 : vector<16xf32> to vector<16xf32>
      %swap3A_1083 = vector.shape_cast %get3A_1079 : vector<16xf32> to vector<16xf32>
      tpu.vector_store %arg6[%swap3A_1080], %swap3A_1083 {add = true, strides = array<i32>} : memref<24576xf32, #tpu.memory_space<vmem>>, vector<16xf32>,
      %mul3A_1084 = arith.constant 8 : i32
      %mul3A_1085 = arith.muli %scan3A_1058, %mul3A_1084 : i32
      %add3A_1086 = arith.constant 2 : i32
      %add3A_1087 = arith.addi %mul3A_1085, %add3A_1086 : i32
      %mul3A_1088 = arith.constant 16 : i32
      %mul3A_1089 = arith.muli %add3A_1087, %mul3A_1088 : i32
      %get3A_1090 = arith.index_cast %mul3A_1089 : i32 to index
      %get3A_1091 = tpu.vector_load %arg9[%get3A_1090] {strides = array<i32>} : memref<24576xf32, #tpu.memory_space<vmem>>, vector<16xf32>,
      %get3A_1092 = vector.shape_cast %get3A_1091 : vector<16xf32> to vector<16xf32>
      %swap3A_1093 = arith.index_cast %mul3A_1089 : i32 to index
      %swap3A_1094 = tpu.vector_load %arg6[%swap3A_1093] {strides = array<i32>} : memref<24576xf32, #tpu.memory_space<vmem>>, vector<16xf32>,
      %swap3A_1095 = vector.shape_cast %swap3A_1094 : vector<16xf32> to vector<16xf32>
      %swap3A_1096 = vector.shape_cast %get3A_1092 : vector<16xf32> to vector<16xf32>
      tpu.vector_store %arg6[%swap3A_1093], %swap3A_1096 {add = true, strides = array<i32>} : memref<24576xf32, #tpu.memory_space<vmem>>, vector<16xf32>,
      %mul3A_1097 = arith.constant 8 : i32
      %mul3A_1098 = arith.muli %scan3A_1058, %mul3A_1097 : i32
      %add3A_1099 = arith.constant 3 : i32
      %add3A_1100 = arith.addi %mul3A_1098, %add3A_1099 : i32
      %mul3A_1101 = arith.constant 16 : i32
      %mul3A_1102 = arith.muli %add3A_1100, %mul3A_1101 : i32
      %get3A_1103 = arith.index_cast %mul3A_1102 : i32 to index
      %get3A_1104 = tpu.vector_load %arg9[%get3A_1103] {strides = array<i32>} : memref<24576xf32, #tpu.memory_space<vmem>>, vector<16xf32>,
      %get3A_1105 = vector.shape_cast %get3A_1104 : vector<16xf32> to vector<16xf32>
      %swap3A_1106 = arith.index_cast %mul3A_1102 : i32 to index
      %swap3A_1107 = tpu.vector_load %arg6[%swap3A_1106] {strides = array<i32>} : memref<24576xf32, #tpu.memory_space<vmem>>, vector<16xf32>,
      %swap3A_1108 = vector.shape_cast %swap3A_1107 : vector<16xf32> to vector<16xf32>
      %swap3A_1109 = vector.shape_cast %get3A_1105 : vector<16xf32> to vector<16xf32>
      tpu.vector_store %arg6[%swap3A_1106], %swap3A_1109 {add = true, strides = array<i32>} : memref<24576xf32, #tpu.memory_space<vmem>>, vector<16xf32>,
      %mul3A_1110 = arith.constant 8 : i32
      %mul3A_1111 = arith.muli %scan3A_1058, %mul3A_1110 : i32
      %add3A_1112 = arith.constant 4 : i32
      %add3A_1113 = arith.addi %mul3A_1111, %add3A_1112 : i32
      %mul3A_1114 = arith.constant 16 : i32
      %mul3A_1115 = arith.muli %add3A_1113, %mul3A_1114 : i32
      %get3A_1116 = arith.index_cast %mul3A_1115 : i32 to index
      %get3A_1117 = tpu.vector_load %arg9[%get3A_1116] {strides = array<i32>} : memref<24576xf32, #tpu.memory_space<vmem>>, vector<16xf32>,
      %get3A_1118 = vector.shape_cast %get3A_1117 : vector<16xf32> to vector<16xf32>
      %swap3A_1119 = arith.index_cast %mul3A_1115 : i32 to index
      %swap3A_1120 = tpu.vector_load %arg6[%swap3A_1119] {strides = array<i32>} : memref<24576xf32, #tpu.memory_space<vmem>>, vector<16xf32>,
      %swap3A_1121 = vector.shape_cast %swap3A_1120 : vector<16xf32> to vector<16xf32>
      %swap3A_1122 = vector.shape_cast %get3A_1118 : vector<16xf32> to vector<16xf32>
      tpu.vector_store %arg6[%swap3A_1119], %swap3A_1122 {add = true, strides = array<i32>} : memref<24576xf32, #tpu.memory_space<vmem>>, vector<16xf32>,
      %mul3A_1123 = arith.constant 8 : i32
      %mul3A_1124 = arith.muli %scan3A_1058, %mul3A_1123 : i32
      %add3A_1125 = arith.constant 5 : i32
      %add3A_1126 = arith.addi %mul3A_1124, %add3A_1125 : i32
      %mul3A_1127 = arith.constant 16 : i32
      %mul3A_1128 = arith.muli %add3A_1126, %mul3A_1127 : i32
      %get3A_1129 = arith.index_cast %mul3A_1128 : i32 to index
      %get3A_1130 = tpu.vector_load %arg9[%get3A_1129] {strides = array<i32>} : memref<24576xf32, #tpu.memory_space<vmem>>, vector<16xf32>,
      %get3A_1131 = vector.shape_cast %get3A_1130 : vector<16xf32> to vector<16xf32>
      %swap3A_1132 = arith.index_cast %mul3A_1128 : i32 to index
      %swap3A_1133 = tpu.vector_load %arg6[%swap3A_1132] {strides = array<i32>} : memref<24576xf32, #tpu.memory_space<vmem>>, vector<16xf32>,
      %swap3A_1134 = vector.shape_cast %swap3A_1133 : vector<16xf32> to vector<16xf32>
      %swap3A_1135 = vector.shape_cast %get3A_1131 : vector<16xf32> to vector<16xf32>
      tpu.vector_store %arg6[%swap3A_1132], %swap3A_1135 {add = true, strides = array<i32>} : memref<24576xf32, #tpu.memory_space<vmem>>, vector<16xf32>,
      %mul3A_1136 = arith.constant 8 : i32
      %mul3A_1137 = arith.muli %scan3A_1058, %mul3A_1136 : i32
      %add3A_1138 = arith.constant 6 : i32
      %add3A_1139 = arith.addi %mul3A_1137, %add3A_1138 : i32
      %mul3A_1140 = arith.constant 16 : i32
      %mul3A_1141 = arith.muli %add3A_1139, %mul3A_1140 : i32
      %get3A_1142 = arith.index_cast %mul3A_1141 : i32 to index
      %get3A_1143 = tpu.vector_load %arg9[%get3A_1142] {strides = array<i32>} : memref<24576xf32, #tpu.memory_space<vmem>>, vector<16xf32>,
      %get3A_1144 = vector.shape_cast %get3A_1143 : vector<16xf32> to vector<16xf32>
      %swap3A_1145 = arith.index_cast %mul3A_1141 : i32 to index
      %swap3A_1146 = tpu.vector_load %arg6[%swap3A_1145] {strides = array<i32>} : memref<24576xf32, #tpu.memory_space<vmem>>, vector<16xf32>,
      %swap3A_1147 = vector.shape_cast %swap3A_1146 : vector<16xf32> to vector<16xf32>
      %swap3A_1148 = vector.shape_cast %get3A_1144 : vector<16xf32> to vector<16xf32>
      tpu.vector_store %arg6[%swap3A_1145], %swap3A_1148 {add = true, strides = array<i32>} : memref<24576xf32, #tpu.memory_space<vmem>>, vector<16xf32>,
      %mul3A_1149 = arith.constant 8 : i32
      %mul3A_1150 = arith.muli %scan3A_1058, %mul3A_1149 : i32
      %add3A_1151 = arith.constant 7 : i32
      %add3A_1152 = arith.addi %mul3A_1150, %add3A_1151 : i32
      %mul3A_1153 = arith.constant 16 : i32
      %mul3A_1154 = arith.muli %add3A_1152, %mul3A_1153 : i32
      %get3A_1155 = arith.index_cast %mul3A_1154 : i32 to index
      %get3A_1156 = tpu.vector_load %arg9[%get3A_1155] {strides = array<i32>} : memref<24576xf32, #tpu.memory_space<vmem>>, vector<16xf32>,
      %get3A_1157 = vector.shape_cast %get3A_1156 : vector<16xf32> to vector<16xf32>
      %swap3A_1158 = arith.index_cast %mul3A_1154 : i32 to index
      %swap3A_1159 = tpu.vector_load %arg6[%swap3A_1158] {strides = array<i32>} : memref<24576xf32, #tpu.memory_space<vmem>>, vector<16xf32>,
      %swap3A_1160 = vector.shape_cast %swap3A_1159 : vector<16xf32> to vector<16xf32>
      %swap3A_1161 = vector.shape_cast %get3A_1157 : vector<16xf32> to vector<16xf32>
      tpu.vector_store %arg6[%swap3A_1158], %swap3A_1161 {add = true, strides = array<i32>} : memref<24576xf32, #tpu.memory_space<vmem>>, vector<16xf32>,
      %scan3A_1162 = arith.constant 0 : i32
      scf.yield %scan3A_1162 : i32
    }
    %scan3A_176 = arith.constant 192 : i32
    %add3A_177 = arith.constant 0 : i32
    %add3A_178 = arith.addi %add3A_177, %mul3A_4 : i32
    %add3A_179 = arith.constant 24576 : i32
    %add3A_180 = arith.addi %add3A_178, %add3A_179 : i32
    %dma_start3A_181 = tpu.memref_slice %arg4[%add3A_180] : memref<25165824xf32, #tpu.memory_space<hbm>> -> memref<24576xf32, #tpu.memory_space<hbm>>
    %dma_start3A_182 = tpu.memref_slice %arg4[%add3A_180] : memref<25165824xf32, #tpu.memory_space<hbm>> -> memref<24576xf32, #tpu.memory_space<hbm>>
    tpu.enqueue_dma source(%arg6 : memref<24576xf32, #tpu.memory_space<vmem>>) target(%dma_start3A_182 : memref<24576xf32, #tpu.memory_space<hbm>>) target_semaphore(%arg14 : memref<!tpu.dma_semaphore, #tpu.memory_space<semaphore_mem>>)
    %add3A_183 = arith.constant 0 : i32
    %add3A_184 = arith.addi %add3A_183, %mul3A_4 : i32
    %add3A_185 = arith.constant 24576 : i32
    %add3A_186 = arith.addi %add3A_184, %add3A_185 : i32
    %dma_wait3A_187 = tpu.memref_slice %arg4[%add3A_186] : memref<25165824xf32, #tpu.memory_space<hbm>> -> memref<24576xf32, #tpu.memory_space<hbm>>
    %dma_wait3A_188 = tpu.memref_slice %arg4[%add3A_186] : memref<25165824xf32, #tpu.memory_space<hbm>> -> memref<24576xf32, #tpu.memory_space<hbm>>
    tpu.wait_dma2 semaphore(%arg14 : memref<!tpu.dma_semaphore, #tpu.memory_space<semaphore_mem>>) src(%arg6 : memref<24576xf32, #tpu.memory_space<vmem>>) dst(%dma_wait3A_188 : memref<24576xf32, #tpu.memory_space<hbm>>)
    %add3A_189 = arith.constant 18874368 : i32
    %add3A_190 = arith.addi %add3A_189, %mul3A_4 : i32
    %add3A_191 = arith.constant 24576 : i32
    %add3A_192 = arith.addi %add3A_190, %add3A_191 : i32
    %dma_start3A_193 = tpu.memref_slice %arg2[%add3A_192] : memref<25165824xf32, #tpu.memory_space<hbm>> -> memref<24576xf32, #tpu.memory_space<hbm>>
    %dma_start3A_194 = tpu.memref_slice %arg2[%add3A_192] : memref<25165824xf32, #tpu.memory_space<hbm>> -> memref<24576xf32, #tpu.memory_space<hbm>>
    tpu.enqueue_dma source(%dma_start3A_194 : memref<24576xf32, #tpu.memory_space<hbm>>) target(%arg6 : memref<24576xf32, #tpu.memory_space<vmem>>) target_semaphore(%arg11 : memref<!tpu.dma_semaphore, #tpu.memory_space<semaphore_mem>>)
    %add3A_195 = arith.constant 6291456 : i32
    %add3A_196 = arith.addi %add3A_195, %mul3A_4 : i32
    %add3A_197 = arith.constant 24576 : i32
    %add3A_198 = arith.addi %add3A_196, %add3A_197 : i32
    %dma_wait3A_199 = tpu.memref_slice %arg2[%add3A_198] : memref<25165824xf32, #tpu.memory_space<hbm>> -> memref<24576xf32, #tpu.memory_space<hbm>>
    %dma_wait3A_200 = tpu.memref_slice %arg2[%add3A_198] : memref<25165824xf32, #tpu.memory_space<hbm>> -> memref<24576xf32, #tpu.memory_space<hbm>>
    tpu.wait_dma2 semaphore(%arg12 : memref<!tpu.dma_semaphore, #tpu.memory_space<semaphore_mem>>) src(%dma_wait3A_200 : memref<24576xf32, #tpu.memory_space<hbm>>) dst(%arg7 : memref<24576xf32, #tpu.memory_space<vmem>>)
    %scan3A_201 = arith.constant 0 : i32
    %scan3A_202 = arith.constant 0 : i32
    %scan3A_203 = arith.constant 192 : i32
    %scan3A_204 = arith.addi %scan3A_202, %scan3A_203 : i32
    %scan3A_205 = arith.constant 1 : i32
    %scan3A_206 = scf.for %scan3A_1058 = %scan3A_202 to %scan3A_204 step %scan3A_205 iter_args(%scan3A_1059 = %scan3A_201) -> (i32)  : i32 {
      %mul3A_1060 = arith.constant 8 : i32
      %mul3A_1061 = arith.muli %scan3A_1058, %mul3A_1060 : i32
      %add3A_1062 = arith.constant 0 : i32
      %add3A_1063 = arith.addi %mul3A_1061, %add3A_1062 : i32
      %mul3A_1064 = arith.constant 16 : i32
      %mul3A_1065 = arith.muli %add3A_1063, %mul3A_1064 : i32
      %get3A = arith.index_cast %mul3A_1065 : i32 to index
      %get3A_1066 = tpu.vector_load %arg9[%get3A] {strides = array<i32>} : memref<24576xf32, #tpu.memory_space<vmem>>, vector<16xf32>,
      %get3A_1067 = vector.shape_cast %get3A_1066 : vector<16xf32> to vector<16xf32>
      %swap3A = arith.index_cast %mul3A_1065 : i32 to index
      %swap3A_1068 = tpu.vector_load %arg7[%swap3A] {strides = array<i32>} : memref<24576xf32, #tpu.memory_space<vmem>>, vector<16xf32>,
      %swap3A_1069 = vector.shape_cast %swap3A_1068 : vector<16xf32> to vector<16xf32>
      %swap3A_1070 = vector.shape_cast %get3A_1067 : vector<16xf32> to vector<16xf32>
      tpu.vector_store %arg7[%swap3A], %swap3A_1070 {add = true, strides = array<i32>} : memref<24576xf32, #tpu.memory_space<vmem>>, vector<16xf32>,
      %mul3A_1071 = arith.constant 8 : i32
      %mul3A_1072 = arith.muli %scan3A_1058, %mul3A_1071 : i32
      %add3A_1073 = arith.constant 1 : i32
      %add3A_1074 = arith.addi %mul3A_1072, %add3A_1073 : i32
      %mul3A_1075 = arith.constant 16 : i32
      %mul3A_1076 = arith.muli %add3A_1074, %mul3A_1075 : i32
      %get3A_1077 = arith.index_cast %mul3A_1076 : i32 to index
      %get3A_1078 = tpu.vector_load %arg9[%get3A_1077] {strides = array<i32>} : memref<24576xf32, #tpu.memory_space<vmem>>, vector<16xf32>,
      %get3A_1079 = vector.shape_cast %get3A_1078 : vector<16xf32> to vector<16xf32>
      %swap3A_1080 = arith.index_cast %mul3A_1076 : i32 to index
      %swap3A_1081 = tpu.vector_load %arg7[%swap3A_1080] {strides = array<i32>} : memref<24576xf32, #tpu.memory_space<vmem>>, vector<16xf32>,
      %swap3A_1082 = vector.shape_cast %swap3A_1081 : vector<16xf32> to vector<16xf32>
      %swap3A_1083 = vector.shape_cast %get3A_1079 : vector<16xf32> to vector<16xf32>
      tpu.vector_store %arg7[%swap3A_1080], %swap3A_1083 {add = true, strides = array<i32>} : memref<24576xf32, #tpu.memory_space<vmem>>, vector<16xf32>,
      %mul3A_1084 = arith.constant 8 : i32
      %mul3A_1085 = arith.muli %scan3A_1058, %mul3A_1084 : i32
      %add3A_1086 = arith.constant 2 : i32
      %add3A_1087 = arith.addi %mul3A_1085, %add3A_1086 : i32
      %mul3A_1088 = arith.constant 16 : i32
      %mul3A_1089 = arith.muli %add3A_1087, %mul3A_1088 : i32
      %get3A_1090 = arith.index_cast %mul3A_1089 : i32 to index
      %get3A_1091 = tpu.vector_load %arg9[%get3A_1090] {strides = array<i32>} : memref<24576xf32, #tpu.memory_space<vmem>>, vector<16xf32>,
      %get3A_1092 = vector.shape_cast %get3A_1091 : vector<16xf32> to vector<16xf32>
      %swap3A_1093 = arith.index_cast %mul3A_1089 : i32 to index
      %swap3A_1094 = tpu.vector_load %arg7[%swap3A_1093] {strides = array<i32>} : memref<24576xf32, #tpu.memory_space<vmem>>, vector<16xf32>,
      %swap3A_1095 = vector.shape_cast %swap3A_1094 : vector<16xf32> to vector<16xf32>
      %swap3A_1096 = vector.shape_cast %get3A_1092 : vector<16xf32> to vector<16xf32>
      tpu.vector_store %arg7[%swap3A_1093], %swap3A_1096 {add = true, strides = array<i32>} : memref<24576xf32, #tpu.memory_space<vmem>>, vector<16xf32>,
      %mul3A_1097 = arith.constant 8 : i32
      %mul3A_1098 = arith.muli %scan3A_1058, %mul3A_1097 : i32
      %add3A_1099 = arith.constant 3 : i32
      %add3A_1100 = arith.addi %mul3A_1098, %add3A_1099 : i32
      %mul3A_1101 = arith.constant 16 : i32
      %mul3A_1102 = arith.muli %add3A_1100, %mul3A_1101 : i32
      %get3A_1103 = arith.index_cast %mul3A_1102 : i32 to index
      %get3A_1104 = tpu.vector_load %arg9[%get3A_1103] {strides = array<i32>} : memref<24576xf32, #tpu.memory_space<vmem>>, vector<16xf32>,
      %get3A_1105 = vector.shape_cast %get3A_1104 : vector<16xf32> to vector<16xf32>
      %swap3A_1106 = arith.index_cast %mul3A_1102 : i32 to index
      %swap3A_1107 = tpu.vector_load %arg7[%swap3A_1106] {strides = array<i32>} : memref<24576xf32, #tpu.memory_space<vmem>>, vector<16xf32>,
      %swap3A_1108 = vector.shape_cast %swap3A_1107 : vector<16xf32> to vector<16xf32>
      %swap3A_1109 = vector.shape_cast %get3A_1105 : vector<16xf32> to vector<16xf32>
      tpu.vector_store %arg7[%swap3A_1106], %swap3A_1109 {add = true, strides = array<i32>} : memref<24576xf32, #tpu.memory_space<vmem>>, vector<16xf32>,
      %mul3A_1110 = arith.constant 8 : i32
      %mul3A_1111 = arith.muli %scan3A_1058, %mul3A_1110 : i32
      %add3A_1112 = arith.constant 4 : i32
      %add3A_1113 = arith.addi %mul3A_1111, %add3A_1112 : i32
      %mul3A_1114 = arith.constant 16 : i32
      %mul3A_1115 = arith.muli %add3A_1113, %mul3A_1114 : i32
      %get3A_1116 = arith.index_cast %mul3A_1115 : i32 to index
      %get3A_1117 = tpu.vector_load %arg9[%get3A_1116] {strides = array<i32>} : memref<24576xf32, #tpu.memory_space<vmem>>, vector<16xf32>,
      %get3A_1118 = vector.shape_cast %get3A_1117 : vector<16xf32> to vector<16xf32>
      %swap3A_1119 = arith.index_cast %mul3A_1115 : i32 to index
      %swap3A_1120 = tpu.vector_load %arg7[%swap3A_1119] {strides = array<i32>} : memref<24576xf32, #tpu.memory_space<vmem>>, vector<16xf32>,
      %swap3A_1121 = vector.shape_cast %swap3A_1120 : vector<16xf32> to vector<16xf32>
      %swap3A_1122 = vector.shape_cast %get3A_1118 : vector<16xf32> to vector<16xf32>
      tpu.vector_store %arg7[%swap3A_1119], %swap3A_1122 {add = true, strides = array<i32>} : memref<24576xf32, #tpu.memory_space<vmem>>, vector<16xf32>,
      %mul3A_1123 = arith.constant 8 : i32
      %mul3A_1124 = arith.muli %scan3A_1058, %mul3A_1123 : i32
      %add3A_1125 = arith.constant 5 : i32
      %add3A_1126 = arith.addi %mul3A_1124, %add3A_1125 : i32
      %mul3A_1127 = arith.constant 16 : i32
      %mul3A_1128 = arith.muli %add3A_1126, %mul3A_1127 : i32
      %get3A_1129 = arith.index_cast %mul3A_1128 : i32 to index
      %get3A_1130 = tpu.vector_load %arg9[%get3A_1129] {strides = array<i32>} : memref<24576xf32, #tpu.memory_space<vmem>>, vector<16xf32>,
      %get3A_1131 = vector.shape_cast %get3A_1130 : vector<16xf32> to vector<16xf32>
      %swap3A_1132 = arith.index_cast %mul3A_1128 : i32 to index
      %swap3A_1133 = tpu.vector_load %arg7[%swap3A_1132] {strides = array<i32>} : memref<24576xf32, #tpu.memory_space<vmem>>, vector<16xf32>,
      %swap3A_1134 = vector.shape_cast %swap3A_1133 : vector<16xf32> to vector<16xf32>
      %swap3A_1135 = vector.shape_cast %get3A_1131 : vector<16xf32> to vector<16xf32>
      tpu.vector_store %arg7[%swap3A_1132], %swap3A_1135 {add = true, strides = array<i32>} : memref<24576xf32, #tpu.memory_space<vmem>>, vector<16xf32>,
      %mul3A_1136 = arith.constant 8 : i32
      %mul3A_1137 = arith.muli %scan3A_1058, %mul3A_1136 : i32
      %add3A_1138 = arith.constant 6 : i32
      %add3A_1139 = arith.addi %mul3A_1137, %add3A_1138 : i32
      %mul3A_1140 = arith.constant 16 : i32
      %mul3A_1141 = arith.muli %add3A_1139, %mul3A_1140 : i32
      %get3A_1142 = arith.index_cast %mul3A_1141 : i32 to index
      %get3A_1143 = tpu.vector_load %arg9[%get3A_1142] {strides = array<i32>} : memref<24576xf32, #tpu.memory_space<vmem>>, vector<16xf32>,
      %get3A_1144 = vector.shape_cast %get3A_1143 : vector<16xf32> to vector<16xf32>
      %swap3A_1145 = arith.index_cast %mul3A_1141 : i32 to index
      %swap3A_1146 = tpu.vector_load %arg7[%swap3A_1145] {strides = array<i32>} : memref<24576xf32, #tpu.memory_space<vmem>>, vector<16xf32>,
      %swap3A_1147 = vector.shape_cast %swap3A_1146 : vector<16xf32> to vector<16xf32>
      %swap3A_1148 = vector.shape_cast %get3A_1144 : vector<16xf32> to vector<16xf32>
      tpu.vector_store %arg7[%swap3A_1145], %swap3A_1148 {add = true, strides = array<i32>} : memref<24576xf32, #tpu.memory_space<vmem>>, vector<16xf32>,
      %mul3A_1149 = arith.constant 8 : i32
      %mul3A_1150 = arith.muli %scan3A_1058, %mul3A_1149 : i32
      %add3A_1151 = arith.constant 7 : i32
      %add3A_1152 = arith.addi %mul3A_1150, %add3A_1151 : i32
      %mul3A_1153 = arith.constant 16 : i32
      %mul3A_1154 = arith.muli %add3A_1152, %mul3A_1153 : i32
      %get3A_1155 = arith.index_cast %mul3A_1154 : i32 to index
      %get3A_1156 = tpu.vector_load %arg9[%get3A_1155] {strides = array<i32>} : memref<24576xf32, #tpu.memory_space<vmem>>, vector<16xf32>,
      %get3A_1157 = vector.shape_cast %get3A_1156 : vector<16xf32> to vector<16xf32>
      %swap3A_1158 = arith.index_cast %mul3A_1154 : i32 to index
      %swap3A_1159 = tpu.vector_load %arg7[%swap3A_1158] {strides = array<i32>} : memref<24576xf32, #tpu.memory_space<vmem>>, vector<16xf32>,
      %swap3A_1160 = vector.shape_cast %swap3A_1159 : vector<16xf32> to vector<16xf32>
      %swap3A_1161 = vector.shape_cast %get3A_1157 : vector<16xf32> to vector<16xf32>
      tpu.vector_store %arg7[%swap3A_1158], %swap3A_1161 {add = true, strides = array<i32>} : memref<24576xf32, #tpu.memory_space<vmem>>, vector<16xf32>,
      %scan3A_1162 = arith.constant 0 : i32
      scf.yield %scan3A_1162 : i32
    }
    %scan3A_207 = arith.constant 192 : i32
    %add3A_208 = arith.constant 6291456 : i32
    %add3A_209 = arith.addi %add3A_208, %mul3A_4 : i32
    %add3A_210 = arith.constant 24576 : i32
    %add3A_211 = arith.addi %add3A_209, %add3A_210 : i32
    %dma_start3A_212 = tpu.memref_slice %arg4[%add3A_211] : memref<25165824xf32, #tpu.memory_space<hbm>> -> memref<24576xf32, #tpu.memory_space<hbm>>
    %dma_start3A_213 = tpu.memref_slice %arg4[%add3A_211] : memref<25165824xf32, #tpu.memory_space<hbm>> -> memref<24576xf32, #tpu.memory_space<hbm>>
    tpu.enqueue_dma source(%arg7 : memref<24576xf32, #tpu.memory_space<vmem>>) target(%dma_start3A_213 : memref<24576xf32, #tpu.memory_space<hbm>>) target_semaphore(%arg15 : memref<!tpu.dma_semaphore, #tpu.memory_space<semaphore_mem>>)
    %add3A_214 = arith.constant 6291456 : i32
    %add3A_215 = arith.addi %add3A_214, %mul3A_4 : i32
    %add3A_216 = arith.constant 24576 : i32
    %add3A_217 = arith.addi %add3A_215, %add3A_216 : i32
    %dma_wait3A_218 = tpu.memref_slice %arg4[%add3A_217] : memref<25165824xf32, #tpu.memory_space<hbm>> -> memref<24576xf32, #tpu.memory_space<hbm>>
    %dma_wait3A_219 = tpu.memref_slice %arg4[%add3A_217] : memref<25165824xf32, #tpu.memory_space<hbm>> -> memref<24576xf32, #tpu.memory_space<hbm>>
    tpu.wait_dma2 semaphore(%arg15 : memref<!tpu.dma_semaphore, #tpu.memory_space<semaphore_mem>>) src(%arg7 : memref<24576xf32, #tpu.memory_space<vmem>>) dst(%dma_wait3A_219 : memref<24576xf32, #tpu.memory_space<hbm>>)
    %add3A_220 = arith.constant 0 : i32
    %add3A_221 = arith.addi %add3A_220, %mul3A_4 : i32
    %add3A_222 = arith.constant 49152 : i32
    %add3A_223 = arith.addi %add3A_221, %add3A_222 : i32
    %dma_start3A_224 = tpu.memref_slice %arg2[%add3A_223] : memref<25165824xf32, #tpu.memory_space<hbm>> -> memref<24576xf32, #tpu.memory_space<hbm>>
    %dma_start3A_225 = tpu.memref_slice %arg2[%add3A_223] : memref<25165824xf32, #tpu.memory_space<hbm>> -> memref<24576xf32, #tpu.memory_space<hbm>>
    tpu.enqueue_dma source(%dma_start3A_225 : memref<24576xf32, #tpu.memory_space<hbm>>) target(%arg7 : memref<24576xf32, #tpu.memory_space<vmem>>) target_semaphore(%arg12 : memref<!tpu.dma_semaphore, #tpu.memory_space<semaphore_mem>>)
    %add3A_226 = arith.constant 12582912 : i32
    %add3A_227 = arith.addi %add3A_226, %mul3A_4 : i32
    %add3A_228 = arith.constant 24576 : i32
    %add3A_229 = arith.addi %add3A_227, %add3A_228 : i32
    %dma_wait3A_230 = tpu.memref_slice %arg2[%add3A_229] : memref<25165824xf32, #tpu.memory_space<hbm>> -> memref<24576xf32, #tpu.memory_space<hbm>>
    %dma_wait3A_231 = tpu.memref_slice %arg2[%add3A_229] : memref<25165824xf32, #tpu.memory_space<hbm>> -> memref<24576xf32, #tpu.memory_space<hbm>>
    tpu.wait_dma2 semaphore(%arg10 : memref<!tpu.dma_semaphore, #tpu.memory_space<semaphore_mem>>) src(%dma_wait3A_231 : memref<24576xf32, #tpu.memory_space<hbm>>) dst(%arg5 : memref<24576xf32, #tpu.memory_space<vmem>>)
    %scan3A_232 = arith.constant 0 : i32
    %scan3A_233 = arith.constant 0 : i32
    %scan3A_234 = arith.constant 192 : i32
    %scan3A_235 = arith.addi %scan3A_233, %scan3A_234 : i32
    %scan3A_236 = arith.constant 1 : i32
    %scan3A_237 = scf.for %scan3A_1058 = %scan3A_233 to %scan3A_235 step %scan3A_236 iter_args(%scan3A_1059 = %scan3A_232) -> (i32)  : i32 {
      %mul3A_1060 = arith.constant 8 : i32
      %mul3A_1061 = arith.muli %scan3A_1058, %mul3A_1060 : i32
      %add3A_1062 = arith.constant 0 : i32
      %add3A_1063 = arith.addi %mul3A_1061, %add3A_1062 : i32
      %mul3A_1064 = arith.constant 16 : i32
      %mul3A_1065 = arith.muli %add3A_1063, %mul3A_1064 : i32
      %get3A = arith.index_cast %mul3A_1065 : i32 to index
      %get3A_1066 = tpu.vector_load %arg9[%get3A] {strides = array<i32>} : memref<24576xf32, #tpu.memory_space<vmem>>, vector<16xf32>,
      %get3A_1067 = vector.shape_cast %get3A_1066 : vector<16xf32> to vector<16xf32>
      %swap3A = arith.index_cast %mul3A_1065 : i32 to index
      %swap3A_1068 = tpu.vector_load %arg5[%swap3A] {strides = array<i32>} : memref<24576xf32, #tpu.memory_space<vmem>>, vector<16xf32>,
      %swap3A_1069 = vector.shape_cast %swap3A_1068 : vector<16xf32> to vector<16xf32>
      %swap3A_1070 = vector.shape_cast %get3A_1067 : vector<16xf32> to vector<16xf32>
      tpu.vector_store %arg5[%swap3A], %swap3A_1070 {add = true, strides = array<i32>} : memref<24576xf32, #tpu.memory_space<vmem>>, vector<16xf32>,
      %mul3A_1071 = arith.constant 8 : i32
      %mul3A_1072 = arith.muli %scan3A_1058, %mul3A_1071 : i32
      %add3A_1073 = arith.constant 1 : i32
      %add3A_1074 = arith.addi %mul3A_1072, %add3A_1073 : i32
      %mul3A_1075 = arith.constant 16 : i32
      %mul3A_1076 = arith.muli %add3A_1074, %mul3A_1075 : i32
      %get3A_1077 = arith.index_cast %mul3A_1076 : i32 to index
      %get3A_1078 = tpu.vector_load %arg9[%get3A_1077] {strides = array<i32>} : memref<24576xf32, #tpu.memory_space<vmem>>, vector<16xf32>,
      %get3A_1079 = vector.shape_cast %get3A_1078 : vector<16xf32> to vector<16xf32>
      %swap3A_1080 = arith.index_cast %mul3A_1076 : i32 to index
      %swap3A_1081 = tpu.vector_load %arg5[%swap3A_1080] {strides = array<i32>} : memref<24576xf32, #tpu.memory_space<vmem>>, vector<16xf32>,
      %swap3A_1082 = vector.shape_cast %swap3A_1081 : vector<16xf32> to vector<16xf32>
      %swap3A_1083 = vector.shape_cast %get3A_1079 : vector<16xf32> to vector<16xf32>
      tpu.vector_store %arg5[%swap3A_1080], %swap3A_1083 {add = true, strides = array<i32>} : memref<24576xf32, #tpu.memory_space<vmem>>, vector<16xf32>,
      %mul3A_1084 = arith.constant 8 : i32
      %mul3A_1085 = arith.muli %scan3A_1058, %mul3A_1084 : i32
      %add3A_1086 = arith.constant 2 : i32
      %add3A_1087 = arith.addi %mul3A_1085, %add3A_1086 : i32
      %mul3A_1088 = arith.constant 16 : i32
      %mul3A_1089 = arith.muli %add3A_1087, %mul3A_1088 : i32
      %get3A_1090 = arith.index_cast %mul3A_1089 : i32 to index
      %get3A_1091 = tpu.vector_load %arg9[%get3A_1090] {strides = array<i32>} : memref<24576xf32, #tpu.memory_space<vmem>>, vector<16xf32>,
      %get3A_1092 = vector.shape_cast %get3A_1091 : vector<16xf32> to vector<16xf32>
      %swap3A_1093 = arith.index_cast %mul3A_1089 : i32 to index
      %swap3A_1094 = tpu.vector_load %arg5[%swap3A_1093] {strides = array<i32>} : memref<24576xf32, #tpu.memory_space<vmem>>, vector<16xf32>,
      %swap3A_1095 = vector.shape_cast %swap3A_1094 : vector<16xf32> to vector<16xf32>
      %swap3A_1096 = vector.shape_cast %get3A_1092 : vector<16xf32> to vector<16xf32>
      tpu.vector_store %arg5[%swap3A_1093], %swap3A_1096 {add = true, strides = array<i32>} : memref<24576xf32, #tpu.memory_space<vmem>>, vector<16xf32>,
      %mul3A_1097 = arith.constant 8 : i32
      %mul3A_1098 = arith.muli %scan3A_1058, %mul3A_1097 : i32
      %add3A_1099 = arith.constant 3 : i32
      %add3A_1100 = arith.addi %mul3A_1098, %add3A_1099 : i32
      %mul3A_1101 = arith.constant 16 : i32
      %mul3A_1102 = arith.muli %add3A_1100, %mul3A_1101 : i32
      %get3A_1103 = arith.index_cast %mul3A_1102 : i32 to index
      %get3A_1104 = tpu.vector_load %arg9[%get3A_1103] {strides = array<i32>} : memref<24576xf32, #tpu.memory_space<vmem>>, vector<16xf32>,
      %get3A_1105 = vector.shape_cast %get3A_1104 : vector<16xf32> to vector<16xf32>
      %swap3A_1106 = arith.index_cast %mul3A_1102 : i32 to index
      %swap3A_1107 = tpu.vector_load %arg5[%swap3A_1106] {strides = array<i32>} : memref<24576xf32, #tpu.memory_space<vmem>>, vector<16xf32>,
      %swap3A_1108 = vector.shape_cast %swap3A_1107 : vector<16xf32> to vector<16xf32>
      %swap3A_1109 = vector.shape_cast %get3A_1105 : vector<16xf32> to vector<16xf32>
      tpu.vector_store %arg5[%swap3A_1106], %swap3A_1109 {add = true, strides = array<i32>} : memref<24576xf32, #tpu.memory_space<vmem>>, vector<16xf32>,
      %mul3A_1110 = arith.constant 8 : i32
      %mul3A_1111 = arith.muli %scan3A_1058, %mul3A_1110 : i32
      %add3A_1112 = arith.constant 4 : i32
      %add3A_1113 = arith.addi %mul3A_1111, %add3A_1112 : i32
      %mul3A_1114 = arith.constant 16 : i32
      %mul3A_1115 = arith.muli %add3A_1113, %mul3A_1114 : i32
      %get3A_1116 = arith.index_cast %mul3A_1115 : i32 to index
      %get3A_1117 = tpu.vector_load %arg9[%get3A_1116] {strides = array<i32>} : memref<24576xf32, #tpu.memory_space<vmem>>, vector<16xf32>,
      %get3A_1118 = vector.shape_cast %get3A_1117 : vector<16xf32> to vector<16xf32>
      %swap3A_1119 = arith.index_cast %mul3A_1115 : i32 to index
      %swap3A_1120 = tpu.vector_load %arg5[%swap3A_1119] {strides = array<i32>} : memref<24576xf32, #tpu.memory_space<vmem>>, vector<16xf32>,
      %swap3A_1121 = vector.shape_cast %swap3A_1120 : vector<16xf32> to vector<16xf32>
      %swap3A_1122 = vector.shape_cast %get3A_1118 : vector<16xf32> to vector<16xf32>
      tpu.vector_store %arg5[%swap3A_1119], %swap3A_1122 {add = true, strides = array<i32>} : memref<24576xf32, #tpu.memory_space<vmem>>, vector<16xf32>,
      %mul3A_1123 = arith.constant 8 : i32
      %mul3A_1124 = arith.muli %scan3A_1058, %mul3A_1123 : i32
      %add3A_1125 = arith.constant 5 : i32
      %add3A_1126 = arith.addi %mul3A_1124, %add3A_1125 : i32
      %mul3A_1127 = arith.constant 16 : i32
      %mul3A_1128 = arith.muli %add3A_1126, %mul3A_1127 : i32
      %get3A_1129 = arith.index_cast %mul3A_1128 : i32 to index
      %get3A_1130 = tpu.vector_load %arg9[%get3A_1129] {strides = array<i32>} : memref<24576xf32, #tpu.memory_space<vmem>>, vector<16xf32>,
      %get3A_1131 = vector.shape_cast %get3A_1130 : vector<16xf32> to vector<16xf32>
      %swap3A_1132 = arith.index_cast %mul3A_1128 : i32 to index
      %swap3A_1133 = tpu.vector_load %arg5[%swap3A_1132] {strides = array<i32>} : memref<24576xf32, #tpu.memory_space<vmem>>, vector<16xf32>,
      %swap3A_1134 = vector.shape_cast %swap3A_1133 : vector<16xf32> to vector<16xf32>
      %swap3A_1135 = vector.shape_cast %get3A_1131 : vector<16xf32> to vector<16xf32>
      tpu.vector_store %arg5[%swap3A_1132], %swap3A_1135 {add = true, strides = array<i32>} : memref<24576xf32, #tpu.memory_space<vmem>>, vector<16xf32>,
      %mul3A_1136 = arith.constant 8 : i32
      %mul3A_1137 = arith.muli %scan3A_1058, %mul3A_1136 : i32
      %add3A_1138 = arith.constant 6 : i32
      %add3A_1139 = arith.addi %mul3A_1137, %add3A_1138 : i32
      %mul3A_1140 = arith.constant 16 : i32
      %mul3A_1141 = arith.muli %add3A_1139, %mul3A_1140 : i32
      %get3A_1142 = arith.index_cast %mul3A_1141 : i32 to index
      %get3A_1143 = tpu.vector_load %arg9[%get3A_1142] {strides = array<i32>} : memref<24576xf32, #tpu.memory_space<vmem>>, vector<16xf32>,
      %get3A_1144 = vector.shape_cast %get3A_1143 : vector<16xf32> to vector<16xf32>
      %swap3A_1145 = arith.index_cast %mul3A_1141 : i32 to index
      %swap3A_1146 = tpu.vector_load %arg5[%swap3A_1145] {strides = array<i32>} : memref<24576xf32, #tpu.memory_space<vmem>>, vector<16xf32>,
      %swap3A_1147 = vector.shape_cast %swap3A_1146 : vector<16xf32> to vector<16xf32>
      %swap3A_1148 = vector.shape_cast %get3A_1144 : vector<16xf32> to vector<16xf32>
      tpu.vector_store %arg5[%swap3A_1145], %swap3A_1148 {add = true, strides = array<i32>} : memref<24576xf32, #tpu.memory_space<vmem>>, vector<16xf32>,
      %mul3A_1149 = arith.constant 8 : i32
      %mul3A_1150 = arith.muli %scan3A_1058, %mul3A_1149 : i32
      %add3A_1151 = arith.constant 7 : i32
      %add3A_1152 = arith.addi %mul3A_1150, %add3A_1151 : i32
      %mul3A_1153 = arith.constant 16 : i32
      %mul3A_1154 = arith.muli %add3A_1152, %mul3A_1153 : i32
      %get3A_1155 = arith.index_cast %mul3A_1154 : i32 to index
      %get3A_1156 = tpu.vector_load %arg9[%get3A_1155] {strides = array<i32>} : memref<24576xf32, #tpu.memory_space<vmem>>, vector<16xf32>,
      %get3A_1157 = vector.shape_cast %get3A_1156 : vector<16xf32> to vector<16xf32>
      %swap3A_1158 = arith.index_cast %mul3A_1154 : i32 to index
      %swap3A_1159 = tpu.vector_load %arg5[%swap3A_1158] {strides = array<i32>} : memref<24576xf32, #tpu.memory_space<vmem>>, vector<16xf32>,
      %swap3A_1160 = vector.shape_cast %swap3A_1159 : vector<16xf32> to vector<16xf32>
      %swap3A_1161 = vector.shape_cast %get3A_1157 : vector<16xf32> to vector<16xf32>
      tpu.vector_store %arg5[%swap3A_1158], %swap3A_1161 {add = true, strides = array<i32>} : memref<24576xf32, #tpu.memory_space<vmem>>, vector<16xf32>,
      %scan3A_1162 = arith.constant 0 : i32
      scf.yield %scan3A_1162 : i32
    }
    %scan3A_238 = arith.constant 192 : i32
    %add3A_239 = arith.constant 12582912 : i32
    %add3A_240 = arith.addi %add3A_239, %mul3A_4 : i32
    %add3A_241 = arith.constant 24576 : i32
    %add3A_242 = arith.addi %add3A_240, %add3A_241 : i32
    %dma_start3A_243 = tpu.memref_slice %arg4[%add3A_242] : memref<25165824xf32, #tpu.memory_space<hbm>> -> memref<24576xf32, #tpu.memory_space<hbm>>
    %dma_start3A_244 = tpu.memref_slice %arg4[%add3A_242] : memref<25165824xf32, #tpu.memory_space<hbm>> -> memref<24576xf32, #tpu.memory_space<hbm>>
    tpu.enqueue_dma source(%arg5 : memref<24576xf32, #tpu.memory_space<vmem>>) target(%dma_start3A_244 : memref<24576xf32, #tpu.memory_space<hbm>>) target_semaphore(%arg13 : memref<!tpu.dma_semaphore, #tpu.memory_space<semaphore_mem>>)
    %add3A_245 = arith.constant 12582912 : i32
    %add3A_246 = arith.addi %add3A_245, %mul3A_4 : i32
    %add3A_247 = arith.constant 24576 : i32
    %add3A_248 = arith.addi %add3A_246, %add3A_247 : i32
    %dma_wait3A_249 = tpu.memref_slice %arg4[%add3A_248] : memref<25165824xf32, #tpu.memory_space<hbm>> -> memref<24576xf32, #tpu.memory_space<hbm>>
    %dma_wait3A_250 = tpu.memref_slice %arg4[%add3A_248] : memref<25165824xf32, #tpu.memory_space<hbm>> -> memref<24576xf32, #tpu.memory_space<hbm>>
    tpu.wait_dma2 semaphore(%arg13 : memref<!tpu.dma_semaphore, #tpu.memory_space<semaphore_mem>>) src(%arg5 : memref<24576xf32, #tpu.memory_space<vmem>>) dst(%dma_wait3A_250 : memref<24576xf32, #tpu.memory_space<hbm>>)
    %add3A_251 = arith.constant 6291456 : i32
    %add3A_252 = arith.addi %add3A_251, %mul3A_4 : i32
    %add3A_253 = arith.constant 49152 : i32
    %add3A_254 = arith.addi %add3A_252, %add3A_253 : i32
    %dma_start3A_255 = tpu.memref_slice %arg2[%add3A_254] : memref<25165824xf32, #tpu.memory_space<hbm>> -> memref<24576xf32, #tpu.memory_space<hbm>>
    %dma_start3A_256 = tpu.memref_slice %arg2[%add3A_254] : memref<25165824xf32, #tpu.memory_space<hbm>> -> memref<24576xf32, #tpu.memory_space<hbm>>
    tpu.enqueue_dma source(%dma_start3A_256 : memref<24576xf32, #tpu.memory_space<hbm>>) target(%arg5 : memref<24576xf32, #tpu.memory_space<vmem>>) target_semaphore(%arg10 : memref<!tpu.dma_semaphore, #tpu.memory_space<semaphore_mem>>)
    %add3A_257 = arith.constant 18874368 : i32
    %add3A_258 = arith.addi %add3A_257, %mul3A_4 : i32
    %add3A_259 = arith.constant 24576 : i32
    %add3A_260 = arith.addi %add3A_258, %add3A_259 : i32
    %dma_wait3A_261 = tpu.memref_slice %arg2[%add3A_260] : memref<25165824xf32, #tpu.memory_space<hbm>> -> memref<24576xf32, #tpu.memory_space<hbm>>
    %dma_wait3A_262 = tpu.memref_slice %arg2[%add3A_260] : memref<25165824xf32, #tpu.memory_space<hbm>> -> memref<24576xf32, #tpu.memory_space<hbm>>
    tpu.wait_dma2 semaphore(%arg11 : memref<!tpu.dma_semaphore, #tpu.memory_space<semaphore_mem>>) src(%dma_wait3A_262 : memref<24576xf32, #tpu.memory_space<hbm>>) dst(%arg6 : memref<24576xf32, #tpu.memory_space<vmem>>)
    %scan3A_263 = arith.constant 0 : i32
    %scan3A_264 = arith.constant 0 : i32
    %scan3A_265 = arith.constant 192 : i32
    %scan3A_266 = arith.addi %scan3A_264, %scan3A_265 : i32
    %scan3A_267 = arith.constant 1 : i32
    %scan3A_268 = scf.for %scan3A_1058 = %scan3A_264 to %scan3A_266 step %scan3A_267 iter_args(%scan3A_1059 = %scan3A_263) -> (i32)  : i32 {
      %mul3A_1060 = arith.constant 8 : i32
      %mul3A_1061 = arith.muli %scan3A_1058, %mul3A_1060 : i32
      %add3A_1062 = arith.constant 0 : i32
      %add3A_1063 = arith.addi %mul3A_1061, %add3A_1062 : i32
      %mul3A_1064 = arith.constant 16 : i32
      %mul3A_1065 = arith.muli %add3A_1063, %mul3A_1064 : i32
      %get3A = arith.index_cast %mul3A_1065 : i32 to index
      %get3A_1066 = tpu.vector_load %arg9[%get3A] {strides = array<i32>} : memref<24576xf32, #tpu.memory_space<vmem>>, vector<16xf32>,
      %get3A_1067 = vector.shape_cast %get3A_1066 : vector<16xf32> to vector<16xf32>
      %swap3A = arith.index_cast %mul3A_1065 : i32 to index
      %swap3A_1068 = tpu.vector_load %arg6[%swap3A] {strides = array<i32>} : memref<24576xf32, #tpu.memory_space<vmem>>, vector<16xf32>,
      %swap3A_1069 = vector.shape_cast %swap3A_1068 : vector<16xf32> to vector<16xf32>
      %swap3A_1070 = vector.shape_cast %get3A_1067 : vector<16xf32> to vector<16xf32>
      tpu.vector_store %arg6[%swap3A], %swap3A_1070 {add = true, strides = array<i32>} : memref<24576xf32, #tpu.memory_space<vmem>>, vector<16xf32>,
      %mul3A_1071 = arith.constant 8 : i32
      %mul3A_1072 = arith.muli %scan3A_1058, %mul3A_1071 : i32
      %add3A_1073 = arith.constant 1 : i32
      %add3A_1074 = arith.addi %mul3A_1072, %add3A_1073 : i32
      %mul3A_1075 = arith.constant 16 : i32
      %mul3A_1076 = arith.muli %add3A_1074, %mul3A_1075 : i32
      %get3A_1077 = arith.index_cast %mul3A_1076 : i32 to index
      %get3A_1078 = tpu.vector_load %arg9[%get3A_1077] {strides = array<i32>} : memref<24576xf32, #tpu.memory_space<vmem>>, vector<16xf32>,
      %get3A_1079 = vector.shape_cast %get3A_1078 : vector<16xf32> to vector<16xf32>
      %swap3A_1080 = arith.index_cast %mul3A_1076 : i32 to index
      %swap3A_1081 = tpu.vector_load %arg6[%swap3A_1080] {strides = array<i32>} : memref<24576xf32, #tpu.memory_space<vmem>>, vector<16xf32>,
      %swap3A_1082 = vector.shape_cast %swap3A_1081 : vector<16xf32> to vector<16xf32>
      %swap3A_1083 = vector.shape_cast %get3A_1079 : vector<16xf32> to vector<16xf32>
      tpu.vector_store %arg6[%swap3A_1080], %swap3A_1083 {add = true, strides = array<i32>} : memref<24576xf32, #tpu.memory_space<vmem>>, vector<16xf32>,
      %mul3A_1084 = arith.constant 8 : i32
      %mul3A_1085 = arith.muli %scan3A_1058, %mul3A_1084 : i32
      %add3A_1086 = arith.constant 2 : i32
      %add3A_1087 = arith.addi %mul3A_1085, %add3A_1086 : i32
      %mul3A_1088 = arith.constant 16 : i32
      %mul3A_1089 = arith.muli %add3A_1087, %mul3A_1088 : i32
      %get3A_1090 = arith.index_cast %mul3A_1089 : i32 to index
      %get3A_1091 = tpu.vector_load %arg9[%get3A_1090] {strides = array<i32>} : memref<24576xf32, #tpu.memory_space<vmem>>, vector<16xf32>,
      %get3A_1092 = vector.shape_cast %get3A_1091 : vector<16xf32> to vector<16xf32>
      %swap3A_1093 = arith.index_cast %mul3A_1089 : i32 to index
      %swap3A_1094 = tpu.vector_load %arg6[%swap3A_1093] {strides = array<i32>} : memref<24576xf32, #tpu.memory_space<vmem>>, vector<16xf32>,
      %swap3A_1095 = vector.shape_cast %swap3A_1094 : vector<16xf32> to vector<16xf32>
      %swap3A_1096 = vector.shape_cast %get3A_1092 : vector<16xf32> to vector<16xf32>
      tpu.vector_store %arg6[%swap3A_1093], %swap3A_1096 {add = true, strides = array<i32>} : memref<24576xf32, #tpu.memory_space<vmem>>, vector<16xf32>,
      %mul3A_1097 = arith.constant 8 : i32
      %mul3A_1098 = arith.muli %scan3A_1058, %mul3A_1097 : i32
      %add3A_1099 = arith.constant 3 : i32
      %add3A_1100 = arith.addi %mul3A_1098, %add3A_1099 : i32
      %mul3A_1101 = arith.constant 16 : i32
      %mul3A_1102 = arith.muli %add3A_1100, %mul3A_1101 : i32
      %get3A_1103 = arith.index_cast %mul3A_1102 : i32 to index
      %get3A_1104 = tpu.vector_load %arg9[%get3A_1103] {strides = array<i32>} : memref<24576xf32, #tpu.memory_space<vmem>>, vector<16xf32>,
      %get3A_1105 = vector.shape_cast %get3A_1104 : vector<16xf32> to vector<16xf32>
      %swap3A_1106 = arith.index_cast %mul3A_1102 : i32 to index
      %swap3A_1107 = tpu.vector_load %arg6[%swap3A_1106] {strides = array<i32>} : memref<24576xf32, #tpu.memory_space<vmem>>, vector<16xf32>,
      %swap3A_1108 = vector.shape_cast %swap3A_1107 : vector<16xf32> to vector<16xf32>
      %swap3A_1109 = vector.shape_cast %get3A_1105 : vector<16xf32> to vector<16xf32>
      tpu.vector_store %arg6[%swap3A_1106], %swap3A_1109 {add = true, strides = array<i32>} : memref<24576xf32, #tpu.memory_space<vmem>>, vector<16xf32>,
      %mul3A_1110 = arith.constant 8 : i32
      %mul3A_1111 = arith.muli %scan3A_1058, %mul3A_1110 : i32
      %add3A_1112 = arith.constant 4 : i32
      %add3A_1113 = arith.addi %mul3A_1111, %add3A_1112 : i32
      %mul3A_1114 = arith.constant 16 : i32
      %mul3A_1115 = arith.muli %add3A_1113, %mul3A_1114 : i32
      %get3A_1116 = arith.index_cast %mul3A_1115 : i32 to index
      %get3A_1117 = tpu.vector_load %arg9[%get3A_1116] {strides = array<i32>} : memref<24576xf32, #tpu.memory_space<vmem>>, vector<16xf32>,
      %get3A_1118 = vector.shape_cast %get3A_1117 : vector<16xf32> to vector<16xf32>
      %swap3A_1119 = arith.index_cast %mul3A_1115 : i32 to index
      %swap3A_1120 = tpu.vector_load %arg6[%swap3A_1119] {strides = array<i32>} : memref<24576xf32, #tpu.memory_space<vmem>>, vector<16xf32>,
      %swap3A_1121 = vector.shape_cast %swap3A_1120 : vector<16xf32> to vector<16xf32>
      %swap3A_1122 = vector.shape_cast %get3A_1118 : vector<16xf32> to vector<16xf32>
      tpu.vector_store %arg6[%swap3A_1119], %swap3A_1122 {add = true, strides = array<i32>} : memref<24576xf32, #tpu.memory_space<vmem>>, vector<16xf32>,
      %mul3A_1123 = arith.constant 8 : i32
      %mul3A_1124 = arith.muli %scan3A_1058, %mul3A_1123 : i32
      %add3A_1125 = arith.constant 5 : i32
      %add3A_1126 = arith.addi %mul3A_1124, %add3A_1125 : i32
      %mul3A_1127 = arith.constant 16 : i32
      %mul3A_1128 = arith.muli %add3A_1126, %mul3A_1127 : i32
      %get3A_1129 = arith.index_cast %mul3A_1128 : i32 to index
      %get3A_1130 = tpu.vector_load %arg9[%get3A_1129] {strides = array<i32>} : memref<24576xf32, #tpu.memory_space<vmem>>, vector<16xf32>,
      %get3A_1131 = vector.shape_cast %get3A_1130 : vector<16xf32> to vector<16xf32>
      %swap3A_1132 = arith.index_cast %mul3A_1128 : i32 to index
      %swap3A_1133 = tpu.vector_load %arg6[%swap3A_1132] {strides = array<i32>} : memref<24576xf32, #tpu.memory_space<vmem>>, vector<16xf32>,
      %swap3A_1134 = vector.shape_cast %swap3A_1133 : vector<16xf32> to vector<16xf32>
      %swap3A_1135 = vector.shape_cast %get3A_1131 : vector<16xf32> to vector<16xf32>
      tpu.vector_store %arg6[%swap3A_1132], %swap3A_1135 {add = true, strides = array<i32>} : memref<24576xf32, #tpu.memory_space<vmem>>, vector<16xf32>,
      %mul3A_1136 = arith.constant 8 : i32
      %mul3A_1137 = arith.muli %scan3A_1058, %mul3A_1136 : i32
      %add3A_1138 = arith.constant 6 : i32
      %add3A_1139 = arith.addi %mul3A_1137, %add3A_1138 : i32
      %mul3A_1140 = arith.constant 16 : i32
      %mul3A_1141 = arith.muli %add3A_1139, %mul3A_1140 : i32
      %get3A_1142 = arith.index_cast %mul3A_1141 : i32 to index
      %get3A_1143 = tpu.vector_load %arg9[%get3A_1142] {strides = array<i32>} : memref<24576xf32, #tpu.memory_space<vmem>>, vector<16xf32>,
      %get3A_1144 = vector.shape_cast %get3A_1143 : vector<16xf32> to vector<16xf32>
      %swap3A_1145 = arith.index_cast %mul3A_1141 : i32 to index
      %swap3A_1146 = tpu.vector_load %arg6[%swap3A_1145] {strides = array<i32>} : memref<24576xf32, #tpu.memory_space<vmem>>, vector<16xf32>,
      %swap3A_1147 = vector.shape_cast %swap3A_1146 : vector<16xf32> to vector<16xf32>
      %swap3A_1148 = vector.shape_cast %get3A_1144 : vector<16xf32> to vector<16xf32>
      tpu.vector_store %arg6[%swap3A_1145], %swap3A_1148 {add = true, strides = array<i32>} : memref<24576xf32, #tpu.memory_space<vmem>>, vector<16xf32>,
      %mul3A_1149 = arith.constant 8 : i32
      %mul3A_1150 = arith.muli %scan3A_1058, %mul3A_1149 : i32
      %add3A_1151 = arith.constant 7 : i32
      %add3A_1152 = arith.addi %mul3A_1150, %add3A_1151 : i32
      %mul3A_1153 = arith.constant 16 : i32
      %mul3A_1154 = arith.muli %add3A_1152, %mul3A_1153 : i32
      %get3A_1155 = arith.index_cast %mul3A_1154 : i32 to index
      %get3A_1156 = tpu.vector_load %arg9[%get3A_1155] {strides = array<i32>} : memref<24576xf32, #tpu.memory_space<vmem>>, vector<16xf32>,
      %get3A_1157 = vector.shape_cast %get3A_1156 : vector<16xf32> to vector<16xf32>
      %swap3A_1158 = arith.index_cast %mul3A_1154 : i32 to index
      %swap3A_1159 = tpu.vector_load %arg6[%swap3A_1158] {strides = array<i32>} : memref<24576xf32, #tpu.memory_space<vmem>>, vector<16xf32>,
      %swap3A_1160 = vector.shape_cast %swap3A_1159 : vector<16xf32> to vector<16xf32>
      %swap3A_1161 = vector.shape_cast %get3A_1157 : vector<16xf32> to vector<16xf32>
      tpu.vector_store %arg6[%swap3A_1158], %swap3A_1161 {add = true, strides = array<i32>} : memref<24576xf32, #tpu.memory_space<vmem>>, vector<16xf32>,
      %scan3A_1162 = arith.constant 0 : i32
      scf.yield %scan3A_1162 : i32
    }
    %scan3A_269 = arith.constant 192 : i32
    %add3A_270 = arith.constant 18874368 : i32
    %add3A_271 = arith.addi %add3A_270, %mul3A_4 : i32
    %add3A_272 = arith.constant 24576 : i32
    %add3A_273 = arith.addi %add3A_271, %add3A_272 : i32
    %dma_start3A_274 = tpu.memref_slice %arg4[%add3A_273] : memref<25165824xf32, #tpu.memory_space<hbm>> -> memref<24576xf32, #tpu.memory_space<hbm>>
    %dma_start3A_275 = tpu.memref_slice %arg4[%add3A_273] : memref<25165824xf32, #tpu.memory_space<hbm>> -> memref<24576xf32, #tpu.memory_space<hbm>>
    tpu.enqueue_dma source(%arg6 : memref<24576xf32, #tpu.memory_space<vmem>>) target(%dma_start3A_275 : memref<24576xf32, #tpu.memory_space<hbm>>) target_semaphore(%arg14 : memref<!tpu.dma_semaphore, #tpu.memory_space<semaphore_mem>>)
    %add3A_276 = arith.constant 73728 : i32
    %add3A_277 = arith.addi %mul3A_4, %add3A_276 : i32
    %dma_start3A_278 = tpu.memref_slice %arg3[%add3A_277] : memref<6291456xf32, #tpu.memory_space<hbm>> -> memref<24576xf32, #tpu.memory_space<hbm>>
    %dma_start3A_279 = tpu.memref_slice %arg3[%add3A_277] : memref<6291456xf32, #tpu.memory_space<hbm>> -> memref<24576xf32, #tpu.memory_space<hbm>>
    tpu.enqueue_dma source(%dma_start3A_279 : memref<24576xf32, #tpu.memory_space<hbm>>) target(%arg9 : memref<24576xf32, #tpu.memory_space<vmem>>) target_semaphore(%arg17 : memref<!tpu.dma_semaphore, #tpu.memory_space<semaphore_mem>>)
    %add3A_280 = arith.constant 18874368 : i32
    %add3A_281 = arith.addi %add3A_280, %mul3A_4 : i32
    %add3A_282 = arith.constant 24576 : i32
    %add3A_283 = arith.addi %add3A_281, %add3A_282 : i32
    %dma_wait3A_284 = tpu.memref_slice %arg4[%add3A_283] : memref<25165824xf32, #tpu.memory_space<hbm>> -> memref<24576xf32, #tpu.memory_space<hbm>>
    %dma_wait3A_285 = tpu.memref_slice %arg4[%add3A_283] : memref<25165824xf32, #tpu.memory_space<hbm>> -> memref<24576xf32, #tpu.memory_space<hbm>>
    tpu.wait_dma2 semaphore(%arg14 : memref<!tpu.dma_semaphore, #tpu.memory_space<semaphore_mem>>) src(%arg6 : memref<24576xf32, #tpu.memory_space<vmem>>) dst(%dma_wait3A_285 : memref<24576xf32, #tpu.memory_space<hbm>>)
    %add3A_286 = arith.constant 12582912 : i32
    %add3A_287 = arith.addi %add3A_286, %mul3A_4 : i32
    %add3A_288 = arith.constant 49152 : i32
    %add3A_289 = arith.addi %add3A_287, %add3A_288 : i32
    %dma_start3A_290 = tpu.memref_slice %arg2[%add3A_289] : memref<25165824xf32, #tpu.memory_space<hbm>> -> memref<24576xf32, #tpu.memory_space<hbm>>
    %dma_start3A_291 = tpu.memref_slice %arg2[%add3A_289] : memref<25165824xf32, #tpu.memory_space<hbm>> -> memref<24576xf32, #tpu.memory_space<hbm>>
    tpu.enqueue_dma source(%dma_start3A_291 : memref<24576xf32, #tpu.memory_space<hbm>>) target(%arg6 : memref<24576xf32, #tpu.memory_space<vmem>>) target_semaphore(%arg11 : memref<!tpu.dma_semaphore, #tpu.memory_space<semaphore_mem>>)
    %add3A_292 = arith.constant 0 : i32
    %add3A_293 = arith.addi %add3A_292, %mul3A_4 : i32
    %add3A_294 = arith.constant 49152 : i32
    %add3A_295 = arith.addi %add3A_293, %add3A_294 : i32
    %dma_wait3A_296 = tpu.memref_slice %arg2[%add3A_295] : memref<25165824xf32, #tpu.memory_space<hbm>> -> memref<24576xf32, #tpu.memory_space<hbm>>
    %dma_wait3A_297 = tpu.memref_slice %arg2[%add3A_295] : memref<25165824xf32, #tpu.memory_space<hbm>> -> memref<24576xf32, #tpu.memory_space<hbm>>
    tpu.wait_dma2 semaphore(%arg12 : memref<!tpu.dma_semaphore, #tpu.memory_space<semaphore_mem>>) src(%dma_wait3A_297 : memref<24576xf32, #tpu.memory_space<hbm>>) dst(%arg7 : memref<24576xf32, #tpu.memory_space<vmem>>)
    %add3A_298 = arith.constant 49152 : i32
    %add3A_299 = arith.addi %mul3A_4, %add3A_298 : i32
    %dma_wait3A_300 = tpu.memref_slice %arg3[%add3A_299] : memref<6291456xf32, #tpu.memory_space<hbm>> -> memref<24576xf32, #tpu.memory_space<hbm>>
    %dma_wait3A_301 = tpu.memref_slice %arg3[%add3A_299] : memref<6291456xf32, #tpu.memory_space<hbm>> -> memref<24576xf32, #tpu.memory_space<hbm>>
    tpu.wait_dma2 semaphore(%arg16 : memref<!tpu.dma_semaphore, #tpu.memory_space<semaphore_mem>>) src(%dma_wait3A_301 : memref<24576xf32, #tpu.memory_space<hbm>>) dst(%arg8 : memref<24576xf32, #tpu.memory_space<vmem>>)
    %scan3A_302 = arith.constant 0 : i32
    %scan3A_303 = arith.constant 0 : i32
    %scan3A_304 = arith.constant 192 : i32
    %scan3A_305 = arith.addi %scan3A_303, %scan3A_304 : i32
    %scan3A_306 = arith.constant 1 : i32
    %scan3A_307 = scf.for %scan3A_1058 = %scan3A_303 to %scan3A_305 step %scan3A_306 iter_args(%scan3A_1059 = %scan3A_302) -> (i32)  : i32 {
      %mul3A_1060 = arith.constant 8 : i32
      %mul3A_1061 = arith.muli %scan3A_1058, %mul3A_1060 : i32
      %add3A_1062 = arith.constant 0 : i32
      %add3A_1063 = arith.addi %mul3A_1061, %add3A_1062 : i32
      %mul3A_1064 = arith.constant 16 : i32
      %mul3A_1065 = arith.muli %add3A_1063, %mul3A_1064 : i32
      %get3A = arith.index_cast %mul3A_1065 : i32 to index
      %get3A_1066 = tpu.vector_load %arg8[%get3A] {strides = array<i32>} : memref<24576xf32, #tpu.memory_space<vmem>>, vector<16xf32>,
      %get3A_1067 = vector.shape_cast %get3A_1066 : vector<16xf32> to vector<16xf32>
      %swap3A = arith.index_cast %mul3A_1065 : i32 to index
      %swap3A_1068 = tpu.vector_load %arg7[%swap3A] {strides = array<i32>} : memref<24576xf32, #tpu.memory_space<vmem>>, vector<16xf32>,
      %swap3A_1069 = vector.shape_cast %swap3A_1068 : vector<16xf32> to vector<16xf32>
      %swap3A_1070 = vector.shape_cast %get3A_1067 : vector<16xf32> to vector<16xf32>
      tpu.vector_store %arg7[%swap3A], %swap3A_1070 {add = true, strides = array<i32>} : memref<24576xf32, #tpu.memory_space<vmem>>, vector<16xf32>,
      %mul3A_1071 = arith.constant 8 : i32
      %mul3A_1072 = arith.muli %scan3A_1058, %mul3A_1071 : i32
      %add3A_1073 = arith.constant 1 : i32
      %add3A_1074 = arith.addi %mul3A_1072, %add3A_1073 : i32
      %mul3A_1075 = arith.constant 16 : i32
      %mul3A_1076 = arith.muli %add3A_1074, %mul3A_1075 : i32
      %get3A_1077 = arith.index_cast %mul3A_1076 : i32 to index
      %get3A_1078 = tpu.vector_load %arg8[%get3A_1077] {strides = array<i32>} : memref<24576xf32, #tpu.memory_space<vmem>>, vector<16xf32>,
      %get3A_1079 = vector.shape_cast %get3A_1078 : vector<16xf32> to vector<16xf32>
      %swap3A_1080 = arith.index_cast %mul3A_1076 : i32 to index
      %swap3A_1081 = tpu.vector_load %arg7[%swap3A_1080] {strides = array<i32>} : memref<24576xf32, #tpu.memory_space<vmem>>, vector<16xf32>,
      %swap3A_1082 = vector.shape_cast %swap3A_1081 : vector<16xf32> to vector<16xf32>
      %swap3A_1083 = vector.shape_cast %get3A_1079 : vector<16xf32> to vector<16xf32>
      tpu.vector_store %arg7[%swap3A_1080], %swap3A_1083 {add = true, strides = array<i32>} : memref<24576xf32, #tpu.memory_space<vmem>>, vector<16xf32>,
      %mul3A_1084 = arith.constant 8 : i32
      %mul3A_1085 = arith.muli %scan3A_1058, %mul3A_1084 : i32
      %add3A_1086 = arith.constant 2 : i32
      %add3A_1087 = arith.addi %mul3A_1085, %add3A_1086 : i32
      %mul3A_1088 = arith.constant 16 : i32
      %mul3A_1089 = arith.muli %add3A_1087, %mul3A_1088 : i32
      %get3A_1090 = arith.index_cast %mul3A_1089 : i32 to index
      %get3A_1091 = tpu.vector_load %arg8[%get3A_1090] {strides = array<i32>} : memref<24576xf32, #tpu.memory_space<vmem>>, vector<16xf32>,
      %get3A_1092 = vector.shape_cast %get3A_1091 : vector<16xf32> to vector<16xf32>
      %swap3A_1093 = arith.index_cast %mul3A_1089 : i32 to index
      %swap3A_1094 = tpu.vector_load %arg7[%swap3A_1093] {strides = array<i32>} : memref<24576xf32, #tpu.memory_space<vmem>>, vector<16xf32>,
      %swap3A_1095 = vector.shape_cast %swap3A_1094 : vector<16xf32> to vector<16xf32>
      %swap3A_1096 = vector.shape_cast %get3A_1092 : vector<16xf32> to vector<16xf32>
      tpu.vector_store %arg7[%swap3A_1093], %swap3A_1096 {add = true, strides = array<i32>} : memref<24576xf32, #tpu.memory_space<vmem>>, vector<16xf32>,
      %mul3A_1097 = arith.constant 8 : i32
      %mul3A_1098 = arith.muli %scan3A_1058, %mul3A_1097 : i32
      %add3A_1099 = arith.constant 3 : i32
      %add3A_1100 = arith.addi %mul3A_1098, %add3A_1099 : i32
      %mul3A_1101 = arith.constant 16 : i32
      %mul3A_1102 = arith.muli %add3A_1100, %mul3A_1101 : i32
      %get3A_1103 = arith.index_cast %mul3A_1102 : i32 to index
      %get3A_1104 = tpu.vector_load %arg8[%get3A_1103] {strides = array<i32>} : memref<24576xf32, #tpu.memory_space<vmem>>, vector<16xf32>,
      %get3A_1105 = vector.shape_cast %get3A_1104 : vector<16xf32> to vector<16xf32>
      %swap3A_1106 = arith.index_cast %mul3A_1102 : i32 to index
      %swap3A_1107 = tpu.vector_load %arg7[%swap3A_1106] {strides = array<i32>} : memref<24576xf32, #tpu.memory_space<vmem>>, vector<16xf32>,
      %swap3A_1108 = vector.shape_cast %swap3A_1107 : vector<16xf32> to vector<16xf32>
      %swap3A_1109 = vector.shape_cast %get3A_1105 : vector<16xf32> to vector<16xf32>
      tpu.vector_store %arg7[%swap3A_1106], %swap3A_1109 {add = true, strides = array<i32>} : memref<24576xf32, #tpu.memory_space<vmem>>, vector<16xf32>,
      %mul3A_1110 = arith.constant 8 : i32
      %mul3A_1111 = arith.muli %scan3A_1058, %mul3A_1110 : i32
      %add3A_1112 = arith.constant 4 : i32
      %add3A_1113 = arith.addi %mul3A_1111, %add3A_1112 : i32
      %mul3A_1114 = arith.constant 16 : i32
      %mul3A_1115 = arith.muli %add3A_1113, %mul3A_1114 : i32
      %get3A_1116 = arith.index_cast %mul3A_1115 : i32 to index
      %get3A_1117 = tpu.vector_load %arg8[%get3A_1116] {strides = array<i32>} : memref<24576xf32, #tpu.memory_space<vmem>>, vector<16xf32>,
      %get3A_1118 = vector.shape_cast %get3A_1117 : vector<16xf32> to vector<16xf32>
      %swap3A_1119 = arith.index_cast %mul3A_1115 : i32 to index
      %swap3A_1120 = tpu.vector_load %arg7[%swap3A_1119] {strides = array<i32>} : memref<24576xf32, #tpu.memory_space<vmem>>, vector<16xf32>,
      %swap3A_1121 = vector.shape_cast %swap3A_1120 : vector<16xf32> to vector<16xf32>
      %swap3A_1122 = vector.shape_cast %get3A_1118 : vector<16xf32> to vector<16xf32>
      tpu.vector_store %arg7[%swap3A_1119], %swap3A_1122 {add = true, strides = array<i32>} : memref<24576xf32, #tpu.memory_space<vmem>>, vector<16xf32>,
      %mul3A_1123 = arith.constant 8 : i32
      %mul3A_1124 = arith.muli %scan3A_1058, %mul3A_1123 : i32
      %add3A_1125 = arith.constant 5 : i32
      %add3A_1126 = arith.addi %mul3A_1124, %add3A_1125 : i32
      %mul3A_1127 = arith.constant 16 : i32
      %mul3A_1128 = arith.muli %add3A_1126, %mul3A_1127 : i32
      %get3A_1129 = arith.index_cast %mul3A_1128 : i32 to index
      %get3A_1130 = tpu.vector_load %arg8[%get3A_1129] {strides = array<i32>} : memref<24576xf32, #tpu.memory_space<vmem>>, vector<16xf32>,
      %get3A_1131 = vector.shape_cast %get3A_1130 : vector<16xf32> to vector<16xf32>
      %swap3A_1132 = arith.index_cast %mul3A_1128 : i32 to index
      %swap3A_1133 = tpu.vector_load %arg7[%swap3A_1132] {strides = array<i32>} : memref<24576xf32, #tpu.memory_space<vmem>>, vector<16xf32>,
      %swap3A_1134 = vector.shape_cast %swap3A_1133 : vector<16xf32> to vector<16xf32>
      %swap3A_1135 = vector.shape_cast %get3A_1131 : vector<16xf32> to vector<16xf32>
      tpu.vector_store %arg7[%swap3A_1132], %swap3A_1135 {add = true, strides = array<i32>} : memref<24576xf32, #tpu.memory_space<vmem>>, vector<16xf32>,
      %mul3A_1136 = arith.constant 8 : i32
      %mul3A_1137 = arith.muli %scan3A_1058, %mul3A_1136 : i32
      %add3A_1138 = arith.constant 6 : i32
      %add3A_1139 = arith.addi %mul3A_1137, %add3A_1138 : i32
      %mul3A_1140 = arith.constant 16 : i32
      %mul3A_1141 = arith.muli %add3A_1139, %mul3A_1140 : i32
      %get3A_1142 = arith.index_cast %mul3A_1141 : i32 to index
      %get3A_1143 = tpu.vector_load %arg8[%get3A_1142] {strides = array<i32>} : memref<24576xf32, #tpu.memory_space<vmem>>, vector<16xf32>,
      %get3A_1144 = vector.shape_cast %get3A_1143 : vector<16xf32> to vector<16xf32>
      %swap3A_1145 = arith.index_cast %mul3A_1141 : i32 to index
      %swap3A_1146 = tpu.vector_load %arg7[%swap3A_1145] {strides = array<i32>} : memref<24576xf32, #tpu.memory_space<vmem>>, vector<16xf32>,
      %swap3A_1147 = vector.shape_cast %swap3A_1146 : vector<16xf32> to vector<16xf32>
      %swap3A_1148 = vector.shape_cast %get3A_1144 : vector<16xf32> to vector<16xf32>
      tpu.vector_store %arg7[%swap3A_1145], %swap3A_1148 {add = true, strides = array<i32>} : memref<24576xf32, #tpu.memory_space<vmem>>, vector<16xf32>,
      %mul3A_1149 = arith.constant 8 : i32
      %mul3A_1150 = arith.muli %scan3A_1058, %mul3A_1149 : i32
      %add3A_1151 = arith.constant 7 : i32
      %add3A_1152 = arith.addi %mul3A_1150, %add3A_1151 : i32
      %mul3A_1153 = arith.constant 16 : i32
      %mul3A_1154 = arith.muli %add3A_1152, %mul3A_1153 : i32
      %get3A_1155 = arith.index_cast %mul3A_1154 : i32 to index
      %get3A_1156 = tpu.vector_load %arg8[%get3A_1155] {strides = array<i32>} : memref<24576xf32, #tpu.memory_space<vmem>>, vector<16xf32>,
      %get3A_1157 = vector.shape_cast %get3A_1156 : vector<16xf32> to vector<16xf32>
      %swap3A_1158 = arith.index_cast %mul3A_1154 : i32 to index
      %swap3A_1159 = tpu.vector_load %arg7[%swap3A_1158] {strides = array<i32>} : memref<24576xf32, #tpu.memory_space<vmem>>, vector<16xf32>,
      %swap3A_1160 = vector.shape_cast %swap3A_1159 : vector<16xf32> to vector<16xf32>
      %swap3A_1161 = vector.shape_cast %get3A_1157 : vector<16xf32> to vector<16xf32>
      tpu.vector_store %arg7[%swap3A_1158], %swap3A_1161 {add = true, strides = array<i32>} : memref<24576xf32, #tpu.memory_space<vmem>>, vector<16xf32>,
      %scan3A_1162 = arith.constant 0 : i32
      scf.yield %scan3A_1162 : i32
    }
    %scan3A_308 = arith.constant 192 : i32
    %add3A_309 = arith.constant 0 : i32
    %add3A_310 = arith.addi %add3A_309, %mul3A_4 : i32
    %add3A_311 = arith.constant 49152 : i32
    %add3A_312 = arith.addi %add3A_310, %add3A_311 : i32
    %dma_start3A_313 = tpu.memref_slice %arg4[%add3A_312] : memref<25165824xf32, #tpu.memory_space<hbm>> -> memref<24576xf32, #tpu.memory_space<hbm>>
    %dma_start3A_314 = tpu.memref_slice %arg4[%add3A_312] : memref<25165824xf32, #tpu.memory_space<hbm>> -> memref<24576xf32, #tpu.memory_space<hbm>>
    tpu.enqueue_dma source(%arg7 : memref<24576xf32, #tpu.memory_space<vmem>>) target(%dma_start3A_314 : memref<24576xf32, #tpu.memory_space<hbm>>) target_semaphore(%arg15 : memref<!tpu.dma_semaphore, #tpu.memory_space<semaphore_mem>>)
    %add3A_315 = arith.constant 0 : i32
    %add3A_316 = arith.addi %add3A_315, %mul3A_4 : i32
    %add3A_317 = arith.constant 49152 : i32
    %add3A_318 = arith.addi %add3A_316, %add3A_317 : i32
    %dma_wait3A_319 = tpu.memref_slice %arg4[%add3A_318] : memref<25165824xf32, #tpu.memory_space<hbm>> -> memref<24576xf32, #tpu.memory_space<hbm>>
    %dma_wait3A_320 = tpu.memref_slice %arg4[%add3A_318] : memref<25165824xf32, #tpu.memory_space<hbm>> -> memref<24576xf32, #tpu.memory_space<hbm>>
    tpu.wait_dma2 semaphore(%arg15 : memref<!tpu.dma_semaphore, #tpu.memory_space<semaphore_mem>>) src(%arg7 : memref<24576xf32, #tpu.memory_space<vmem>>) dst(%dma_wait3A_320 : memref<24576xf32, #tpu.memory_space<hbm>>)
    %add3A_321 = arith.constant 18874368 : i32
    %add3A_322 = arith.addi %add3A_321, %mul3A_4 : i32
    %add3A_323 = arith.constant 49152 : i32
    %add3A_324 = arith.addi %add3A_322, %add3A_323 : i32
    %dma_start3A_325 = tpu.memref_slice %arg2[%add3A_324] : memref<25165824xf32, #tpu.memory_space<hbm>> -> memref<24576xf32, #tpu.memory_space<hbm>>
    %dma_start3A_326 = tpu.memref_slice %arg2[%add3A_324] : memref<25165824xf32, #tpu.memory_space<hbm>> -> memref<24576xf32, #tpu.memory_space<hbm>>
    tpu.enqueue_dma source(%dma_start3A_326 : memref<24576xf32, #tpu.memory_space<hbm>>) target(%arg7 : memref<24576xf32, #tpu.memory_space<vmem>>) target_semaphore(%arg12 : memref<!tpu.dma_semaphore, #tpu.memory_space<semaphore_mem>>)
    %add3A_327 = arith.constant 6291456 : i32
    %add3A_328 = arith.addi %add3A_327, %mul3A_4 : i32
    %add3A_329 = arith.constant 49152 : i32
    %add3A_330 = arith.addi %add3A_328, %add3A_329 : i32
    %dma_wait3A_331 = tpu.memref_slice %arg2[%add3A_330] : memref<25165824xf32, #tpu.memory_space<hbm>> -> memref<24576xf32, #tpu.memory_space<hbm>>
    %dma_wait3A_332 = tpu.memref_slice %arg2[%add3A_330] : memref<25165824xf32, #tpu.memory_space<hbm>> -> memref<24576xf32, #tpu.memory_space<hbm>>
    tpu.wait_dma2 semaphore(%arg10 : memref<!tpu.dma_semaphore, #tpu.memory_space<semaphore_mem>>) src(%dma_wait3A_332 : memref<24576xf32, #tpu.memory_space<hbm>>) dst(%arg5 : memref<24576xf32, #tpu.memory_space<vmem>>)
    %scan3A_333 = arith.constant 0 : i32
    %scan3A_334 = arith.constant 0 : i32
    %scan3A_335 = arith.constant 192 : i32
    %scan3A_336 = arith.addi %scan3A_334, %scan3A_335 : i32
    %scan3A_337 = arith.constant 1 : i32
    %scan3A_338 = scf.for %scan3A_1058 = %scan3A_334 to %scan3A_336 step %scan3A_337 iter_args(%scan3A_1059 = %scan3A_333) -> (i32)  : i32 {
      %mul3A_1060 = arith.constant 8 : i32
      %mul3A_1061 = arith.muli %scan3A_1058, %mul3A_1060 : i32
      %add3A_1062 = arith.constant 0 : i32
      %add3A_1063 = arith.addi %mul3A_1061, %add3A_1062 : i32
      %mul3A_1064 = arith.constant 16 : i32
      %mul3A_1065 = arith.muli %add3A_1063, %mul3A_1064 : i32
      %get3A = arith.index_cast %mul3A_1065 : i32 to index
      %get3A_1066 = tpu.vector_load %arg8[%get3A] {strides = array<i32>} : memref<24576xf32, #tpu.memory_space<vmem>>, vector<16xf32>,
      %get3A_1067 = vector.shape_cast %get3A_1066 : vector<16xf32> to vector<16xf32>
      %swap3A = arith.index_cast %mul3A_1065 : i32 to index
      %swap3A_1068 = tpu.vector_load %arg5[%swap3A] {strides = array<i32>} : memref<24576xf32, #tpu.memory_space<vmem>>, vector<16xf32>,
      %swap3A_1069 = vector.shape_cast %swap3A_1068 : vector<16xf32> to vector<16xf32>
      %swap3A_1070 = vector.shape_cast %get3A_1067 : vector<16xf32> to vector<16xf32>
      tpu.vector_store %arg5[%swap3A], %swap3A_1070 {add = true, strides = array<i32>} : memref<24576xf32, #tpu.memory_space<vmem>>, vector<16xf32>,
      %mul3A_1071 = arith.constant 8 : i32
      %mul3A_1072 = arith.muli %scan3A_1058, %mul3A_1071 : i32
      %add3A_1073 = arith.constant 1 : i32
      %add3A_1074 = arith.addi %mul3A_1072, %add3A_1073 : i32
      %mul3A_1075 = arith.constant 16 : i32
      %mul3A_1076 = arith.muli %add3A_1074, %mul3A_1075 : i32
      %get3A_1077 = arith.index_cast %mul3A_1076 : i32 to index
      %get3A_1078 = tpu.vector_load %arg8[%get3A_1077] {strides = array<i32>} : memref<24576xf32, #tpu.memory_space<vmem>>, vector<16xf32>,
      %get3A_1079 = vector.shape_cast %get3A_1078 : vector<16xf32> to vector<16xf32>
      %swap3A_1080 = arith.index_cast %mul3A_1076 : i32 to index
      %swap3A_1081 = tpu.vector_load %arg5[%swap3A_1080] {strides = array<i32>} : memref<24576xf32, #tpu.memory_space<vmem>>, vector<16xf32>,
      %swap3A_1082 = vector.shape_cast %swap3A_1081 : vector<16xf32> to vector<16xf32>
      %swap3A_1083 = vector.shape_cast %get3A_1079 : vector<16xf32> to vector<16xf32>
      tpu.vector_store %arg5[%swap3A_1080], %swap3A_1083 {add = true, strides = array<i32>} : memref<24576xf32, #tpu.memory_space<vmem>>, vector<16xf32>,
      %mul3A_1084 = arith.constant 8 : i32
      %mul3A_1085 = arith.muli %scan3A_1058, %mul3A_1084 : i32
      %add3A_1086 = arith.constant 2 : i32
      %add3A_1087 = arith.addi %mul3A_1085, %add3A_1086 : i32
      %mul3A_1088 = arith.constant 16 : i32
      %mul3A_1089 = arith.muli %add3A_1087, %mul3A_1088 : i32
      %get3A_1090 = arith.index_cast %mul3A_1089 : i32 to index
      %get3A_1091 = tpu.vector_load %arg8[%get3A_1090] {strides = array<i32>} : memref<24576xf32, #tpu.memory_space<vmem>>, vector<16xf32>,
      %get3A_1092 = vector.shape_cast %get3A_1091 : vector<16xf32> to vector<16xf32>
      %swap3A_1093 = arith.index_cast %mul3A_1089 : i32 to index
      %swap3A_1094 = tpu.vector_load %arg5[%swap3A_1093] {strides = array<i32>} : memref<24576xf32, #tpu.memory_space<vmem>>, vector<16xf32>,
      %swap3A_1095 = vector.shape_cast %swap3A_1094 : vector<16xf32> to vector<16xf32>
      %swap3A_1096 = vector.shape_cast %get3A_1092 : vector<16xf32> to vector<16xf32>
      tpu.vector_store %arg5[%swap3A_1093], %swap3A_1096 {add = true, strides = array<i32>} : memref<24576xf32, #tpu.memory_space<vmem>>, vector<16xf32>,
      %mul3A_1097 = arith.constant 8 : i32
      %mul3A_1098 = arith.muli %scan3A_1058, %mul3A_1097 : i32
      %add3A_1099 = arith.constant 3 : i32
      %add3A_1100 = arith.addi %mul3A_1098, %add3A_1099 : i32
      %mul3A_1101 = arith.constant 16 : i32
      %mul3A_1102 = arith.muli %add3A_1100, %mul3A_1101 : i32
      %get3A_1103 = arith.index_cast %mul3A_1102 : i32 to index
      %get3A_1104 = tpu.vector_load %arg8[%get3A_1103] {strides = array<i32>} : memref<24576xf32, #tpu.memory_space<vmem>>, vector<16xf32>,
      %get3A_1105 = vector.shape_cast %get3A_1104 : vector<16xf32> to vector<16xf32>
      %swap3A_1106 = arith.index_cast %mul3A_1102 : i32 to index
      %swap3A_1107 = tpu.vector_load %arg5[%swap3A_1106] {strides = array<i32>} : memref<24576xf32, #tpu.memory_space<vmem>>, vector<16xf32>,
      %swap3A_1108 = vector.shape_cast %swap3A_1107 : vector<16xf32> to vector<16xf32>
      %swap3A_1109 = vector.shape_cast %get3A_1105 : vector<16xf32> to vector<16xf32>
      tpu.vector_store %arg5[%swap3A_1106], %swap3A_1109 {add = true, strides = array<i32>} : memref<24576xf32, #tpu.memory_space<vmem>>, vector<16xf32>,
      %mul3A_1110 = arith.constant 8 : i32
      %mul3A_1111 = arith.muli %scan3A_1058, %mul3A_1110 : i32
      %add3A_1112 = arith.constant 4 : i32
      %add3A_1113 = arith.addi %mul3A_1111, %add3A_1112 : i32
      %mul3A_1114 = arith.constant 16 : i32
      %mul3A_1115 = arith.muli %add3A_1113, %mul3A_1114 : i32
      %get3A_1116 = arith.index_cast %mul3A_1115 : i32 to index
      %get3A_1117 = tpu.vector_load %arg8[%get3A_1116] {strides = array<i32>} : memref<24576xf32, #tpu.memory_space<vmem>>, vector<16xf32>,
      %get3A_1118 = vector.shape_cast %get3A_1117 : vector<16xf32> to vector<16xf32>
      %swap3A_1119 = arith.index_cast %mul3A_1115 : i32 to index
      %swap3A_1120 = tpu.vector_load %arg5[%swap3A_1119] {strides = array<i32>} : memref<24576xf32, #tpu.memory_space<vmem>>, vector<16xf32>,
      %swap3A_1121 = vector.shape_cast %swap3A_1120 : vector<16xf32> to vector<16xf32>
      %swap3A_1122 = vector.shape_cast %get3A_1118 : vector<16xf32> to vector<16xf32>
      tpu.vector_store %arg5[%swap3A_1119], %swap3A_1122 {add = true, strides = array<i32>} : memref<24576xf32, #tpu.memory_space<vmem>>, vector<16xf32>,
      %mul3A_1123 = arith.constant 8 : i32
      %mul3A_1124 = arith.muli %scan3A_1058, %mul3A_1123 : i32
      %add3A_1125 = arith.constant 5 : i32
      %add3A_1126 = arith.addi %mul3A_1124, %add3A_1125 : i32
      %mul3A_1127 = arith.constant 16 : i32
      %mul3A_1128 = arith.muli %add3A_1126, %mul3A_1127 : i32
      %get3A_1129 = arith.index_cast %mul3A_1128 : i32 to index
      %get3A_1130 = tpu.vector_load %arg8[%get3A_1129] {strides = array<i32>} : memref<24576xf32, #tpu.memory_space<vmem>>, vector<16xf32>,
      %get3A_1131 = vector.shape_cast %get3A_1130 : vector<16xf32> to vector<16xf32>
      %swap3A_1132 = arith.index_cast %mul3A_1128 : i32 to index
      %swap3A_1133 = tpu.vector_load %arg5[%swap3A_1132] {strides = array<i32>} : memref<24576xf32, #tpu.memory_space<vmem>>, vector<16xf32>,
      %swap3A_1134 = vector.shape_cast %swap3A_1133 : vector<16xf32> to vector<16xf32>
      %swap3A_1135 = vector.shape_cast %get3A_1131 : vector<16xf32> to vector<16xf32>
      tpu.vector_store %arg5[%swap3A_1132], %swap3A_1135 {add = true, strides = array<i32>} : memref<24576xf32, #tpu.memory_space<vmem>>, vector<16xf32>,
      %mul3A_1136 = arith.constant 8 : i32
      %mul3A_1137 = arith.muli %scan3A_1058, %mul3A_1136 : i32
      %add3A_1138 = arith.constant 6 : i32
      %add3A_1139 = arith.addi %mul3A_1137, %add3A_1138 : i32
      %mul3A_1140 = arith.constant 16 : i32
      %mul3A_1141 = arith.muli %add3A_1139, %mul3A_1140 : i32
      %get3A_1142 = arith.index_cast %mul3A_1141 : i32 to index
      %get3A_1143 = tpu.vector_load %arg8[%get3A_1142] {strides = array<i32>} : memref<24576xf32, #tpu.memory_space<vmem>>, vector<16xf32>,
      %get3A_1144 = vector.shape_cast %get3A_1143 : vector<16xf32> to vector<16xf32>
      %swap3A_1145 = arith.index_cast %mul3A_1141 : i32 to index
      %swap3A_1146 = tpu.vector_load %arg5[%swap3A_1145] {strides = array<i32>} : memref<24576xf32, #tpu.memory_space<vmem>>, vector<16xf32>,
      %swap3A_1147 = vector.shape_cast %swap3A_1146 : vector<16xf32> to vector<16xf32>
      %swap3A_1148 = vector.shape_cast %get3A_1144 : vector<16xf32> to vector<16xf32>
      tpu.vector_store %arg5[%swap3A_1145], %swap3A_1148 {add = true, strides = array<i32>} : memref<24576xf32, #tpu.memory_space<vmem>>, vector<16xf32>,
      %mul3A_1149 = arith.constant 8 : i32
      %mul3A_1150 = arith.muli %scan3A_1058, %mul3A_1149 : i32
      %add3A_1151 = arith.constant 7 : i32
      %add3A_1152 = arith.addi %mul3A_1150, %add3A_1151 : i32
      %mul3A_1153 = arith.constant 16 : i32
      %mul3A_1154 = arith.muli %add3A_1152, %mul3A_1153 : i32
      %get3A_1155 = arith.index_cast %mul3A_1154 : i32 to index
      %get3A_1156 = tpu.vector_load %arg8[%get3A_1155] {strides = array<i32>} : memref<24576xf32, #tpu.memory_space<vmem>>, vector<16xf32>,
      %get3A_1157 = vector.shape_cast %get3A_1156 : vector<16xf32> to vector<16xf32>
      %swap3A_1158 = arith.index_cast %mul3A_1154 : i32 to index
      %swap3A_1159 = tpu.vector_load %arg5[%swap3A_1158] {strides = array<i32>} : memref<24576xf32, #tpu.memory_space<vmem>>, vector<16xf32>,
      %swap3A_1160 = vector.shape_cast %swap3A_1159 : vector<16xf32> to vector<16xf32>
      %swap3A_1161 = vector.shape_cast %get3A_1157 : vector<16xf32> to vector<16xf32>
      tpu.vector_store %arg5[%swap3A_1158], %swap3A_1161 {add = true, strides = array<i32>} : memref<24576xf32, #tpu.memory_space<vmem>>, vector<16xf32>,
      %scan3A_1162 = arith.constant 0 : i32
      scf.yield %scan3A_1162 : i32
    }
    %scan3A_339 = arith.constant 192 : i32
    %add3A_340 = arith.constant 6291456 : i32
    %add3A_341 = arith.addi %add3A_340, %mul3A_4 : i32
    %add3A_342 = arith.constant 49152 : i32
    %add3A_343 = arith.addi %add3A_341, %add3A_342 : i32
    %dma_start3A_344 = tpu.memref_slice %arg4[%add3A_343] : memref<25165824xf32, #tpu.memory_space<hbm>> -> memref<24576xf32, #tpu.memory_space<hbm>>
    %dma_start3A_345 = tpu.memref_slice %arg4[%add3A_343] : memref<25165824xf32, #tpu.memory_space<hbm>> -> memref<24576xf32, #tpu.memory_space<hbm>>
    tpu.enqueue_dma source(%arg5 : memref<24576xf32, #tpu.memory_space<vmem>>) target(%dma_start3A_345 : memref<24576xf32, #tpu.memory_space<hbm>>) target_semaphore(%arg13 : memref<!tpu.dma_semaphore, #tpu.memory_space<semaphore_mem>>)
    %add3A_346 = arith.constant 6291456 : i32
    %add3A_347 = arith.addi %add3A_346, %mul3A_4 : i32
    %add3A_348 = arith.constant 49152 : i32
    %add3A_349 = arith.addi %add3A_347, %add3A_348 : i32
    %dma_wait3A_350 = tpu.memref_slice %arg4[%add3A_349] : memref<25165824xf32, #tpu.memory_space<hbm>> -> memref<24576xf32, #tpu.memory_space<hbm>>
    %dma_wait3A_351 = tpu.memref_slice %arg4[%add3A_349] : memref<25165824xf32, #tpu.memory_space<hbm>> -> memref<24576xf32, #tpu.memory_space<hbm>>
    tpu.wait_dma2 semaphore(%arg13 : memref<!tpu.dma_semaphore, #tpu.memory_space<semaphore_mem>>) src(%arg5 : memref<24576xf32, #tpu.memory_space<vmem>>) dst(%dma_wait3A_351 : memref<24576xf32, #tpu.memory_space<hbm>>)
    %add3A_352 = arith.constant 0 : i32
    %add3A_353 = arith.addi %add3A_352, %mul3A_4 : i32
    %add3A_354 = arith.constant 73728 : i32
    %add3A_355 = arith.addi %add3A_353, %add3A_354 : i32
    %dma_start3A_356 = tpu.memref_slice %arg2[%add3A_355] : memref<25165824xf32, #tpu.memory_space<hbm>> -> memref<24576xf32, #tpu.memory_space<hbm>>
    %dma_start3A_357 = tpu.memref_slice %arg2[%add3A_355] : memref<25165824xf32, #tpu.memory_space<hbm>> -> memref<24576xf32, #tpu.memory_space<hbm>>
    tpu.enqueue_dma source(%dma_start3A_357 : memref<24576xf32, #tpu.memory_space<hbm>>) target(%arg5 : memref<24576xf32, #tpu.memory_space<vmem>>) target_semaphore(%arg10 : memref<!tpu.dma_semaphore, #tpu.memory_space<semaphore_mem>>)
    %add3A_358 = arith.constant 12582912 : i32
    %add3A_359 = arith.addi %add3A_358, %mul3A_4 : i32
    %add3A_360 = arith.constant 49152 : i32
    %add3A_361 = arith.addi %add3A_359, %add3A_360 : i32
    %dma_wait3A_362 = tpu.memref_slice %arg2[%add3A_361] : memref<25165824xf32, #tpu.memory_space<hbm>> -> memref<24576xf32, #tpu.memory_space<hbm>>
    %dma_wait3A_363 = tpu.memref_slice %arg2[%add3A_361] : memref<25165824xf32, #tpu.memory_space<hbm>> -> memref<24576xf32, #tpu.memory_space<hbm>>
    tpu.wait_dma2 semaphore(%arg11 : memref<!tpu.dma_semaphore, #tpu.memory_space<semaphore_mem>>) src(%dma_wait3A_363 : memref<24576xf32, #tpu.memory_space<hbm>>) dst(%arg6 : memref<24576xf32, #tpu.memory_space<vmem>>)
    %scan3A_364 = arith.constant 0 : i32
    %scan3A_365 = arith.constant 0 : i32
    %scan3A_366 = arith.constant 192 : i32
    %scan3A_367 = arith.addi %scan3A_365, %scan3A_366 : i32
    %scan3A_368 = arith.constant 1 : i32
    %scan3A_369 = scf.for %scan3A_1058 = %scan3A_365 to %scan3A_367 step %scan3A_368 iter_args(%scan3A_1059 = %scan3A_364) -> (i32)  : i32 {
      %mul3A_1060 = arith.constant 8 : i32
      %mul3A_1061 = arith.muli %scan3A_1058, %mul3A_1060 : i32
      %add3A_1062 = arith.constant 0 : i32
      %add3A_1063 = arith.addi %mul3A_1061, %add3A_1062 : i32
      %mul3A_1064 = arith.constant 16 : i32
      %mul3A_1065 = arith.muli %add3A_1063, %mul3A_1064 : i32
      %get3A = arith.index_cast %mul3A_1065 : i32 to index
      %get3A_1066 = tpu.vector_load %arg8[%get3A] {strides = array<i32>} : memref<24576xf32, #tpu.memory_space<vmem>>, vector<16xf32>,
      %get3A_1067 = vector.shape_cast %get3A_1066 : vector<16xf32> to vector<16xf32>
      %swap3A = arith.index_cast %mul3A_1065 : i32 to index
      %swap3A_1068 = tpu.vector_load %arg6[%swap3A] {strides = array<i32>} : memref<24576xf32, #tpu.memory_space<vmem>>, vector<16xf32>,
      %swap3A_1069 = vector.shape_cast %swap3A_1068 : vector<16xf32> to vector<16xf32>
      %swap3A_1070 = vector.shape_cast %get3A_1067 : vector<16xf32> to vector<16xf32>
      tpu.vector_store %arg6[%swap3A], %swap3A_1070 {add = true, strides = array<i32>} : memref<24576xf32, #tpu.memory_space<vmem>>, vector<16xf32>,
      %mul3A_1071 = arith.constant 8 : i32
      %mul3A_1072 = arith.muli %scan3A_1058, %mul3A_1071 : i32
      %add3A_1073 = arith.constant 1 : i32
      %add3A_1074 = arith.addi %mul3A_1072, %add3A_1073 : i32
      %mul3A_1075 = arith.constant 16 : i32
      %mul3A_1076 = arith.muli %add3A_1074, %mul3A_1075 : i32
      %get3A_1077 = arith.index_cast %mul3A_1076 : i32 to index
      %get3A_1078 = tpu.vector_load %arg8[%get3A_1077] {strides = array<i32>} : memref<24576xf32, #tpu.memory_space<vmem>>, vector<16xf32>,
      %get3A_1079 = vector.shape_cast %get3A_1078 : vector<16xf32> to vector<16xf32>
      %swap3A_1080 = arith.index_cast %mul3A_1076 : i32 to index
      %swap3A_1081 = tpu.vector_load %arg6[%swap3A_1080] {strides = array<i32>} : memref<24576xf32, #tpu.memory_space<vmem>>, vector<16xf32>,
      %swap3A_1082 = vector.shape_cast %swap3A_1081 : vector<16xf32> to vector<16xf32>
      %swap3A_1083 = vector.shape_cast %get3A_1079 : vector<16xf32> to vector<16xf32>
      tpu.vector_store %arg6[%swap3A_1080], %swap3A_1083 {add = true, strides = array<i32>} : memref<24576xf32, #tpu.memory_space<vmem>>, vector<16xf32>,
      %mul3A_1084 = arith.constant 8 : i32
      %mul3A_1085 = arith.muli %scan3A_1058, %mul3A_1084 : i32
      %add3A_1086 = arith.constant 2 : i32
      %add3A_1087 = arith.addi %mul3A_1085, %add3A_1086 : i32
      %mul3A_1088 = arith.constant 16 : i32
      %mul3A_1089 = arith.muli %add3A_1087, %mul3A_1088 : i32
      %get3A_1090 = arith.index_cast %mul3A_1089 : i32 to index
      %get3A_1091 = tpu.vector_load %arg8[%get3A_1090] {strides = array<i32>} : memref<24576xf32, #tpu.memory_space<vmem>>, vector<16xf32>,
      %get3A_1092 = vector.shape_cast %get3A_1091 : vector<16xf32> to vector<16xf32>
      %swap3A_1093 = arith.index_cast %mul3A_1089 : i32 to index
      %swap3A_1094 = tpu.vector_load %arg6[%swap3A_1093] {strides = array<i32>} : memref<24576xf32, #tpu.memory_space<vmem>>, vector<16xf32>,
      %swap3A_1095 = vector.shape_cast %swap3A_1094 : vector<16xf32> to vector<16xf32>
      %swap3A_1096 = vector.shape_cast %get3A_1092 : vector<16xf32> to vector<16xf32>
      tpu.vector_store %arg6[%swap3A_1093], %swap3A_1096 {add = true, strides = array<i32>} : memref<24576xf32, #tpu.memory_space<vmem>>, vector<16xf32>,
      %mul3A_1097 = arith.constant 8 : i32
      %mul3A_1098 = arith.muli %scan3A_1058, %mul3A_1097 : i32
      %add3A_1099 = arith.constant 3 : i32
      %add3A_1100 = arith.addi %mul3A_1098, %add3A_1099 : i32
      %mul3A_1101 = arith.constant 16 : i32
      %mul3A_1102 = arith.muli %add3A_1100, %mul3A_1101 : i32
      %get3A_1103 = arith.index_cast %mul3A_1102 : i32 to index
      %get3A_1104 = tpu.vector_load %arg8[%get3A_1103] {strides = array<i32>} : memref<24576xf32, #tpu.memory_space<vmem>>, vector<16xf32>,
      %get3A_1105 = vector.shape_cast %get3A_1104 : vector<16xf32> to vector<16xf32>
      %swap3A_1106 = arith.index_cast %mul3A_1102 : i32 to index
      %swap3A_1107 = tpu.vector_load %arg6[%swap3A_1106] {strides = array<i32>} : memref<24576xf32, #tpu.memory_space<vmem>>, vector<16xf32>,
      %swap3A_1108 = vector.shape_cast %swap3A_1107 : vector<16xf32> to vector<16xf32>
      %swap3A_1109 = vector.shape_cast %get3A_1105 : vector<16xf32> to vector<16xf32>
      tpu.vector_store %arg6[%swap3A_1106], %swap3A_1109 {add = true, strides = array<i32>} : memref<24576xf32, #tpu.memory_space<vmem>>, vector<16xf32>,
      %mul3A_1110 = arith.constant 8 : i32
      %mul3A_1111 = arith.muli %scan3A_1058, %mul3A_1110 : i32
      %add3A_1112 = arith.constant 4 : i32
      %add3A_1113 = arith.addi %mul3A_1111, %add3A_1112 : i32
      %mul3A_1114 = arith.constant 16 : i32
      %mul3A_1115 = arith.muli %add3A_1113, %mul3A_1114 : i32
      %get3A_1116 = arith.index_cast %mul3A_1115 : i32 to index
      %get3A_1117 = tpu.vector_load %arg8[%get3A_1116] {strides = array<i32>} : memref<24576xf32, #tpu.memory_space<vmem>>, vector<16xf32>,
      %get3A_1118 = vector.shape_cast %get3A_1117 : vector<16xf32> to vector<16xf32>
      %swap3A_1119 = arith.index_cast %mul3A_1115 : i32 to index
      %swap3A_1120 = tpu.vector_load %arg6[%swap3A_1119] {strides = array<i32>} : memref<24576xf32, #tpu.memory_space<vmem>>, vector<16xf32>,
      %swap3A_1121 = vector.shape_cast %swap3A_1120 : vector<16xf32> to vector<16xf32>
      %swap3A_1122 = vector.shape_cast %get3A_1118 : vector<16xf32> to vector<16xf32>
      tpu.vector_store %arg6[%swap3A_1119], %swap3A_1122 {add = true, strides = array<i32>} : memref<24576xf32, #tpu.memory_space<vmem>>, vector<16xf32>,
      %mul3A_1123 = arith.constant 8 : i32
      %mul3A_1124 = arith.muli %scan3A_1058, %mul3A_1123 : i32
      %add3A_1125 = arith.constant 5 : i32
      %add3A_1126 = arith.addi %mul3A_1124, %add3A_1125 : i32
      %mul3A_1127 = arith.constant 16 : i32
      %mul3A_1128 = arith.muli %add3A_1126, %mul3A_1127 : i32
      %get3A_1129 = arith.index_cast %mul3A_1128 : i32 to index
      %get3A_1130 = tpu.vector_load %arg8[%get3A_1129] {strides = array<i32>} : memref<24576xf32, #tpu.memory_space<vmem>>, vector<16xf32>,
      %get3A_1131 = vector.shape_cast %get3A_1130 : vector<16xf32> to vector<16xf32>
      %swap3A_1132 = arith.index_cast %mul3A_1128 : i32 to index
      %swap3A_1133 = tpu.vector_load %arg6[%swap3A_1132] {strides = array<i32>} : memref<24576xf32, #tpu.memory_space<vmem>>, vector<16xf32>,
      %swap3A_1134 = vector.shape_cast %swap3A_1133 : vector<16xf32> to vector<16xf32>
      %swap3A_1135 = vector.shape_cast %get3A_1131 : vector<16xf32> to vector<16xf32>
      tpu.vector_store %arg6[%swap3A_1132], %swap3A_1135 {add = true, strides = array<i32>} : memref<24576xf32, #tpu.memory_space<vmem>>, vector<16xf32>,
      %mul3A_1136 = arith.constant 8 : i32
      %mul3A_1137 = arith.muli %scan3A_1058, %mul3A_1136 : i32
      %add3A_1138 = arith.constant 6 : i32
      %add3A_1139 = arith.addi %mul3A_1137, %add3A_1138 : i32
      %mul3A_1140 = arith.constant 16 : i32
      %mul3A_1141 = arith.muli %add3A_1139, %mul3A_1140 : i32
      %get3A_1142 = arith.index_cast %mul3A_1141 : i32 to index
      %get3A_1143 = tpu.vector_load %arg8[%get3A_1142] {strides = array<i32>} : memref<24576xf32, #tpu.memory_space<vmem>>, vector<16xf32>,
      %get3A_1144 = vector.shape_cast %get3A_1143 : vector<16xf32> to vector<16xf32>
      %swap3A_1145 = arith.index_cast %mul3A_1141 : i32 to index
      %swap3A_1146 = tpu.vector_load %arg6[%swap3A_1145] {strides = array<i32>} : memref<24576xf32, #tpu.memory_space<vmem>>, vector<16xf32>,
      %swap3A_1147 = vector.shape_cast %swap3A_1146 : vector<16xf32> to vector<16xf32>
      %swap3A_1148 = vector.shape_cast %get3A_1144 : vector<16xf32> to vector<16xf32>
      tpu.vector_store %arg6[%swap3A_1145], %swap3A_1148 {add = true, strides = array<i32>} : memref<24576xf32, #tpu.memory_space<vmem>>, vector<16xf32>,
      %mul3A_1149 = arith.constant 8 : i32
      %mul3A_1150 = arith.muli %scan3A_1058, %mul3A_1149 : i32
      %add3A_1151 = arith.constant 7 : i32
      %add3A_1152 = arith.addi %mul3A_1150, %add3A_1151 : i32
      %mul3A_1153 = arith.constant 16 : i32
      %mul3A_1154 = arith.muli %add3A_1152, %mul3A_1153 : i32
      %get3A_1155 = arith.index_cast %mul3A_1154 : i32 to index
      %get3A_1156 = tpu.vector_load %arg8[%get3A_1155] {strides = array<i32>} : memref<24576xf32, #tpu.memory_space<vmem>>, vector<16xf32>,
      %get3A_1157 = vector.shape_cast %get3A_1156 : vector<16xf32> to vector<16xf32>
      %swap3A_1158 = arith.index_cast %mul3A_1154 : i32 to index
      %swap3A_1159 = tpu.vector_load %arg6[%swap3A_1158] {strides = array<i32>} : memref<24576xf32, #tpu.memory_space<vmem>>, vector<16xf32>,
      %swap3A_1160 = vector.shape_cast %swap3A_1159 : vector<16xf32> to vector<16xf32>
      %swap3A_1161 = vector.shape_cast %get3A_1157 : vector<16xf32> to vector<16xf32>
      tpu.vector_store %arg6[%swap3A_1158], %swap3A_1161 {add = true, strides = array<i32>} : memref<24576xf32, #tpu.memory_space<vmem>>, vector<16xf32>,
      %scan3A_1162 = arith.constant 0 : i32
      scf.yield %scan3A_1162 : i32
    }
    %scan3A_370 = arith.constant 192 : i32
    %add3A_371 = arith.constant 12582912 : i32
    %add3A_372 = arith.addi %add3A_371, %mul3A_4 : i32
    %add3A_373 = arith.constant 49152 : i32
    %add3A_374 = arith.addi %add3A_372, %add3A_373 : i32
    %dma_start3A_375 = tpu.memref_slice %arg4[%add3A_374] : memref<25165824xf32, #tpu.memory_space<hbm>> -> memref<24576xf32, #tpu.memory_space<hbm>>
    %dma_start3A_376 = tpu.memref_slice %arg4[%add3A_374] : memref<25165824xf32, #tpu.memory_space<hbm>> -> memref<24576xf32, #tpu.memory_space<hbm>>
    tpu.enqueue_dma source(%arg6 : memref<24576xf32, #tpu.memory_space<vmem>>) target(%dma_start3A_376 : memref<24576xf32, #tpu.memory_space<hbm>>) target_semaphore(%arg14 : memref<!tpu.dma_semaphore, #tpu.memory_space<semaphore_mem>>)
    %add3A_377 = arith.constant 12582912 : i32
    %add3A_378 = arith.addi %add3A_377, %mul3A_4 : i32
    %add3A_379 = arith.constant 49152 : i32
    %add3A_380 = arith.addi %add3A_378, %add3A_379 : i32
    %dma_wait3A_381 = tpu.memref_slice %arg4[%add3A_380] : memref<25165824xf32, #tpu.memory_space<hbm>> -> memref<24576xf32, #tpu.memory_space<hbm>>
    %dma_wait3A_382 = tpu.memref_slice %arg4[%add3A_380] : memref<25165824xf32, #tpu.memory_space<hbm>> -> memref<24576xf32, #tpu.memory_space<hbm>>
    tpu.wait_dma2 semaphore(%arg14 : memref<!tpu.dma_semaphore, #tpu.memory_space<semaphore_mem>>) src(%arg6 : memref<24576xf32, #tpu.memory_space<vmem>>) dst(%dma_wait3A_382 : memref<24576xf32, #tpu.memory_space<hbm>>)
    %add3A_383 = arith.constant 6291456 : i32
    %add3A_384 = arith.addi %add3A_383, %mul3A_4 : i32
    %add3A_385 = arith.constant 73728 : i32
    %add3A_386 = arith.addi %add3A_384, %add3A_385 : i32
    %dma_start3A_387 = tpu.memref_slice %arg2[%add3A_386] : memref<25165824xf32, #tpu.memory_space<hbm>> -> memref<24576xf32, #tpu.memory_space<hbm>>
    %dma_start3A_388 = tpu.memref_slice %arg2[%add3A_386] : memref<25165824xf32, #tpu.memory_space<hbm>> -> memref<24576xf32, #tpu.memory_space<hbm>>
    tpu.enqueue_dma source(%dma_start3A_388 : memref<24576xf32, #tpu.memory_space<hbm>>) target(%arg6 : memref<24576xf32, #tpu.memory_space<vmem>>) target_semaphore(%arg11 : memref<!tpu.dma_semaphore, #tpu.memory_space<semaphore_mem>>)
    %add3A_389 = arith.constant 18874368 : i32
    %add3A_390 = arith.addi %add3A_389, %mul3A_4 : i32
    %add3A_391 = arith.constant 49152 : i32
    %add3A_392 = arith.addi %add3A_390, %add3A_391 : i32
    %dma_wait3A_393 = tpu.memref_slice %arg2[%add3A_392] : memref<25165824xf32, #tpu.memory_space<hbm>> -> memref<24576xf32, #tpu.memory_space<hbm>>
    %dma_wait3A_394 = tpu.memref_slice %arg2[%add3A_392] : memref<25165824xf32, #tpu.memory_space<hbm>> -> memref<24576xf32, #tpu.memory_space<hbm>>
    tpu.wait_dma2 semaphore(%arg12 : memref<!tpu.dma_semaphore, #tpu.memory_space<semaphore_mem>>) src(%dma_wait3A_394 : memref<24576xf32, #tpu.memory_space<hbm>>) dst(%arg7 : memref<24576xf32, #tpu.memory_space<vmem>>)
    %scan3A_395 = arith.constant 0 : i32
    %scan3A_396 = arith.constant 0 : i32
    %scan3A_397 = arith.constant 192 : i32
    %scan3A_398 = arith.addi %scan3A_396, %scan3A_397 : i32
    %scan3A_399 = arith.constant 1 : i32
    %scan3A_400 = scf.for %scan3A_1058 = %scan3A_396 to %scan3A_398 step %scan3A_399 iter_args(%scan3A_1059 = %scan3A_395) -> (i32)  : i32 {
      %mul3A_1060 = arith.constant 8 : i32
      %mul3A_1061 = arith.muli %scan3A_1058, %mul3A_1060 : i32
      %add3A_1062 = arith.constant 0 : i32
      %add3A_1063 = arith.addi %mul3A_1061, %add3A_1062 : i32
      %mul3A_1064 = arith.constant 16 : i32
      %mul3A_1065 = arith.muli %add3A_1063, %mul3A_1064 : i32
      %get3A = arith.index_cast %mul3A_1065 : i32 to index
      %get3A_1066 = tpu.vector_load %arg8[%get3A] {strides = array<i32>} : memref<24576xf32, #tpu.memory_space<vmem>>, vector<16xf32>,
      %get3A_1067 = vector.shape_cast %get3A_1066 : vector<16xf32> to vector<16xf32>
      %swap3A = arith.index_cast %mul3A_1065 : i32 to index
      %swap3A_1068 = tpu.vector_load %arg7[%swap3A] {strides = array<i32>} : memref<24576xf32, #tpu.memory_space<vmem>>, vector<16xf32>,
      %swap3A_1069 = vector.shape_cast %swap3A_1068 : vector<16xf32> to vector<16xf32>
      %swap3A_1070 = vector.shape_cast %get3A_1067 : vector<16xf32> to vector<16xf32>
      tpu.vector_store %arg7[%swap3A], %swap3A_1070 {add = true, strides = array<i32>} : memref<24576xf32, #tpu.memory_space<vmem>>, vector<16xf32>,
      %mul3A_1071 = arith.constant 8 : i32
      %mul3A_1072 = arith.muli %scan3A_1058, %mul3A_1071 : i32
      %add3A_1073 = arith.constant 1 : i32
      %add3A_1074 = arith.addi %mul3A_1072, %add3A_1073 : i32
      %mul3A_1075 = arith.constant 16 : i32
      %mul3A_1076 = arith.muli %add3A_1074, %mul3A_1075 : i32
      %get3A_1077 = arith.index_cast %mul3A_1076 : i32 to index
      %get3A_1078 = tpu.vector_load %arg8[%get3A_1077] {strides = array<i32>} : memref<24576xf32, #tpu.memory_space<vmem>>, vector<16xf32>,
      %get3A_1079 = vector.shape_cast %get3A_1078 : vector<16xf32> to vector<16xf32>
      %swap3A_1080 = arith.index_cast %mul3A_1076 : i32 to index
      %swap3A_1081 = tpu.vector_load %arg7[%swap3A_1080] {strides = array<i32>} : memref<24576xf32, #tpu.memory_space<vmem>>, vector<16xf32>,
      %swap3A_1082 = vector.shape_cast %swap3A_1081 : vector<16xf32> to vector<16xf32>
      %swap3A_1083 = vector.shape_cast %get3A_1079 : vector<16xf32> to vector<16xf32>
      tpu.vector_store %arg7[%swap3A_1080], %swap3A_1083 {add = true, strides = array<i32>} : memref<24576xf32, #tpu.memory_space<vmem>>, vector<16xf32>,
      %mul3A_1084 = arith.constant 8 : i32
      %mul3A_1085 = arith.muli %scan3A_1058, %mul3A_1084 : i32
      %add3A_1086 = arith.constant 2 : i32
      %add3A_1087 = arith.addi %mul3A_1085, %add3A_1086 : i32
      %mul3A_1088 = arith.constant 16 : i32
      %mul3A_1089 = arith.muli %add3A_1087, %mul3A_1088 : i32
      %get3A_1090 = arith.index_cast %mul3A_1089 : i32 to index
      %get3A_1091 = tpu.vector_load %arg8[%get3A_1090] {strides = array<i32>} : memref<24576xf32, #tpu.memory_space<vmem>>, vector<16xf32>,
      %get3A_1092 = vector.shape_cast %get3A_1091 : vector<16xf32> to vector<16xf32>
      %swap3A_1093 = arith.index_cast %mul3A_1089 : i32 to index
      %swap3A_1094 = tpu.vector_load %arg7[%swap3A_1093] {strides = array<i32>} : memref<24576xf32, #tpu.memory_space<vmem>>, vector<16xf32>,
      %swap3A_1095 = vector.shape_cast %swap3A_1094 : vector<16xf32> to vector<16xf32>
      %swap3A_1096 = vector.shape_cast %get3A_1092 : vector<16xf32> to vector<16xf32>
      tpu.vector_store %arg7[%swap3A_1093], %swap3A_1096 {add = true, strides = array<i32>} : memref<24576xf32, #tpu.memory_space<vmem>>, vector<16xf32>,
      %mul3A_1097 = arith.constant 8 : i32
      %mul3A_1098 = arith.muli %scan3A_1058, %mul3A_1097 : i32
      %add3A_1099 = arith.constant 3 : i32
      %add3A_1100 = arith.addi %mul3A_1098, %add3A_1099 : i32
      %mul3A_1101 = arith.constant 16 : i32
      %mul3A_1102 = arith.muli %add3A_1100, %mul3A_1101 : i32
      %get3A_1103 = arith.index_cast %mul3A_1102 : i32 to index
      %get3A_1104 = tpu.vector_load %arg8[%get3A_1103] {strides = array<i32>} : memref<24576xf32, #tpu.memory_space<vmem>>, vector<16xf32>,
      %get3A_1105 = vector.shape_cast %get3A_1104 : vector<16xf32> to vector<16xf32>
      %swap3A_1106 = arith.index_cast %mul3A_1102 : i32 to index
      %swap3A_1107 = tpu.vector_load %arg7[%swap3A_1106] {strides = array<i32>} : memref<24576xf32, #tpu.memory_space<vmem>>, vector<16xf32>,
      %swap3A_1108 = vector.shape_cast %swap3A_1107 : vector<16xf32> to vector<16xf32>
      %swap3A_1109 = vector.shape_cast %get3A_1105 : vector<16xf32> to vector<16xf32>
      tpu.vector_store %arg7[%swap3A_1106], %swap3A_1109 {add = true, strides = array<i32>} : memref<24576xf32, #tpu.memory_space<vmem>>, vector<16xf32>,
      %mul3A_1110 = arith.constant 8 : i32
      %mul3A_1111 = arith.muli %scan3A_1058, %mul3A_1110 : i32
      %add3A_1112 = arith.constant 4 : i32
      %add3A_1113 = arith.addi %mul3A_1111, %add3A_1112 : i32
      %mul3A_1114 = arith.constant 16 : i32
      %mul3A_1115 = arith.muli %add3A_1113, %mul3A_1114 : i32
      %get3A_1116 = arith.index_cast %mul3A_1115 : i32 to index
      %get3A_1117 = tpu.vector_load %arg8[%get3A_1116] {strides = array<i32>} : memref<24576xf32, #tpu.memory_space<vmem>>, vector<16xf32>,
      %get3A_1118 = vector.shape_cast %get3A_1117 : vector<16xf32> to vector<16xf32>
      %swap3A_1119 = arith.index_cast %mul3A_1115 : i32 to index
      %swap3A_1120 = tpu.vector_load %arg7[%swap3A_1119] {strides = array<i32>} : memref<24576xf32, #tpu.memory_space<vmem>>, vector<16xf32>,
      %swap3A_1121 = vector.shape_cast %swap3A_1120 : vector<16xf32> to vector<16xf32>
      %swap3A_1122 = vector.shape_cast %get3A_1118 : vector<16xf32> to vector<16xf32>
      tpu.vector_store %arg7[%swap3A_1119], %swap3A_1122 {add = true, strides = array<i32>} : memref<24576xf32, #tpu.memory_space<vmem>>, vector<16xf32>,
      %mul3A_1123 = arith.constant 8 : i32
      %mul3A_1124 = arith.muli %scan3A_1058, %mul3A_1123 : i32
      %add3A_1125 = arith.constant 5 : i32
      %add3A_1126 = arith.addi %mul3A_1124, %add3A_1125 : i32
      %mul3A_1127 = arith.constant 16 : i32
      %mul3A_1128 = arith.muli %add3A_1126, %mul3A_1127 : i32
      %get3A_1129 = arith.index_cast %mul3A_1128 : i32 to index
      %get3A_1130 = tpu.vector_load %arg8[%get3A_1129] {strides = array<i32>} : memref<24576xf32, #tpu.memory_space<vmem>>, vector<16xf32>,
      %get3A_1131 = vector.shape_cast %get3A_1130 : vector<16xf32> to vector<16xf32>
      %swap3A_1132 = arith.index_cast %mul3A_1128 : i32 to index
      %swap3A_1133 = tpu.vector_load %arg7[%swap3A_1132] {strides = array<i32>} : memref<24576xf32, #tpu.memory_space<vmem>>, vector<16xf32>,
      %swap3A_1134 = vector.shape_cast %swap3A_1133 : vector<16xf32> to vector<16xf32>
      %swap3A_1135 = vector.shape_cast %get3A_1131 : vector<16xf32> to vector<16xf32>
      tpu.vector_store %arg7[%swap3A_1132], %swap3A_1135 {add = true, strides = array<i32>} : memref<24576xf32, #tpu.memory_space<vmem>>, vector<16xf32>,
      %mul3A_1136 = arith.constant 8 : i32
      %mul3A_1137 = arith.muli %scan3A_1058, %mul3A_1136 : i32
      %add3A_1138 = arith.constant 6 : i32
      %add3A_1139 = arith.addi %mul3A_1137, %add3A_1138 : i32
      %mul3A_1140 = arith.constant 16 : i32
      %mul3A_1141 = arith.muli %add3A_1139, %mul3A_1140 : i32
      %get3A_1142 = arith.index_cast %mul3A_1141 : i32 to index
      %get3A_1143 = tpu.vector_load %arg8[%get3A_1142] {strides = array<i32>} : memref<24576xf32, #tpu.memory_space<vmem>>, vector<16xf32>,
      %get3A_1144 = vector.shape_cast %get3A_1143 : vector<16xf32> to vector<16xf32>
      %swap3A_1145 = arith.index_cast %mul3A_1141 : i32 to index
      %swap3A_1146 = tpu.vector_load %arg7[%swap3A_1145] {strides = array<i32>} : memref<24576xf32, #tpu.memory_space<vmem>>, vector<16xf32>,
      %swap3A_1147 = vector.shape_cast %swap3A_1146 : vector<16xf32> to vector<16xf32>
      %swap3A_1148 = vector.shape_cast %get3A_1144 : vector<16xf32> to vector<16xf32>
      tpu.vector_store %arg7[%swap3A_1145], %swap3A_1148 {add = true, strides = array<i32>} : memref<24576xf32, #tpu.memory_space<vmem>>, vector<16xf32>,
      %mul3A_1149 = arith.constant 8 : i32
      %mul3A_1150 = arith.muli %scan3A_1058, %mul3A_1149 : i32
      %add3A_1151 = arith.constant 7 : i32
      %add3A_1152 = arith.addi %mul3A_1150, %add3A_1151 : i32
      %mul3A_1153 = arith.constant 16 : i32
      %mul3A_1154 = arith.muli %add3A_1152, %mul3A_1153 : i32
      %get3A_1155 = arith.index_cast %mul3A_1154 : i32 to index
      %get3A_1156 = tpu.vector_load %arg8[%get3A_1155] {strides = array<i32>} : memref<24576xf32, #tpu.memory_space<vmem>>, vector<16xf32>,
      %get3A_1157 = vector.shape_cast %get3A_1156 : vector<16xf32> to vector<16xf32>
      %swap3A_1158 = arith.index_cast %mul3A_1154 : i32 to index
      %swap3A_1159 = tpu.vector_load %arg7[%swap3A_1158] {strides = array<i32>} : memref<24576xf32, #tpu.memory_space<vmem>>, vector<16xf32>,
      %swap3A_1160 = vector.shape_cast %swap3A_1159 : vector<16xf32> to vector<16xf32>
      %swap3A_1161 = vector.shape_cast %get3A_1157 : vector<16xf32> to vector<16xf32>
      tpu.vector_store %arg7[%swap3A_1158], %swap3A_1161 {add = true, strides = array<i32>} : memref<24576xf32, #tpu.memory_space<vmem>>, vector<16xf32>,
      %scan3A_1162 = arith.constant 0 : i32
      scf.yield %scan3A_1162 : i32
    }
    %scan3A_401 = arith.constant 192 : i32
    %add3A_402 = arith.constant 18874368 : i32
    %add3A_403 = arith.addi %add3A_402, %mul3A_4 : i32
    %add3A_404 = arith.constant 49152 : i32
    %add3A_405 = arith.addi %add3A_403, %add3A_404 : i32
    %dma_start3A_406 = tpu.memref_slice %arg4[%add3A_405] : memref<25165824xf32, #tpu.memory_space<hbm>> -> memref<24576xf32, #tpu.memory_space<hbm>>
    %dma_start3A_407 = tpu.memref_slice %arg4[%add3A_405] : memref<25165824xf32, #tpu.memory_space<hbm>> -> memref<24576xf32, #tpu.memory_space<hbm>>
    tpu.enqueue_dma source(%arg7 : memref<24576xf32, #tpu.memory_space<vmem>>) target(%dma_start3A_407 : memref<24576xf32, #tpu.memory_space<hbm>>) target_semaphore(%arg15 : memref<!tpu.dma_semaphore, #tpu.memory_space<semaphore_mem>>)
    %add3A_408 = arith.constant 98304 : i32
    %add3A_409 = arith.addi %mul3A_4, %add3A_408 : i32
    %dma_start3A_410 = tpu.memref_slice %arg3[%add3A_409] : memref<6291456xf32, #tpu.memory_space<hbm>> -> memref<24576xf32, #tpu.memory_space<hbm>>
    %dma_start3A_411 = tpu.memref_slice %arg3[%add3A_409] : memref<6291456xf32, #tpu.memory_space<hbm>> -> memref<24576xf32, #tpu.memory_space<hbm>>
    tpu.enqueue_dma source(%dma_start3A_411 : memref<24576xf32, #tpu.memory_space<hbm>>) target(%arg8 : memref<24576xf32, #tpu.memory_space<vmem>>) target_semaphore(%arg16 : memref<!tpu.dma_semaphore, #tpu.memory_space<semaphore_mem>>)
    %add3A_412 = arith.constant 18874368 : i32
    %add3A_413 = arith.addi %add3A_412, %mul3A_4 : i32
    %add3A_414 = arith.constant 49152 : i32
    %add3A_415 = arith.addi %add3A_413, %add3A_414 : i32
    %dma_wait3A_416 = tpu.memref_slice %arg4[%add3A_415] : memref<25165824xf32, #tpu.memory_space<hbm>> -> memref<24576xf32, #tpu.memory_space<hbm>>
    %dma_wait3A_417 = tpu.memref_slice %arg4[%add3A_415] : memref<25165824xf32, #tpu.memory_space<hbm>> -> memref<24576xf32, #tpu.memory_space<hbm>>
    tpu.wait_dma2 semaphore(%arg15 : memref<!tpu.dma_semaphore, #tpu.memory_space<semaphore_mem>>) src(%arg7 : memref<24576xf32, #tpu.memory_space<vmem>>) dst(%dma_wait3A_417 : memref<24576xf32, #tpu.memory_space<hbm>>)
    %add3A_418 = arith.constant 12582912 : i32
    %add3A_419 = arith.addi %add3A_418, %mul3A_4 : i32
    %add3A_420 = arith.constant 73728 : i32
    %add3A_421 = arith.addi %add3A_419, %add3A_420 : i32
    %dma_start3A_422 = tpu.memref_slice %arg2[%add3A_421] : memref<25165824xf32, #tpu.memory_space<hbm>> -> memref<24576xf32, #tpu.memory_space<hbm>>
    %dma_start3A_423 = tpu.memref_slice %arg2[%add3A_421] : memref<25165824xf32, #tpu.memory_space<hbm>> -> memref<24576xf32, #tpu.memory_space<hbm>>
    tpu.enqueue_dma source(%dma_start3A_423 : memref<24576xf32, #tpu.memory_space<hbm>>) target(%arg7 : memref<24576xf32, #tpu.memory_space<vmem>>) target_semaphore(%arg12 : memref<!tpu.dma_semaphore, #tpu.memory_space<semaphore_mem>>)
    %add3A_424 = arith.constant 0 : i32
    %add3A_425 = arith.addi %add3A_424, %mul3A_4 : i32
    %add3A_426 = arith.constant 73728 : i32
    %add3A_427 = arith.addi %add3A_425, %add3A_426 : i32
    %dma_wait3A_428 = tpu.memref_slice %arg2[%add3A_427] : memref<25165824xf32, #tpu.memory_space<hbm>> -> memref<24576xf32, #tpu.memory_space<hbm>>
    %dma_wait3A_429 = tpu.memref_slice %arg2[%add3A_427] : memref<25165824xf32, #tpu.memory_space<hbm>> -> memref<24576xf32, #tpu.memory_space<hbm>>
    tpu.wait_dma2 semaphore(%arg10 : memref<!tpu.dma_semaphore, #tpu.memory_space<semaphore_mem>>) src(%dma_wait3A_429 : memref<24576xf32, #tpu.memory_space<hbm>>) dst(%arg5 : memref<24576xf32, #tpu.memory_space<vmem>>)
    %add3A_430 = arith.constant 73728 : i32
    %add3A_431 = arith.addi %mul3A_4, %add3A_430 : i32
    %dma_wait3A_432 = tpu.memref_slice %arg3[%add3A_431] : memref<6291456xf32, #tpu.memory_space<hbm>> -> memref<24576xf32, #tpu.memory_space<hbm>>
    %dma_wait3A_433 = tpu.memref_slice %arg3[%add3A_431] : memref<6291456xf32, #tpu.memory_space<hbm>> -> memref<24576xf32, #tpu.memory_space<hbm>>
    tpu.wait_dma2 semaphore(%arg17 : memref<!tpu.dma_semaphore, #tpu.memory_space<semaphore_mem>>) src(%dma_wait3A_433 : memref<24576xf32, #tpu.memory_space<hbm>>) dst(%arg9 : memref<24576xf32, #tpu.memory_space<vmem>>)
    %scan3A_434 = arith.constant 0 : i32
    %scan3A_435 = arith.constant 0 : i32
    %scan3A_436 = arith.constant 192 : i32
    %scan3A_437 = arith.addi %scan3A_435, %scan3A_436 : i32
    %scan3A_438 = arith.constant 1 : i32
    %scan3A_439 = scf.for %scan3A_1058 = %scan3A_435 to %scan3A_437 step %scan3A_438 iter_args(%scan3A_1059 = %scan3A_434) -> (i32)  : i32 {
      %mul3A_1060 = arith.constant 8 : i32
      %mul3A_1061 = arith.muli %scan3A_1058, %mul3A_1060 : i32
      %add3A_1062 = arith.constant 0 : i32
      %add3A_1063 = arith.addi %mul3A_1061, %add3A_1062 : i32
      %mul3A_1064 = arith.constant 16 : i32
      %mul3A_1065 = arith.muli %add3A_1063, %mul3A_1064 : i32
      %get3A = arith.index_cast %mul3A_1065 : i32 to index
      %get3A_1066 = tpu.vector_load %arg9[%get3A] {strides = array<i32>} : memref<24576xf32, #tpu.memory_space<vmem>>, vector<16xf32>,
      %get3A_1067 = vector.shape_cast %get3A_1066 : vector<16xf32> to vector<16xf32>
      %swap3A = arith.index_cast %mul3A_1065 : i32 to index
      %swap3A_1068 = tpu.vector_load %arg5[%swap3A] {strides = array<i32>} : memref<24576xf32, #tpu.memory_space<vmem>>, vector<16xf32>,
      %swap3A_1069 = vector.shape_cast %swap3A_1068 : vector<16xf32> to vector<16xf32>
      %swap3A_1070 = vector.shape_cast %get3A_1067 : vector<16xf32> to vector<16xf32>
      tpu.vector_store %arg5[%swap3A], %swap3A_1070 {add = true, strides = array<i32>} : memref<24576xf32, #tpu.memory_space<vmem>>, vector<16xf32>,
      %mul3A_1071 = arith.constant 8 : i32
      %mul3A_1072 = arith.muli %scan3A_1058, %mul3A_1071 : i32
      %add3A_1073 = arith.constant 1 : i32
      %add3A_1074 = arith.addi %mul3A_1072, %add3A_1073 : i32
      %mul3A_1075 = arith.constant 16 : i32
      %mul3A_1076 = arith.muli %add3A_1074, %mul3A_1075 : i32
      %get3A_1077 = arith.index_cast %mul3A_1076 : i32 to index
      %get3A_1078 = tpu.vector_load %arg9[%get3A_1077] {strides = array<i32>} : memref<24576xf32, #tpu.memory_space<vmem>>, vector<16xf32>,
      %get3A_1079 = vector.shape_cast %get3A_1078 : vector<16xf32> to vector<16xf32>
      %swap3A_1080 = arith.index_cast %mul3A_1076 : i32 to index
      %swap3A_1081 = tpu.vector_load %arg5[%swap3A_1080] {strides = array<i32>} : memref<24576xf32, #tpu.memory_space<vmem>>, vector<16xf32>,
      %swap3A_1082 = vector.shape_cast %swap3A_1081 : vector<16xf32> to vector<16xf32>
      %swap3A_1083 = vector.shape_cast %get3A_1079 : vector<16xf32> to vector<16xf32>
      tpu.vector_store %arg5[%swap3A_1080], %swap3A_1083 {add = true, strides = array<i32>} : memref<24576xf32, #tpu.memory_space<vmem>>, vector<16xf32>,
      %mul3A_1084 = arith.constant 8 : i32
      %mul3A_1085 = arith.muli %scan3A_1058, %mul3A_1084 : i32
      %add3A_1086 = arith.constant 2 : i32
      %add3A_1087 = arith.addi %mul3A_1085, %add3A_1086 : i32
      %mul3A_1088 = arith.constant 16 : i32
      %mul3A_1089 = arith.muli %add3A_1087, %mul3A_1088 : i32
      %get3A_1090 = arith.index_cast %mul3A_1089 : i32 to index
      %get3A_1091 = tpu.vector_load %arg9[%get3A_1090] {strides = array<i32>} : memref<24576xf32, #tpu.memory_space<vmem>>, vector<16xf32>,
      %get3A_1092 = vector.shape_cast %get3A_1091 : vector<16xf32> to vector<16xf32>
      %swap3A_1093 = arith.index_cast %mul3A_1089 : i32 to index
      %swap3A_1094 = tpu.vector_load %arg5[%swap3A_1093] {strides = array<i32>} : memref<24576xf32, #tpu.memory_space<vmem>>, vector<16xf32>,
      %swap3A_1095 = vector.shape_cast %swap3A_1094 : vector<16xf32> to vector<16xf32>
      %swap3A_1096 = vector.shape_cast %get3A_1092 : vector<16xf32> to vector<16xf32>
      tpu.vector_store %arg5[%swap3A_1093], %swap3A_1096 {add = true, strides = array<i32>} : memref<24576xf32, #tpu.memory_space<vmem>>, vector<16xf32>,
      %mul3A_1097 = arith.constant 8 : i32
      %mul3A_1098 = arith.muli %scan3A_1058, %mul3A_1097 : i32
      %add3A_1099 = arith.constant 3 : i32
      %add3A_1100 = arith.addi %mul3A_1098, %add3A_1099 : i32
      %mul3A_1101 = arith.constant 16 : i32
      %mul3A_1102 = arith.muli %add3A_1100, %mul3A_1101 : i32
      %get3A_1103 = arith.index_cast %mul3A_1102 : i32 to index
      %get3A_1104 = tpu.vector_load %arg9[%get3A_1103] {strides = array<i32>} : memref<24576xf32, #tpu.memory_space<vmem>>, vector<16xf32>,
      %get3A_1105 = vector.shape_cast %get3A_1104 : vector<16xf32> to vector<16xf32>
      %swap3A_1106 = arith.index_cast %mul3A_1102 : i32 to index
      %swap3A_1107 = tpu.vector_load %arg5[%swap3A_1106] {strides = array<i32>} : memref<24576xf32, #tpu.memory_space<vmem>>, vector<16xf32>,
      %swap3A_1108 = vector.shape_cast %swap3A_1107 : vector<16xf32> to vector<16xf32>
      %swap3A_1109 = vector.shape_cast %get3A_1105 : vector<16xf32> to vector<16xf32>
      tpu.vector_store %arg5[%swap3A_1106], %swap3A_1109 {add = true, strides = array<i32>} : memref<24576xf32, #tpu.memory_space<vmem>>, vector<16xf32>,
      %mul3A_1110 = arith.constant 8 : i32
      %mul3A_1111 = arith.muli %scan3A_1058, %mul3A_1110 : i32
      %add3A_1112 = arith.constant 4 : i32
      %add3A_1113 = arith.addi %mul3A_1111, %add3A_1112 : i32
      %mul3A_1114 = arith.constant 16 : i32
      %mul3A_1115 = arith.muli %add3A_1113, %mul3A_1114 : i32
      %get3A_1116 = arith.index_cast %mul3A_1115 : i32 to index
      %get3A_1117 = tpu.vector_load %arg9[%get3A_1116] {strides = array<i32>} : memref<24576xf32, #tpu.memory_space<vmem>>, vector<16xf32>,
      %get3A_1118 = vector.shape_cast %get3A_1117 : vector<16xf32> to vector<16xf32>
      %swap3A_1119 = arith.index_cast %mul3A_1115 : i32 to index
      %swap3A_1120 = tpu.vector_load %arg5[%swap3A_1119] {strides = array<i32>} : memref<24576xf32, #tpu.memory_space<vmem>>, vector<16xf32>,
      %swap3A_1121 = vector.shape_cast %swap3A_1120 : vector<16xf32> to vector<16xf32>
      %swap3A_1122 = vector.shape_cast %get3A_1118 : vector<16xf32> to vector<16xf32>
      tpu.vector_store %arg5[%swap3A_1119], %swap3A_1122 {add = true, strides = array<i32>} : memref<24576xf32, #tpu.memory_space<vmem>>, vector<16xf32>,
      %mul3A_1123 = arith.constant 8 : i32
      %mul3A_1124 = arith.muli %scan3A_1058, %mul3A_1123 : i32
      %add3A_1125 = arith.constant 5 : i32
      %add3A_1126 = arith.addi %mul3A_1124, %add3A_1125 : i32
      %mul3A_1127 = arith.constant 16 : i32
      %mul3A_1128 = arith.muli %add3A_1126, %mul3A_1127 : i32
      %get3A_1129 = arith.index_cast %mul3A_1128 : i32 to index
      %get3A_1130 = tpu.vector_load %arg9[%get3A_1129] {strides = array<i32>} : memref<24576xf32, #tpu.memory_space<vmem>>, vector<16xf32>,
      %get3A_1131 = vector.shape_cast %get3A_1130 : vector<16xf32> to vector<16xf32>
      %swap3A_1132 = arith.index_cast %mul3A_1128 : i32 to index
      %swap3A_1133 = tpu.vector_load %arg5[%swap3A_1132] {strides = array<i32>} : memref<24576xf32, #tpu.memory_space<vmem>>, vector<16xf32>,
      %swap3A_1134 = vector.shape_cast %swap3A_1133 : vector<16xf32> to vector<16xf32>
      %swap3A_1135 = vector.shape_cast %get3A_1131 : vector<16xf32> to vector<16xf32>
      tpu.vector_store %arg5[%swap3A_1132], %swap3A_1135 {add = true, strides = array<i32>} : memref<24576xf32, #tpu.memory_space<vmem>>, vector<16xf32>,
      %mul3A_1136 = arith.constant 8 : i32
      %mul3A_1137 = arith.muli %scan3A_1058, %mul3A_1136 : i32
      %add3A_1138 = arith.constant 6 : i32
      %add3A_1139 = arith.addi %mul3A_1137, %add3A_1138 : i32
      %mul3A_1140 = arith.constant 16 : i32
      %mul3A_1141 = arith.muli %add3A_1139, %mul3A_1140 : i32
      %get3A_1142 = arith.index_cast %mul3A_1141 : i32 to index
      %get3A_1143 = tpu.vector_load %arg9[%get3A_1142] {strides = array<i32>} : memref<24576xf32, #tpu.memory_space<vmem>>, vector<16xf32>,
      %get3A_1144 = vector.shape_cast %get3A_1143 : vector<16xf32> to vector<16xf32>
      %swap3A_1145 = arith.index_cast %mul3A_1141 : i32 to index
      %swap3A_1146 = tpu.vector_load %arg5[%swap3A_1145] {strides = array<i32>} : memref<24576xf32, #tpu.memory_space<vmem>>, vector<16xf32>,
      %swap3A_1147 = vector.shape_cast %swap3A_1146 : vector<16xf32> to vector<16xf32>
      %swap3A_1148 = vector.shape_cast %get3A_1144 : vector<16xf32> to vector<16xf32>
      tpu.vector_store %arg5[%swap3A_1145], %swap3A_1148 {add = true, strides = array<i32>} : memref<24576xf32, #tpu.memory_space<vmem>>, vector<16xf32>,
      %mul3A_1149 = arith.constant 8 : i32
      %mul3A_1150 = arith.muli %scan3A_1058, %mul3A_1149 : i32
      %add3A_1151 = arith.constant 7 : i32
      %add3A_1152 = arith.addi %mul3A_1150, %add3A_1151 : i32
      %mul3A_1153 = arith.constant 16 : i32
      %mul3A_1154 = arith.muli %add3A_1152, %mul3A_1153 : i32
      %get3A_1155 = arith.index_cast %mul3A_1154 : i32 to index
      %get3A_1156 = tpu.vector_load %arg9[%get3A_1155] {strides = array<i32>} : memref<24576xf32, #tpu.memory_space<vmem>>, vector<16xf32>,
      %get3A_1157 = vector.shape_cast %get3A_1156 : vector<16xf32> to vector<16xf32>
      %swap3A_1158 = arith.index_cast %mul3A_1154 : i32 to index
      %swap3A_1159 = tpu.vector_load %arg5[%swap3A_1158] {strides = array<i32>} : memref<24576xf32, #tpu.memory_space<vmem>>, vector<16xf32>,
      %swap3A_1160 = vector.shape_cast %swap3A_1159 : vector<16xf32> to vector<16xf32>
      %swap3A_1161 = vector.shape_cast %get3A_1157 : vector<16xf32> to vector<16xf32>
      tpu.vector_store %arg5[%swap3A_1158], %swap3A_1161 {add = true, strides = array<i32>} : memref<24576xf32, #tpu.memory_space<vmem>>, vector<16xf32>,
      %scan3A_1162 = arith.constant 0 : i32
      scf.yield %scan3A_1162 : i32
    }
    %scan3A_440 = arith.constant 192 : i32
    %add3A_441 = arith.constant 0 : i32
    %add3A_442 = arith.addi %add3A_441, %mul3A_4 : i32
    %add3A_443 = arith.constant 73728 : i32
    %add3A_444 = arith.addi %add3A_442, %add3A_443 : i32
    %dma_start3A_445 = tpu.memref_slice %arg4[%add3A_444] : memref<25165824xf32, #tpu.memory_space<hbm>> -> memref<24576xf32, #tpu.memory_space<hbm>>
    %dma_start3A_446 = tpu.memref_slice %arg4[%add3A_444] : memref<25165824xf32, #tpu.memory_space<hbm>> -> memref<24576xf32, #tpu.memory_space<hbm>>
    tpu.enqueue_dma source(%arg5 : memref<24576xf32, #tpu.memory_space<vmem>>) target(%dma_start3A_446 : memref<24576xf32, #tpu.memory_space<hbm>>) target_semaphore(%arg13 : memref<!tpu.dma_semaphore, #tpu.memory_space<semaphore_mem>>)
    %add3A_447 = arith.constant 0 : i32
    %add3A_448 = arith.addi %add3A_447, %mul3A_4 : i32
    %add3A_449 = arith.constant 73728 : i32
    %add3A_450 = arith.addi %add3A_448, %add3A_449 : i32
    %dma_wait3A_451 = tpu.memref_slice %arg4[%add3A_450] : memref<25165824xf32, #tpu.memory_space<hbm>> -> memref<24576xf32, #tpu.memory_space<hbm>>
    %dma_wait3A_452 = tpu.memref_slice %arg4[%add3A_450] : memref<25165824xf32, #tpu.memory_space<hbm>> -> memref<24576xf32, #tpu.memory_space<hbm>>
    tpu.wait_dma2 semaphore(%arg13 : memref<!tpu.dma_semaphore, #tpu.memory_space<semaphore_mem>>) src(%arg5 : memref<24576xf32, #tpu.memory_space<vmem>>) dst(%dma_wait3A_452 : memref<24576xf32, #tpu.memory_space<hbm>>)
    %add3A_453 = arith.constant 18874368 : i32
    %add3A_454 = arith.addi %add3A_453, %mul3A_4 : i32
    %add3A_455 = arith.constant 73728 : i32
    %add3A_456 = arith.addi %add3A_454, %add3A_455 : i32
    %dma_start3A_457 = tpu.memref_slice %arg2[%add3A_456] : memref<25165824xf32, #tpu.memory_space<hbm>> -> memref<24576xf32, #tpu.memory_space<hbm>>
    %dma_start3A_458 = tpu.memref_slice %arg2[%add3A_456] : memref<25165824xf32, #tpu.memory_space<hbm>> -> memref<24576xf32, #tpu.memory_space<hbm>>
    tpu.enqueue_dma source(%dma_start3A_458 : memref<24576xf32, #tpu.memory_space<hbm>>) target(%arg5 : memref<24576xf32, #tpu.memory_space<vmem>>) target_semaphore(%arg10 : memref<!tpu.dma_semaphore, #tpu.memory_space<semaphore_mem>>)
    %add3A_459 = arith.constant 6291456 : i32
    %add3A_460 = arith.addi %add3A_459, %mul3A_4 : i32
    %add3A_461 = arith.constant 73728 : i32
    %add3A_462 = arith.addi %add3A_460, %add3A_461 : i32
    %dma_wait3A_463 = tpu.memref_slice %arg2[%add3A_462] : memref<25165824xf32, #tpu.memory_space<hbm>> -> memref<24576xf32, #tpu.memory_space<hbm>>
    %dma_wait3A_464 = tpu.memref_slice %arg2[%add3A_462] : memref<25165824xf32, #tpu.memory_space<hbm>> -> memref<24576xf32, #tpu.memory_space<hbm>>
    tpu.wait_dma2 semaphore(%arg11 : memref<!tpu.dma_semaphore, #tpu.memory_space<semaphore_mem>>) src(%dma_wait3A_464 : memref<24576xf32, #tpu.memory_space<hbm>>) dst(%arg6 : memref<24576xf32, #tpu.memory_space<vmem>>)
    %scan3A_465 = arith.constant 0 : i32
    %scan3A_466 = arith.constant 0 : i32
    %scan3A_467 = arith.constant 192 : i32
    %scan3A_468 = arith.addi %scan3A_466, %scan3A_467 : i32
    %scan3A_469 = arith.constant 1 : i32
    %scan3A_470 = scf.for %scan3A_1058 = %scan3A_466 to %scan3A_468 step %scan3A_469 iter_args(%scan3A_1059 = %scan3A_465) -> (i32)  : i32 {
      %mul3A_1060 = arith.constant 8 : i32
      %mul3A_1061 = arith.muli %scan3A_1058, %mul3A_1060 : i32
      %add3A_1062 = arith.constant 0 : i32
      %add3A_1063 = arith.addi %mul3A_1061, %add3A_1062 : i32
      %mul3A_1064 = arith.constant 16 : i32
      %mul3A_1065 = arith.muli %add3A_1063, %mul3A_1064 : i32
      %get3A = arith.index_cast %mul3A_1065 : i32 to index
      %get3A_1066 = tpu.vector_load %arg9[%get3A] {strides = array<i32>} : memref<24576xf32, #tpu.memory_space<vmem>>, vector<16xf32>,
      %get3A_1067 = vector.shape_cast %get3A_1066 : vector<16xf32> to vector<16xf32>
      %swap3A = arith.index_cast %mul3A_1065 : i32 to index
      %swap3A_1068 = tpu.vector_load %arg6[%swap3A] {strides = array<i32>} : memref<24576xf32, #tpu.memory_space<vmem>>, vector<16xf32>,
      %swap3A_1069 = vector.shape_cast %swap3A_1068 : vector<16xf32> to vector<16xf32>
      %swap3A_1070 = vector.shape_cast %get3A_1067 : vector<16xf32> to vector<16xf32>
      tpu.vector_store %arg6[%swap3A], %swap3A_1070 {add = true, strides = array<i32>} : memref<24576xf32, #tpu.memory_space<vmem>>, vector<16xf32>,
      %mul3A_1071 = arith.constant 8 : i32
      %mul3A_1072 = arith.muli %scan3A_1058, %mul3A_1071 : i32
      %add3A_1073 = arith.constant 1 : i32
      %add3A_1074 = arith.addi %mul3A_1072, %add3A_1073 : i32
      %mul3A_1075 = arith.constant 16 : i32
      %mul3A_1076 = arith.muli %add3A_1074, %mul3A_1075 : i32
      %get3A_1077 = arith.index_cast %mul3A_1076 : i32 to index
      %get3A_1078 = tpu.vector_load %arg9[%get3A_1077] {strides = array<i32>} : memref<24576xf32, #tpu.memory_space<vmem>>, vector<16xf32>,
      %get3A_1079 = vector.shape_cast %get3A_1078 : vector<16xf32> to vector<16xf32>
      %swap3A_1080 = arith.index_cast %mul3A_1076 : i32 to index
      %swap3A_1081 = tpu.vector_load %arg6[%swap3A_1080] {strides = array<i32>} : memref<24576xf32, #tpu.memory_space<vmem>>, vector<16xf32>,
      %swap3A_1082 = vector.shape_cast %swap3A_1081 : vector<16xf32> to vector<16xf32>
      %swap3A_1083 = vector.shape_cast %get3A_1079 : vector<16xf32> to vector<16xf32>
      tpu.vector_store %arg6[%swap3A_1080], %swap3A_1083 {add = true, strides = array<i32>} : memref<24576xf32, #tpu.memory_space<vmem>>, vector<16xf32>,
      %mul3A_1084 = arith.constant 8 : i32
      %mul3A_1085 = arith.muli %scan3A_1058, %mul3A_1084 : i32
      %add3A_1086 = arith.constant 2 : i32
      %add3A_1087 = arith.addi %mul3A_1085, %add3A_1086 : i32
      %mul3A_1088 = arith.constant 16 : i32
      %mul3A_1089 = arith.muli %add3A_1087, %mul3A_1088 : i32
      %get3A_1090 = arith.index_cast %mul3A_1089 : i32 to index
      %get3A_1091 = tpu.vector_load %arg9[%get3A_1090] {strides = array<i32>} : memref<24576xf32, #tpu.memory_space<vmem>>, vector<16xf32>,
      %get3A_1092 = vector.shape_cast %get3A_1091 : vector<16xf32> to vector<16xf32>
      %swap3A_1093 = arith.index_cast %mul3A_1089 : i32 to index
      %swap3A_1094 = tpu.vector_load %arg6[%swap3A_1093] {strides = array<i32>} : memref<24576xf32, #tpu.memory_space<vmem>>, vector<16xf32>,
      %swap3A_1095 = vector.shape_cast %swap3A_1094 : vector<16xf32> to vector<16xf32>
      %swap3A_1096 = vector.shape_cast %get3A_1092 : vector<16xf32> to vector<16xf32>
      tpu.vector_store %arg6[%swap3A_1093], %swap3A_1096 {add = true, strides = array<i32>} : memref<24576xf32, #tpu.memory_space<vmem>>, vector<16xf32>,
      %mul3A_1097 = arith.constant 8 : i32
      %mul3A_1098 = arith.muli %scan3A_1058, %mul3A_1097 : i32
      %add3A_1099 = arith.constant 3 : i32
      %add3A_1100 = arith.addi %mul3A_1098, %add3A_1099 : i32
      %mul3A_1101 = arith.constant 16 : i32
      %mul3A_1102 = arith.muli %add3A_1100, %mul3A_1101 : i32
      %get3A_1103 = arith.index_cast %mul3A_1102 : i32 to index
      %get3A_1104 = tpu.vector_load %arg9[%get3A_1103] {strides = array<i32>} : memref<24576xf32, #tpu.memory_space<vmem>>, vector<16xf32>,
      %get3A_1105 = vector.shape_cast %get3A_1104 : vector<16xf32> to vector<16xf32>
      %swap3A_1106 = arith.index_cast %mul3A_1102 : i32 to index
      %swap3A_1107 = tpu.vector_load %arg6[%swap3A_1106] {strides = array<i32>} : memref<24576xf32, #tpu.memory_space<vmem>>, vector<16xf32>,
      %swap3A_1108 = vector.shape_cast %swap3A_1107 : vector<16xf32> to vector<16xf32>
      %swap3A_1109 = vector.shape_cast %get3A_1105 : vector<16xf32> to vector<16xf32>
      tpu.vector_store %arg6[%swap3A_1106], %swap3A_1109 {add = true, strides = array<i32>} : memref<24576xf32, #tpu.memory_space<vmem>>, vector<16xf32>,
      %mul3A_1110 = arith.constant 8 : i32
      %mul3A_1111 = arith.muli %scan3A_1058, %mul3A_1110 : i32
      %add3A_1112 = arith.constant 4 : i32
      %add3A_1113 = arith.addi %mul3A_1111, %add3A_1112 : i32
      %mul3A_1114 = arith.constant 16 : i32
      %mul3A_1115 = arith.muli %add3A_1113, %mul3A_1114 : i32
      %get3A_1116 = arith.index_cast %mul3A_1115 : i32 to index
      %get3A_1117 = tpu.vector_load %arg9[%get3A_1116] {strides = array<i32>} : memref<24576xf32, #tpu.memory_space<vmem>>, vector<16xf32>,
      %get3A_1118 = vector.shape_cast %get3A_1117 : vector<16xf32> to vector<16xf32>
      %swap3A_1119 = arith.index_cast %mul3A_1115 : i32 to index
      %swap3A_1120 = tpu.vector_load %arg6[%swap3A_1119] {strides = array<i32>} : memref<24576xf32, #tpu.memory_space<vmem>>, vector<16xf32>,
      %swap3A_1121 = vector.shape_cast %swap3A_1120 : vector<16xf32> to vector<16xf32>
      %swap3A_1122 = vector.shape_cast %get3A_1118 : vector<16xf32> to vector<16xf32>
      tpu.vector_store %arg6[%swap3A_1119], %swap3A_1122 {add = true, strides = array<i32>} : memref<24576xf32, #tpu.memory_space<vmem>>, vector<16xf32>,
      %mul3A_1123 = arith.constant 8 : i32
      %mul3A_1124 = arith.muli %scan3A_1058, %mul3A_1123 : i32
      %add3A_1125 = arith.constant 5 : i32
      %add3A_1126 = arith.addi %mul3A_1124, %add3A_1125 : i32
      %mul3A_1127 = arith.constant 16 : i32
      %mul3A_1128 = arith.muli %add3A_1126, %mul3A_1127 : i32
      %get3A_1129 = arith.index_cast %mul3A_1128 : i32 to index
      %get3A_1130 = tpu.vector_load %arg9[%get3A_1129] {strides = array<i32>} : memref<24576xf32, #tpu.memory_space<vmem>>, vector<16xf32>,
      %get3A_1131 = vector.shape_cast %get3A_1130 : vector<16xf32> to vector<16xf32>
      %swap3A_1132 = arith.index_cast %mul3A_1128 : i32 to index
      %swap3A_1133 = tpu.vector_load %arg6[%swap3A_1132] {strides = array<i32>} : memref<24576xf32, #tpu.memory_space<vmem>>, vector<16xf32>,
      %swap3A_1134 = vector.shape_cast %swap3A_1133 : vector<16xf32> to vector<16xf32>
      %swap3A_1135 = vector.shape_cast %get3A_1131 : vector<16xf32> to vector<16xf32>
      tpu.vector_store %arg6[%swap3A_1132], %swap3A_1135 {add = true, strides = array<i32>} : memref<24576xf32, #tpu.memory_space<vmem>>, vector<16xf32>,
      %mul3A_1136 = arith.constant 8 : i32
      %mul3A_1137 = arith.muli %scan3A_1058, %mul3A_1136 : i32
      %add3A_1138 = arith.constant 6 : i32
      %add3A_1139 = arith.addi %mul3A_1137, %add3A_1138 : i32
      %mul3A_1140 = arith.constant 16 : i32
      %mul3A_1141 = arith.muli %add3A_1139, %mul3A_1140 : i32
      %get3A_1142 = arith.index_cast %mul3A_1141 : i32 to index
      %get3A_1143 = tpu.vector_load %arg9[%get3A_1142] {strides = array<i32>} : memref<24576xf32, #tpu.memory_space<vmem>>, vector<16xf32>,
      %get3A_1144 = vector.shape_cast %get3A_1143 : vector<16xf32> to vector<16xf32>
      %swap3A_1145 = arith.index_cast %mul3A_1141 : i32 to index
      %swap3A_1146 = tpu.vector_load %arg6[%swap3A_1145] {strides = array<i32>} : memref<24576xf32, #tpu.memory_space<vmem>>, vector<16xf32>,
      %swap3A_1147 = vector.shape_cast %swap3A_1146 : vector<16xf32> to vector<16xf32>
      %swap3A_1148 = vector.shape_cast %get3A_1144 : vector<16xf32> to vector<16xf32>
      tpu.vector_store %arg6[%swap3A_1145], %swap3A_1148 {add = true, strides = array<i32>} : memref<24576xf32, #tpu.memory_space<vmem>>, vector<16xf32>,
      %mul3A_1149 = arith.constant 8 : i32
      %mul3A_1150 = arith.muli %scan3A_1058, %mul3A_1149 : i32
      %add3A_1151 = arith.constant 7 : i32
      %add3A_1152 = arith.addi %mul3A_1150, %add3A_1151 : i32
      %mul3A_1153 = arith.constant 16 : i32
      %mul3A_1154 = arith.muli %add3A_1152, %mul3A_1153 : i32
      %get3A_1155 = arith.index_cast %mul3A_1154 : i32 to index
      %get3A_1156 = tpu.vector_load %arg9[%get3A_1155] {strides = array<i32>} : memref<24576xf32, #tpu.memory_space<vmem>>, vector<16xf32>,
      %get3A_1157 = vector.shape_cast %get3A_1156 : vector<16xf32> to vector<16xf32>
      %swap3A_1158 = arith.index_cast %mul3A_1154 : i32 to index
      %swap3A_1159 = tpu.vector_load %arg6[%swap3A_1158] {strides = array<i32>} : memref<24576xf32, #tpu.memory_space<vmem>>, vector<16xf32>,
      %swap3A_1160 = vector.shape_cast %swap3A_1159 : vector<16xf32> to vector<16xf32>
      %swap3A_1161 = vector.shape_cast %get3A_1157 : vector<16xf32> to vector<16xf32>
      tpu.vector_store %arg6[%swap3A_1158], %swap3A_1161 {add = true, strides = array<i32>} : memref<24576xf32, #tpu.memory_space<vmem>>, vector<16xf32>,
      %scan3A_1162 = arith.constant 0 : i32
      scf.yield %scan3A_1162 : i32
    }
    %scan3A_471 = arith.constant 192 : i32
    %add3A_472 = arith.constant 6291456 : i32
    %add3A_473 = arith.addi %add3A_472, %mul3A_4 : i32
    %add3A_474 = arith.constant 73728 : i32
    %add3A_475 = arith.addi %add3A_473, %add3A_474 : i32
    %dma_start3A_476 = tpu.memref_slice %arg4[%add3A_475] : memref<25165824xf32, #tpu.memory_space<hbm>> -> memref<24576xf32, #tpu.memory_space<hbm>>
    %dma_start3A_477 = tpu.memref_slice %arg4[%add3A_475] : memref<25165824xf32, #tpu.memory_space<hbm>> -> memref<24576xf32, #tpu.memory_space<hbm>>
    tpu.enqueue_dma source(%arg6 : memref<24576xf32, #tpu.memory_space<vmem>>) target(%dma_start3A_477 : memref<24576xf32, #tpu.memory_space<hbm>>) target_semaphore(%arg14 : memref<!tpu.dma_semaphore, #tpu.memory_space<semaphore_mem>>)
    %add3A_478 = arith.constant 6291456 : i32
    %add3A_479 = arith.addi %add3A_478, %mul3A_4 : i32
    %add3A_480 = arith.constant 73728 : i32
    %add3A_481 = arith.addi %add3A_479, %add3A_480 : i32
    %dma_wait3A_482 = tpu.memref_slice %arg4[%add3A_481] : memref<25165824xf32, #tpu.memory_space<hbm>> -> memref<24576xf32, #tpu.memory_space<hbm>>
    %dma_wait3A_483 = tpu.memref_slice %arg4[%add3A_481] : memref<25165824xf32, #tpu.memory_space<hbm>> -> memref<24576xf32, #tpu.memory_space<hbm>>
    tpu.wait_dma2 semaphore(%arg14 : memref<!tpu.dma_semaphore, #tpu.memory_space<semaphore_mem>>) src(%arg6 : memref<24576xf32, #tpu.memory_space<vmem>>) dst(%dma_wait3A_483 : memref<24576xf32, #tpu.memory_space<hbm>>)
    %add3A_484 = arith.constant 0 : i32
    %add3A_485 = arith.addi %add3A_484, %mul3A_4 : i32
    %add3A_486 = arith.constant 98304 : i32
    %add3A_487 = arith.addi %add3A_485, %add3A_486 : i32
    %dma_start3A_488 = tpu.memref_slice %arg2[%add3A_487] : memref<25165824xf32, #tpu.memory_space<hbm>> -> memref<24576xf32, #tpu.memory_space<hbm>>
    %dma_start3A_489 = tpu.memref_slice %arg2[%add3A_487] : memref<25165824xf32, #tpu.memory_space<hbm>> -> memref<24576xf32, #tpu.memory_space<hbm>>
    tpu.enqueue_dma source(%dma_start3A_489 : memref<24576xf32, #tpu.memory_space<hbm>>) target(%arg6 : memref<24576xf32, #tpu.memory_space<vmem>>) target_semaphore(%arg11 : memref<!tpu.dma_semaphore, #tpu.memory_space<semaphore_mem>>)
    %add3A_490 = arith.constant 12582912 : i32
    %add3A_491 = arith.addi %add3A_490, %mul3A_4 : i32
    %add3A_492 = arith.constant 73728 : i32
    %add3A_493 = arith.addi %add3A_491, %add3A_492 : i32
    %dma_wait3A_494 = tpu.memref_slice %arg2[%add3A_493] : memref<25165824xf32, #tpu.memory_space<hbm>> -> memref<24576xf32, #tpu.memory_space<hbm>>
    %dma_wait3A_495 = tpu.memref_slice %arg2[%add3A_493] : memref<25165824xf32, #tpu.memory_space<hbm>> -> memref<24576xf32, #tpu.memory_space<hbm>>
    tpu.wait_dma2 semaphore(%arg12 : memref<!tpu.dma_semaphore, #tpu.memory_space<semaphore_mem>>) src(%dma_wait3A_495 : memref<24576xf32, #tpu.memory_space<hbm>>) dst(%arg7 : memref<24576xf32, #tpu.memory_space<vmem>>)
    %scan3A_496 = arith.constant 0 : i32
    %scan3A_497 = arith.constant 0 : i32
    %scan3A_498 = arith.constant 192 : i32
    %scan3A_499 = arith.addi %scan3A_497, %scan3A_498 : i32
    %scan3A_500 = arith.constant 1 : i32
    %scan3A_501 = scf.for %scan3A_1058 = %scan3A_497 to %scan3A_499 step %scan3A_500 iter_args(%scan3A_1059 = %scan3A_496) -> (i32)  : i32 {
      %mul3A_1060 = arith.constant 8 : i32
      %mul3A_1061 = arith.muli %scan3A_1058, %mul3A_1060 : i32
      %add3A_1062 = arith.constant 0 : i32
      %add3A_1063 = arith.addi %mul3A_1061, %add3A_1062 : i32
      %mul3A_1064 = arith.constant 16 : i32
      %mul3A_1065 = arith.muli %add3A_1063, %mul3A_1064 : i32
      %get3A = arith.index_cast %mul3A_1065 : i32 to index
      %get3A_1066 = tpu.vector_load %arg9[%get3A] {strides = array<i32>} : memref<24576xf32, #tpu.memory_space<vmem>>, vector<16xf32>,
      %get3A_1067 = vector.shape_cast %get3A_1066 : vector<16xf32> to vector<16xf32>
      %swap3A = arith.index_cast %mul3A_1065 : i32 to index
      %swap3A_1068 = tpu.vector_load %arg7[%swap3A] {strides = array<i32>} : memref<24576xf32, #tpu.memory_space<vmem>>, vector<16xf32>,
      %swap3A_1069 = vector.shape_cast %swap3A_1068 : vector<16xf32> to vector<16xf32>
      %swap3A_1070 = vector.shape_cast %get3A_1067 : vector<16xf32> to vector<16xf32>
      tpu.vector_store %arg7[%swap3A], %swap3A_1070 {add = true, strides = array<i32>} : memref<24576xf32, #tpu.memory_space<vmem>>, vector<16xf32>,
      %mul3A_1071 = arith.constant 8 : i32
      %mul3A_1072 = arith.muli %scan3A_1058, %mul3A_1071 : i32
      %add3A_1073 = arith.constant 1 : i32
      %add3A_1074 = arith.addi %mul3A_1072, %add3A_1073 : i32
      %mul3A_1075 = arith.constant 16 : i32
      %mul3A_1076 = arith.muli %add3A_1074, %mul3A_1075 : i32
      %get3A_1077 = arith.index_cast %mul3A_1076 : i32 to index
      %get3A_1078 = tpu.vector_load %arg9[%get3A_1077] {strides = array<i32>} : memref<24576xf32, #tpu.memory_space<vmem>>, vector<16xf32>,
      %get3A_1079 = vector.shape_cast %get3A_1078 : vector<16xf32> to vector<16xf32>
      %swap3A_1080 = arith.index_cast %mul3A_1076 : i32 to index
      %swap3A_1081 = tpu.vector_load %arg7[%swap3A_1080] {strides = array<i32>} : memref<24576xf32, #tpu.memory_space<vmem>>, vector<16xf32>,
      %swap3A_1082 = vector.shape_cast %swap3A_1081 : vector<16xf32> to vector<16xf32>
      %swap3A_1083 = vector.shape_cast %get3A_1079 : vector<16xf32> to vector<16xf32>
      tpu.vector_store %arg7[%swap3A_1080], %swap3A_1083 {add = true, strides = array<i32>} : memref<24576xf32, #tpu.memory_space<vmem>>, vector<16xf32>,
      %mul3A_1084 = arith.constant 8 : i32
      %mul3A_1085 = arith.muli %scan3A_1058, %mul3A_1084 : i32
      %add3A_1086 = arith.constant 2 : i32
      %add3A_1087 = arith.addi %mul3A_1085, %add3A_1086 : i32
      %mul3A_1088 = arith.constant 16 : i32
      %mul3A_1089 = arith.muli %add3A_1087, %mul3A_1088 : i32
      %get3A_1090 = arith.index_cast %mul3A_1089 : i32 to index
      %get3A_1091 = tpu.vector_load %arg9[%get3A_1090] {strides = array<i32>} : memref<24576xf32, #tpu.memory_space<vmem>>, vector<16xf32>,
      %get3A_1092 = vector.shape_cast %get3A_1091 : vector<16xf32> to vector<16xf32>
      %swap3A_1093 = arith.index_cast %mul3A_1089 : i32 to index
      %swap3A_1094 = tpu.vector_load %arg7[%swap3A_1093] {strides = array<i32>} : memref<24576xf32, #tpu.memory_space<vmem>>, vector<16xf32>,
      %swap3A_1095 = vector.shape_cast %swap3A_1094 : vector<16xf32> to vector<16xf32>
      %swap3A_1096 = vector.shape_cast %get3A_1092 : vector<16xf32> to vector<16xf32>
      tpu.vector_store %arg7[%swap3A_1093], %swap3A_1096 {add = true, strides = array<i32>} : memref<24576xf32, #tpu.memory_space<vmem>>, vector<16xf32>,
      %mul3A_1097 = arith.constant 8 : i32
      %mul3A_1098 = arith.muli %scan3A_1058, %mul3A_1097 : i32
      %add3A_1099 = arith.constant 3 : i32
      %add3A_1100 = arith.addi %mul3A_1098, %add3A_1099 : i32
      %mul3A_1101 = arith.constant 16 : i32
      %mul3A_1102 = arith.muli %add3A_1100, %mul3A_1101 : i32
      %get3A_1103 = arith.index_cast %mul3A_1102 : i32 to index
      %get3A_1104 = tpu.vector_load %arg9[%get3A_1103] {strides = array<i32>} : memref<24576xf32, #tpu.memory_space<vmem>>, vector<16xf32>,
      %get3A_1105 = vector.shape_cast %get3A_1104 : vector<16xf32> to vector<16xf32>
      %swap3A_1106 = arith.index_cast %mul3A_1102 : i32 to index
      %swap3A_1107 = tpu.vector_load %arg7[%swap3A_1106] {strides = array<i32>} : memref<24576xf32, #tpu.memory_space<vmem>>, vector<16xf32>,
      %swap3A_1108 = vector.shape_cast %swap3A_1107 : vector<16xf32> to vector<16xf32>
      %swap3A_1109 = vector.shape_cast %get3A_1105 : vector<16xf32> to vector<16xf32>
      tpu.vector_store %arg7[%swap3A_1106], %swap3A_1109 {add = true, strides = array<i32>} : memref<24576xf32, #tpu.memory_space<vmem>>, vector<16xf32>,
      %mul3A_1110 = arith.constant 8 : i32
      %mul3A_1111 = arith.muli %scan3A_1058, %mul3A_1110 : i32
      %add3A_1112 = arith.constant 4 : i32
      %add3A_1113 = arith.addi %mul3A_1111, %add3A_1112 : i32
      %mul3A_1114 = arith.constant 16 : i32
      %mul3A_1115 = arith.muli %add3A_1113, %mul3A_1114 : i32
      %get3A_1116 = arith.index_cast %mul3A_1115 : i32 to index
      %get3A_1117 = tpu.vector_load %arg9[%get3A_1116] {strides = array<i32>} : memref<24576xf32, #tpu.memory_space<vmem>>, vector<16xf32>,
      %get3A_1118 = vector.shape_cast %get3A_1117 : vector<16xf32> to vector<16xf32>
      %swap3A_1119 = arith.index_cast %mul3A_1115 : i32 to index
      %swap3A_1120 = tpu.vector_load %arg7[%swap3A_1119] {strides = array<i32>} : memref<24576xf32, #tpu.memory_space<vmem>>, vector<16xf32>,
      %swap3A_1121 = vector.shape_cast %swap3A_1120 : vector<16xf32> to vector<16xf32>
      %swap3A_1122 = vector.shape_cast %get3A_1118 : vector<16xf32> to vector<16xf32>
      tpu.vector_store %arg7[%swap3A_1119], %swap3A_1122 {add = true, strides = array<i32>} : memref<24576xf32, #tpu.memory_space<vmem>>, vector<16xf32>,
      %mul3A_1123 = arith.constant 8 : i32
      %mul3A_1124 = arith.muli %scan3A_1058, %mul3A_1123 : i32
      %add3A_1125 = arith.constant 5 : i32
      %add3A_1126 = arith.addi %mul3A_1124, %add3A_1125 : i32
      %mul3A_1127 = arith.constant 16 : i32
      %mul3A_1128 = arith.muli %add3A_1126, %mul3A_1127 : i32
      %get3A_1129 = arith.index_cast %mul3A_1128 : i32 to index
      %get3A_1130 = tpu.vector_load %arg9[%get3A_1129] {strides = array<i32>} : memref<24576xf32, #tpu.memory_space<vmem>>, vector<16xf32>,
      %get3A_1131 = vector.shape_cast %get3A_1130 : vector<16xf32> to vector<16xf32>
      %swap3A_1132 = arith.index_cast %mul3A_1128 : i32 to index
      %swap3A_1133 = tpu.vector_load %arg7[%swap3A_1132] {strides = array<i32>} : memref<24576xf32, #tpu.memory_space<vmem>>, vector<16xf32>,
      %swap3A_1134 = vector.shape_cast %swap3A_1133 : vector<16xf32> to vector<16xf32>
      %swap3A_1135 = vector.shape_cast %get3A_1131 : vector<16xf32> to vector<16xf32>
      tpu.vector_store %arg7[%swap3A_1132], %swap3A_1135 {add = true, strides = array<i32>} : memref<24576xf32, #tpu.memory_space<vmem>>, vector<16xf32>,
      %mul3A_1136 = arith.constant 8 : i32
      %mul3A_1137 = arith.muli %scan3A_1058, %mul3A_1136 : i32
      %add3A_1138 = arith.constant 6 : i32
      %add3A_1139 = arith.addi %mul3A_1137, %add3A_1138 : i32
      %mul3A_1140 = arith.constant 16 : i32
      %mul3A_1141 = arith.muli %add3A_1139, %mul3A_1140 : i32
      %get3A_1142 = arith.index_cast %mul3A_1141 : i32 to index
      %get3A_1143 = tpu.vector_load %arg9[%get3A_1142] {strides = array<i32>} : memref<24576xf32, #tpu.memory_space<vmem>>, vector<16xf32>,
      %get3A_1144 = vector.shape_cast %get3A_1143 : vector<16xf32> to vector<16xf32>
      %swap3A_1145 = arith.index_cast %mul3A_1141 : i32 to index
      %swap3A_1146 = tpu.vector_load %arg7[%swap3A_1145] {strides = array<i32>} : memref<24576xf32, #tpu.memory_space<vmem>>, vector<16xf32>,
      %swap3A_1147 = vector.shape_cast %swap3A_1146 : vector<16xf32> to vector<16xf32>
      %swap3A_1148 = vector.shape_cast %get3A_1144 : vector<16xf32> to vector<16xf32>
      tpu.vector_store %arg7[%swap3A_1145], %swap3A_1148 {add = true, strides = array<i32>} : memref<24576xf32, #tpu.memory_space<vmem>>, vector<16xf32>,
      %mul3A_1149 = arith.constant 8 : i32
      %mul3A_1150 = arith.muli %scan3A_1058, %mul3A_1149 : i32
      %add3A_1151 = arith.constant 7 : i32
      %add3A_1152 = arith.addi %mul3A_1150, %add3A_1151 : i32
      %mul3A_1153 = arith.constant 16 : i32
      %mul3A_1154 = arith.muli %add3A_1152, %mul3A_1153 : i32
      %get3A_1155 = arith.index_cast %mul3A_1154 : i32 to index
      %get3A_1156 = tpu.vector_load %arg9[%get3A_1155] {strides = array<i32>} : memref<24576xf32, #tpu.memory_space<vmem>>, vector<16xf32>,
      %get3A_1157 = vector.shape_cast %get3A_1156 : vector<16xf32> to vector<16xf32>
      %swap3A_1158 = arith.index_cast %mul3A_1154 : i32 to index
      %swap3A_1159 = tpu.vector_load %arg7[%swap3A_1158] {strides = array<i32>} : memref<24576xf32, #tpu.memory_space<vmem>>, vector<16xf32>,
      %swap3A_1160 = vector.shape_cast %swap3A_1159 : vector<16xf32> to vector<16xf32>
      %swap3A_1161 = vector.shape_cast %get3A_1157 : vector<16xf32> to vector<16xf32>
      tpu.vector_store %arg7[%swap3A_1158], %swap3A_1161 {add = true, strides = array<i32>} : memref<24576xf32, #tpu.memory_space<vmem>>, vector<16xf32>,
      %scan3A_1162 = arith.constant 0 : i32
      scf.yield %scan3A_1162 : i32
    }
    %scan3A_502 = arith.constant 192 : i32
    %add3A_503 = arith.constant 12582912 : i32
    %add3A_504 = arith.addi %add3A_503, %mul3A_4 : i32
    %add3A_505 = arith.constant 73728 : i32
    %add3A_506 = arith.addi %add3A_504, %add3A_505 : i32
    %dma_start3A_507 = tpu.memref_slice %arg4[%add3A_506] : memref<25165824xf32, #tpu.memory_space<hbm>> -> memref<24576xf32, #tpu.memory_space<hbm>>
    %dma_start3A_508 = tpu.memref_slice %arg4[%add3A_506] : memref<25165824xf32, #tpu.memory_space<hbm>> -> memref<24576xf32, #tpu.memory_space<hbm>>
    tpu.enqueue_dma source(%arg7 : memref<24576xf32, #tpu.memory_space<vmem>>) target(%dma_start3A_508 : memref<24576xf32, #tpu.memory_space<hbm>>) target_semaphore(%arg15 : memref<!tpu.dma_semaphore, #tpu.memory_space<semaphore_mem>>)
    %add3A_509 = arith.constant 12582912 : i32
    %add3A_510 = arith.addi %add3A_509, %mul3A_4 : i32
    %add3A_511 = arith.constant 73728 : i32
    %add3A_512 = arith.addi %add3A_510, %add3A_511 : i32
    %dma_wait3A_513 = tpu.memref_slice %arg4[%add3A_512] : memref<25165824xf32, #tpu.memory_space<hbm>> -> memref<24576xf32, #tpu.memory_space<hbm>>
    %dma_wait3A_514 = tpu.memref_slice %arg4[%add3A_512] : memref<25165824xf32, #tpu.memory_space<hbm>> -> memref<24576xf32, #tpu.memory_space<hbm>>
    tpu.wait_dma2 semaphore(%arg15 : memref<!tpu.dma_semaphore, #tpu.memory_space<semaphore_mem>>) src(%arg7 : memref<24576xf32, #tpu.memory_space<vmem>>) dst(%dma_wait3A_514 : memref<24576xf32, #tpu.memory_space<hbm>>)
    %add3A_515 = arith.constant 6291456 : i32
    %add3A_516 = arith.addi %add3A_515, %mul3A_4 : i32
    %add3A_517 = arith.constant 98304 : i32
    %add3A_518 = arith.addi %add3A_516, %add3A_517 : i32
    %dma_start3A_519 = tpu.memref_slice %arg2[%add3A_518] : memref<25165824xf32, #tpu.memory_space<hbm>> -> memref<24576xf32, #tpu.memory_space<hbm>>
    %dma_start3A_520 = tpu.memref_slice %arg2[%add3A_518] : memref<25165824xf32, #tpu.memory_space<hbm>> -> memref<24576xf32, #tpu.memory_space<hbm>>
    tpu.enqueue_dma source(%dma_start3A_520 : memref<24576xf32, #tpu.memory_space<hbm>>) target(%arg7 : memref<24576xf32, #tpu.memory_space<vmem>>) target_semaphore(%arg12 : memref<!tpu.dma_semaphore, #tpu.memory_space<semaphore_mem>>)
    %add3A_521 = arith.constant 18874368 : i32
    %add3A_522 = arith.addi %add3A_521, %mul3A_4 : i32
    %add3A_523 = arith.constant 73728 : i32
    %add3A_524 = arith.addi %add3A_522, %add3A_523 : i32
    %dma_wait3A_525 = tpu.memref_slice %arg2[%add3A_524] : memref<25165824xf32, #tpu.memory_space<hbm>> -> memref<24576xf32, #tpu.memory_space<hbm>>
    %dma_wait3A_526 = tpu.memref_slice %arg2[%add3A_524] : memref<25165824xf32, #tpu.memory_space<hbm>> -> memref<24576xf32, #tpu.memory_space<hbm>>
    tpu.wait_dma2 semaphore(%arg10 : memref<!tpu.dma_semaphore, #tpu.memory_space<semaphore_mem>>) src(%dma_wait3A_526 : memref<24576xf32, #tpu.memory_space<hbm>>) dst(%arg5 : memref<24576xf32, #tpu.memory_space<vmem>>)
    %scan3A_527 = arith.constant 0 : i32
    %scan3A_528 = arith.constant 0 : i32
    %scan3A_529 = arith.constant 192 : i32
    %scan3A_530 = arith.addi %scan3A_528, %scan3A_529 : i32
    %scan3A_531 = arith.constant 1 : i32
    %scan3A_532 = scf.for %scan3A_1058 = %scan3A_528 to %scan3A_530 step %scan3A_531 iter_args(%scan3A_1059 = %scan3A_527) -> (i32)  : i32 {
      %mul3A_1060 = arith.constant 8 : i32
      %mul3A_1061 = arith.muli %scan3A_1058, %mul3A_1060 : i32
      %add3A_1062 = arith.constant 0 : i32
      %add3A_1063 = arith.addi %mul3A_1061, %add3A_1062 : i32
      %mul3A_1064 = arith.constant 16 : i32
      %mul3A_1065 = arith.muli %add3A_1063, %mul3A_1064 : i32
      %get3A = arith.index_cast %mul3A_1065 : i32 to index
      %get3A_1066 = tpu.vector_load %arg9[%get3A] {strides = array<i32>} : memref<24576xf32, #tpu.memory_space<vmem>>, vector<16xf32>,
      %get3A_1067 = vector.shape_cast %get3A_1066 : vector<16xf32> to vector<16xf32>
      %swap3A = arith.index_cast %mul3A_1065 : i32 to index
      %swap3A_1068 = tpu.vector_load %arg5[%swap3A] {strides = array<i32>} : memref<24576xf32, #tpu.memory_space<vmem>>, vector<16xf32>,
      %swap3A_1069 = vector.shape_cast %swap3A_1068 : vector<16xf32> to vector<16xf32>
      %swap3A_1070 = vector.shape_cast %get3A_1067 : vector<16xf32> to vector<16xf32>
      tpu.vector_store %arg5[%swap3A], %swap3A_1070 {add = true, strides = array<i32>} : memref<24576xf32, #tpu.memory_space<vmem>>, vector<16xf32>,
      %mul3A_1071 = arith.constant 8 : i32
      %mul3A_1072 = arith.muli %scan3A_1058, %mul3A_1071 : i32
      %add3A_1073 = arith.constant 1 : i32
      %add3A_1074 = arith.addi %mul3A_1072, %add3A_1073 : i32
      %mul3A_1075 = arith.constant 16 : i32
      %mul3A_1076 = arith.muli %add3A_1074, %mul3A_1075 : i32
      %get3A_1077 = arith.index_cast %mul3A_1076 : i32 to index
      %get3A_1078 = tpu.vector_load %arg9[%get3A_1077] {strides = array<i32>} : memref<24576xf32, #tpu.memory_space<vmem>>, vector<16xf32>,
      %get3A_1079 = vector.shape_cast %get3A_1078 : vector<16xf32> to vector<16xf32>
      %swap3A_1080 = arith.index_cast %mul3A_1076 : i32 to index
      %swap3A_1081 = tpu.vector_load %arg5[%swap3A_1080] {strides = array<i32>} : memref<24576xf32, #tpu.memory_space<vmem>>, vector<16xf32>,
      %swap3A_1082 = vector.shape_cast %swap3A_1081 : vector<16xf32> to vector<16xf32>
      %swap3A_1083 = vector.shape_cast %get3A_1079 : vector<16xf32> to vector<16xf32>
      tpu.vector_store %arg5[%swap3A_1080], %swap3A_1083 {add = true, strides = array<i32>} : memref<24576xf32, #tpu.memory_space<vmem>>, vector<16xf32>,
      %mul3A_1084 = arith.constant 8 : i32
      %mul3A_1085 = arith.muli %scan3A_1058, %mul3A_1084 : i32
      %add3A_1086 = arith.constant 2 : i32
      %add3A_1087 = arith.addi %mul3A_1085, %add3A_1086 : i32
      %mul3A_1088 = arith.constant 16 : i32
      %mul3A_1089 = arith.muli %add3A_1087, %mul3A_1088 : i32
      %get3A_1090 = arith.index_cast %mul3A_1089 : i32 to index
      %get3A_1091 = tpu.vector_load %arg9[%get3A_1090] {strides = array<i32>} : memref<24576xf32, #tpu.memory_space<vmem>>, vector<16xf32>,
      %get3A_1092 = vector.shape_cast %get3A_1091 : vector<16xf32> to vector<16xf32>
      %swap3A_1093 = arith.index_cast %mul3A_1089 : i32 to index
      %swap3A_1094 = tpu.vector_load %arg5[%swap3A_1093] {strides = array<i32>} : memref<24576xf32, #tpu.memory_space<vmem>>, vector<16xf32>,
      %swap3A_1095 = vector.shape_cast %swap3A_1094 : vector<16xf32> to vector<16xf32>
      %swap3A_1096 = vector.shape_cast %get3A_1092 : vector<16xf32> to vector<16xf32>
      tpu.vector_store %arg5[%swap3A_1093], %swap3A_1096 {add = true, strides = array<i32>} : memref<24576xf32, #tpu.memory_space<vmem>>, vector<16xf32>,
      %mul3A_1097 = arith.constant 8 : i32
      %mul3A_1098 = arith.muli %scan3A_1058, %mul3A_1097 : i32
      %add3A_1099 = arith.constant 3 : i32
      %add3A_1100 = arith.addi %mul3A_1098, %add3A_1099 : i32
      %mul3A_1101 = arith.constant 16 : i32
      %mul3A_1102 = arith.muli %add3A_1100, %mul3A_1101 : i32
      %get3A_1103 = arith.index_cast %mul3A_1102 : i32 to index
      %get3A_1104 = tpu.vector_load %arg9[%get3A_1103] {strides = array<i32>} : memref<24576xf32, #tpu.memory_space<vmem>>, vector<16xf32>,
      %get3A_1105 = vector.shape_cast %get3A_1104 : vector<16xf32> to vector<16xf32>
      %swap3A_1106 = arith.index_cast %mul3A_1102 : i32 to index
      %swap3A_1107 = tpu.vector_load %arg5[%swap3A_1106] {strides = array<i32>} : memref<24576xf32, #tpu.memory_space<vmem>>, vector<16xf32>,
      %swap3A_1108 = vector.shape_cast %swap3A_1107 : vector<16xf32> to vector<16xf32>
      %swap3A_1109 = vector.shape_cast %get3A_1105 : vector<16xf32> to vector<16xf32>
      tpu.vector_store %arg5[%swap3A_1106], %swap3A_1109 {add = true, strides = array<i32>} : memref<24576xf32, #tpu.memory_space<vmem>>, vector<16xf32>,
      %mul3A_1110 = arith.constant 8 : i32
      %mul3A_1111 = arith.muli %scan3A_1058, %mul3A_1110 : i32
      %add3A_1112 = arith.constant 4 : i32
      %add3A_1113 = arith.addi %mul3A_1111, %add3A_1112 : i32
      %mul3A_1114 = arith.constant 16 : i32
      %mul3A_1115 = arith.muli %add3A_1113, %mul3A_1114 : i32
      %get3A_1116 = arith.index_cast %mul3A_1115 : i32 to index
      %get3A_1117 = tpu.vector_load %arg9[%get3A_1116] {strides = array<i32>} : memref<24576xf32, #tpu.memory_space<vmem>>, vector<16xf32>,
      %get3A_1118 = vector.shape_cast %get3A_1117 : vector<16xf32> to vector<16xf32>
      %swap3A_1119 = arith.index_cast %mul3A_1115 : i32 to index
      %swap3A_1120 = tpu.vector_load %arg5[%swap3A_1119] {strides = array<i32>} : memref<24576xf32, #tpu.memory_space<vmem>>, vector<16xf32>,
      %swap3A_1121 = vector.shape_cast %swap3A_1120 : vector<16xf32> to vector<16xf32>
      %swap3A_1122 = vector.shape_cast %get3A_1118 : vector<16xf32> to vector<16xf32>
      tpu.vector_store %arg5[%swap3A_1119], %swap3A_1122 {add = true, strides = array<i32>} : memref<24576xf32, #tpu.memory_space<vmem>>, vector<16xf32>,
      %mul3A_1123 = arith.constant 8 : i32
      %mul3A_1124 = arith.muli %scan3A_1058, %mul3A_1123 : i32
      %add3A_1125 = arith.constant 5 : i32
      %add3A_1126 = arith.addi %mul3A_1124, %add3A_1125 : i32
      %mul3A_1127 = arith.constant 16 : i32
      %mul3A_1128 = arith.muli %add3A_1126, %mul3A_1127 : i32
      %get3A_1129 = arith.index_cast %mul3A_1128 : i32 to index
      %get3A_1130 = tpu.vector_load %arg9[%get3A_1129] {strides = array<i32>} : memref<24576xf32, #tpu.memory_space<vmem>>, vector<16xf32>,
      %get3A_1131 = vector.shape_cast %get3A_1130 : vector<16xf32> to vector<16xf32>
      %swap3A_1132 = arith.index_cast %mul3A_1128 : i32 to index
      %swap3A_1133 = tpu.vector_load %arg5[%swap3A_1132] {strides = array<i32>} : memref<24576xf32, #tpu.memory_space<vmem>>, vector<16xf32>,
      %swap3A_1134 = vector.shape_cast %swap3A_1133 : vector<16xf32> to vector<16xf32>
      %swap3A_1135 = vector.shape_cast %get3A_1131 : vector<16xf32> to vector<16xf32>
      tpu.vector_store %arg5[%swap3A_1132], %swap3A_1135 {add = true, strides = array<i32>} : memref<24576xf32, #tpu.memory_space<vmem>>, vector<16xf32>,
      %mul3A_1136 = arith.constant 8 : i32
      %mul3A_1137 = arith.muli %scan3A_1058, %mul3A_1136 : i32
      %add3A_1138 = arith.constant 6 : i32
      %add3A_1139 = arith.addi %mul3A_1137, %add3A_1138 : i32
      %mul3A_1140 = arith.constant 16 : i32
      %mul3A_1141 = arith.muli %add3A_1139, %mul3A_1140 : i32
      %get3A_1142 = arith.index_cast %mul3A_1141 : i32 to index
      %get3A_1143 = tpu.vector_load %arg9[%get3A_1142] {strides = array<i32>} : memref<24576xf32, #tpu.memory_space<vmem>>, vector<16xf32>,
      %get3A_1144 = vector.shape_cast %get3A_1143 : vector<16xf32> to vector<16xf32>
      %swap3A_1145 = arith.index_cast %mul3A_1141 : i32 to index
      %swap3A_1146 = tpu.vector_load %arg5[%swap3A_1145] {strides = array<i32>} : memref<24576xf32, #tpu.memory_space<vmem>>, vector<16xf32>,
      %swap3A_1147 = vector.shape_cast %swap3A_1146 : vector<16xf32> to vector<16xf32>
      %swap3A_1148 = vector.shape_cast %get3A_1144 : vector<16xf32> to vector<16xf32>
      tpu.vector_store %arg5[%swap3A_1145], %swap3A_1148 {add = true, strides = array<i32>} : memref<24576xf32, #tpu.memory_space<vmem>>, vector<16xf32>,
      %mul3A_1149 = arith.constant 8 : i32
      %mul3A_1150 = arith.muli %scan3A_1058, %mul3A_1149 : i32
      %add3A_1151 = arith.constant 7 : i32
      %add3A_1152 = arith.addi %mul3A_1150, %add3A_1151 : i32
      %mul3A_1153 = arith.constant 16 : i32
      %mul3A_1154 = arith.muli %add3A_1152, %mul3A_1153 : i32
      %get3A_1155 = arith.index_cast %mul3A_1154 : i32 to index
      %get3A_1156 = tpu.vector_load %arg9[%get3A_1155] {strides = array<i32>} : memref<24576xf32, #tpu.memory_space<vmem>>, vector<16xf32>,
      %get3A_1157 = vector.shape_cast %get3A_1156 : vector<16xf32> to vector<16xf32>
      %swap3A_1158 = arith.index_cast %mul3A_1154 : i32 to index
      %swap3A_1159 = tpu.vector_load %arg5[%swap3A_1158] {strides = array<i32>} : memref<24576xf32, #tpu.memory_space<vmem>>, vector<16xf32>,
      %swap3A_1160 = vector.shape_cast %swap3A_1159 : vector<16xf32> to vector<16xf32>
      %swap3A_1161 = vector.shape_cast %get3A_1157 : vector<16xf32> to vector<16xf32>
      tpu.vector_store %arg5[%swap3A_1158], %swap3A_1161 {add = true, strides = array<i32>} : memref<24576xf32, #tpu.memory_space<vmem>>, vector<16xf32>,
      %scan3A_1162 = arith.constant 0 : i32
      scf.yield %scan3A_1162 : i32
    }
    %scan3A_533 = arith.constant 192 : i32
    %add3A_534 = arith.constant 18874368 : i32
    %add3A_535 = arith.addi %add3A_534, %mul3A_4 : i32
    %add3A_536 = arith.constant 73728 : i32
    %add3A_537 = arith.addi %add3A_535, %add3A_536 : i32
    %dma_start3A_538 = tpu.memref_slice %arg4[%add3A_537] : memref<25165824xf32, #tpu.memory_space<hbm>> -> memref<24576xf32, #tpu.memory_space<hbm>>
    %dma_start3A_539 = tpu.memref_slice %arg4[%add3A_537] : memref<25165824xf32, #tpu.memory_space<hbm>> -> memref<24576xf32, #tpu.memory_space<hbm>>
    tpu.enqueue_dma source(%arg5 : memref<24576xf32, #tpu.memory_space<vmem>>) target(%dma_start3A_539 : memref<24576xf32, #tpu.memory_space<hbm>>) target_semaphore(%arg13 : memref<!tpu.dma_semaphore, #tpu.memory_space<semaphore_mem>>)
    %add3A_540 = arith.constant 122880 : i32
    %add3A_541 = arith.addi %mul3A_4, %add3A_540 : i32
    %dma_start3A_542 = tpu.memref_slice %arg3[%add3A_541] : memref<6291456xf32, #tpu.memory_space<hbm>> -> memref<24576xf32, #tpu.memory_space<hbm>>
    %dma_start3A_543 = tpu.memref_slice %arg3[%add3A_541] : memref<6291456xf32, #tpu.memory_space<hbm>> -> memref<24576xf32, #tpu.memory_space<hbm>>
    tpu.enqueue_dma source(%dma_start3A_543 : memref<24576xf32, #tpu.memory_space<hbm>>) target(%arg9 : memref<24576xf32, #tpu.memory_space<vmem>>) target_semaphore(%arg17 : memref<!tpu.dma_semaphore, #tpu.memory_space<semaphore_mem>>)
    %add3A_544 = arith.constant 18874368 : i32
    %add3A_545 = arith.addi %add3A_544, %mul3A_4 : i32
    %add3A_546 = arith.constant 73728 : i32
    %add3A_547 = arith.addi %add3A_545, %add3A_546 : i32
    %dma_wait3A_548 = tpu.memref_slice %arg4[%add3A_547] : memref<25165824xf32, #tpu.memory_space<hbm>> -> memref<24576xf32, #tpu.memory_space<hbm>>
    %dma_wait3A_549 = tpu.memref_slice %arg4[%add3A_547] : memref<25165824xf32, #tpu.memory_space<hbm>> -> memref<24576xf32, #tpu.memory_space<hbm>>
    tpu.wait_dma2 semaphore(%arg13 : memref<!tpu.dma_semaphore, #tpu.memory_space<semaphore_mem>>) src(%arg5 : memref<24576xf32, #tpu.memory_space<vmem>>) dst(%dma_wait3A_549 : memref<24576xf32, #tpu.memory_space<hbm>>)
    %add3A_550 = arith.constant 12582912 : i32
    %add3A_551 = arith.addi %add3A_550, %mul3A_4 : i32
    %add3A_552 = arith.constant 98304 : i32
    %add3A_553 = arith.addi %add3A_551, %add3A_552 : i32
    %dma_start3A_554 = tpu.memref_slice %arg2[%add3A_553] : memref<25165824xf32, #tpu.memory_space<hbm>> -> memref<24576xf32, #tpu.memory_space<hbm>>
    %dma_start3A_555 = tpu.memref_slice %arg2[%add3A_553] : memref<25165824xf32, #tpu.memory_space<hbm>> -> memref<24576xf32, #tpu.memory_space<hbm>>
    tpu.enqueue_dma source(%dma_start3A_555 : memref<24576xf32, #tpu.memory_space<hbm>>) target(%arg5 : memref<24576xf32, #tpu.memory_space<vmem>>) target_semaphore(%arg10 : memref<!tpu.dma_semaphore, #tpu.memory_space<semaphore_mem>>)
    %add3A_556 = arith.constant 0 : i32
    %add3A_557 = arith.addi %add3A_556, %mul3A_4 : i32
    %add3A_558 = arith.constant 98304 : i32
    %add3A_559 = arith.addi %add3A_557, %add3A_558 : i32
    %dma_wait3A_560 = tpu.memref_slice %arg2[%add3A_559] : memref<25165824xf32, #tpu.memory_space<hbm>> -> memref<24576xf32, #tpu.memory_space<hbm>>
    %dma_wait3A_561 = tpu.memref_slice %arg2[%add3A_559] : memref<25165824xf32, #tpu.memory_space<hbm>> -> memref<24576xf32, #tpu.memory_space<hbm>>
    tpu.wait_dma2 semaphore(%arg11 : memref<!tpu.dma_semaphore, #tpu.memory_space<semaphore_mem>>) src(%dma_wait3A_561 : memref<24576xf32, #tpu.memory_space<hbm>>) dst(%arg6 : memref<24576xf32, #tpu.memory_space<vmem>>)
    %add3A_562 = arith.constant 98304 : i32
    %add3A_563 = arith.addi %mul3A_4, %add3A_562 : i32
    %dma_wait3A_564 = tpu.memref_slice %arg3[%add3A_563] : memref<6291456xf32, #tpu.memory_space<hbm>> -> memref<24576xf32, #tpu.memory_space<hbm>>
    %dma_wait3A_565 = tpu.memref_slice %arg3[%add3A_563] : memref<6291456xf32, #tpu.memory_space<hbm>> -> memref<24576xf32, #tpu.memory_space<hbm>>
    tpu.wait_dma2 semaphore(%arg16 : memref<!tpu.dma_semaphore, #tpu.memory_space<semaphore_mem>>) src(%dma_wait3A_565 : memref<24576xf32, #tpu.memory_space<hbm>>) dst(%arg8 : memref<24576xf32, #tpu.memory_space<vmem>>)
    %scan3A_566 = arith.constant 0 : i32
    %scan3A_567 = arith.constant 0 : i32
    %scan3A_568 = arith.constant 192 : i32
    %scan3A_569 = arith.addi %scan3A_567, %scan3A_568 : i32
    %scan3A_570 = arith.constant 1 : i32
    %scan3A_571 = scf.for %scan3A_1058 = %scan3A_567 to %scan3A_569 step %scan3A_570 iter_args(%scan3A_1059 = %scan3A_566) -> (i32)  : i32 {
      %mul3A_1060 = arith.constant 8 : i32
      %mul3A_1061 = arith.muli %scan3A_1058, %mul3A_1060 : i32
      %add3A_1062 = arith.constant 0 : i32
      %add3A_1063 = arith.addi %mul3A_1061, %add3A_1062 : i32
      %mul3A_1064 = arith.constant 16 : i32
      %mul3A_1065 = arith.muli %add3A_1063, %mul3A_1064 : i32
      %get3A = arith.index_cast %mul3A_1065 : i32 to index
      %get3A_1066 = tpu.vector_load %arg8[%get3A] {strides = array<i32>} : memref<24576xf32, #tpu.memory_space<vmem>>, vector<16xf32>,
      %get3A_1067 = vector.shape_cast %get3A_1066 : vector<16xf32> to vector<16xf32>
      %swap3A = arith.index_cast %mul3A_1065 : i32 to index
      %swap3A_1068 = tpu.vector_load %arg6[%swap3A] {strides = array<i32>} : memref<24576xf32, #tpu.memory_space<vmem>>, vector<16xf32>,
      %swap3A_1069 = vector.shape_cast %swap3A_1068 : vector<16xf32> to vector<16xf32>
      %swap3A_1070 = vector.shape_cast %get3A_1067 : vector<16xf32> to vector<16xf32>
      tpu.vector_store %arg6[%swap3A], %swap3A_1070 {add = true, strides = array<i32>} : memref<24576xf32, #tpu.memory_space<vmem>>, vector<16xf32>,
      %mul3A_1071 = arith.constant 8 : i32
      %mul3A_1072 = arith.muli %scan3A_1058, %mul3A_1071 : i32
      %add3A_1073 = arith.constant 1 : i32
      %add3A_1074 = arith.addi %mul3A_1072, %add3A_1073 : i32
      %mul3A_1075 = arith.constant 16 : i32
      %mul3A_1076 = arith.muli %add3A_1074, %mul3A_1075 : i32
      %get3A_1077 = arith.index_cast %mul3A_1076 : i32 to index
      %get3A_1078 = tpu.vector_load %arg8[%get3A_1077] {strides = array<i32>} : memref<24576xf32, #tpu.memory_space<vmem>>, vector<16xf32>,
      %get3A_1079 = vector.shape_cast %get3A_1078 : vector<16xf32> to vector<16xf32>
      %swap3A_1080 = arith.index_cast %mul3A_1076 : i32 to index
      %swap3A_1081 = tpu.vector_load %arg6[%swap3A_1080] {strides = array<i32>} : memref<24576xf32, #tpu.memory_space<vmem>>, vector<16xf32>,
      %swap3A_1082 = vector.shape_cast %swap3A_1081 : vector<16xf32> to vector<16xf32>
      %swap3A_1083 = vector.shape_cast %get3A_1079 : vector<16xf32> to vector<16xf32>
      tpu.vector_store %arg6[%swap3A_1080], %swap3A_1083 {add = true, strides = array<i32>} : memref<24576xf32, #tpu.memory_space<vmem>>, vector<16xf32>,
      %mul3A_1084 = arith.constant 8 : i32
      %mul3A_1085 = arith.muli %scan3A_1058, %mul3A_1084 : i32
      %add3A_1086 = arith.constant 2 : i32
      %add3A_1087 = arith.addi %mul3A_1085, %add3A_1086 : i32
      %mul3A_1088 = arith.constant 16 : i32
      %mul3A_1089 = arith.muli %add3A_1087, %mul3A_1088 : i32
      %get3A_1090 = arith.index_cast %mul3A_1089 : i32 to index
      %get3A_1091 = tpu.vector_load %arg8[%get3A_1090] {strides = array<i32>} : memref<24576xf32, #tpu.memory_space<vmem>>, vector<16xf32>,
      %get3A_1092 = vector.shape_cast %get3A_1091 : vector<16xf32> to vector<16xf32>
      %swap3A_1093 = arith.index_cast %mul3A_1089 : i32 to index
      %swap3A_1094 = tpu.vector_load %arg6[%swap3A_1093] {strides = array<i32>} : memref<24576xf32, #tpu.memory_space<vmem>>, vector<16xf32>,
      %swap3A_1095 = vector.shape_cast %swap3A_1094 : vector<16xf32> to vector<16xf32>
      %swap3A_1096 = vector.shape_cast %get3A_1092 : vector<16xf32> to vector<16xf32>
      tpu.vector_store %arg6[%swap3A_1093], %swap3A_1096 {add = true, strides = array<i32>} : memref<24576xf32, #tpu.memory_space<vmem>>, vector<16xf32>,
      %mul3A_1097 = arith.constant 8 : i32
      %mul3A_1098 = arith.muli %scan3A_1058, %mul3A_1097 : i32
      %add3A_1099 = arith.constant 3 : i32
      %add3A_1100 = arith.addi %mul3A_1098, %add3A_1099 : i32
      %mul3A_1101 = arith.constant 16 : i32
      %mul3A_1102 = arith.muli %add3A_1100, %mul3A_1101 : i32
      %get3A_1103 = arith.index_cast %mul3A_1102 : i32 to index
      %get3A_1104 = tpu.vector_load %arg8[%get3A_1103] {strides = array<i32>} : memref<24576xf32, #tpu.memory_space<vmem>>, vector<16xf32>,
      %get3A_1105 = vector.shape_cast %get3A_1104 : vector<16xf32> to vector<16xf32>
      %swap3A_1106 = arith.index_cast %mul3A_1102 : i32 to index
      %swap3A_1107 = tpu.vector_load %arg6[%swap3A_1106] {strides = array<i32>} : memref<24576xf32, #tpu.memory_space<vmem>>, vector<16xf32>,
      %swap3A_1108 = vector.shape_cast %swap3A_1107 : vector<16xf32> to vector<16xf32>
      %swap3A_1109 = vector.shape_cast %get3A_1105 : vector<16xf32> to vector<16xf32>
      tpu.vector_store %arg6[%swap3A_1106], %swap3A_1109 {add = true, strides = array<i32>} : memref<24576xf32, #tpu.memory_space<vmem>>, vector<16xf32>,
      %mul3A_1110 = arith.constant 8 : i32
      %mul3A_1111 = arith.muli %scan3A_1058, %mul3A_1110 : i32
      %add3A_1112 = arith.constant 4 : i32
      %add3A_1113 = arith.addi %mul3A_1111, %add3A_1112 : i32
      %mul3A_1114 = arith.constant 16 : i32
      %mul3A_1115 = arith.muli %add3A_1113, %mul3A_1114 : i32
      %get3A_1116 = arith.index_cast %mul3A_1115 : i32 to index
      %get3A_1117 = tpu.vector_load %arg8[%get3A_1116] {strides = array<i32>} : memref<24576xf32, #tpu.memory_space<vmem>>, vector<16xf32>,
      %get3A_1118 = vector.shape_cast %get3A_1117 : vector<16xf32> to vector<16xf32>
      %swap3A_1119 = arith.index_cast %mul3A_1115 : i32 to index
      %swap3A_1120 = tpu.vector_load %arg6[%swap3A_1119] {strides = array<i32>} : memref<24576xf32, #tpu.memory_space<vmem>>, vector<16xf32>,
      %swap3A_1121 = vector.shape_cast %swap3A_1120 : vector<16xf32> to vector<16xf32>
      %swap3A_1122 = vector.shape_cast %get3A_1118 : vector<16xf32> to vector<16xf32>
      tpu.vector_store %arg6[%swap3A_1119], %swap3A_1122 {add = true, strides = array<i32>} : memref<24576xf32, #tpu.memory_space<vmem>>, vector<16xf32>,
      %mul3A_1123 = arith.constant 8 : i32
      %mul3A_1124 = arith.muli %scan3A_1058, %mul3A_1123 : i32
      %add3A_1125 = arith.constant 5 : i32
      %add3A_1126 = arith.addi %mul3A_1124, %add3A_1125 : i32
      %mul3A_1127 = arith.constant 16 : i32
      %mul3A_1128 = arith.muli %add3A_1126, %mul3A_1127 : i32
      %get3A_1129 = arith.index_cast %mul3A_1128 : i32 to index
      %get3A_1130 = tpu.vector_load %arg8[%get3A_1129] {strides = array<i32>} : memref<24576xf32, #tpu.memory_space<vmem>>, vector<16xf32>,
      %get3A_1131 = vector.shape_cast %get3A_1130 : vector<16xf32> to vector<16xf32>
      %swap3A_1132 = arith.index_cast %mul3A_1128 : i32 to index
      %swap3A_1133 = tpu.vector_load %arg6[%swap3A_1132] {strides = array<i32>} : memref<24576xf32, #tpu.memory_space<vmem>>, vector<16xf32>,
      %swap3A_1134 = vector.shape_cast %swap3A_1133 : vector<16xf32> to vector<16xf32>
      %swap3A_1135 = vector.shape_cast %get3A_1131 : vector<16xf32> to vector<16xf32>
      tpu.vector_store %arg6[%swap3A_1132], %swap3A_1135 {add = true, strides = array<i32>} : memref<24576xf32, #tpu.memory_space<vmem>>, vector<16xf32>,
      %mul3A_1136 = arith.constant 8 : i32
      %mul3A_1137 = arith.muli %scan3A_1058, %mul3A_1136 : i32
      %add3A_1138 = arith.constant 6 : i32
      %add3A_1139 = arith.addi %mul3A_1137, %add3A_1138 : i32
      %mul3A_1140 = arith.constant 16 : i32
      %mul3A_1141 = arith.muli %add3A_1139, %mul3A_1140 : i32
      %get3A_1142 = arith.index_cast %mul3A_1141 : i32 to index
      %get3A_1143 = tpu.vector_load %arg8[%get3A_1142] {strides = array<i32>} : memref<24576xf32, #tpu.memory_space<vmem>>, vector<16xf32>,
      %get3A_1144 = vector.shape_cast %get3A_1143 : vector<16xf32> to vector<16xf32>
      %swap3A_1145 = arith.index_cast %mul3A_1141 : i32 to index
      %swap3A_1146 = tpu.vector_load %arg6[%swap3A_1145] {strides = array<i32>} : memref<24576xf32, #tpu.memory_space<vmem>>, vector<16xf32>,
      %swap3A_1147 = vector.shape_cast %swap3A_1146 : vector<16xf32> to vector<16xf32>
      %swap3A_1148 = vector.shape_cast %get3A_1144 : vector<16xf32> to vector<16xf32>
      tpu.vector_store %arg6[%swap3A_1145], %swap3A_1148 {add = true, strides = array<i32>} : memref<24576xf32, #tpu.memory_space<vmem>>, vector<16xf32>,
      %mul3A_1149 = arith.constant 8 : i32
      %mul3A_1150 = arith.muli %scan3A_1058, %mul3A_1149 : i32
      %add3A_1151 = arith.constant 7 : i32
      %add3A_1152 = arith.addi %mul3A_1150, %add3A_1151 : i32
      %mul3A_1153 = arith.constant 16 : i32
      %mul3A_1154 = arith.muli %add3A_1152, %mul3A_1153 : i32
      %get3A_1155 = arith.index_cast %mul3A_1154 : i32 to index
      %get3A_1156 = tpu.vector_load %arg8[%get3A_1155] {strides = array<i32>} : memref<24576xf32, #tpu.memory_space<vmem>>, vector<16xf32>,
      %get3A_1157 = vector.shape_cast %get3A_1156 : vector<16xf32> to vector<16xf32>
      %swap3A_1158 = arith.index_cast %mul3A_1154 : i32 to index
      %swap3A_1159 = tpu.vector_load %arg6[%swap3A_1158] {strides = array<i32>} : memref<24576xf32, #tpu.memory_space<vmem>>, vector<16xf32>,
      %swap3A_1160 = vector.shape_cast %swap3A_1159 : vector<16xf32> to vector<16xf32>
      %swap3A_1161 = vector.shape_cast %get3A_1157 : vector<16xf32> to vector<16xf32>
      tpu.vector_store %arg6[%swap3A_1158], %swap3A_1161 {add = true, strides = array<i32>} : memref<24576xf32, #tpu.memory_space<vmem>>, vector<16xf32>,
      %scan3A_1162 = arith.constant 0 : i32
      scf.yield %scan3A_1162 : i32
    }
    %scan3A_572 = arith.constant 192 : i32
    %add3A_573 = arith.constant 0 : i32
    %add3A_574 = arith.addi %add3A_573, %mul3A_4 : i32
    %add3A_575 = arith.constant 98304 : i32
    %add3A_576 = arith.addi %add3A_574, %add3A_575 : i32
    %dma_start3A_577 = tpu.memref_slice %arg4[%add3A_576] : memref<25165824xf32, #tpu.memory_space<hbm>> -> memref<24576xf32, #tpu.memory_space<hbm>>
    %dma_start3A_578 = tpu.memref_slice %arg4[%add3A_576] : memref<25165824xf32, #tpu.memory_space<hbm>> -> memref<24576xf32, #tpu.memory_space<hbm>>
    tpu.enqueue_dma source(%arg6 : memref<24576xf32, #tpu.memory_space<vmem>>) target(%dma_start3A_578 : memref<24576xf32, #tpu.memory_space<hbm>>) target_semaphore(%arg14 : memref<!tpu.dma_semaphore, #tpu.memory_space<semaphore_mem>>)
    %add3A_579 = arith.constant 0 : i32
    %add3A_580 = arith.addi %add3A_579, %mul3A_4 : i32
    %add3A_581 = arith.constant 98304 : i32
    %add3A_582 = arith.addi %add3A_580, %add3A_581 : i32
    %dma_wait3A_583 = tpu.memref_slice %arg4[%add3A_582] : memref<25165824xf32, #tpu.memory_space<hbm>> -> memref<24576xf32, #tpu.memory_space<hbm>>
    %dma_wait3A_584 = tpu.memref_slice %arg4[%add3A_582] : memref<25165824xf32, #tpu.memory_space<hbm>> -> memref<24576xf32, #tpu.memory_space<hbm>>
    tpu.wait_dma2 semaphore(%arg14 : memref<!tpu.dma_semaphore, #tpu.memory_space<semaphore_mem>>) src(%arg6 : memref<24576xf32, #tpu.memory_space<vmem>>) dst(%dma_wait3A_584 : memref<24576xf32, #tpu.memory_space<hbm>>)
    %add3A_585 = arith.constant 18874368 : i32
    %add3A_586 = arith.addi %add3A_585, %mul3A_4 : i32
    %add3A_587 = arith.constant 98304 : i32
    %add3A_588 = arith.addi %add3A_586, %add3A_587 : i32
    %dma_start3A_589 = tpu.memref_slice %arg2[%add3A_588] : memref<25165824xf32, #tpu.memory_space<hbm>> -> memref<24576xf32, #tpu.memory_space<hbm>>
    %dma_start3A_590 = tpu.memref_slice %arg2[%add3A_588] : memref<25165824xf32, #tpu.memory_space<hbm>> -> memref<24576xf32, #tpu.memory_space<hbm>>
    tpu.enqueue_dma source(%dma_start3A_590 : memref<24576xf32, #tpu.memory_space<hbm>>) target(%arg6 : memref<24576xf32, #tpu.memory_space<vmem>>) target_semaphore(%arg11 : memref<!tpu.dma_semaphore, #tpu.memory_space<semaphore_mem>>)
    %add3A_591 = arith.constant 6291456 : i32
    %add3A_592 = arith.addi %add3A_591, %mul3A_4 : i32
    %add3A_593 = arith.constant 98304 : i32
    %add3A_594 = arith.addi %add3A_592, %add3A_593 : i32
    %dma_wait3A_595 = tpu.memref_slice %arg2[%add3A_594] : memref<25165824xf32, #tpu.memory_space<hbm>> -> memref<24576xf32, #tpu.memory_space<hbm>>
    %dma_wait3A_596 = tpu.memref_slice %arg2[%add3A_594] : memref<25165824xf32, #tpu.memory_space<hbm>> -> memref<24576xf32, #tpu.memory_space<hbm>>
    tpu.wait_dma2 semaphore(%arg12 : memref<!tpu.dma_semaphore, #tpu.memory_space<semaphore_mem>>) src(%dma_wait3A_596 : memref<24576xf32, #tpu.memory_space<hbm>>) dst(%arg7 : memref<24576xf32, #tpu.memory_space<vmem>>)
    %scan3A_597 = arith.constant 0 : i32
    %scan3A_598 = arith.constant 0 : i32
    %scan3A_599 = arith.constant 192 : i32
    %scan3A_600 = arith.addi %scan3A_598, %scan3A_599 : i32
    %scan3A_601 = arith.constant 1 : i32
    %scan3A_602 = scf.for %scan3A_1058 = %scan3A_598 to %scan3A_600 step %scan3A_601 iter_args(%scan3A_1059 = %scan3A_597) -> (i32)  : i32 {
      %mul3A_1060 = arith.constant 8 : i32
      %mul3A_1061 = arith.muli %scan3A_1058, %mul3A_1060 : i32
      %add3A_1062 = arith.constant 0 : i32
      %add3A_1063 = arith.addi %mul3A_1061, %add3A_1062 : i32
      %mul3A_1064 = arith.constant 16 : i32
      %mul3A_1065 = arith.muli %add3A_1063, %mul3A_1064 : i32
      %get3A = arith.index_cast %mul3A_1065 : i32 to index
      %get3A_1066 = tpu.vector_load %arg8[%get3A] {strides = array<i32>} : memref<24576xf32, #tpu.memory_space<vmem>>, vector<16xf32>,
      %get3A_1067 = vector.shape_cast %get3A_1066 : vector<16xf32> to vector<16xf32>
      %swap3A = arith.index_cast %mul3A_1065 : i32 to index
      %swap3A_1068 = tpu.vector_load %arg7[%swap3A] {strides = array<i32>} : memref<24576xf32, #tpu.memory_space<vmem>>, vector<16xf32>,
      %swap3A_1069 = vector.shape_cast %swap3A_1068 : vector<16xf32> to vector<16xf32>
      %swap3A_1070 = vector.shape_cast %get3A_1067 : vector<16xf32> to vector<16xf32>
      tpu.vector_store %arg7[%swap3A], %swap3A_1070 {add = true, strides = array<i32>} : memref<24576xf32, #tpu.memory_space<vmem>>, vector<16xf32>,
      %mul3A_1071 = arith.constant 8 : i32
      %mul3A_1072 = arith.muli %scan3A_1058, %mul3A_1071 : i32
      %add3A_1073 = arith.constant 1 : i32
      %add3A_1074 = arith.addi %mul3A_1072, %add3A_1073 : i32
      %mul3A_1075 = arith.constant 16 : i32
      %mul3A_1076 = arith.muli %add3A_1074, %mul3A_1075 : i32
      %get3A_1077 = arith.index_cast %mul3A_1076 : i32 to index
      %get3A_1078 = tpu.vector_load %arg8[%get3A_1077] {strides = array<i32>} : memref<24576xf32, #tpu.memory_space<vmem>>, vector<16xf32>,
      %get3A_1079 = vector.shape_cast %get3A_1078 : vector<16xf32> to vector<16xf32>
      %swap3A_1080 = arith.index_cast %mul3A_1076 : i32 to index
      %swap3A_1081 = tpu.vector_load %arg7[%swap3A_1080] {strides = array<i32>} : memref<24576xf32, #tpu.memory_space<vmem>>, vector<16xf32>,
      %swap3A_1082 = vector.shape_cast %swap3A_1081 : vector<16xf32> to vector<16xf32>
      %swap3A_1083 = vector.shape_cast %get3A_1079 : vector<16xf32> to vector<16xf32>
      tpu.vector_store %arg7[%swap3A_1080], %swap3A_1083 {add = true, strides = array<i32>} : memref<24576xf32, #tpu.memory_space<vmem>>, vector<16xf32>,
      %mul3A_1084 = arith.constant 8 : i32
      %mul3A_1085 = arith.muli %scan3A_1058, %mul3A_1084 : i32
      %add3A_1086 = arith.constant 2 : i32
      %add3A_1087 = arith.addi %mul3A_1085, %add3A_1086 : i32
      %mul3A_1088 = arith.constant 16 : i32
      %mul3A_1089 = arith.muli %add3A_1087, %mul3A_1088 : i32
      %get3A_1090 = arith.index_cast %mul3A_1089 : i32 to index
      %get3A_1091 = tpu.vector_load %arg8[%get3A_1090] {strides = array<i32>} : memref<24576xf32, #tpu.memory_space<vmem>>, vector<16xf32>,
      %get3A_1092 = vector.shape_cast %get3A_1091 : vector<16xf32> to vector<16xf32>
      %swap3A_1093 = arith.index_cast %mul3A_1089 : i32 to index
      %swap3A_1094 = tpu.vector_load %arg7[%swap3A_1093] {strides = array<i32>} : memref<24576xf32, #tpu.memory_space<vmem>>, vector<16xf32>,
      %swap3A_1095 = vector.shape_cast %swap3A_1094 : vector<16xf32> to vector<16xf32>
      %swap3A_1096 = vector.shape_cast %get3A_1092 : vector<16xf32> to vector<16xf32>
      tpu.vector_store %arg7[%swap3A_1093], %swap3A_1096 {add = true, strides = array<i32>} : memref<24576xf32, #tpu.memory_space<vmem>>, vector<16xf32>,
      %mul3A_1097 = arith.constant 8 : i32
      %mul3A_1098 = arith.muli %scan3A_1058, %mul3A_1097 : i32
      %add3A_1099 = arith.constant 3 : i32
      %add3A_1100 = arith.addi %mul3A_1098, %add3A_1099 : i32
      %mul3A_1101 = arith.constant 16 : i32
      %mul3A_1102 = arith.muli %add3A_1100, %mul3A_1101 : i32
      %get3A_1103 = arith.index_cast %mul3A_1102 : i32 to index
      %get3A_1104 = tpu.vector_load %arg8[%get3A_1103] {strides = array<i32>} : memref<24576xf32, #tpu.memory_space<vmem>>, vector<16xf32>,
      %get3A_1105 = vector.shape_cast %get3A_1104 : vector<16xf32> to vector<16xf32>
      %swap3A_1106 = arith.index_cast %mul3A_1102 : i32 to index
      %swap3A_1107 = tpu.vector_load %arg7[%swap3A_1106] {strides = array<i32>} : memref<24576xf32, #tpu.memory_space<vmem>>, vector<16xf32>,
      %swap3A_1108 = vector.shape_cast %swap3A_1107 : vector<16xf32> to vector<16xf32>
      %swap3A_1109 = vector.shape_cast %get3A_1105 : vector<16xf32> to vector<16xf32>
      tpu.vector_store %arg7[%swap3A_1106], %swap3A_1109 {add = true, strides = array<i32>} : memref<24576xf32, #tpu.memory_space<vmem>>, vector<16xf32>,
      %mul3A_1110 = arith.constant 8 : i32
      %mul3A_1111 = arith.muli %scan3A_1058, %mul3A_1110 : i32
      %add3A_1112 = arith.constant 4 : i32
      %add3A_1113 = arith.addi %mul3A_1111, %add3A_1112 : i32
      %mul3A_1114 = arith.constant 16 : i32
      %mul3A_1115 = arith.muli %add3A_1113, %mul3A_1114 : i32
      %get3A_1116 = arith.index_cast %mul3A_1115 : i32 to index
      %get3A_1117 = tpu.vector_load %arg8[%get3A_1116] {strides = array<i32>} : memref<24576xf32, #tpu.memory_space<vmem>>, vector<16xf32>,
      %get3A_1118 = vector.shape_cast %get3A_1117 : vector<16xf32> to vector<16xf32>
      %swap3A_1119 = arith.index_cast %mul3A_1115 : i32 to index
      %swap3A_1120 = tpu.vector_load %arg7[%swap3A_1119] {strides = array<i32>} : memref<24576xf32, #tpu.memory_space<vmem>>, vector<16xf32>,
      %swap3A_1121 = vector.shape_cast %swap3A_1120 : vector<16xf32> to vector<16xf32>
      %swap3A_1122 = vector.shape_cast %get3A_1118 : vector<16xf32> to vector<16xf32>
      tpu.vector_store %arg7[%swap3A_1119], %swap3A_1122 {add = true, strides = array<i32>} : memref<24576xf32, #tpu.memory_space<vmem>>, vector<16xf32>,
      %mul3A_1123 = arith.constant 8 : i32
      %mul3A_1124 = arith.muli %scan3A_1058, %mul3A_1123 : i32
      %add3A_1125 = arith.constant 5 : i32
      %add3A_1126 = arith.addi %mul3A_1124, %add3A_1125 : i32
      %mul3A_1127 = arith.constant 16 : i32
      %mul3A_1128 = arith.muli %add3A_1126, %mul3A_1127 : i32
      %get3A_1129 = arith.index_cast %mul3A_1128 : i32 to index
      %get3A_1130 = tpu.vector_load %arg8[%get3A_1129] {strides = array<i32>} : memref<24576xf32, #tpu.memory_space<vmem>>, vector<16xf32>,
      %get3A_1131 = vector.shape_cast %get3A_1130 : vector<16xf32> to vector<16xf32>
      %swap3A_1132 = arith.index_cast %mul3A_1128 : i32 to index
      %swap3A_1133 = tpu.vector_load %arg7[%swap3A_1132] {strides = array<i32>} : memref<24576xf32, #tpu.memory_space<vmem>>, vector<16xf32>,
      %swap3A_1134 = vector.shape_cast %swap3A_1133 : vector<16xf32> to vector<16xf32>
      %swap3A_1135 = vector.shape_cast %get3A_1131 : vector<16xf32> to vector<16xf32>
      tpu.vector_store %arg7[%swap3A_1132], %swap3A_1135 {add = true, strides = array<i32>} : memref<24576xf32, #tpu.memory_space<vmem>>, vector<16xf32>,
      %mul3A_1136 = arith.constant 8 : i32
      %mul3A_1137 = arith.muli %scan3A_1058, %mul3A_1136 : i32
      %add3A_1138 = arith.constant 6 : i32
      %add3A_1139 = arith.addi %mul3A_1137, %add3A_1138 : i32
      %mul3A_1140 = arith.constant 16 : i32
      %mul3A_1141 = arith.muli %add3A_1139, %mul3A_1140 : i32
      %get3A_1142 = arith.index_cast %mul3A_1141 : i32 to index
      %get3A_1143 = tpu.vector_load %arg8[%get3A_1142] {strides = array<i32>} : memref<24576xf32, #tpu.memory_space<vmem>>, vector<16xf32>,
      %get3A_1144 = vector.shape_cast %get3A_1143 : vector<16xf32> to vector<16xf32>
      %swap3A_1145 = arith.index_cast %mul3A_1141 : i32 to index
      %swap3A_1146 = tpu.vector_load %arg7[%swap3A_1145] {strides = array<i32>} : memref<24576xf32, #tpu.memory_space<vmem>>, vector<16xf32>,
      %swap3A_1147 = vector.shape_cast %swap3A_1146 : vector<16xf32> to vector<16xf32>
      %swap3A_1148 = vector.shape_cast %get3A_1144 : vector<16xf32> to vector<16xf32>
      tpu.vector_store %arg7[%swap3A_1145], %swap3A_1148 {add = true, strides = array<i32>} : memref<24576xf32, #tpu.memory_space<vmem>>, vector<16xf32>,
      %mul3A_1149 = arith.constant 8 : i32
      %mul3A_1150 = arith.muli %scan3A_1058, %mul3A_1149 : i32
      %add3A_1151 = arith.constant 7 : i32
      %add3A_1152 = arith.addi %mul3A_1150, %add3A_1151 : i32
      %mul3A_1153 = arith.constant 16 : i32
      %mul3A_1154 = arith.muli %add3A_1152, %mul3A_1153 : i32
      %get3A_1155 = arith.index_cast %mul3A_1154 : i32 to index
      %get3A_1156 = tpu.vector_load %arg8[%get3A_1155] {strides = array<i32>} : memref<24576xf32, #tpu.memory_space<vmem>>, vector<16xf32>,
      %get3A_1157 = vector.shape_cast %get3A_1156 : vector<16xf32> to vector<16xf32>
      %swap3A_1158 = arith.index_cast %mul3A_1154 : i32 to index
      %swap3A_1159 = tpu.vector_load %arg7[%swap3A_1158] {strides = array<i32>} : memref<24576xf32, #tpu.memory_space<vmem>>, vector<16xf32>,
      %swap3A_1160 = vector.shape_cast %swap3A_1159 : vector<16xf32> to vector<16xf32>
      %swap3A_1161 = vector.shape_cast %get3A_1157 : vector<16xf32> to vector<16xf32>
      tpu.vector_store %arg7[%swap3A_1158], %swap3A_1161 {add = true, strides = array<i32>} : memref<24576xf32, #tpu.memory_space<vmem>>, vector<16xf32>,
      %scan3A_1162 = arith.constant 0 : i32
      scf.yield %scan3A_1162 : i32
    }
    %scan3A_603 = arith.constant 192 : i32
    %add3A_604 = arith.constant 6291456 : i32
    %add3A_605 = arith.addi %add3A_604, %mul3A_4 : i32
    %add3A_606 = arith.constant 98304 : i32
    %add3A_607 = arith.addi %add3A_605, %add3A_606 : i32
    %dma_start3A_608 = tpu.memref_slice %arg4[%add3A_607] : memref<25165824xf32, #tpu.memory_space<hbm>> -> memref<24576xf32, #tpu.memory_space<hbm>>
    %dma_start3A_609 = tpu.memref_slice %arg4[%add3A_607] : memref<25165824xf32, #tpu.memory_space<hbm>> -> memref<24576xf32, #tpu.memory_space<hbm>>
    tpu.enqueue_dma source(%arg7 : memref<24576xf32, #tpu.memory_space<vmem>>) target(%dma_start3A_609 : memref<24576xf32, #tpu.memory_space<hbm>>) target_semaphore(%arg15 : memref<!tpu.dma_semaphore, #tpu.memory_space<semaphore_mem>>)
    %add3A_610 = arith.constant 6291456 : i32
    %add3A_611 = arith.addi %add3A_610, %mul3A_4 : i32
    %add3A_612 = arith.constant 98304 : i32
    %add3A_613 = arith.addi %add3A_611, %add3A_612 : i32
    %dma_wait3A_614 = tpu.memref_slice %arg4[%add3A_613] : memref<25165824xf32, #tpu.memory_space<hbm>> -> memref<24576xf32, #tpu.memory_space<hbm>>
    %dma_wait3A_615 = tpu.memref_slice %arg4[%add3A_613] : memref<25165824xf32, #tpu.memory_space<hbm>> -> memref<24576xf32, #tpu.memory_space<hbm>>
    tpu.wait_dma2 semaphore(%arg15 : memref<!tpu.dma_semaphore, #tpu.memory_space<semaphore_mem>>) src(%arg7 : memref<24576xf32, #tpu.memory_space<vmem>>) dst(%dma_wait3A_615 : memref<24576xf32, #tpu.memory_space<hbm>>)
    %add3A_616 = arith.constant 0 : i32
    %add3A_617 = arith.addi %add3A_616, %mul3A_4 : i32
    %add3A_618 = arith.constant 122880 : i32
    %add3A_619 = arith.addi %add3A_617, %add3A_618 : i32
    %dma_start3A_620 = tpu.memref_slice %arg2[%add3A_619] : memref<25165824xf32, #tpu.memory_space<hbm>> -> memref<24576xf32, #tpu.memory_space<hbm>>
    %dma_start3A_621 = tpu.memref_slice %arg2[%add3A_619] : memref<25165824xf32, #tpu.memory_space<hbm>> -> memref<24576xf32, #tpu.memory_space<hbm>>
    tpu.enqueue_dma source(%dma_start3A_621 : memref<24576xf32, #tpu.memory_space<hbm>>) target(%arg7 : memref<24576xf32, #tpu.memory_space<vmem>>) target_semaphore(%arg12 : memref<!tpu.dma_semaphore, #tpu.memory_space<semaphore_mem>>)
    %add3A_622 = arith.constant 12582912 : i32
    %add3A_623 = arith.addi %add3A_622, %mul3A_4 : i32
    %add3A_624 = arith.constant 98304 : i32
    %add3A_625 = arith.addi %add3A_623, %add3A_624 : i32
    %dma_wait3A_626 = tpu.memref_slice %arg2[%add3A_625] : memref<25165824xf32, #tpu.memory_space<hbm>> -> memref<24576xf32, #tpu.memory_space<hbm>>
    %dma_wait3A_627 = tpu.memref_slice %arg2[%add3A_625] : memref<25165824xf32, #tpu.memory_space<hbm>> -> memref<24576xf32, #tpu.memory_space<hbm>>
    tpu.wait_dma2 semaphore(%arg10 : memref<!tpu.dma_semaphore, #tpu.memory_space<semaphore_mem>>) src(%dma_wait3A_627 : memref<24576xf32, #tpu.memory_space<hbm>>) dst(%arg5 : memref<24576xf32, #tpu.memory_space<vmem>>)
    %scan3A_628 = arith.constant 0 : i32
    %scan3A_629 = arith.constant 0 : i32
    %scan3A_630 = arith.constant 192 : i32
    %scan3A_631 = arith.addi %scan3A_629, %scan3A_630 : i32
    %scan3A_632 = arith.constant 1 : i32
    %scan3A_633 = scf.for %scan3A_1058 = %scan3A_629 to %scan3A_631 step %scan3A_632 iter_args(%scan3A_1059 = %scan3A_628) -> (i32)  : i32 {
      %mul3A_1060 = arith.constant 8 : i32
      %mul3A_1061 = arith.muli %scan3A_1058, %mul3A_1060 : i32
      %add3A_1062 = arith.constant 0 : i32
      %add3A_1063 = arith.addi %mul3A_1061, %add3A_1062 : i32
      %mul3A_1064 = arith.constant 16 : i32
      %mul3A_1065 = arith.muli %add3A_1063, %mul3A_1064 : i32
      %get3A = arith.index_cast %mul3A_1065 : i32 to index
      %get3A_1066 = tpu.vector_load %arg8[%get3A] {strides = array<i32>} : memref<24576xf32, #tpu.memory_space<vmem>>, vector<16xf32>,
      %get3A_1067 = vector.shape_cast %get3A_1066 : vector<16xf32> to vector<16xf32>
      %swap3A = arith.index_cast %mul3A_1065 : i32 to index
      %swap3A_1068 = tpu.vector_load %arg5[%swap3A] {strides = array<i32>} : memref<24576xf32, #tpu.memory_space<vmem>>, vector<16xf32>,
      %swap3A_1069 = vector.shape_cast %swap3A_1068 : vector<16xf32> to vector<16xf32>
      %swap3A_1070 = vector.shape_cast %get3A_1067 : vector<16xf32> to vector<16xf32>
      tpu.vector_store %arg5[%swap3A], %swap3A_1070 {add = true, strides = array<i32>} : memref<24576xf32, #tpu.memory_space<vmem>>, vector<16xf32>,
      %mul3A_1071 = arith.constant 8 : i32
      %mul3A_1072 = arith.muli %scan3A_1058, %mul3A_1071 : i32
      %add3A_1073 = arith.constant 1 : i32
      %add3A_1074 = arith.addi %mul3A_1072, %add3A_1073 : i32
      %mul3A_1075 = arith.constant 16 : i32
      %mul3A_1076 = arith.muli %add3A_1074, %mul3A_1075 : i32
      %get3A_1077 = arith.index_cast %mul3A_1076 : i32 to index
      %get3A_1078 = tpu.vector_load %arg8[%get3A_1077] {strides = array<i32>} : memref<24576xf32, #tpu.memory_space<vmem>>, vector<16xf32>,
      %get3A_1079 = vector.shape_cast %get3A_1078 : vector<16xf32> to vector<16xf32>
      %swap3A_1080 = arith.index_cast %mul3A_1076 : i32 to index
      %swap3A_1081 = tpu.vector_load %arg5[%swap3A_1080] {strides = array<i32>} : memref<24576xf32, #tpu.memory_space<vmem>>, vector<16xf32>,
      %swap3A_1082 = vector.shape_cast %swap3A_1081 : vector<16xf32> to vector<16xf32>
      %swap3A_1083 = vector.shape_cast %get3A_1079 : vector<16xf32> to vector<16xf32>
      tpu.vector_store %arg5[%swap3A_1080], %swap3A_1083 {add = true, strides = array<i32>} : memref<24576xf32, #tpu.memory_space<vmem>>, vector<16xf32>,
      %mul3A_1084 = arith.constant 8 : i32
      %mul3A_1085 = arith.muli %scan3A_1058, %mul3A_1084 : i32
      %add3A_1086 = arith.constant 2 : i32
      %add3A_1087 = arith.addi %mul3A_1085, %add3A_1086 : i32
      %mul3A_1088 = arith.constant 16 : i32
      %mul3A_1089 = arith.muli %add3A_1087, %mul3A_1088 : i32
      %get3A_1090 = arith.index_cast %mul3A_1089 : i32 to index
      %get3A_1091 = tpu.vector_load %arg8[%get3A_1090] {strides = array<i32>} : memref<24576xf32, #tpu.memory_space<vmem>>, vector<16xf32>,
      %get3A_1092 = vector.shape_cast %get3A_1091 : vector<16xf32> to vector<16xf32>
      %swap3A_1093 = arith.index_cast %mul3A_1089 : i32 to index
      %swap3A_1094 = tpu.vector_load %arg5[%swap3A_1093] {strides = array<i32>} : memref<24576xf32, #tpu.memory_space<vmem>>, vector<16xf32>,
      %swap3A_1095 = vector.shape_cast %swap3A_1094 : vector<16xf32> to vector<16xf32>
      %swap3A_1096 = vector.shape_cast %get3A_1092 : vector<16xf32> to vector<16xf32>
      tpu.vector_store %arg5[%swap3A_1093], %swap3A_1096 {add = true, strides = array<i32>} : memref<24576xf32, #tpu.memory_space<vmem>>, vector<16xf32>,
      %mul3A_1097 = arith.constant 8 : i32
      %mul3A_1098 = arith.muli %scan3A_1058, %mul3A_1097 : i32
      %add3A_1099 = arith.constant 3 : i32
      %add3A_1100 = arith.addi %mul3A_1098, %add3A_1099 : i32
      %mul3A_1101 = arith.constant 16 : i32
      %mul3A_1102 = arith.muli %add3A_1100, %mul3A_1101 : i32
      %get3A_1103 = arith.index_cast %mul3A_1102 : i32 to index
      %get3A_1104 = tpu.vector_load %arg8[%get3A_1103] {strides = array<i32>} : memref<24576xf32, #tpu.memory_space<vmem>>, vector<16xf32>,
      %get3A_1105 = vector.shape_cast %get3A_1104 : vector<16xf32> to vector<16xf32>
      %swap3A_1106 = arith.index_cast %mul3A_1102 : i32 to index
      %swap3A_1107 = tpu.vector_load %arg5[%swap3A_1106] {strides = array<i32>} : memref<24576xf32, #tpu.memory_space<vmem>>, vector<16xf32>,
      %swap3A_1108 = vector.shape_cast %swap3A_1107 : vector<16xf32> to vector<16xf32>
      %swap3A_1109 = vector.shape_cast %get3A_1105 : vector<16xf32> to vector<16xf32>
      tpu.vector_store %arg5[%swap3A_1106], %swap3A_1109 {add = true, strides = array<i32>} : memref<24576xf32, #tpu.memory_space<vmem>>, vector<16xf32>,
      %mul3A_1110 = arith.constant 8 : i32
      %mul3A_1111 = arith.muli %scan3A_1058, %mul3A_1110 : i32
      %add3A_1112 = arith.constant 4 : i32
      %add3A_1113 = arith.addi %mul3A_1111, %add3A_1112 : i32
      %mul3A_1114 = arith.constant 16 : i32
      %mul3A_1115 = arith.muli %add3A_1113, %mul3A_1114 : i32
      %get3A_1116 = arith.index_cast %mul3A_1115 : i32 to index
      %get3A_1117 = tpu.vector_load %arg8[%get3A_1116] {strides = array<i32>} : memref<24576xf32, #tpu.memory_space<vmem>>, vector<16xf32>,
      %get3A_1118 = vector.shape_cast %get3A_1117 : vector<16xf32> to vector<16xf32>
      %swap3A_1119 = arith.index_cast %mul3A_1115 : i32 to index
      %swap3A_1120 = tpu.vector_load %arg5[%swap3A_1119] {strides = array<i32>} : memref<24576xf32, #tpu.memory_space<vmem>>, vector<16xf32>,
      %swap3A_1121 = vector.shape_cast %swap3A_1120 : vector<16xf32> to vector<16xf32>
      %swap3A_1122 = vector.shape_cast %get3A_1118 : vector<16xf32> to vector<16xf32>
      tpu.vector_store %arg5[%swap3A_1119], %swap3A_1122 {add = true, strides = array<i32>} : memref<24576xf32, #tpu.memory_space<vmem>>, vector<16xf32>,
      %mul3A_1123 = arith.constant 8 : i32
      %mul3A_1124 = arith.muli %scan3A_1058, %mul3A_1123 : i32
      %add3A_1125 = arith.constant 5 : i32
      %add3A_1126 = arith.addi %mul3A_1124, %add3A_1125 : i32
      %mul3A_1127 = arith.constant 16 : i32
      %mul3A_1128 = arith.muli %add3A_1126, %mul3A_1127 : i32
      %get3A_1129 = arith.index_cast %mul3A_1128 : i32 to index
      %get3A_1130 = tpu.vector_load %arg8[%get3A_1129] {strides = array<i32>} : memref<24576xf32, #tpu.memory_space<vmem>>, vector<16xf32>,
      %get3A_1131 = vector.shape_cast %get3A_1130 : vector<16xf32> to vector<16xf32>
      %swap3A_1132 = arith.index_cast %mul3A_1128 : i32 to index
      %swap3A_1133 = tpu.vector_load %arg5[%swap3A_1132] {strides = array<i32>} : memref<24576xf32, #tpu.memory_space<vmem>>, vector<16xf32>,
      %swap3A_1134 = vector.shape_cast %swap3A_1133 : vector<16xf32> to vector<16xf32>
      %swap3A_1135 = vector.shape_cast %get3A_1131 : vector<16xf32> to vector<16xf32>
      tpu.vector_store %arg5[%swap3A_1132], %swap3A_1135 {add = true, strides = array<i32>} : memref<24576xf32, #tpu.memory_space<vmem>>, vector<16xf32>,
      %mul3A_1136 = arith.constant 8 : i32
      %mul3A_1137 = arith.muli %scan3A_1058, %mul3A_1136 : i32
      %add3A_1138 = arith.constant 6 : i32
      %add3A_1139 = arith.addi %mul3A_1137, %add3A_1138 : i32
      %mul3A_1140 = arith.constant 16 : i32
      %mul3A_1141 = arith.muli %add3A_1139, %mul3A_1140 : i32
      %get3A_1142 = arith.index_cast %mul3A_1141 : i32 to index
      %get3A_1143 = tpu.vector_load %arg8[%get3A_1142] {strides = array<i32>} : memref<24576xf32, #tpu.memory_space<vmem>>, vector<16xf32>,
      %get3A_1144 = vector.shape_cast %get3A_1143 : vector<16xf32> to vector<16xf32>
      %swap3A_1145 = arith.index_cast %mul3A_1141 : i32 to index
      %swap3A_1146 = tpu.vector_load %arg5[%swap3A_1145] {strides = array<i32>} : memref<24576xf32, #tpu.memory_space<vmem>>, vector<16xf32>,
      %swap3A_1147 = vector.shape_cast %swap3A_1146 : vector<16xf32> to vector<16xf32>
      %swap3A_1148 = vector.shape_cast %get3A_1144 : vector<16xf32> to vector<16xf32>
      tpu.vector_store %arg5[%swap3A_1145], %swap3A_1148 {add = true, strides = array<i32>} : memref<24576xf32, #tpu.memory_space<vmem>>, vector<16xf32>,
      %mul3A_1149 = arith.constant 8 : i32
      %mul3A_1150 = arith.muli %scan3A_1058, %mul3A_1149 : i32
      %add3A_1151 = arith.constant 7 : i32
      %add3A_1152 = arith.addi %mul3A_1150, %add3A_1151 : i32
      %mul3A_1153 = arith.constant 16 : i32
      %mul3A_1154 = arith.muli %add3A_1152, %mul3A_1153 : i32
      %get3A_1155 = arith.index_cast %mul3A_1154 : i32 to index
      %get3A_1156 = tpu.vector_load %arg8[%get3A_1155] {strides = array<i32>} : memref<24576xf32, #tpu.memory_space<vmem>>, vector<16xf32>,
      %get3A_1157 = vector.shape_cast %get3A_1156 : vector<16xf32> to vector<16xf32>
      %swap3A_1158 = arith.index_cast %mul3A_1154 : i32 to index
      %swap3A_1159 = tpu.vector_load %arg5[%swap3A_1158] {strides = array<i32>} : memref<24576xf32, #tpu.memory_space<vmem>>, vector<16xf32>,
      %swap3A_1160 = vector.shape_cast %swap3A_1159 : vector<16xf32> to vector<16xf32>
      %swap3A_1161 = vector.shape_cast %get3A_1157 : vector<16xf32> to vector<16xf32>
      tpu.vector_store %arg5[%swap3A_1158], %swap3A_1161 {add = true, strides = array<i32>} : memref<24576xf32, #tpu.memory_space<vmem>>, vector<16xf32>,
      %scan3A_1162 = arith.constant 0 : i32
      scf.yield %scan3A_1162 : i32
    }
    %scan3A_634 = arith.constant 192 : i32
    %add3A_635 = arith.constant 12582912 : i32
    %add3A_636 = arith.addi %add3A_635, %mul3A_4 : i32
    %add3A_637 = arith.constant 98304 : i32
    %add3A_638 = arith.addi %add3A_636, %add3A_637 : i32
    %dma_start3A_639 = tpu.memref_slice %arg4[%add3A_638] : memref<25165824xf32, #tpu.memory_space<hbm>> -> memref<24576xf32, #tpu.memory_space<hbm>>
    %dma_start3A_640 = tpu.memref_slice %arg4[%add3A_638] : memref<25165824xf32, #tpu.memory_space<hbm>> -> memref<24576xf32, #tpu.memory_space<hbm>>
    tpu.enqueue_dma source(%arg5 : memref<24576xf32, #tpu.memory_space<vmem>>) target(%dma_start3A_640 : memref<24576xf32, #tpu.memory_space<hbm>>) target_semaphore(%arg13 : memref<!tpu.dma_semaphore, #tpu.memory_space<semaphore_mem>>)
    %add3A_641 = arith.constant 12582912 : i32
    %add3A_642 = arith.addi %add3A_641, %mul3A_4 : i32
    %add3A_643 = arith.constant 98304 : i32
    %add3A_644 = arith.addi %add3A_642, %add3A_643 : i32
    %dma_wait3A_645 = tpu.memref_slice %arg4[%add3A_644] : memref<25165824xf32, #tpu.memory_space<hbm>> -> memref<24576xf32, #tpu.memory_space<hbm>>
    %dma_wait3A_646 = tpu.memref_slice %arg4[%add3A_644] : memref<25165824xf32, #tpu.memory_space<hbm>> -> memref<24576xf32, #tpu.memory_space<hbm>>
    tpu.wait_dma2 semaphore(%arg13 : memref<!tpu.dma_semaphore, #tpu.memory_space<semaphore_mem>>) src(%arg5 : memref<24576xf32, #tpu.memory_space<vmem>>) dst(%dma_wait3A_646 : memref<24576xf32, #tpu.memory_space<hbm>>)
    %add3A_647 = arith.constant 6291456 : i32
    %add3A_648 = arith.addi %add3A_647, %mul3A_4 : i32
    %add3A_649 = arith.constant 122880 : i32
    %add3A_650 = arith.addi %add3A_648, %add3A_649 : i32
    %dma_start3A_651 = tpu.memref_slice %arg2[%add3A_650] : memref<25165824xf32, #tpu.memory_space<hbm>> -> memref<24576xf32, #tpu.memory_space<hbm>>
    %dma_start3A_652 = tpu.memref_slice %arg2[%add3A_650] : memref<25165824xf32, #tpu.memory_space<hbm>> -> memref<24576xf32, #tpu.memory_space<hbm>>
    tpu.enqueue_dma source(%dma_start3A_652 : memref<24576xf32, #tpu.memory_space<hbm>>) target(%arg5 : memref<24576xf32, #tpu.memory_space<vmem>>) target_semaphore(%arg10 : memref<!tpu.dma_semaphore, #tpu.memory_space<semaphore_mem>>)
    %add3A_653 = arith.constant 18874368 : i32
    %add3A_654 = arith.addi %add3A_653, %mul3A_4 : i32
    %add3A_655 = arith.constant 98304 : i32
    %add3A_656 = arith.addi %add3A_654, %add3A_655 : i32
    %dma_wait3A_657 = tpu.memref_slice %arg2[%add3A_656] : memref<25165824xf32, #tpu.memory_space<hbm>> -> memref<24576xf32, #tpu.memory_space<hbm>>
    %dma_wait3A_658 = tpu.memref_slice %arg2[%add3A_656] : memref<25165824xf32, #tpu.memory_space<hbm>> -> memref<24576xf32, #tpu.memory_space<hbm>>
    tpu.wait_dma2 semaphore(%arg11 : memref<!tpu.dma_semaphore, #tpu.memory_space<semaphore_mem>>) src(%dma_wait3A_658 : memref<24576xf32, #tpu.memory_space<hbm>>) dst(%arg6 : memref<24576xf32, #tpu.memory_space<vmem>>)
    %scan3A_659 = arith.constant 0 : i32
    %scan3A_660 = arith.constant 0 : i32
    %scan3A_661 = arith.constant 192 : i32
    %scan3A_662 = arith.addi %scan3A_660, %scan3A_661 : i32
    %scan3A_663 = arith.constant 1 : i32
    %scan3A_664 = scf.for %scan3A_1058 = %scan3A_660 to %scan3A_662 step %scan3A_663 iter_args(%scan3A_1059 = %scan3A_659) -> (i32)  : i32 {
      %mul3A_1060 = arith.constant 8 : i32
      %mul3A_1061 = arith.muli %scan3A_1058, %mul3A_1060 : i32
      %add3A_1062 = arith.constant 0 : i32
      %add3A_1063 = arith.addi %mul3A_1061, %add3A_1062 : i32
      %mul3A_1064 = arith.constant 16 : i32
      %mul3A_1065 = arith.muli %add3A_1063, %mul3A_1064 : i32
      %get3A = arith.index_cast %mul3A_1065 : i32 to index
      %get3A_1066 = tpu.vector_load %arg8[%get3A] {strides = array<i32>} : memref<24576xf32, #tpu.memory_space<vmem>>, vector<16xf32>,
      %get3A_1067 = vector.shape_cast %get3A_1066 : vector<16xf32> to vector<16xf32>
      %swap3A = arith.index_cast %mul3A_1065 : i32 to index
      %swap3A_1068 = tpu.vector_load %arg6[%swap3A] {strides = array<i32>} : memref<24576xf32, #tpu.memory_space<vmem>>, vector<16xf32>,
      %swap3A_1069 = vector.shape_cast %swap3A_1068 : vector<16xf32> to vector<16xf32>
      %swap3A_1070 = vector.shape_cast %get3A_1067 : vector<16xf32> to vector<16xf32>
      tpu.vector_store %arg6[%swap3A], %swap3A_1070 {add = true, strides = array<i32>} : memref<24576xf32, #tpu.memory_space<vmem>>, vector<16xf32>,
      %mul3A_1071 = arith.constant 8 : i32
      %mul3A_1072 = arith.muli %scan3A_1058, %mul3A_1071 : i32
      %add3A_1073 = arith.constant 1 : i32
      %add3A_1074 = arith.addi %mul3A_1072, %add3A_1073 : i32
      %mul3A_1075 = arith.constant 16 : i32
      %mul3A_1076 = arith.muli %add3A_1074, %mul3A_1075 : i32
      %get3A_1077 = arith.index_cast %mul3A_1076 : i32 to index
      %get3A_1078 = tpu.vector_load %arg8[%get3A_1077] {strides = array<i32>} : memref<24576xf32, #tpu.memory_space<vmem>>, vector<16xf32>,
      %get3A_1079 = vector.shape_cast %get3A_1078 : vector<16xf32> to vector<16xf32>
      %swap3A_1080 = arith.index_cast %mul3A_1076 : i32 to index
      %swap3A_1081 = tpu.vector_load %arg6[%swap3A_1080] {strides = array<i32>} : memref<24576xf32, #tpu.memory_space<vmem>>, vector<16xf32>,
      %swap3A_1082 = vector.shape_cast %swap3A_1081 : vector<16xf32> to vector<16xf32>
      %swap3A_1083 = vector.shape_cast %get3A_1079 : vector<16xf32> to vector<16xf32>
      tpu.vector_store %arg6[%swap3A_1080], %swap3A_1083 {add = true, strides = array<i32>} : memref<24576xf32, #tpu.memory_space<vmem>>, vector<16xf32>,
      %mul3A_1084 = arith.constant 8 : i32
      %mul3A_1085 = arith.muli %scan3A_1058, %mul3A_1084 : i32
      %add3A_1086 = arith.constant 2 : i32
      %add3A_1087 = arith.addi %mul3A_1085, %add3A_1086 : i32
      %mul3A_1088 = arith.constant 16 : i32
      %mul3A_1089 = arith.muli %add3A_1087, %mul3A_1088 : i32
      %get3A_1090 = arith.index_cast %mul3A_1089 : i32 to index
      %get3A_1091 = tpu.vector_load %arg8[%get3A_1090] {strides = array<i32>} : memref<24576xf32, #tpu.memory_space<vmem>>, vector<16xf32>,
      %get3A_1092 = vector.shape_cast %get3A_1091 : vector<16xf32> to vector<16xf32>
      %swap3A_1093 = arith.index_cast %mul3A_1089 : i32 to index
      %swap3A_1094 = tpu.vector_load %arg6[%swap3A_1093] {strides = array<i32>} : memref<24576xf32, #tpu.memory_space<vmem>>, vector<16xf32>,
      %swap3A_1095 = vector.shape_cast %swap3A_1094 : vector<16xf32> to vector<16xf32>
      %swap3A_1096 = vector.shape_cast %get3A_1092 : vector<16xf32> to vector<16xf32>
      tpu.vector_store %arg6[%swap3A_1093], %swap3A_1096 {add = true, strides = array<i32>} : memref<24576xf32, #tpu.memory_space<vmem>>, vector<16xf32>,
      %mul3A_1097 = arith.constant 8 : i32
      %mul3A_1098 = arith.muli %scan3A_1058, %mul3A_1097 : i32
      %add3A_1099 = arith.constant 3 : i32
      %add3A_1100 = arith.addi %mul3A_1098, %add3A_1099 : i32
      %mul3A_1101 = arith.constant 16 : i32
      %mul3A_1102 = arith.muli %add3A_1100, %mul3A_1101 : i32
      %get3A_1103 = arith.index_cast %mul3A_1102 : i32 to index
      %get3A_1104 = tpu.vector_load %arg8[%get3A_1103] {strides = array<i32>} : memref<24576xf32, #tpu.memory_space<vmem>>, vector<16xf32>,
      %get3A_1105 = vector.shape_cast %get3A_1104 : vector<16xf32> to vector<16xf32>
      %swap3A_1106 = arith.index_cast %mul3A_1102 : i32 to index
      %swap3A_1107 = tpu.vector_load %arg6[%swap3A_1106] {strides = array<i32>} : memref<24576xf32, #tpu.memory_space<vmem>>, vector<16xf32>,
      %swap3A_1108 = vector.shape_cast %swap3A_1107 : vector<16xf32> to vector<16xf32>
      %swap3A_1109 = vector.shape_cast %get3A_1105 : vector<16xf32> to vector<16xf32>
      tpu.vector_store %arg6[%swap3A_1106], %swap3A_1109 {add = true, strides = array<i32>} : memref<24576xf32, #tpu.memory_space<vmem>>, vector<16xf32>,
      %mul3A_1110 = arith.constant 8 : i32
      %mul3A_1111 = arith.muli %scan3A_1058, %mul3A_1110 : i32
      %add3A_1112 = arith.constant 4 : i32
      %add3A_1113 = arith.addi %mul3A_1111, %add3A_1112 : i32
      %mul3A_1114 = arith.constant 16 : i32
      %mul3A_1115 = arith.muli %add3A_1113, %mul3A_1114 : i32
      %get3A_1116 = arith.index_cast %mul3A_1115 : i32 to index
      %get3A_1117 = tpu.vector_load %arg8[%get3A_1116] {strides = array<i32>} : memref<24576xf32, #tpu.memory_space<vmem>>, vector<16xf32>,
      %get3A_1118 = vector.shape_cast %get3A_1117 : vector<16xf32> to vector<16xf32>
      %swap3A_1119 = arith.index_cast %mul3A_1115 : i32 to index
      %swap3A_1120 = tpu.vector_load %arg6[%swap3A_1119] {strides = array<i32>} : memref<24576xf32, #tpu.memory_space<vmem>>, vector<16xf32>,
      %swap3A_1121 = vector.shape_cast %swap3A_1120 : vector<16xf32> to vector<16xf32>
      %swap3A_1122 = vector.shape_cast %get3A_1118 : vector<16xf32> to vector<16xf32>
      tpu.vector_store %arg6[%swap3A_1119], %swap3A_1122 {add = true, strides = array<i32>} : memref<24576xf32, #tpu.memory_space<vmem>>, vector<16xf32>,
      %mul3A_1123 = arith.constant 8 : i32
      %mul3A_1124 = arith.muli %scan3A_1058, %mul3A_1123 : i32
      %add3A_1125 = arith.constant 5 : i32
      %add3A_1126 = arith.addi %mul3A_1124, %add3A_1125 : i32
      %mul3A_1127 = arith.constant 16 : i32
      %mul3A_1128 = arith.muli %add3A_1126, %mul3A_1127 : i32
      %get3A_1129 = arith.index_cast %mul3A_1128 : i32 to index
      %get3A_1130 = tpu.vector_load %arg8[%get3A_1129] {strides = array<i32>} : memref<24576xf32, #tpu.memory_space<vmem>>, vector<16xf32>,
      %get3A_1131 = vector.shape_cast %get3A_1130 : vector<16xf32> to vector<16xf32>
      %swap3A_1132 = arith.index_cast %mul3A_1128 : i32 to index
      %swap3A_1133 = tpu.vector_load %arg6[%swap3A_1132] {strides = array<i32>} : memref<24576xf32, #tpu.memory_space<vmem>>, vector<16xf32>,
      %swap3A_1134 = vector.shape_cast %swap3A_1133 : vector<16xf32> to vector<16xf32>
      %swap3A_1135 = vector.shape_cast %get3A_1131 : vector<16xf32> to vector<16xf32>
      tpu.vector_store %arg6[%swap3A_1132], %swap3A_1135 {add = true, strides = array<i32>} : memref<24576xf32, #tpu.memory_space<vmem>>, vector<16xf32>,
      %mul3A_1136 = arith.constant 8 : i32
      %mul3A_1137 = arith.muli %scan3A_1058, %mul3A_1136 : i32
      %add3A_1138 = arith.constant 6 : i32
      %add3A_1139 = arith.addi %mul3A_1137, %add3A_1138 : i32
      %mul3A_1140 = arith.constant 16 : i32
      %mul3A_1141 = arith.muli %add3A_1139, %mul3A_1140 : i32
      %get3A_1142 = arith.index_cast %mul3A_1141 : i32 to index
      %get3A_1143 = tpu.vector_load %arg8[%get3A_1142] {strides = array<i32>} : memref<24576xf32, #tpu.memory_space<vmem>>, vector<16xf32>,
      %get3A_1144 = vector.shape_cast %get3A_1143 : vector<16xf32> to vector<16xf32>
      %swap3A_1145 = arith.index_cast %mul3A_1141 : i32 to index
      %swap3A_1146 = tpu.vector_load %arg6[%swap3A_1145] {strides = array<i32>} : memref<24576xf32, #tpu.memory_space<vmem>>, vector<16xf32>,
      %swap3A_1147 = vector.shape_cast %swap3A_1146 : vector<16xf32> to vector<16xf32>
      %swap3A_1148 = vector.shape_cast %get3A_1144 : vector<16xf32> to vector<16xf32>
      tpu.vector_store %arg6[%swap3A_1145], %swap3A_1148 {add = true, strides = array<i32>} : memref<24576xf32, #tpu.memory_space<vmem>>, vector<16xf32>,
      %mul3A_1149 = arith.constant 8 : i32
      %mul3A_1150 = arith.muli %scan3A_1058, %mul3A_1149 : i32
      %add3A_1151 = arith.constant 7 : i32
      %add3A_1152 = arith.addi %mul3A_1150, %add3A_1151 : i32
      %mul3A_1153 = arith.constant 16 : i32
      %mul3A_1154 = arith.muli %add3A_1152, %mul3A_1153 : i32
      %get3A_1155 = arith.index_cast %mul3A_1154 : i32 to index
      %get3A_1156 = tpu.vector_load %arg8[%get3A_1155] {strides = array<i32>} : memref<24576xf32, #tpu.memory_space<vmem>>, vector<16xf32>,
      %get3A_1157 = vector.shape_cast %get3A_1156 : vector<16xf32> to vector<16xf32>
      %swap3A_1158 = arith.index_cast %mul3A_1154 : i32 to index
      %swap3A_1159 = tpu.vector_load %arg6[%swap3A_1158] {strides = array<i32>} : memref<24576xf32, #tpu.memory_space<vmem>>, vector<16xf32>,
      %swap3A_1160 = vector.shape_cast %swap3A_1159 : vector<16xf32> to vector<16xf32>
      %swap3A_1161 = vector.shape_cast %get3A_1157 : vector<16xf32> to vector<16xf32>
      tpu.vector_store %arg6[%swap3A_1158], %swap3A_1161 {add = true, strides = array<i32>} : memref<24576xf32, #tpu.memory_space<vmem>>, vector<16xf32>,
      %scan3A_1162 = arith.constant 0 : i32
      scf.yield %scan3A_1162 : i32
    }
    %scan3A_665 = arith.constant 192 : i32
    %add3A_666 = arith.constant 18874368 : i32
    %add3A_667 = arith.addi %add3A_666, %mul3A_4 : i32
    %add3A_668 = arith.constant 98304 : i32
    %add3A_669 = arith.addi %add3A_667, %add3A_668 : i32
    %dma_start3A_670 = tpu.memref_slice %arg4[%add3A_669] : memref<25165824xf32, #tpu.memory_space<hbm>> -> memref<24576xf32, #tpu.memory_space<hbm>>
    %dma_start3A_671 = tpu.memref_slice %arg4[%add3A_669] : memref<25165824xf32, #tpu.memory_space<hbm>> -> memref<24576xf32, #tpu.memory_space<hbm>>
    tpu.enqueue_dma source(%arg6 : memref<24576xf32, #tpu.memory_space<vmem>>) target(%dma_start3A_671 : memref<24576xf32, #tpu.memory_space<hbm>>) target_semaphore(%arg14 : memref<!tpu.dma_semaphore, #tpu.memory_space<semaphore_mem>>)
    %add3A_672 = arith.constant 147456 : i32
    %add3A_673 = arith.addi %mul3A_4, %add3A_672 : i32
    %dma_start3A_674 = tpu.memref_slice %arg3[%add3A_673] : memref<6291456xf32, #tpu.memory_space<hbm>> -> memref<24576xf32, #tpu.memory_space<hbm>>
    %dma_start3A_675 = tpu.memref_slice %arg3[%add3A_673] : memref<6291456xf32, #tpu.memory_space<hbm>> -> memref<24576xf32, #tpu.memory_space<hbm>>
    tpu.enqueue_dma source(%dma_start3A_675 : memref<24576xf32, #tpu.memory_space<hbm>>) target(%arg8 : memref<24576xf32, #tpu.memory_space<vmem>>) target_semaphore(%arg16 : memref<!tpu.dma_semaphore, #tpu.memory_space<semaphore_mem>>)
    %add3A_676 = arith.constant 18874368 : i32
    %add3A_677 = arith.addi %add3A_676, %mul3A_4 : i32
    %add3A_678 = arith.constant 98304 : i32
    %add3A_679 = arith.addi %add3A_677, %add3A_678 : i32
    %dma_wait3A_680 = tpu.memref_slice %arg4[%add3A_679] : memref<25165824xf32, #tpu.memory_space<hbm>> -> memref<24576xf32, #tpu.memory_space<hbm>>
    %dma_wait3A_681 = tpu.memref_slice %arg4[%add3A_679] : memref<25165824xf32, #tpu.memory_space<hbm>> -> memref<24576xf32, #tpu.memory_space<hbm>>
    tpu.wait_dma2 semaphore(%arg14 : memref<!tpu.dma_semaphore, #tpu.memory_space<semaphore_mem>>) src(%arg6 : memref<24576xf32, #tpu.memory_space<vmem>>) dst(%dma_wait3A_681 : memref<24576xf32, #tpu.memory_space<hbm>>)
    %add3A_682 = arith.constant 12582912 : i32
    %add3A_683 = arith.addi %add3A_682, %mul3A_4 : i32
    %add3A_684 = arith.constant 122880 : i32
    %add3A_685 = arith.addi %add3A_683, %add3A_684 : i32
    %dma_start3A_686 = tpu.memref_slice %arg2[%add3A_685] : memref<25165824xf32, #tpu.memory_space<hbm>> -> memref<24576xf32, #tpu.memory_space<hbm>>
    %dma_start3A_687 = tpu.memref_slice %arg2[%add3A_685] : memref<25165824xf32, #tpu.memory_space<hbm>> -> memref<24576xf32, #tpu.memory_space<hbm>>
    tpu.enqueue_dma source(%dma_start3A_687 : memref<24576xf32, #tpu.memory_space<hbm>>) target(%arg6 : memref<24576xf32, #tpu.memory_space<vmem>>) target_semaphore(%arg11 : memref<!tpu.dma_semaphore, #tpu.memory_space<semaphore_mem>>)
    %add3A_688 = arith.constant 0 : i32
    %add3A_689 = arith.addi %add3A_688, %mul3A_4 : i32
    %add3A_690 = arith.constant 122880 : i32
    %add3A_691 = arith.addi %add3A_689, %add3A_690 : i32
    %dma_wait3A_692 = tpu.memref_slice %arg2[%add3A_691] : memref<25165824xf32, #tpu.memory_space<hbm>> -> memref<24576xf32, #tpu.memory_space<hbm>>
    %dma_wait3A_693 = tpu.memref_slice %arg2[%add3A_691] : memref<25165824xf32, #tpu.memory_space<hbm>> -> memref<24576xf32, #tpu.memory_space<hbm>>
    tpu.wait_dma2 semaphore(%arg12 : memref<!tpu.dma_semaphore, #tpu.memory_space<semaphore_mem>>) src(%dma_wait3A_693 : memref<24576xf32, #tpu.memory_space<hbm>>) dst(%arg7 : memref<24576xf32, #tpu.memory_space<vmem>>)
    %add3A_694 = arith.constant 122880 : i32
    %add3A_695 = arith.addi %mul3A_4, %add3A_694 : i32
    %dma_wait3A_696 = tpu.memref_slice %arg3[%add3A_695] : memref<6291456xf32, #tpu.memory_space<hbm>> -> memref<24576xf32, #tpu.memory_space<hbm>>
    %dma_wait3A_697 = tpu.memref_slice %arg3[%add3A_695] : memref<6291456xf32, #tpu.memory_space<hbm>> -> memref<24576xf32, #tpu.memory_space<hbm>>
    tpu.wait_dma2 semaphore(%arg17 : memref<!tpu.dma_semaphore, #tpu.memory_space<semaphore_mem>>) src(%dma_wait3A_697 : memref<24576xf32, #tpu.memory_space<hbm>>) dst(%arg9 : memref<24576xf32, #tpu.memory_space<vmem>>)
    %scan3A_698 = arith.constant 0 : i32
    %scan3A_699 = arith.constant 0 : i32
    %scan3A_700 = arith.constant 192 : i32
    %scan3A_701 = arith.addi %scan3A_699, %scan3A_700 : i32
    %scan3A_702 = arith.constant 1 : i32
    %scan3A_703 = scf.for %scan3A_1058 = %scan3A_699 to %scan3A_701 step %scan3A_702 iter_args(%scan3A_1059 = %scan3A_698) -> (i32)  : i32 {
      %mul3A_1060 = arith.constant 8 : i32
      %mul3A_1061 = arith.muli %scan3A_1058, %mul3A_1060 : i32
      %add3A_1062 = arith.constant 0 : i32
      %add3A_1063 = arith.addi %mul3A_1061, %add3A_1062 : i32
      %mul3A_1064 = arith.constant 16 : i32
      %mul3A_1065 = arith.muli %add3A_1063, %mul3A_1064 : i32
      %get3A = arith.index_cast %mul3A_1065 : i32 to index
      %get3A_1066 = tpu.vector_load %arg9[%get3A] {strides = array<i32>} : memref<24576xf32, #tpu.memory_space<vmem>>, vector<16xf32>,
      %get3A_1067 = vector.shape_cast %get3A_1066 : vector<16xf32> to vector<16xf32>
      %swap3A = arith.index_cast %mul3A_1065 : i32 to index
      %swap3A_1068 = tpu.vector_load %arg7[%swap3A] {strides = array<i32>} : memref<24576xf32, #tpu.memory_space<vmem>>, vector<16xf32>,
      %swap3A_1069 = vector.shape_cast %swap3A_1068 : vector<16xf32> to vector<16xf32>
      %swap3A_1070 = vector.shape_cast %get3A_1067 : vector<16xf32> to vector<16xf32>
      tpu.vector_store %arg7[%swap3A], %swap3A_1070 {add = true, strides = array<i32>} : memref<24576xf32, #tpu.memory_space<vmem>>, vector<16xf32>,
      %mul3A_1071 = arith.constant 8 : i32
      %mul3A_1072 = arith.muli %scan3A_1058, %mul3A_1071 : i32
      %add3A_1073 = arith.constant 1 : i32
      %add3A_1074 = arith.addi %mul3A_1072, %add3A_1073 : i32
      %mul3A_1075 = arith.constant 16 : i32
      %mul3A_1076 = arith.muli %add3A_1074, %mul3A_1075 : i32
      %get3A_1077 = arith.index_cast %mul3A_1076 : i32 to index
      %get3A_1078 = tpu.vector_load %arg9[%get3A_1077] {strides = array<i32>} : memref<24576xf32, #tpu.memory_space<vmem>>, vector<16xf32>,
      %get3A_1079 = vector.shape_cast %get3A_1078 : vector<16xf32> to vector<16xf32>
      %swap3A_1080 = arith.index_cast %mul3A_1076 : i32 to index
      %swap3A_1081 = tpu.vector_load %arg7[%swap3A_1080] {strides = array<i32>} : memref<24576xf32, #tpu.memory_space<vmem>>, vector<16xf32>,
      %swap3A_1082 = vector.shape_cast %swap3A_1081 : vector<16xf32> to vector<16xf32>
      %swap3A_1083 = vector.shape_cast %get3A_1079 : vector<16xf32> to vector<16xf32>
      tpu.vector_store %arg7[%swap3A_1080], %swap3A_1083 {add = true, strides = array<i32>} : memref<24576xf32, #tpu.memory_space<vmem>>, vector<16xf32>,
      %mul3A_1084 = arith.constant 8 : i32
      %mul3A_1085 = arith.muli %scan3A_1058, %mul3A_1084 : i32
      %add3A_1086 = arith.constant 2 : i32
      %add3A_1087 = arith.addi %mul3A_1085, %add3A_1086 : i32
      %mul3A_1088 = arith.constant 16 : i32
      %mul3A_1089 = arith.muli %add3A_1087, %mul3A_1088 : i32
      %get3A_1090 = arith.index_cast %mul3A_1089 : i32 to index
      %get3A_1091 = tpu.vector_load %arg9[%get3A_1090] {strides = array<i32>} : memref<24576xf32, #tpu.memory_space<vmem>>, vector<16xf32>,
      %get3A_1092 = vector.shape_cast %get3A_1091 : vector<16xf32> to vector<16xf32>
      %swap3A_1093 = arith.index_cast %mul3A_1089 : i32 to index
      %swap3A_1094 = tpu.vector_load %arg7[%swap3A_1093] {strides = array<i32>} : memref<24576xf32, #tpu.memory_space<vmem>>, vector<16xf32>,
      %swap3A_1095 = vector.shape_cast %swap3A_1094 : vector<16xf32> to vector<16xf32>
      %swap3A_1096 = vector.shape_cast %get3A_1092 : vector<16xf32> to vector<16xf32>
      tpu.vector_store %arg7[%swap3A_1093], %swap3A_1096 {add = true, strides = array<i32>} : memref<24576xf32, #tpu.memory_space<vmem>>, vector<16xf32>,
      %mul3A_1097 = arith.constant 8 : i32
      %mul3A_1098 = arith.muli %scan3A_1058, %mul3A_1097 : i32
      %add3A_1099 = arith.constant 3 : i32
      %add3A_1100 = arith.addi %mul3A_1098, %add3A_1099 : i32
      %mul3A_1101 = arith.constant 16 : i32
      %mul3A_1102 = arith.muli %add3A_1100, %mul3A_1101 : i32
      %get3A_1103 = arith.index_cast %mul3A_1102 : i32 to index
      %get3A_1104 = tpu.vector_load %arg9[%get3A_1103] {strides = array<i32>} : memref<24576xf32, #tpu.memory_space<vmem>>, vector<16xf32>,
      %get3A_1105 = vector.shape_cast %get3A_1104 : vector<16xf32> to vector<16xf32>
      %swap3A_1106 = arith.index_cast %mul3A_1102 : i32 to index
      %swap3A_1107 = tpu.vector_load %arg7[%swap3A_1106] {strides = array<i32>} : memref<24576xf32, #tpu.memory_space<vmem>>, vector<16xf32>,
      %swap3A_1108 = vector.shape_cast %swap3A_1107 : vector<16xf32> to vector<16xf32>
      %swap3A_1109 = vector.shape_cast %get3A_1105 : vector<16xf32> to vector<16xf32>
      tpu.vector_store %arg7[%swap3A_1106], %swap3A_1109 {add = true, strides = array<i32>} : memref<24576xf32, #tpu.memory_space<vmem>>, vector<16xf32>,
      %mul3A_1110 = arith.constant 8 : i32
      %mul3A_1111 = arith.muli %scan3A_1058, %mul3A_1110 : i32
      %add3A_1112 = arith.constant 4 : i32
      %add3A_1113 = arith.addi %mul3A_1111, %add3A_1112 : i32
      %mul3A_1114 = arith.constant 16 : i32
      %mul3A_1115 = arith.muli %add3A_1113, %mul3A_1114 : i32
      %get3A_1116 = arith.index_cast %mul3A_1115 : i32 to index
      %get3A_1117 = tpu.vector_load %arg9[%get3A_1116] {strides = array<i32>} : memref<24576xf32, #tpu.memory_space<vmem>>, vector<16xf32>,
      %get3A_1118 = vector.shape_cast %get3A_1117 : vector<16xf32> to vector<16xf32>
      %swap3A_1119 = arith.index_cast %mul3A_1115 : i32 to index
      %swap3A_1120 = tpu.vector_load %arg7[%swap3A_1119] {strides = array<i32>} : memref<24576xf32, #tpu.memory_space<vmem>>, vector<16xf32>,
      %swap3A_1121 = vector.shape_cast %swap3A_1120 : vector<16xf32> to vector<16xf32>
      %swap3A_1122 = vector.shape_cast %get3A_1118 : vector<16xf32> to vector<16xf32>
      tpu.vector_store %arg7[%swap3A_1119], %swap3A_1122 {add = true, strides = array<i32>} : memref<24576xf32, #tpu.memory_space<vmem>>, vector<16xf32>,
      %mul3A_1123 = arith.constant 8 : i32
      %mul3A_1124 = arith.muli %scan3A_1058, %mul3A_1123 : i32
      %add3A_1125 = arith.constant 5 : i32
      %add3A_1126 = arith.addi %mul3A_1124, %add3A_1125 : i32
      %mul3A_1127 = arith.constant 16 : i32
      %mul3A_1128 = arith.muli %add3A_1126, %mul3A_1127 : i32
      %get3A_1129 = arith.index_cast %mul3A_1128 : i32 to index
      %get3A_1130 = tpu.vector_load %arg9[%get3A_1129] {strides = array<i32>} : memref<24576xf32, #tpu.memory_space<vmem>>, vector<16xf32>,
      %get3A_1131 = vector.shape_cast %get3A_1130 : vector<16xf32> to vector<16xf32>
      %swap3A_1132 = arith.index_cast %mul3A_1128 : i32 to index
      %swap3A_1133 = tpu.vector_load %arg7[%swap3A_1132] {strides = array<i32>} : memref<24576xf32, #tpu.memory_space<vmem>>, vector<16xf32>,
      %swap3A_1134 = vector.shape_cast %swap3A_1133 : vector<16xf32> to vector<16xf32>
      %swap3A_1135 = vector.shape_cast %get3A_1131 : vector<16xf32> to vector<16xf32>
      tpu.vector_store %arg7[%swap3A_1132], %swap3A_1135 {add = true, strides = array<i32>} : memref<24576xf32, #tpu.memory_space<vmem>>, vector<16xf32>,
      %mul3A_1136 = arith.constant 8 : i32
      %mul3A_1137 = arith.muli %scan3A_1058, %mul3A_1136 : i32
      %add3A_1138 = arith.constant 6 : i32
      %add3A_1139 = arith.addi %mul3A_1137, %add3A_1138 : i32
      %mul3A_1140 = arith.constant 16 : i32
      %mul3A_1141 = arith.muli %add3A_1139, %mul3A_1140 : i32
      %get3A_1142 = arith.index_cast %mul3A_1141 : i32 to index
      %get3A_1143 = tpu.vector_load %arg9[%get3A_1142] {strides = array<i32>} : memref<24576xf32, #tpu.memory_space<vmem>>, vector<16xf32>,
      %get3A_1144 = vector.shape_cast %get3A_1143 : vector<16xf32> to vector<16xf32>
      %swap3A_1145 = arith.index_cast %mul3A_1141 : i32 to index
      %swap3A_1146 = tpu.vector_load %arg7[%swap3A_1145] {strides = array<i32>} : memref<24576xf32, #tpu.memory_space<vmem>>, vector<16xf32>,
      %swap3A_1147 = vector.shape_cast %swap3A_1146 : vector<16xf32> to vector<16xf32>
      %swap3A_1148 = vector.shape_cast %get3A_1144 : vector<16xf32> to vector<16xf32>
      tpu.vector_store %arg7[%swap3A_1145], %swap3A_1148 {add = true, strides = array<i32>} : memref<24576xf32, #tpu.memory_space<vmem>>, vector<16xf32>,
      %mul3A_1149 = arith.constant 8 : i32
      %mul3A_1150 = arith.muli %scan3A_1058, %mul3A_1149 : i32
      %add3A_1151 = arith.constant 7 : i32
      %add3A_1152 = arith.addi %mul3A_1150, %add3A_1151 : i32
      %mul3A_1153 = arith.constant 16 : i32
      %mul3A_1154 = arith.muli %add3A_1152, %mul3A_1153 : i32
      %get3A_1155 = arith.index_cast %mul3A_1154 : i32 to index
      %get3A_1156 = tpu.vector_load %arg9[%get3A_1155] {strides = array<i32>} : memref<24576xf32, #tpu.memory_space<vmem>>, vector<16xf32>,
      %get3A_1157 = vector.shape_cast %get3A_1156 : vector<16xf32> to vector<16xf32>
      %swap3A_1158 = arith.index_cast %mul3A_1154 : i32 to index
      %swap3A_1159 = tpu.vector_load %arg7[%swap3A_1158] {strides = array<i32>} : memref<24576xf32, #tpu.memory_space<vmem>>, vector<16xf32>,
      %swap3A_1160 = vector.shape_cast %swap3A_1159 : vector<16xf32> to vector<16xf32>
      %swap3A_1161 = vector.shape_cast %get3A_1157 : vector<16xf32> to vector<16xf32>
      tpu.vector_store %arg7[%swap3A_1158], %swap3A_1161 {add = true, strides = array<i32>} : memref<24576xf32, #tpu.memory_space<vmem>>, vector<16xf32>,
      %scan3A_1162 = arith.constant 0 : i32
      scf.yield %scan3A_1162 : i32
    }
    %scan3A_704 = arith.constant 192 : i32
    %add3A_705 = arith.constant 0 : i32
    %add3A_706 = arith.addi %add3A_705, %mul3A_4 : i32
    %add3A_707 = arith.constant 122880 : i32
    %add3A_708 = arith.addi %add3A_706, %add3A_707 : i32
    %dma_start3A_709 = tpu.memref_slice %arg4[%add3A_708] : memref<25165824xf32, #tpu.memory_space<hbm>> -> memref<24576xf32, #tpu.memory_space<hbm>>
    %dma_start3A_710 = tpu.memref_slice %arg4[%add3A_708] : memref<25165824xf32, #tpu.memory_space<hbm>> -> memref<24576xf32, #tpu.memory_space<hbm>>
    tpu.enqueue_dma source(%arg7 : memref<24576xf32, #tpu.memory_space<vmem>>) target(%dma_start3A_710 : memref<24576xf32, #tpu.memory_space<hbm>>) target_semaphore(%arg15 : memref<!tpu.dma_semaphore, #tpu.memory_space<semaphore_mem>>)
    %add3A_711 = arith.constant 0 : i32
    %add3A_712 = arith.addi %add3A_711, %mul3A_4 : i32
    %add3A_713 = arith.constant 122880 : i32
    %add3A_714 = arith.addi %add3A_712, %add3A_713 : i32
    %dma_wait3A_715 = tpu.memref_slice %arg4[%add3A_714] : memref<25165824xf32, #tpu.memory_space<hbm>> -> memref<24576xf32, #tpu.memory_space<hbm>>
    %dma_wait3A_716 = tpu.memref_slice %arg4[%add3A_714] : memref<25165824xf32, #tpu.memory_space<hbm>> -> memref<24576xf32, #tpu.memory_space<hbm>>
    tpu.wait_dma2 semaphore(%arg15 : memref<!tpu.dma_semaphore, #tpu.memory_space<semaphore_mem>>) src(%arg7 : memref<24576xf32, #tpu.memory_space<vmem>>) dst(%dma_wait3A_716 : memref<24576xf32, #tpu.memory_space<hbm>>)
    %add3A_717 = arith.constant 18874368 : i32
    %add3A_718 = arith.addi %add3A_717, %mul3A_4 : i32
    %add3A_719 = arith.constant 122880 : i32
    %add3A_720 = arith.addi %add3A_718, %add3A_719 : i32
    %dma_start3A_721 = tpu.memref_slice %arg2[%add3A_720] : memref<25165824xf32, #tpu.memory_space<hbm>> -> memref<24576xf32, #tpu.memory_space<hbm>>
    %dma_start3A_722 = tpu.memref_slice %arg2[%add3A_720] : memref<25165824xf32, #tpu.memory_space<hbm>> -> memref<24576xf32, #tpu.memory_space<hbm>>
    tpu.enqueue_dma source(%dma_start3A_722 : memref<24576xf32, #tpu.memory_space<hbm>>) target(%arg7 : memref<24576xf32, #tpu.memory_space<vmem>>) target_semaphore(%arg12 : memref<!tpu.dma_semaphore, #tpu.memory_space<semaphore_mem>>)
    %add3A_723 = arith.constant 6291456 : i32
    %add3A_724 = arith.addi %add3A_723, %mul3A_4 : i32
    %add3A_725 = arith.constant 122880 : i32
    %add3A_726 = arith.addi %add3A_724, %add3A_725 : i32
    %dma_wait3A_727 = tpu.memref_slice %arg2[%add3A_726] : memref<25165824xf32, #tpu.memory_space<hbm>> -> memref<24576xf32, #tpu.memory_space<hbm>>
    %dma_wait3A_728 = tpu.memref_slice %arg2[%add3A_726] : memref<25165824xf32, #tpu.memory_space<hbm>> -> memref<24576xf32, #tpu.memory_space<hbm>>
    tpu.wait_dma2 semaphore(%arg10 : memref<!tpu.dma_semaphore, #tpu.memory_space<semaphore_mem>>) src(%dma_wait3A_728 : memref<24576xf32, #tpu.memory_space<hbm>>) dst(%arg5 : memref<24576xf32, #tpu.memory_space<vmem>>)
    %scan3A_729 = arith.constant 0 : i32
    %scan3A_730 = arith.constant 0 : i32
    %scan3A_731 = arith.constant 192 : i32
    %scan3A_732 = arith.addi %scan3A_730, %scan3A_731 : i32
    %scan3A_733 = arith.constant 1 : i32
    %scan3A_734 = scf.for %scan3A_1058 = %scan3A_730 to %scan3A_732 step %scan3A_733 iter_args(%scan3A_1059 = %scan3A_729) -> (i32)  : i32 {
      %mul3A_1060 = arith.constant 8 : i32
      %mul3A_1061 = arith.muli %scan3A_1058, %mul3A_1060 : i32
      %add3A_1062 = arith.constant 0 : i32
      %add3A_1063 = arith.addi %mul3A_1061, %add3A_1062 : i32
      %mul3A_1064 = arith.constant 16 : i32
      %mul3A_1065 = arith.muli %add3A_1063, %mul3A_1064 : i32
      %get3A = arith.index_cast %mul3A_1065 : i32 to index
      %get3A_1066 = tpu.vector_load %arg9[%get3A] {strides = array<i32>} : memref<24576xf32, #tpu.memory_space<vmem>>, vector<16xf32>,
      %get3A_1067 = vector.shape_cast %get3A_1066 : vector<16xf32> to vector<16xf32>
      %swap3A = arith.index_cast %mul3A_1065 : i32 to index
      %swap3A_1068 = tpu.vector_load %arg5[%swap3A] {strides = array<i32>} : memref<24576xf32, #tpu.memory_space<vmem>>, vector<16xf32>,
      %swap3A_1069 = vector.shape_cast %swap3A_1068 : vector<16xf32> to vector<16xf32>
      %swap3A_1070 = vector.shape_cast %get3A_1067 : vector<16xf32> to vector<16xf32>
      tpu.vector_store %arg5[%swap3A], %swap3A_1070 {add = true, strides = array<i32>} : memref<24576xf32, #tpu.memory_space<vmem>>, vector<16xf32>,
      %mul3A_1071 = arith.constant 8 : i32
      %mul3A_1072 = arith.muli %scan3A_1058, %mul3A_1071 : i32
      %add3A_1073 = arith.constant 1 : i32
      %add3A_1074 = arith.addi %mul3A_1072, %add3A_1073 : i32
      %mul3A_1075 = arith.constant 16 : i32
      %mul3A_1076 = arith.muli %add3A_1074, %mul3A_1075 : i32
      %get3A_1077 = arith.index_cast %mul3A_1076 : i32 to index
      %get3A_1078 = tpu.vector_load %arg9[%get3A_1077] {strides = array<i32>} : memref<24576xf32, #tpu.memory_space<vmem>>, vector<16xf32>,
      %get3A_1079 = vector.shape_cast %get3A_1078 : vector<16xf32> to vector<16xf32>
      %swap3A_1080 = arith.index_cast %mul3A_1076 : i32 to index
      %swap3A_1081 = tpu.vector_load %arg5[%swap3A_1080] {strides = array<i32>} : memref<24576xf32, #tpu.memory_space<vmem>>, vector<16xf32>,
      %swap3A_1082 = vector.shape_cast %swap3A_1081 : vector<16xf32> to vector<16xf32>
      %swap3A_1083 = vector.shape_cast %get3A_1079 : vector<16xf32> to vector<16xf32>
      tpu.vector_store %arg5[%swap3A_1080], %swap3A_1083 {add = true, strides = array<i32>} : memref<24576xf32, #tpu.memory_space<vmem>>, vector<16xf32>,
      %mul3A_1084 = arith.constant 8 : i32
      %mul3A_1085 = arith.muli %scan3A_1058, %mul3A_1084 : i32
      %add3A_1086 = arith.constant 2 : i32
      %add3A_1087 = arith.addi %mul3A_1085, %add3A_1086 : i32
      %mul3A_1088 = arith.constant 16 : i32
      %mul3A_1089 = arith.muli %add3A_1087, %mul3A_1088 : i32
      %get3A_1090 = arith.index_cast %mul3A_1089 : i32 to index
      %get3A_1091 = tpu.vector_load %arg9[%get3A_1090] {strides = array<i32>} : memref<24576xf32, #tpu.memory_space<vmem>>, vector<16xf32>,
      %get3A_1092 = vector.shape_cast %get3A_1091 : vector<16xf32> to vector<16xf32>
      %swap3A_1093 = arith.index_cast %mul3A_1089 : i32 to index
      %swap3A_1094 = tpu.vector_load %arg5[%swap3A_1093] {strides = array<i32>} : memref<24576xf32, #tpu.memory_space<vmem>>, vector<16xf32>,
      %swap3A_1095 = vector.shape_cast %swap3A_1094 : vector<16xf32> to vector<16xf32>
      %swap3A_1096 = vector.shape_cast %get3A_1092 : vector<16xf32> to vector<16xf32>
      tpu.vector_store %arg5[%swap3A_1093], %swap3A_1096 {add = true, strides = array<i32>} : memref<24576xf32, #tpu.memory_space<vmem>>, vector<16xf32>,
      %mul3A_1097 = arith.constant 8 : i32
      %mul3A_1098 = arith.muli %scan3A_1058, %mul3A_1097 : i32
      %add3A_1099 = arith.constant 3 : i32
      %add3A_1100 = arith.addi %mul3A_1098, %add3A_1099 : i32
      %mul3A_1101 = arith.constant 16 : i32
      %mul3A_1102 = arith.muli %add3A_1100, %mul3A_1101 : i32
      %get3A_1103 = arith.index_cast %mul3A_1102 : i32 to index
      %get3A_1104 = tpu.vector_load %arg9[%get3A_1103] {strides = array<i32>} : memref<24576xf32, #tpu.memory_space<vmem>>, vector<16xf32>,
      %get3A_1105 = vector.shape_cast %get3A_1104 : vector<16xf32> to vector<16xf32>
      %swap3A_1106 = arith.index_cast %mul3A_1102 : i32 to index
      %swap3A_1107 = tpu.vector_load %arg5[%swap3A_1106] {strides = array<i32>} : memref<24576xf32, #tpu.memory_space<vmem>>, vector<16xf32>,
      %swap3A_1108 = vector.shape_cast %swap3A_1107 : vector<16xf32> to vector<16xf32>
      %swap3A_1109 = vector.shape_cast %get3A_1105 : vector<16xf32> to vector<16xf32>
      tpu.vector_store %arg5[%swap3A_1106], %swap3A_1109 {add = true, strides = array<i32>} : memref<24576xf32, #tpu.memory_space<vmem>>, vector<16xf32>,
      %mul3A_1110 = arith.constant 8 : i32
      %mul3A_1111 = arith.muli %scan3A_1058, %mul3A_1110 : i32
      %add3A_1112 = arith.constant 4 : i32
      %add3A_1113 = arith.addi %mul3A_1111, %add3A_1112 : i32
      %mul3A_1114 = arith.constant 16 : i32
      %mul3A_1115 = arith.muli %add3A_1113, %mul3A_1114 : i32
      %get3A_1116 = arith.index_cast %mul3A_1115 : i32 to index
      %get3A_1117 = tpu.vector_load %arg9[%get3A_1116] {strides = array<i32>} : memref<24576xf32, #tpu.memory_space<vmem>>, vector<16xf32>,
      %get3A_1118 = vector.shape_cast %get3A_1117 : vector<16xf32> to vector<16xf32>
      %swap3A_1119 = arith.index_cast %mul3A_1115 : i32 to index
      %swap3A_1120 = tpu.vector_load %arg5[%swap3A_1119] {strides = array<i32>} : memref<24576xf32, #tpu.memory_space<vmem>>, vector<16xf32>,
      %swap3A_1121 = vector.shape_cast %swap3A_1120 : vector<16xf32> to vector<16xf32>
      %swap3A_1122 = vector.shape_cast %get3A_1118 : vector<16xf32> to vector<16xf32>
      tpu.vector_store %arg5[%swap3A_1119], %swap3A_1122 {add = true, strides = array<i32>} : memref<24576xf32, #tpu.memory_space<vmem>>, vector<16xf32>,
      %mul3A_1123 = arith.constant 8 : i32
      %mul3A_1124 = arith.muli %scan3A_1058, %mul3A_1123 : i32
      %add3A_1125 = arith.constant 5 : i32
      %add3A_1126 = arith.addi %mul3A_1124, %add3A_1125 : i32
      %mul3A_1127 = arith.constant 16 : i32
      %mul3A_1128 = arith.muli %add3A_1126, %mul3A_1127 : i32
      %get3A_1129 = arith.index_cast %mul3A_1128 : i32 to index
      %get3A_1130 = tpu.vector_load %arg9[%get3A_1129] {strides = array<i32>} : memref<24576xf32, #tpu.memory_space<vmem>>, vector<16xf32>,
      %get3A_1131 = vector.shape_cast %get3A_1130 : vector<16xf32> to vector<16xf32>
      %swap3A_1132 = arith.index_cast %mul3A_1128 : i32 to index
      %swap3A_1133 = tpu.vector_load %arg5[%swap3A_1132] {strides = array<i32>} : memref<24576xf32, #tpu.memory_space<vmem>>, vector<16xf32>,
      %swap3A_1134 = vector.shape_cast %swap3A_1133 : vector<16xf32> to vector<16xf32>
      %swap3A_1135 = vector.shape_cast %get3A_1131 : vector<16xf32> to vector<16xf32>
      tpu.vector_store %arg5[%swap3A_1132], %swap3A_1135 {add = true, strides = array<i32>} : memref<24576xf32, #tpu.memory_space<vmem>>, vector<16xf32>,
      %mul3A_1136 = arith.constant 8 : i32
      %mul3A_1137 = arith.muli %scan3A_1058, %mul3A_1136 : i32
      %add3A_1138 = arith.constant 6 : i32
      %add3A_1139 = arith.addi %mul3A_1137, %add3A_1138 : i32
      %mul3A_1140 = arith.constant 16 : i32
      %mul3A_1141 = arith.muli %add3A_1139, %mul3A_1140 : i32
      %get3A_1142 = arith.index_cast %mul3A_1141 : i32 to index
      %get3A_1143 = tpu.vector_load %arg9[%get3A_1142] {strides = array<i32>} : memref<24576xf32, #tpu.memory_space<vmem>>, vector<16xf32>,
      %get3A_1144 = vector.shape_cast %get3A_1143 : vector<16xf32> to vector<16xf32>
      %swap3A_1145 = arith.index_cast %mul3A_1141 : i32 to index
      %swap3A_1146 = tpu.vector_load %arg5[%swap3A_1145] {strides = array<i32>} : memref<24576xf32, #tpu.memory_space<vmem>>, vector<16xf32>,
      %swap3A_1147 = vector.shape_cast %swap3A_1146 : vector<16xf32> to vector<16xf32>
      %swap3A_1148 = vector.shape_cast %get3A_1144 : vector<16xf32> to vector<16xf32>
      tpu.vector_store %arg5[%swap3A_1145], %swap3A_1148 {add = true, strides = array<i32>} : memref<24576xf32, #tpu.memory_space<vmem>>, vector<16xf32>,
      %mul3A_1149 = arith.constant 8 : i32
      %mul3A_1150 = arith.muli %scan3A_1058, %mul3A_1149 : i32
      %add3A_1151 = arith.constant 7 : i32
      %add3A_1152 = arith.addi %mul3A_1150, %add3A_1151 : i32
      %mul3A_1153 = arith.constant 16 : i32
      %mul3A_1154 = arith.muli %add3A_1152, %mul3A_1153 : i32
      %get3A_1155 = arith.index_cast %mul3A_1154 : i32 to index
      %get3A_1156 = tpu.vector_load %arg9[%get3A_1155] {strides = array<i32>} : memref<24576xf32, #tpu.memory_space<vmem>>, vector<16xf32>,
      %get3A_1157 = vector.shape_cast %get3A_1156 : vector<16xf32> to vector<16xf32>
      %swap3A_1158 = arith.index_cast %mul3A_1154 : i32 to index
      %swap3A_1159 = tpu.vector_load %arg5[%swap3A_1158] {strides = array<i32>} : memref<24576xf32, #tpu.memory_space<vmem>>, vector<16xf32>,
      %swap3A_1160 = vector.shape_cast %swap3A_1159 : vector<16xf32> to vector<16xf32>
      %swap3A_1161 = vector.shape_cast %get3A_1157 : vector<16xf32> to vector<16xf32>
      tpu.vector_store %arg5[%swap3A_1158], %swap3A_1161 {add = true, strides = array<i32>} : memref<24576xf32, #tpu.memory_space<vmem>>, vector<16xf32>,
      %scan3A_1162 = arith.constant 0 : i32
      scf.yield %scan3A_1162 : i32
    }
    %scan3A_735 = arith.constant 192 : i32
    %add3A_736 = arith.constant 6291456 : i32
    %add3A_737 = arith.addi %add3A_736, %mul3A_4 : i32
    %add3A_738 = arith.constant 122880 : i32
    %add3A_739 = arith.addi %add3A_737, %add3A_738 : i32
    %dma_start3A_740 = tpu.memref_slice %arg4[%add3A_739] : memref<25165824xf32, #tpu.memory_space<hbm>> -> memref<24576xf32, #tpu.memory_space<hbm>>
    %dma_start3A_741 = tpu.memref_slice %arg4[%add3A_739] : memref<25165824xf32, #tpu.memory_space<hbm>> -> memref<24576xf32, #tpu.memory_space<hbm>>
    tpu.enqueue_dma source(%arg5 : memref<24576xf32, #tpu.memory_space<vmem>>) target(%dma_start3A_741 : memref<24576xf32, #tpu.memory_space<hbm>>) target_semaphore(%arg13 : memref<!tpu.dma_semaphore, #tpu.memory_space<semaphore_mem>>)
    %add3A_742 = arith.constant 6291456 : i32
    %add3A_743 = arith.addi %add3A_742, %mul3A_4 : i32
    %add3A_744 = arith.constant 122880 : i32
    %add3A_745 = arith.addi %add3A_743, %add3A_744 : i32
    %dma_wait3A_746 = tpu.memref_slice %arg4[%add3A_745] : memref<25165824xf32, #tpu.memory_space<hbm>> -> memref<24576xf32, #tpu.memory_space<hbm>>
    %dma_wait3A_747 = tpu.memref_slice %arg4[%add3A_745] : memref<25165824xf32, #tpu.memory_space<hbm>> -> memref<24576xf32, #tpu.memory_space<hbm>>
    tpu.wait_dma2 semaphore(%arg13 : memref<!tpu.dma_semaphore, #tpu.memory_space<semaphore_mem>>) src(%arg5 : memref<24576xf32, #tpu.memory_space<vmem>>) dst(%dma_wait3A_747 : memref<24576xf32, #tpu.memory_space<hbm>>)
    %add3A_748 = arith.constant 0 : i32
    %add3A_749 = arith.addi %add3A_748, %mul3A_4 : i32
    %add3A_750 = arith.constant 147456 : i32
    %add3A_751 = arith.addi %add3A_749, %add3A_750 : i32
    %dma_start3A_752 = tpu.memref_slice %arg2[%add3A_751] : memref<25165824xf32, #tpu.memory_space<hbm>> -> memref<24576xf32, #tpu.memory_space<hbm>>
    %dma_start3A_753 = tpu.memref_slice %arg2[%add3A_751] : memref<25165824xf32, #tpu.memory_space<hbm>> -> memref<24576xf32, #tpu.memory_space<hbm>>
    tpu.enqueue_dma source(%dma_start3A_753 : memref<24576xf32, #tpu.memory_space<hbm>>) target(%arg5 : memref<24576xf32, #tpu.memory_space<vmem>>) target_semaphore(%arg10 : memref<!tpu.dma_semaphore, #tpu.memory_space<semaphore_mem>>)
    %add3A_754 = arith.constant 12582912 : i32
    %add3A_755 = arith.addi %add3A_754, %mul3A_4 : i32
    %add3A_756 = arith.constant 122880 : i32
    %add3A_757 = arith.addi %add3A_755, %add3A_756 : i32
    %dma_wait3A_758 = tpu.memref_slice %arg2[%add3A_757] : memref<25165824xf32, #tpu.memory_space<hbm>> -> memref<24576xf32, #tpu.memory_space<hbm>>
    %dma_wait3A_759 = tpu.memref_slice %arg2[%add3A_757] : memref<25165824xf32, #tpu.memory_space<hbm>> -> memref<24576xf32, #tpu.memory_space<hbm>>
    tpu.wait_dma2 semaphore(%arg11 : memref<!tpu.dma_semaphore, #tpu.memory_space<semaphore_mem>>) src(%dma_wait3A_759 : memref<24576xf32, #tpu.memory_space<hbm>>) dst(%arg6 : memref<24576xf32, #tpu.memory_space<vmem>>)
    %scan3A_760 = arith.constant 0 : i32
    %scan3A_761 = arith.constant 0 : i32
    %scan3A_762 = arith.constant 192 : i32
    %scan3A_763 = arith.addi %scan3A_761, %scan3A_762 : i32
    %scan3A_764 = arith.constant 1 : i32
    %scan3A_765 = scf.for %scan3A_1058 = %scan3A_761 to %scan3A_763 step %scan3A_764 iter_args(%scan3A_1059 = %scan3A_760) -> (i32)  : i32 {
      %mul3A_1060 = arith.constant 8 : i32
      %mul3A_1061 = arith.muli %scan3A_1058, %mul3A_1060 : i32
      %add3A_1062 = arith.constant 0 : i32
      %add3A_1063 = arith.addi %mul3A_1061, %add3A_1062 : i32
      %mul3A_1064 = arith.constant 16 : i32
      %mul3A_1065 = arith.muli %add3A_1063, %mul3A_1064 : i32
      %get3A = arith.index_cast %mul3A_1065 : i32 to index
      %get3A_1066 = tpu.vector_load %arg9[%get3A] {strides = array<i32>} : memref<24576xf32, #tpu.memory_space<vmem>>, vector<16xf32>,
      %get3A_1067 = vector.shape_cast %get3A_1066 : vector<16xf32> to vector<16xf32>
      %swap3A = arith.index_cast %mul3A_1065 : i32 to index
      %swap3A_1068 = tpu.vector_load %arg6[%swap3A] {strides = array<i32>} : memref<24576xf32, #tpu.memory_space<vmem>>, vector<16xf32>,
      %swap3A_1069 = vector.shape_cast %swap3A_1068 : vector<16xf32> to vector<16xf32>
      %swap3A_1070 = vector.shape_cast %get3A_1067 : vector<16xf32> to vector<16xf32>
      tpu.vector_store %arg6[%swap3A], %swap3A_1070 {add = true, strides = array<i32>} : memref<24576xf32, #tpu.memory_space<vmem>>, vector<16xf32>,
      %mul3A_1071 = arith.constant 8 : i32
      %mul3A_1072 = arith.muli %scan3A_1058, %mul3A_1071 : i32
      %add3A_1073 = arith.constant 1 : i32
      %add3A_1074 = arith.addi %mul3A_1072, %add3A_1073 : i32
      %mul3A_1075 = arith.constant 16 : i32
      %mul3A_1076 = arith.muli %add3A_1074, %mul3A_1075 : i32
      %get3A_1077 = arith.index_cast %mul3A_1076 : i32 to index
      %get3A_1078 = tpu.vector_load %arg9[%get3A_1077] {strides = array<i32>} : memref<24576xf32, #tpu.memory_space<vmem>>, vector<16xf32>,
      %get3A_1079 = vector.shape_cast %get3A_1078 : vector<16xf32> to vector<16xf32>
      %swap3A_1080 = arith.index_cast %mul3A_1076 : i32 to index
      %swap3A_1081 = tpu.vector_load %arg6[%swap3A_1080] {strides = array<i32>} : memref<24576xf32, #tpu.memory_space<vmem>>, vector<16xf32>,
      %swap3A_1082 = vector.shape_cast %swap3A_1081 : vector<16xf32> to vector<16xf32>
      %swap3A_1083 = vector.shape_cast %get3A_1079 : vector<16xf32> to vector<16xf32>
      tpu.vector_store %arg6[%swap3A_1080], %swap3A_1083 {add = true, strides = array<i32>} : memref<24576xf32, #tpu.memory_space<vmem>>, vector<16xf32>,
      %mul3A_1084 = arith.constant 8 : i32
      %mul3A_1085 = arith.muli %scan3A_1058, %mul3A_1084 : i32
      %add3A_1086 = arith.constant 2 : i32
      %add3A_1087 = arith.addi %mul3A_1085, %add3A_1086 : i32
      %mul3A_1088 = arith.constant 16 : i32
      %mul3A_1089 = arith.muli %add3A_1087, %mul3A_1088 : i32
      %get3A_1090 = arith.index_cast %mul3A_1089 : i32 to index
      %get3A_1091 = tpu.vector_load %arg9[%get3A_1090] {strides = array<i32>} : memref<24576xf32, #tpu.memory_space<vmem>>, vector<16xf32>,
      %get3A_1092 = vector.shape_cast %get3A_1091 : vector<16xf32> to vector<16xf32>
      %swap3A_1093 = arith.index_cast %mul3A_1089 : i32 to index
      %swap3A_1094 = tpu.vector_load %arg6[%swap3A_1093] {strides = array<i32>} : memref<24576xf32, #tpu.memory_space<vmem>>, vector<16xf32>,
      %swap3A_1095 = vector.shape_cast %swap3A_1094 : vector<16xf32> to vector<16xf32>
      %swap3A_1096 = vector.shape_cast %get3A_1092 : vector<16xf32> to vector<16xf32>
      tpu.vector_store %arg6[%swap3A_1093], %swap3A_1096 {add = true, strides = array<i32>} : memref<24576xf32, #tpu.memory_space<vmem>>, vector<16xf32>,
      %mul3A_1097 = arith.constant 8 : i32
      %mul3A_1098 = arith.muli %scan3A_1058, %mul3A_1097 : i32
      %add3A_1099 = arith.constant 3 : i32
      %add3A_1100 = arith.addi %mul3A_1098, %add3A_1099 : i32
      %mul3A_1101 = arith.constant 16 : i32
      %mul3A_1102 = arith.muli %add3A_1100, %mul3A_1101 : i32
      %get3A_1103 = arith.index_cast %mul3A_1102 : i32 to index
      %get3A_1104 = tpu.vector_load %arg9[%get3A_1103] {strides = array<i32>} : memref<24576xf32, #tpu.memory_space<vmem>>, vector<16xf32>,
      %get3A_1105 = vector.shape_cast %get3A_1104 : vector<16xf32> to vector<16xf32>
      %swap3A_1106 = arith.index_cast %mul3A_1102 : i32 to index
      %swap3A_1107 = tpu.vector_load %arg6[%swap3A_1106] {strides = array<i32>} : memref<24576xf32, #tpu.memory_space<vmem>>, vector<16xf32>,
      %swap3A_1108 = vector.shape_cast %swap3A_1107 : vector<16xf32> to vector<16xf32>
      %swap3A_1109 = vector.shape_cast %get3A_1105 : vector<16xf32> to vector<16xf32>
      tpu.vector_store %arg6[%swap3A_1106], %swap3A_1109 {add = true, strides = array<i32>} : memref<24576xf32, #tpu.memory_space<vmem>>, vector<16xf32>,
      %mul3A_1110 = arith.constant 8 : i32
      %mul3A_1111 = arith.muli %scan3A_1058, %mul3A_1110 : i32
      %add3A_1112 = arith.constant 4 : i32
      %add3A_1113 = arith.addi %mul3A_1111, %add3A_1112 : i32
      %mul3A_1114 = arith.constant 16 : i32
      %mul3A_1115 = arith.muli %add3A_1113, %mul3A_1114 : i32
      %get3A_1116 = arith.index_cast %mul3A_1115 : i32 to index
      %get3A_1117 = tpu.vector_load %arg9[%get3A_1116] {strides = array<i32>} : memref<24576xf32, #tpu.memory_space<vmem>>, vector<16xf32>,
      %get3A_1118 = vector.shape_cast %get3A_1117 : vector<16xf32> to vector<16xf32>
      %swap3A_1119 = arith.index_cast %mul3A_1115 : i32 to index
      %swap3A_1120 = tpu.vector_load %arg6[%swap3A_1119] {strides = array<i32>} : memref<24576xf32, #tpu.memory_space<vmem>>, vector<16xf32>,
      %swap3A_1121 = vector.shape_cast %swap3A_1120 : vector<16xf32> to vector<16xf32>
      %swap3A_1122 = vector.shape_cast %get3A_1118 : vector<16xf32> to vector<16xf32>
      tpu.vector_store %arg6[%swap3A_1119], %swap3A_1122 {add = true, strides = array<i32>} : memref<24576xf32, #tpu.memory_space<vmem>>, vector<16xf32>,
      %mul3A_1123 = arith.constant 8 : i32
      %mul3A_1124 = arith.muli %scan3A_1058, %mul3A_1123 : i32
      %add3A_1125 = arith.constant 5 : i32
      %add3A_1126 = arith.addi %mul3A_1124, %add3A_1125 : i32
      %mul3A_1127 = arith.constant 16 : i32
      %mul3A_1128 = arith.muli %add3A_1126, %mul3A_1127 : i32
      %get3A_1129 = arith.index_cast %mul3A_1128 : i32 to index
      %get3A_1130 = tpu.vector_load %arg9[%get3A_1129] {strides = array<i32>} : memref<24576xf32, #tpu.memory_space<vmem>>, vector<16xf32>,
      %get3A_1131 = vector.shape_cast %get3A_1130 : vector<16xf32> to vector<16xf32>
      %swap3A_1132 = arith.index_cast %mul3A_1128 : i32 to index
      %swap3A_1133 = tpu.vector_load %arg6[%swap3A_1132] {strides = array<i32>} : memref<24576xf32, #tpu.memory_space<vmem>>, vector<16xf32>,
      %swap3A_1134 = vector.shape_cast %swap3A_1133 : vector<16xf32> to vector<16xf32>
      %swap3A_1135 = vector.shape_cast %get3A_1131 : vector<16xf32> to vector<16xf32>
      tpu.vector_store %arg6[%swap3A_1132], %swap3A_1135 {add = true, strides = array<i32>} : memref<24576xf32, #tpu.memory_space<vmem>>, vector<16xf32>,
      %mul3A_1136 = arith.constant 8 : i32
      %mul3A_1137 = arith.muli %scan3A_1058, %mul3A_1136 : i32
      %add3A_1138 = arith.constant 6 : i32
      %add3A_1139 = arith.addi %mul3A_1137, %add3A_1138 : i32
      %mul3A_1140 = arith.constant 16 : i32
      %mul3A_1141 = arith.muli %add3A_1139, %mul3A_1140 : i32
      %get3A_1142 = arith.index_cast %mul3A_1141 : i32 to index
      %get3A_1143 = tpu.vector_load %arg9[%get3A_1142] {strides = array<i32>} : memref<24576xf32, #tpu.memory_space<vmem>>, vector<16xf32>,
      %get3A_1144 = vector.shape_cast %get3A_1143 : vector<16xf32> to vector<16xf32>
      %swap3A_1145 = arith.index_cast %mul3A_1141 : i32 to index
      %swap3A_1146 = tpu.vector_load %arg6[%swap3A_1145] {strides = array<i32>} : memref<24576xf32, #tpu.memory_space<vmem>>, vector<16xf32>,
      %swap3A_1147 = vector.shape_cast %swap3A_1146 : vector<16xf32> to vector<16xf32>
      %swap3A_1148 = vector.shape_cast %get3A_1144 : vector<16xf32> to vector<16xf32>
      tpu.vector_store %arg6[%swap3A_1145], %swap3A_1148 {add = true, strides = array<i32>} : memref<24576xf32, #tpu.memory_space<vmem>>, vector<16xf32>,
      %mul3A_1149 = arith.constant 8 : i32
      %mul3A_1150 = arith.muli %scan3A_1058, %mul3A_1149 : i32
      %add3A_1151 = arith.constant 7 : i32
      %add3A_1152 = arith.addi %mul3A_1150, %add3A_1151 : i32
      %mul3A_1153 = arith.constant 16 : i32
      %mul3A_1154 = arith.muli %add3A_1152, %mul3A_1153 : i32
      %get3A_1155 = arith.index_cast %mul3A_1154 : i32 to index
      %get3A_1156 = tpu.vector_load %arg9[%get3A_1155] {strides = array<i32>} : memref<24576xf32, #tpu.memory_space<vmem>>, vector<16xf32>,
      %get3A_1157 = vector.shape_cast %get3A_1156 : vector<16xf32> to vector<16xf32>
      %swap3A_1158 = arith.index_cast %mul3A_1154 : i32 to index
      %swap3A_1159 = tpu.vector_load %arg6[%swap3A_1158] {strides = array<i32>} : memref<24576xf32, #tpu.memory_space<vmem>>, vector<16xf32>,
      %swap3A_1160 = vector.shape_cast %swap3A_1159 : vector<16xf32> to vector<16xf32>
      %swap3A_1161 = vector.shape_cast %get3A_1157 : vector<16xf32> to vector<16xf32>
      tpu.vector_store %arg6[%swap3A_1158], %swap3A_1161 {add = true, strides = array<i32>} : memref<24576xf32, #tpu.memory_space<vmem>>, vector<16xf32>,
      %scan3A_1162 = arith.constant 0 : i32
      scf.yield %scan3A_1162 : i32
    }
    %scan3A_766 = arith.constant 192 : i32
    %add3A_767 = arith.constant 12582912 : i32
    %add3A_768 = arith.addi %add3A_767, %mul3A_4 : i32
    %add3A_769 = arith.constant 122880 : i32
    %add3A_770 = arith.addi %add3A_768, %add3A_769 : i32
    %dma_start3A_771 = tpu.memref_slice %arg4[%add3A_770] : memref<25165824xf32, #tpu.memory_space<hbm>> -> memref<24576xf32, #tpu.memory_space<hbm>>
    %dma_start3A_772 = tpu.memref_slice %arg4[%add3A_770] : memref<25165824xf32, #tpu.memory_space<hbm>> -> memref<24576xf32, #tpu.memory_space<hbm>>
    tpu.enqueue_dma source(%arg6 : memref<24576xf32, #tpu.memory_space<vmem>>) target(%dma_start3A_772 : memref<24576xf32, #tpu.memory_space<hbm>>) target_semaphore(%arg14 : memref<!tpu.dma_semaphore, #tpu.memory_space<semaphore_mem>>)
    %add3A_773 = arith.constant 12582912 : i32
    %add3A_774 = arith.addi %add3A_773, %mul3A_4 : i32
    %add3A_775 = arith.constant 122880 : i32
    %add3A_776 = arith.addi %add3A_774, %add3A_775 : i32
    %dma_wait3A_777 = tpu.memref_slice %arg4[%add3A_776] : memref<25165824xf32, #tpu.memory_space<hbm>> -> memref<24576xf32, #tpu.memory_space<hbm>>
    %dma_wait3A_778 = tpu.memref_slice %arg4[%add3A_776] : memref<25165824xf32, #tpu.memory_space<hbm>> -> memref<24576xf32, #tpu.memory_space<hbm>>
    tpu.wait_dma2 semaphore(%arg14 : memref<!tpu.dma_semaphore, #tpu.memory_space<semaphore_mem>>) src(%arg6 : memref<24576xf32, #tpu.memory_space<vmem>>) dst(%dma_wait3A_778 : memref<24576xf32, #tpu.memory_space<hbm>>)
    %add3A_779 = arith.constant 6291456 : i32
    %add3A_780 = arith.addi %add3A_779, %mul3A_4 : i32
    %add3A_781 = arith.constant 147456 : i32
    %add3A_782 = arith.addi %add3A_780, %add3A_781 : i32
    %dma_start3A_783 = tpu.memref_slice %arg2[%add3A_782] : memref<25165824xf32, #tpu.memory_space<hbm>> -> memref<24576xf32, #tpu.memory_space<hbm>>
    %dma_start3A_784 = tpu.memref_slice %arg2[%add3A_782] : memref<25165824xf32, #tpu.memory_space<hbm>> -> memref<24576xf32, #tpu.memory_space<hbm>>
    tpu.enqueue_dma source(%dma_start3A_784 : memref<24576xf32, #tpu.memory_space<hbm>>) target(%arg6 : memref<24576xf32, #tpu.memory_space<vmem>>) target_semaphore(%arg11 : memref<!tpu.dma_semaphore, #tpu.memory_space<semaphore_mem>>)
    %add3A_785 = arith.constant 18874368 : i32
    %add3A_786 = arith.addi %add3A_785, %mul3A_4 : i32
    %add3A_787 = arith.constant 122880 : i32
    %add3A_788 = arith.addi %add3A_786, %add3A_787 : i32
    %dma_wait3A_789 = tpu.memref_slice %arg2[%add3A_788] : memref<25165824xf32, #tpu.memory_space<hbm>> -> memref<24576xf32, #tpu.memory_space<hbm>>
    %dma_wait3A_790 = tpu.memref_slice %arg2[%add3A_788] : memref<25165824xf32, #tpu.memory_space<hbm>> -> memref<24576xf32, #tpu.memory_space<hbm>>
    tpu.wait_dma2 semaphore(%arg12 : memref<!tpu.dma_semaphore, #tpu.memory_space<semaphore_mem>>) src(%dma_wait3A_790 : memref<24576xf32, #tpu.memory_space<hbm>>) dst(%arg7 : memref<24576xf32, #tpu.memory_space<vmem>>)
    %scan3A_791 = arith.constant 0 : i32
    %scan3A_792 = arith.constant 0 : i32
    %scan3A_793 = arith.constant 192 : i32
    %scan3A_794 = arith.addi %scan3A_792, %scan3A_793 : i32
    %scan3A_795 = arith.constant 1 : i32
    %scan3A_796 = scf.for %scan3A_1058 = %scan3A_792 to %scan3A_794 step %scan3A_795 iter_args(%scan3A_1059 = %scan3A_791) -> (i32)  : i32 {
      %mul3A_1060 = arith.constant 8 : i32
      %mul3A_1061 = arith.muli %scan3A_1058, %mul3A_1060 : i32
      %add3A_1062 = arith.constant 0 : i32
      %add3A_1063 = arith.addi %mul3A_1061, %add3A_1062 : i32
      %mul3A_1064 = arith.constant 16 : i32
      %mul3A_1065 = arith.muli %add3A_1063, %mul3A_1064 : i32
      %get3A = arith.index_cast %mul3A_1065 : i32 to index
      %get3A_1066 = tpu.vector_load %arg9[%get3A] {strides = array<i32>} : memref<24576xf32, #tpu.memory_space<vmem>>, vector<16xf32>,
      %get3A_1067 = vector.shape_cast %get3A_1066 : vector<16xf32> to vector<16xf32>
      %swap3A = arith.index_cast %mul3A_1065 : i32 to index
      %swap3A_1068 = tpu.vector_load %arg7[%swap3A] {strides = array<i32>} : memref<24576xf32, #tpu.memory_space<vmem>>, vector<16xf32>,
      %swap3A_1069 = vector.shape_cast %swap3A_1068 : vector<16xf32> to vector<16xf32>
      %swap3A_1070 = vector.shape_cast %get3A_1067 : vector<16xf32> to vector<16xf32>
      tpu.vector_store %arg7[%swap3A], %swap3A_1070 {add = true, strides = array<i32>} : memref<24576xf32, #tpu.memory_space<vmem>>, vector<16xf32>,
      %mul3A_1071 = arith.constant 8 : i32
      %mul3A_1072 = arith.muli %scan3A_1058, %mul3A_1071 : i32
      %add3A_1073 = arith.constant 1 : i32
      %add3A_1074 = arith.addi %mul3A_1072, %add3A_1073 : i32
      %mul3A_1075 = arith.constant 16 : i32
      %mul3A_1076 = arith.muli %add3A_1074, %mul3A_1075 : i32
      %get3A_1077 = arith.index_cast %mul3A_1076 : i32 to index
      %get3A_1078 = tpu.vector_load %arg9[%get3A_1077] {strides = array<i32>} : memref<24576xf32, #tpu.memory_space<vmem>>, vector<16xf32>,
      %get3A_1079 = vector.shape_cast %get3A_1078 : vector<16xf32> to vector<16xf32>
      %swap3A_1080 = arith.index_cast %mul3A_1076 : i32 to index
      %swap3A_1081 = tpu.vector_load %arg7[%swap3A_1080] {strides = array<i32>} : memref<24576xf32, #tpu.memory_space<vmem>>, vector<16xf32>,
      %swap3A_1082 = vector.shape_cast %swap3A_1081 : vector<16xf32> to vector<16xf32>
      %swap3A_1083 = vector.shape_cast %get3A_1079 : vector<16xf32> to vector<16xf32>
      tpu.vector_store %arg7[%swap3A_1080], %swap3A_1083 {add = true, strides = array<i32>} : memref<24576xf32, #tpu.memory_space<vmem>>, vector<16xf32>,
      %mul3A_1084 = arith.constant 8 : i32
      %mul3A_1085 = arith.muli %scan3A_1058, %mul3A_1084 : i32
      %add3A_1086 = arith.constant 2 : i32
      %add3A_1087 = arith.addi %mul3A_1085, %add3A_1086 : i32
      %mul3A_1088 = arith.constant 16 : i32
      %mul3A_1089 = arith.muli %add3A_1087, %mul3A_1088 : i32
      %get3A_1090 = arith.index_cast %mul3A_1089 : i32 to index
      %get3A_1091 = tpu.vector_load %arg9[%get3A_1090] {strides = array<i32>} : memref<24576xf32, #tpu.memory_space<vmem>>, vector<16xf32>,
      %get3A_1092 = vector.shape_cast %get3A_1091 : vector<16xf32> to vector<16xf32>
      %swap3A_1093 = arith.index_cast %mul3A_1089 : i32 to index
      %swap3A_1094 = tpu.vector_load %arg7[%swap3A_1093] {strides = array<i32>} : memref<24576xf32, #tpu.memory_space<vmem>>, vector<16xf32>,
      %swap3A_1095 = vector.shape_cast %swap3A_1094 : vector<16xf32> to vector<16xf32>
      %swap3A_1096 = vector.shape_cast %get3A_1092 : vector<16xf32> to vector<16xf32>
      tpu.vector_store %arg7[%swap3A_1093], %swap3A_1096 {add = true, strides = array<i32>} : memref<24576xf32, #tpu.memory_space<vmem>>, vector<16xf32>,
      %mul3A_1097 = arith.constant 8 : i32
      %mul3A_1098 = arith.muli %scan3A_1058, %mul3A_1097 : i32
      %add3A_1099 = arith.constant 3 : i32
      %add3A_1100 = arith.addi %mul3A_1098, %add3A_1099 : i32
      %mul3A_1101 = arith.constant 16 : i32
      %mul3A_1102 = arith.muli %add3A_1100, %mul3A_1101 : i32
      %get3A_1103 = arith.index_cast %mul3A_1102 : i32 to index
      %get3A_1104 = tpu.vector_load %arg9[%get3A_1103] {strides = array<i32>} : memref<24576xf32, #tpu.memory_space<vmem>>, vector<16xf32>,
      %get3A_1105 = vector.shape_cast %get3A_1104 : vector<16xf32> to vector<16xf32>
      %swap3A_1106 = arith.index_cast %mul3A_1102 : i32 to index
      %swap3A_1107 = tpu.vector_load %arg7[%swap3A_1106] {strides = array<i32>} : memref<24576xf32, #tpu.memory_space<vmem>>, vector<16xf32>,
      %swap3A_1108 = vector.shape_cast %swap3A_1107 : vector<16xf32> to vector<16xf32>
      %swap3A_1109 = vector.shape_cast %get3A_1105 : vector<16xf32> to vector<16xf32>
      tpu.vector_store %arg7[%swap3A_1106], %swap3A_1109 {add = true, strides = array<i32>} : memref<24576xf32, #tpu.memory_space<vmem>>, vector<16xf32>,
      %mul3A_1110 = arith.constant 8 : i32
      %mul3A_1111 = arith.muli %scan3A_1058, %mul3A_1110 : i32
      %add3A_1112 = arith.constant 4 : i32
      %add3A_1113 = arith.addi %mul3A_1111, %add3A_1112 : i32
      %mul3A_1114 = arith.constant 16 : i32
      %mul3A_1115 = arith.muli %add3A_1113, %mul3A_1114 : i32
      %get3A_1116 = arith.index_cast %mul3A_1115 : i32 to index
      %get3A_1117 = tpu.vector_load %arg9[%get3A_1116] {strides = array<i32>} : memref<24576xf32, #tpu.memory_space<vmem>>, vector<16xf32>,
      %get3A_1118 = vector.shape_cast %get3A_1117 : vector<16xf32> to vector<16xf32>
      %swap3A_1119 = arith.index_cast %mul3A_1115 : i32 to index
      %swap3A_1120 = tpu.vector_load %arg7[%swap3A_1119] {strides = array<i32>} : memref<24576xf32, #tpu.memory_space<vmem>>, vector<16xf32>,
      %swap3A_1121 = vector.shape_cast %swap3A_1120 : vector<16xf32> to vector<16xf32>
      %swap3A_1122 = vector.shape_cast %get3A_1118 : vector<16xf32> to vector<16xf32>
      tpu.vector_store %arg7[%swap3A_1119], %swap3A_1122 {add = true, strides = array<i32>} : memref<24576xf32, #tpu.memory_space<vmem>>, vector<16xf32>,
      %mul3A_1123 = arith.constant 8 : i32
      %mul3A_1124 = arith.muli %scan3A_1058, %mul3A_1123 : i32
      %add3A_1125 = arith.constant 5 : i32
      %add3A_1126 = arith.addi %mul3A_1124, %add3A_1125 : i32
      %mul3A_1127 = arith.constant 16 : i32
      %mul3A_1128 = arith.muli %add3A_1126, %mul3A_1127 : i32
      %get3A_1129 = arith.index_cast %mul3A_1128 : i32 to index
      %get3A_1130 = tpu.vector_load %arg9[%get3A_1129] {strides = array<i32>} : memref<24576xf32, #tpu.memory_space<vmem>>, vector<16xf32>,
      %get3A_1131 = vector.shape_cast %get3A_1130 : vector<16xf32> to vector<16xf32>
      %swap3A_1132 = arith.index_cast %mul3A_1128 : i32 to index
      %swap3A_1133 = tpu.vector_load %arg7[%swap3A_1132] {strides = array<i32>} : memref<24576xf32, #tpu.memory_space<vmem>>, vector<16xf32>,
      %swap3A_1134 = vector.shape_cast %swap3A_1133 : vector<16xf32> to vector<16xf32>
      %swap3A_1135 = vector.shape_cast %get3A_1131 : vector<16xf32> to vector<16xf32>
      tpu.vector_store %arg7[%swap3A_1132], %swap3A_1135 {add = true, strides = array<i32>} : memref<24576xf32, #tpu.memory_space<vmem>>, vector<16xf32>,
      %mul3A_1136 = arith.constant 8 : i32
      %mul3A_1137 = arith.muli %scan3A_1058, %mul3A_1136 : i32
      %add3A_1138 = arith.constant 6 : i32
      %add3A_1139 = arith.addi %mul3A_1137, %add3A_1138 : i32
      %mul3A_1140 = arith.constant 16 : i32
      %mul3A_1141 = arith.muli %add3A_1139, %mul3A_1140 : i32
      %get3A_1142 = arith.index_cast %mul3A_1141 : i32 to index
      %get3A_1143 = tpu.vector_load %arg9[%get3A_1142] {strides = array<i32>} : memref<24576xf32, #tpu.memory_space<vmem>>, vector<16xf32>,
      %get3A_1144 = vector.shape_cast %get3A_1143 : vector<16xf32> to vector<16xf32>
      %swap3A_1145 = arith.index_cast %mul3A_1141 : i32 to index
      %swap3A_1146 = tpu.vector_load %arg7[%swap3A_1145] {strides = array<i32>} : memref<24576xf32, #tpu.memory_space<vmem>>, vector<16xf32>,
      %swap3A_1147 = vector.shape_cast %swap3A_1146 : vector<16xf32> to vector<16xf32>
      %swap3A_1148 = vector.shape_cast %get3A_1144 : vector<16xf32> to vector<16xf32>
      tpu.vector_store %arg7[%swap3A_1145], %swap3A_1148 {add = true, strides = array<i32>} : memref<24576xf32, #tpu.memory_space<vmem>>, vector<16xf32>,
      %mul3A_1149 = arith.constant 8 : i32
      %mul3A_1150 = arith.muli %scan3A_1058, %mul3A_1149 : i32
      %add3A_1151 = arith.constant 7 : i32
      %add3A_1152 = arith.addi %mul3A_1150, %add3A_1151 : i32
      %mul3A_1153 = arith.constant 16 : i32
      %mul3A_1154 = arith.muli %add3A_1152, %mul3A_1153 : i32
      %get3A_1155 = arith.index_cast %mul3A_1154 : i32 to index
      %get3A_1156 = tpu.vector_load %arg9[%get3A_1155] {strides = array<i32>} : memref<24576xf32, #tpu.memory_space<vmem>>, vector<16xf32>,
      %get3A_1157 = vector.shape_cast %get3A_1156 : vector<16xf32> to vector<16xf32>
      %swap3A_1158 = arith.index_cast %mul3A_1154 : i32 to index
      %swap3A_1159 = tpu.vector_load %arg7[%swap3A_1158] {strides = array<i32>} : memref<24576xf32, #tpu.memory_space<vmem>>, vector<16xf32>,
      %swap3A_1160 = vector.shape_cast %swap3A_1159 : vector<16xf32> to vector<16xf32>
      %swap3A_1161 = vector.shape_cast %get3A_1157 : vector<16xf32> to vector<16xf32>
      tpu.vector_store %arg7[%swap3A_1158], %swap3A_1161 {add = true, strides = array<i32>} : memref<24576xf32, #tpu.memory_space<vmem>>, vector<16xf32>,
      %scan3A_1162 = arith.constant 0 : i32
      scf.yield %scan3A_1162 : i32
    }
    %scan3A_797 = arith.constant 192 : i32
    %add3A_798 = arith.constant 18874368 : i32
    %add3A_799 = arith.addi %add3A_798, %mul3A_4 : i32
    %add3A_800 = arith.constant 122880 : i32
    %add3A_801 = arith.addi %add3A_799, %add3A_800 : i32
    %dma_start3A_802 = tpu.memref_slice %arg4[%add3A_801] : memref<25165824xf32, #tpu.memory_space<hbm>> -> memref<24576xf32, #tpu.memory_space<hbm>>
    %dma_start3A_803 = tpu.memref_slice %arg4[%add3A_801] : memref<25165824xf32, #tpu.memory_space<hbm>> -> memref<24576xf32, #tpu.memory_space<hbm>>
    tpu.enqueue_dma source(%arg7 : memref<24576xf32, #tpu.memory_space<vmem>>) target(%dma_start3A_803 : memref<24576xf32, #tpu.memory_space<hbm>>) target_semaphore(%arg15 : memref<!tpu.dma_semaphore, #tpu.memory_space<semaphore_mem>>)
    %add3A_804 = arith.constant 172032 : i32
    %add3A_805 = arith.addi %mul3A_4, %add3A_804 : i32
    %dma_start3A_806 = tpu.memref_slice %arg3[%add3A_805] : memref<6291456xf32, #tpu.memory_space<hbm>> -> memref<24576xf32, #tpu.memory_space<hbm>>
    %dma_start3A_807 = tpu.memref_slice %arg3[%add3A_805] : memref<6291456xf32, #tpu.memory_space<hbm>> -> memref<24576xf32, #tpu.memory_space<hbm>>
    tpu.enqueue_dma source(%dma_start3A_807 : memref<24576xf32, #tpu.memory_space<hbm>>) target(%arg9 : memref<24576xf32, #tpu.memory_space<vmem>>) target_semaphore(%arg17 : memref<!tpu.dma_semaphore, #tpu.memory_space<semaphore_mem>>)
    %add3A_808 = arith.constant 18874368 : i32
    %add3A_809 = arith.addi %add3A_808, %mul3A_4 : i32
    %add3A_810 = arith.constant 122880 : i32
    %add3A_811 = arith.addi %add3A_809, %add3A_810 : i32
    %dma_wait3A_812 = tpu.memref_slice %arg4[%add3A_811] : memref<25165824xf32, #tpu.memory_space<hbm>> -> memref<24576xf32, #tpu.memory_space<hbm>>
    %dma_wait3A_813 = tpu.memref_slice %arg4[%add3A_811] : memref<25165824xf32, #tpu.memory_space<hbm>> -> memref<24576xf32, #tpu.memory_space<hbm>>
    tpu.wait_dma2 semaphore(%arg15 : memref<!tpu.dma_semaphore, #tpu.memory_space<semaphore_mem>>) src(%arg7 : memref<24576xf32, #tpu.memory_space<vmem>>) dst(%dma_wait3A_813 : memref<24576xf32, #tpu.memory_space<hbm>>)
    %add3A_814 = arith.constant 12582912 : i32
    %add3A_815 = arith.addi %add3A_814, %mul3A_4 : i32
    %add3A_816 = arith.constant 147456 : i32
    %add3A_817 = arith.addi %add3A_815, %add3A_816 : i32
    %dma_start3A_818 = tpu.memref_slice %arg2[%add3A_817] : memref<25165824xf32, #tpu.memory_space<hbm>> -> memref<24576xf32, #tpu.memory_space<hbm>>
    %dma_start3A_819 = tpu.memref_slice %arg2[%add3A_817] : memref<25165824xf32, #tpu.memory_space<hbm>> -> memref<24576xf32, #tpu.memory_space<hbm>>
    tpu.enqueue_dma source(%dma_start3A_819 : memref<24576xf32, #tpu.memory_space<hbm>>) target(%arg7 : memref<24576xf32, #tpu.memory_space<vmem>>) target_semaphore(%arg12 : memref<!tpu.dma_semaphore, #tpu.memory_space<semaphore_mem>>)
    %add3A_820 = arith.constant 0 : i32
    %add3A_821 = arith.addi %add3A_820, %mul3A_4 : i32
    %add3A_822 = arith.constant 147456 : i32
    %add3A_823 = arith.addi %add3A_821, %add3A_822 : i32
    %dma_wait3A_824 = tpu.memref_slice %arg2[%add3A_823] : memref<25165824xf32, #tpu.memory_space<hbm>> -> memref<24576xf32, #tpu.memory_space<hbm>>
    %dma_wait3A_825 = tpu.memref_slice %arg2[%add3A_823] : memref<25165824xf32, #tpu.memory_space<hbm>> -> memref<24576xf32, #tpu.memory_space<hbm>>
    tpu.wait_dma2 semaphore(%arg10 : memref<!tpu.dma_semaphore, #tpu.memory_space<semaphore_mem>>) src(%dma_wait3A_825 : memref<24576xf32, #tpu.memory_space<hbm>>) dst(%arg5 : memref<24576xf32, #tpu.memory_space<vmem>>)
    %add3A_826 = arith.constant 147456 : i32
    %add3A_827 = arith.addi %mul3A_4, %add3A_826 : i32
    %dma_wait3A_828 = tpu.memref_slice %arg3[%add3A_827] : memref<6291456xf32, #tpu.memory_space<hbm>> -> memref<24576xf32, #tpu.memory_space<hbm>>
    %dma_wait3A_829 = tpu.memref_slice %arg3[%add3A_827] : memref<6291456xf32, #tpu.memory_space<hbm>> -> memref<24576xf32, #tpu.memory_space<hbm>>
    tpu.wait_dma2 semaphore(%arg16 : memref<!tpu.dma_semaphore, #tpu.memory_space<semaphore_mem>>) src(%dma_wait3A_829 : memref<24576xf32, #tpu.memory_space<hbm>>) dst(%arg8 : memref<24576xf32, #tpu.memory_space<vmem>>)
    %scan3A_830 = arith.constant 0 : i32
    %scan3A_831 = arith.constant 0 : i32
    %scan3A_832 = arith.constant 192 : i32
    %scan3A_833 = arith.addi %scan3A_831, %scan3A_832 : i32
    %scan3A_834 = arith.constant 1 : i32
    %scan3A_835 = scf.for %scan3A_1058 = %scan3A_831 to %scan3A_833 step %scan3A_834 iter_args(%scan3A_1059 = %scan3A_830) -> (i32)  : i32 {
      %mul3A_1060 = arith.constant 8 : i32
      %mul3A_1061 = arith.muli %scan3A_1058, %mul3A_1060 : i32
      %add3A_1062 = arith.constant 0 : i32
      %add3A_1063 = arith.addi %mul3A_1061, %add3A_1062 : i32
      %mul3A_1064 = arith.constant 16 : i32
      %mul3A_1065 = arith.muli %add3A_1063, %mul3A_1064 : i32
      %get3A = arith.index_cast %mul3A_1065 : i32 to index
      %get3A_1066 = tpu.vector_load %arg8[%get3A] {strides = array<i32>} : memref<24576xf32, #tpu.memory_space<vmem>>, vector<16xf32>,
      %get3A_1067 = vector.shape_cast %get3A_1066 : vector<16xf32> to vector<16xf32>
      %swap3A = arith.index_cast %mul3A_1065 : i32 to index
      %swap3A_1068 = tpu.vector_load %arg5[%swap3A] {strides = array<i32>} : memref<24576xf32, #tpu.memory_space<vmem>>, vector<16xf32>,
      %swap3A_1069 = vector.shape_cast %swap3A_1068 : vector<16xf32> to vector<16xf32>
      %swap3A_1070 = vector.shape_cast %get3A_1067 : vector<16xf32> to vector<16xf32>
      tpu.vector_store %arg5[%swap3A], %swap3A_1070 {add = true, strides = array<i32>} : memref<24576xf32, #tpu.memory_space<vmem>>, vector<16xf32>,
      %mul3A_1071 = arith.constant 8 : i32
      %mul3A_1072 = arith.muli %scan3A_1058, %mul3A_1071 : i32
      %add3A_1073 = arith.constant 1 : i32
      %add3A_1074 = arith.addi %mul3A_1072, %add3A_1073 : i32
      %mul3A_1075 = arith.constant 16 : i32
      %mul3A_1076 = arith.muli %add3A_1074, %mul3A_1075 : i32
      %get3A_1077 = arith.index_cast %mul3A_1076 : i32 to index
      %get3A_1078 = tpu.vector_load %arg8[%get3A_1077] {strides = array<i32>} : memref<24576xf32, #tpu.memory_space<vmem>>, vector<16xf32>,
      %get3A_1079 = vector.shape_cast %get3A_1078 : vector<16xf32> to vector<16xf32>
      %swap3A_1080 = arith.index_cast %mul3A_1076 : i32 to index
      %swap3A_1081 = tpu.vector_load %arg5[%swap3A_1080] {strides = array<i32>} : memref<24576xf32, #tpu.memory_space<vmem>>, vector<16xf32>,
      %swap3A_1082 = vector.shape_cast %swap3A_1081 : vector<16xf32> to vector<16xf32>
      %swap3A_1083 = vector.shape_cast %get3A_1079 : vector<16xf32> to vector<16xf32>
      tpu.vector_store %arg5[%swap3A_1080], %swap3A_1083 {add = true, strides = array<i32>} : memref<24576xf32, #tpu.memory_space<vmem>>, vector<16xf32>,
      %mul3A_1084 = arith.constant 8 : i32
      %mul3A_1085 = arith.muli %scan3A_1058, %mul3A_1084 : i32
      %add3A_1086 = arith.constant 2 : i32
      %add3A_1087 = arith.addi %mul3A_1085, %add3A_1086 : i32
      %mul3A_1088 = arith.constant 16 : i32
      %mul3A_1089 = arith.muli %add3A_1087, %mul3A_1088 : i32
      %get3A_1090 = arith.index_cast %mul3A_1089 : i32 to index
      %get3A_1091 = tpu.vector_load %arg8[%get3A_1090] {strides = array<i32>} : memref<24576xf32, #tpu.memory_space<vmem>>, vector<16xf32>,
      %get3A_1092 = vector.shape_cast %get3A_1091 : vector<16xf32> to vector<16xf32>
      %swap3A_1093 = arith.index_cast %mul3A_1089 : i32 to index
      %swap3A_1094 = tpu.vector_load %arg5[%swap3A_1093] {strides = array<i32>} : memref<24576xf32, #tpu.memory_space<vmem>>, vector<16xf32>,
      %swap3A_1095 = vector.shape_cast %swap3A_1094 : vector<16xf32> to vector<16xf32>
      %swap3A_1096 = vector.shape_cast %get3A_1092 : vector<16xf32> to vector<16xf32>
      tpu.vector_store %arg5[%swap3A_1093], %swap3A_1096 {add = true, strides = array<i32>} : memref<24576xf32, #tpu.memory_space<vmem>>, vector<16xf32>,
      %mul3A_1097 = arith.constant 8 : i32
      %mul3A_1098 = arith.muli %scan3A_1058, %mul3A_1097 : i32
      %add3A_1099 = arith.constant 3 : i32
      %add3A_1100 = arith.addi %mul3A_1098, %add3A_1099 : i32
      %mul3A_1101 = arith.constant 16 : i32
      %mul3A_1102 = arith.muli %add3A_1100, %mul3A_1101 : i32
      %get3A_1103 = arith.index_cast %mul3A_1102 : i32 to index
      %get3A_1104 = tpu.vector_load %arg8[%get3A_1103] {strides = array<i32>} : memref<24576xf32, #tpu.memory_space<vmem>>, vector<16xf32>,
      %get3A_1105 = vector.shape_cast %get3A_1104 : vector<16xf32> to vector<16xf32>
      %swap3A_1106 = arith.index_cast %mul3A_1102 : i32 to index
      %swap3A_1107 = tpu.vector_load %arg5[%swap3A_1106] {strides = array<i32>} : memref<24576xf32, #tpu.memory_space<vmem>>, vector<16xf32>,
      %swap3A_1108 = vector.shape_cast %swap3A_1107 : vector<16xf32> to vector<16xf32>
      %swap3A_1109 = vector.shape_cast %get3A_1105 : vector<16xf32> to vector<16xf32>
      tpu.vector_store %arg5[%swap3A_1106], %swap3A_1109 {add = true, strides = array<i32>} : memref<24576xf32, #tpu.memory_space<vmem>>, vector<16xf32>,
      %mul3A_1110 = arith.constant 8 : i32
      %mul3A_1111 = arith.muli %scan3A_1058, %mul3A_1110 : i32
      %add3A_1112 = arith.constant 4 : i32
      %add3A_1113 = arith.addi %mul3A_1111, %add3A_1112 : i32
      %mul3A_1114 = arith.constant 16 : i32
      %mul3A_1115 = arith.muli %add3A_1113, %mul3A_1114 : i32
      %get3A_1116 = arith.index_cast %mul3A_1115 : i32 to index
      %get3A_1117 = tpu.vector_load %arg8[%get3A_1116] {strides = array<i32>} : memref<24576xf32, #tpu.memory_space<vmem>>, vector<16xf32>,
      %get3A_1118 = vector.shape_cast %get3A_1117 : vector<16xf32> to vector<16xf32>
      %swap3A_1119 = arith.index_cast %mul3A_1115 : i32 to index
      %swap3A_1120 = tpu.vector_load %arg5[%swap3A_1119] {strides = array<i32>} : memref<24576xf32, #tpu.memory_space<vmem>>, vector<16xf32>,
      %swap3A_1121 = vector.shape_cast %swap3A_1120 : vector<16xf32> to vector<16xf32>
      %swap3A_1122 = vector.shape_cast %get3A_1118 : vector<16xf32> to vector<16xf32>
      tpu.vector_store %arg5[%swap3A_1119], %swap3A_1122 {add = true, strides = array<i32>} : memref<24576xf32, #tpu.memory_space<vmem>>, vector<16xf32>,
      %mul3A_1123 = arith.constant 8 : i32
      %mul3A_1124 = arith.muli %scan3A_1058, %mul3A_1123 : i32
      %add3A_1125 = arith.constant 5 : i32
      %add3A_1126 = arith.addi %mul3A_1124, %add3A_1125 : i32
      %mul3A_1127 = arith.constant 16 : i32
      %mul3A_1128 = arith.muli %add3A_1126, %mul3A_1127 : i32
      %get3A_1129 = arith.index_cast %mul3A_1128 : i32 to index
      %get3A_1130 = tpu.vector_load %arg8[%get3A_1129] {strides = array<i32>} : memref<24576xf32, #tpu.memory_space<vmem>>, vector<16xf32>,
      %get3A_1131 = vector.shape_cast %get3A_1130 : vector<16xf32> to vector<16xf32>
      %swap3A_1132 = arith.index_cast %mul3A_1128 : i32 to index
      %swap3A_1133 = tpu.vector_load %arg5[%swap3A_1132] {strides = array<i32>} : memref<24576xf32, #tpu.memory_space<vmem>>, vector<16xf32>,
      %swap3A_1134 = vector.shape_cast %swap3A_1133 : vector<16xf32> to vector<16xf32>
      %swap3A_1135 = vector.shape_cast %get3A_1131 : vector<16xf32> to vector<16xf32>
      tpu.vector_store %arg5[%swap3A_1132], %swap3A_1135 {add = true, strides = array<i32>} : memref<24576xf32, #tpu.memory_space<vmem>>, vector<16xf32>,
      %mul3A_1136 = arith.constant 8 : i32
      %mul3A_1137 = arith.muli %scan3A_1058, %mul3A_1136 : i32
      %add3A_1138 = arith.constant 6 : i32
      %add3A_1139 = arith.addi %mul3A_1137, %add3A_1138 : i32
      %mul3A_1140 = arith.constant 16 : i32
      %mul3A_1141 = arith.muli %add3A_1139, %mul3A_1140 : i32
      %get3A_1142 = arith.index_cast %mul3A_1141 : i32 to index
      %get3A_1143 = tpu.vector_load %arg8[%get3A_1142] {strides = array<i32>} : memref<24576xf32, #tpu.memory_space<vmem>>, vector<16xf32>,
      %get3A_1144 = vector.shape_cast %get3A_1143 : vector<16xf32> to vector<16xf32>
      %swap3A_1145 = arith.index_cast %mul3A_1141 : i32 to index
      %swap3A_1146 = tpu.vector_load %arg5[%swap3A_1145] {strides = array<i32>} : memref<24576xf32, #tpu.memory_space<vmem>>, vector<16xf32>,
      %swap3A_1147 = vector.shape_cast %swap3A_1146 : vector<16xf32> to vector<16xf32>
      %swap3A_1148 = vector.shape_cast %get3A_1144 : vector<16xf32> to vector<16xf32>
      tpu.vector_store %arg5[%swap3A_1145], %swap3A_1148 {add = true, strides = array<i32>} : memref<24576xf32, #tpu.memory_space<vmem>>, vector<16xf32>,
      %mul3A_1149 = arith.constant 8 : i32
      %mul3A_1150 = arith.muli %scan3A_1058, %mul3A_1149 : i32
      %add3A_1151 = arith.constant 7 : i32
      %add3A_1152 = arith.addi %mul3A_1150, %add3A_1151 : i32
      %mul3A_1153 = arith.constant 16 : i32
      %mul3A_1154 = arith.muli %add3A_1152, %mul3A_1153 : i32
      %get3A_1155 = arith.index_cast %mul3A_1154 : i32 to index
      %get3A_1156 = tpu.vector_load %arg8[%get3A_1155] {strides = array<i32>} : memref<24576xf32, #tpu.memory_space<vmem>>, vector<16xf32>,
      %get3A_1157 = vector.shape_cast %get3A_1156 : vector<16xf32> to vector<16xf32>
      %swap3A_1158 = arith.index_cast %mul3A_1154 : i32 to index
      %swap3A_1159 = tpu.vector_load %arg5[%swap3A_1158] {strides = array<i32>} : memref<24576xf32, #tpu.memory_space<vmem>>, vector<16xf32>,
      %swap3A_1160 = vector.shape_cast %swap3A_1159 : vector<16xf32> to vector<16xf32>
      %swap3A_1161 = vector.shape_cast %get3A_1157 : vector<16xf32> to vector<16xf32>
      tpu.vector_store %arg5[%swap3A_1158], %swap3A_1161 {add = true, strides = array<i32>} : memref<24576xf32, #tpu.memory_space<vmem>>, vector<16xf32>,
      %scan3A_1162 = arith.constant 0 : i32
      scf.yield %scan3A_1162 : i32
    }
    %scan3A_836 = arith.constant 192 : i32
    %add3A_837 = arith.constant 0 : i32
    %add3A_838 = arith.addi %add3A_837, %mul3A_4 : i32
    %add3A_839 = arith.constant 147456 : i32
    %add3A_840 = arith.addi %add3A_838, %add3A_839 : i32
    %dma_start3A_841 = tpu.memref_slice %arg4[%add3A_840] : memref<25165824xf32, #tpu.memory_space<hbm>> -> memref<24576xf32, #tpu.memory_space<hbm>>
    %dma_start3A_842 = tpu.memref_slice %arg4[%add3A_840] : memref<25165824xf32, #tpu.memory_space<hbm>> -> memref<24576xf32, #tpu.memory_space<hbm>>
    tpu.enqueue_dma source(%arg5 : memref<24576xf32, #tpu.memory_space<vmem>>) target(%dma_start3A_842 : memref<24576xf32, #tpu.memory_space<hbm>>) target_semaphore(%arg13 : memref<!tpu.dma_semaphore, #tpu.memory_space<semaphore_mem>>)
    %add3A_843 = arith.constant 0 : i32
    %add3A_844 = arith.addi %add3A_843, %mul3A_4 : i32
    %add3A_845 = arith.constant 147456 : i32
    %add3A_846 = arith.addi %add3A_844, %add3A_845 : i32
    %dma_wait3A_847 = tpu.memref_slice %arg4[%add3A_846] : memref<25165824xf32, #tpu.memory_space<hbm>> -> memref<24576xf32, #tpu.memory_space<hbm>>
    %dma_wait3A_848 = tpu.memref_slice %arg4[%add3A_846] : memref<25165824xf32, #tpu.memory_space<hbm>> -> memref<24576xf32, #tpu.memory_space<hbm>>
    tpu.wait_dma2 semaphore(%arg13 : memref<!tpu.dma_semaphore, #tpu.memory_space<semaphore_mem>>) src(%arg5 : memref<24576xf32, #tpu.memory_space<vmem>>) dst(%dma_wait3A_848 : memref<24576xf32, #tpu.memory_space<hbm>>)
    %add3A_849 = arith.constant 18874368 : i32
    %add3A_850 = arith.addi %add3A_849, %mul3A_4 : i32
    %add3A_851 = arith.constant 147456 : i32
    %add3A_852 = arith.addi %add3A_850, %add3A_851 : i32
    %dma_start3A_853 = tpu.memref_slice %arg2[%add3A_852] : memref<25165824xf32, #tpu.memory_space<hbm>> -> memref<24576xf32, #tpu.memory_space<hbm>>
    %dma_start3A_854 = tpu.memref_slice %arg2[%add3A_852] : memref<25165824xf32, #tpu.memory_space<hbm>> -> memref<24576xf32, #tpu.memory_space<hbm>>
    tpu.enqueue_dma source(%dma_start3A_854 : memref<24576xf32, #tpu.memory_space<hbm>>) target(%arg5 : memref<24576xf32, #tpu.memory_space<vmem>>) target_semaphore(%arg10 : memref<!tpu.dma_semaphore, #tpu.memory_space<semaphore_mem>>)
    %add3A_855 = arith.constant 6291456 : i32
    %add3A_856 = arith.addi %add3A_855, %mul3A_4 : i32
    %add3A_857 = arith.constant 147456 : i32
    %add3A_858 = arith.addi %add3A_856, %add3A_857 : i32
    %dma_wait3A_859 = tpu.memref_slice %arg2[%add3A_858] : memref<25165824xf32, #tpu.memory_space<hbm>> -> memref<24576xf32, #tpu.memory_space<hbm>>
    %dma_wait3A_860 = tpu.memref_slice %arg2[%add3A_858] : memref<25165824xf32, #tpu.memory_space<hbm>> -> memref<24576xf32, #tpu.memory_space<hbm>>
    tpu.wait_dma2 semaphore(%arg11 : memref<!tpu.dma_semaphore, #tpu.memory_space<semaphore_mem>>) src(%dma_wait3A_860 : memref<24576xf32, #tpu.memory_space<hbm>>) dst(%arg6 : memref<24576xf32, #tpu.memory_space<vmem>>)
    %scan3A_861 = arith.constant 0 : i32
    %scan3A_862 = arith.constant 0 : i32
    %scan3A_863 = arith.constant 192 : i32
    %scan3A_864 = arith.addi %scan3A_862, %scan3A_863 : i32
    %scan3A_865 = arith.constant 1 : i32
    %scan3A_866 = scf.for %scan3A_1058 = %scan3A_862 to %scan3A_864 step %scan3A_865 iter_args(%scan3A_1059 = %scan3A_861) -> (i32)  : i32 {
      %mul3A_1060 = arith.constant 8 : i32
      %mul3A_1061 = arith.muli %scan3A_1058, %mul3A_1060 : i32
      %add3A_1062 = arith.constant 0 : i32
      %add3A_1063 = arith.addi %mul3A_1061, %add3A_1062 : i32
      %mul3A_1064 = arith.constant 16 : i32
      %mul3A_1065 = arith.muli %add3A_1063, %mul3A_1064 : i32
      %get3A = arith.index_cast %mul3A_1065 : i32 to index
      %get3A_1066 = tpu.vector_load %arg8[%get3A] {strides = array<i32>} : memref<24576xf32, #tpu.memory_space<vmem>>, vector<16xf32>,
      %get3A_1067 = vector.shape_cast %get3A_1066 : vector<16xf32> to vector<16xf32>
      %swap3A = arith.index_cast %mul3A_1065 : i32 to index
      %swap3A_1068 = tpu.vector_load %arg6[%swap3A] {strides = array<i32>} : memref<24576xf32, #tpu.memory_space<vmem>>, vector<16xf32>,
      %swap3A_1069 = vector.shape_cast %swap3A_1068 : vector<16xf32> to vector<16xf32>
      %swap3A_1070 = vector.shape_cast %get3A_1067 : vector<16xf32> to vector<16xf32>
      tpu.vector_store %arg6[%swap3A], %swap3A_1070 {add = true, strides = array<i32>} : memref<24576xf32, #tpu.memory_space<vmem>>, vector<16xf32>,
      %mul3A_1071 = arith.constant 8 : i32
      %mul3A_1072 = arith.muli %scan3A_1058, %mul3A_1071 : i32
      %add3A_1073 = arith.constant 1 : i32
      %add3A_1074 = arith.addi %mul3A_1072, %add3A_1073 : i32
      %mul3A_1075 = arith.constant 16 : i32
      %mul3A_1076 = arith.muli %add3A_1074, %mul3A_1075 : i32
      %get3A_1077 = arith.index_cast %mul3A_1076 : i32 to index
      %get3A_1078 = tpu.vector_load %arg8[%get3A_1077] {strides = array<i32>} : memref<24576xf32, #tpu.memory_space<vmem>>, vector<16xf32>,
      %get3A_1079 = vector.shape_cast %get3A_1078 : vector<16xf32> to vector<16xf32>
      %swap3A_1080 = arith.index_cast %mul3A_1076 : i32 to index
      %swap3A_1081 = tpu.vector_load %arg6[%swap3A_1080] {strides = array<i32>} : memref<24576xf32, #tpu.memory_space<vmem>>, vector<16xf32>,
      %swap3A_1082 = vector.shape_cast %swap3A_1081 : vector<16xf32> to vector<16xf32>
      %swap3A_1083 = vector.shape_cast %get3A_1079 : vector<16xf32> to vector<16xf32>
      tpu.vector_store %arg6[%swap3A_1080], %swap3A_1083 {add = true, strides = array<i32>} : memref<24576xf32, #tpu.memory_space<vmem>>, vector<16xf32>,
      %mul3A_1084 = arith.constant 8 : i32
      %mul3A_1085 = arith.muli %scan3A_1058, %mul3A_1084 : i32
      %add3A_1086 = arith.constant 2 : i32
      %add3A_1087 = arith.addi %mul3A_1085, %add3A_1086 : i32
      %mul3A_1088 = arith.constant 16 : i32
      %mul3A_1089 = arith.muli %add3A_1087, %mul3A_1088 : i32
      %get3A_1090 = arith.index_cast %mul3A_1089 : i32 to index
      %get3A_1091 = tpu.vector_load %arg8[%get3A_1090] {strides = array<i32>} : memref<24576xf32, #tpu.memory_space<vmem>>, vector<16xf32>,
      %get3A_1092 = vector.shape_cast %get3A_1091 : vector<16xf32> to vector<16xf32>
      %swap3A_1093 = arith.index_cast %mul3A_1089 : i32 to index
      %swap3A_1094 = tpu.vector_load %arg6[%swap3A_1093] {strides = array<i32>} : memref<24576xf32, #tpu.memory_space<vmem>>, vector<16xf32>,
      %swap3A_1095 = vector.shape_cast %swap3A_1094 : vector<16xf32> to vector<16xf32>
      %swap3A_1096 = vector.shape_cast %get3A_1092 : vector<16xf32> to vector<16xf32>
      tpu.vector_store %arg6[%swap3A_1093], %swap3A_1096 {add = true, strides = array<i32>} : memref<24576xf32, #tpu.memory_space<vmem>>, vector<16xf32>,
      %mul3A_1097 = arith.constant 8 : i32
      %mul3A_1098 = arith.muli %scan3A_1058, %mul3A_1097 : i32
      %add3A_1099 = arith.constant 3 : i32
      %add3A_1100 = arith.addi %mul3A_1098, %add3A_1099 : i32
      %mul3A_1101 = arith.constant 16 : i32
      %mul3A_1102 = arith.muli %add3A_1100, %mul3A_1101 : i32
      %get3A_1103 = arith.index_cast %mul3A_1102 : i32 to index
      %get3A_1104 = tpu.vector_load %arg8[%get3A_1103] {strides = array<i32>} : memref<24576xf32, #tpu.memory_space<vmem>>, vector<16xf32>,
      %get3A_1105 = vector.shape_cast %get3A_1104 : vector<16xf32> to vector<16xf32>
      %swap3A_1106 = arith.index_cast %mul3A_1102 : i32 to index
      %swap3A_1107 = tpu.vector_load %arg6[%swap3A_1106] {strides = array<i32>} : memref<24576xf32, #tpu.memory_space<vmem>>, vector<16xf32>,
      %swap3A_1108 = vector.shape_cast %swap3A_1107 : vector<16xf32> to vector<16xf32>
      %swap3A_1109 = vector.shape_cast %get3A_1105 : vector<16xf32> to vector<16xf32>
      tpu.vector_store %arg6[%swap3A_1106], %swap3A_1109 {add = true, strides = array<i32>} : memref<24576xf32, #tpu.memory_space<vmem>>, vector<16xf32>,
      %mul3A_1110 = arith.constant 8 : i32
      %mul3A_1111 = arith.muli %scan3A_1058, %mul3A_1110 : i32
      %add3A_1112 = arith.constant 4 : i32
      %add3A_1113 = arith.addi %mul3A_1111, %add3A_1112 : i32
      %mul3A_1114 = arith.constant 16 : i32
      %mul3A_1115 = arith.muli %add3A_1113, %mul3A_1114 : i32
      %get3A_1116 = arith.index_cast %mul3A_1115 : i32 to index
      %get3A_1117 = tpu.vector_load %arg8[%get3A_1116] {strides = array<i32>} : memref<24576xf32, #tpu.memory_space<vmem>>, vector<16xf32>,
      %get3A_1118 = vector.shape_cast %get3A_1117 : vector<16xf32> to vector<16xf32>
      %swap3A_1119 = arith.index_cast %mul3A_1115 : i32 to index
      %swap3A_1120 = tpu.vector_load %arg6[%swap3A_1119] {strides = array<i32>} : memref<24576xf32, #tpu.memory_space<vmem>>, vector<16xf32>,
      %swap3A_1121 = vector.shape_cast %swap3A_1120 : vector<16xf32> to vector<16xf32>
      %swap3A_1122 = vector.shape_cast %get3A_1118 : vector<16xf32> to vector<16xf32>
      tpu.vector_store %arg6[%swap3A_1119], %swap3A_1122 {add = true, strides = array<i32>} : memref<24576xf32, #tpu.memory_space<vmem>>, vector<16xf32>,
      %mul3A_1123 = arith.constant 8 : i32
      %mul3A_1124 = arith.muli %scan3A_1058, %mul3A_1123 : i32
      %add3A_1125 = arith.constant 5 : i32
      %add3A_1126 = arith.addi %mul3A_1124, %add3A_1125 : i32
      %mul3A_1127 = arith.constant 16 : i32
      %mul3A_1128 = arith.muli %add3A_1126, %mul3A_1127 : i32
      %get3A_1129 = arith.index_cast %mul3A_1128 : i32 to index
      %get3A_1130 = tpu.vector_load %arg8[%get3A_1129] {strides = array<i32>} : memref<24576xf32, #tpu.memory_space<vmem>>, vector<16xf32>,
      %get3A_1131 = vector.shape_cast %get3A_1130 : vector<16xf32> to vector<16xf32>
      %swap3A_1132 = arith.index_cast %mul3A_1128 : i32 to index
      %swap3A_1133 = tpu.vector_load %arg6[%swap3A_1132] {strides = array<i32>} : memref<24576xf32, #tpu.memory_space<vmem>>, vector<16xf32>,
      %swap3A_1134 = vector.shape_cast %swap3A_1133 : vector<16xf32> to vector<16xf32>
      %swap3A_1135 = vector.shape_cast %get3A_1131 : vector<16xf32> to vector<16xf32>
      tpu.vector_store %arg6[%swap3A_1132], %swap3A_1135 {add = true, strides = array<i32>} : memref<24576xf32, #tpu.memory_space<vmem>>, vector<16xf32>,
      %mul3A_1136 = arith.constant 8 : i32
      %mul3A_1137 = arith.muli %scan3A_1058, %mul3A_1136 : i32
      %add3A_1138 = arith.constant 6 : i32
      %add3A_1139 = arith.addi %mul3A_1137, %add3A_1138 : i32
      %mul3A_1140 = arith.constant 16 : i32
      %mul3A_1141 = arith.muli %add3A_1139, %mul3A_1140 : i32
      %get3A_1142 = arith.index_cast %mul3A_1141 : i32 to index
      %get3A_1143 = tpu.vector_load %arg8[%get3A_1142] {strides = array<i32>} : memref<24576xf32, #tpu.memory_space<vmem>>, vector<16xf32>,
      %get3A_1144 = vector.shape_cast %get3A_1143 : vector<16xf32> to vector<16xf32>
      %swap3A_1145 = arith.index_cast %mul3A_1141 : i32 to index
      %swap3A_1146 = tpu.vector_load %arg6[%swap3A_1145] {strides = array<i32>} : memref<24576xf32, #tpu.memory_space<vmem>>, vector<16xf32>,
      %swap3A_1147 = vector.shape_cast %swap3A_1146 : vector<16xf32> to vector<16xf32>
      %swap3A_1148 = vector.shape_cast %get3A_1144 : vector<16xf32> to vector<16xf32>
      tpu.vector_store %arg6[%swap3A_1145], %swap3A_1148 {add = true, strides = array<i32>} : memref<24576xf32, #tpu.memory_space<vmem>>, vector<16xf32>,
      %mul3A_1149 = arith.constant 8 : i32
      %mul3A_1150 = arith.muli %scan3A_1058, %mul3A_1149 : i32
      %add3A_1151 = arith.constant 7 : i32
      %add3A_1152 = arith.addi %mul3A_1150, %add3A_1151 : i32
      %mul3A_1153 = arith.constant 16 : i32
      %mul3A_1154 = arith.muli %add3A_1152, %mul3A_1153 : i32
      %get3A_1155 = arith.index_cast %mul3A_1154 : i32 to index
      %get3A_1156 = tpu.vector_load %arg8[%get3A_1155] {strides = array<i32>} : memref<24576xf32, #tpu.memory_space<vmem>>, vector<16xf32>,
      %get3A_1157 = vector.shape_cast %get3A_1156 : vector<16xf32> to vector<16xf32>
      %swap3A_1158 = arith.index_cast %mul3A_1154 : i32 to index
      %swap3A_1159 = tpu.vector_load %arg6[%swap3A_1158] {strides = array<i32>} : memref<24576xf32, #tpu.memory_space<vmem>>, vector<16xf32>,
      %swap3A_1160 = vector.shape_cast %swap3A_1159 : vector<16xf32> to vector<16xf32>
      %swap3A_1161 = vector.shape_cast %get3A_1157 : vector<16xf32> to vector<16xf32>
      tpu.vector_store %arg6[%swap3A_1158], %swap3A_1161 {add = true, strides = array<i32>} : memref<24576xf32, #tpu.memory_space<vmem>>, vector<16xf32>,
      %scan3A_1162 = arith.constant 0 : i32
      scf.yield %scan3A_1162 : i32
    }
    %scan3A_867 = arith.constant 192 : i32
    %add3A_868 = arith.constant 6291456 : i32
    %add3A_869 = arith.addi %add3A_868, %mul3A_4 : i32
    %add3A_870 = arith.constant 147456 : i32
    %add3A_871 = arith.addi %add3A_869, %add3A_870 : i32
    %dma_start3A_872 = tpu.memref_slice %arg4[%add3A_871] : memref<25165824xf32, #tpu.memory_space<hbm>> -> memref<24576xf32, #tpu.memory_space<hbm>>
    %dma_start3A_873 = tpu.memref_slice %arg4[%add3A_871] : memref<25165824xf32, #tpu.memory_space<hbm>> -> memref<24576xf32, #tpu.memory_space<hbm>>
    tpu.enqueue_dma source(%arg6 : memref<24576xf32, #tpu.memory_space<vmem>>) target(%dma_start3A_873 : memref<24576xf32, #tpu.memory_space<hbm>>) target_semaphore(%arg14 : memref<!tpu.dma_semaphore, #tpu.memory_space<semaphore_mem>>)
    %add3A_874 = arith.constant 6291456 : i32
    %add3A_875 = arith.addi %add3A_874, %mul3A_4 : i32
    %add3A_876 = arith.constant 147456 : i32
    %add3A_877 = arith.addi %add3A_875, %add3A_876 : i32
    %dma_wait3A_878 = tpu.memref_slice %arg4[%add3A_877] : memref<25165824xf32, #tpu.memory_space<hbm>> -> memref<24576xf32, #tpu.memory_space<hbm>>
    %dma_wait3A_879 = tpu.memref_slice %arg4[%add3A_877] : memref<25165824xf32, #tpu.memory_space<hbm>> -> memref<24576xf32, #tpu.memory_space<hbm>>
    tpu.wait_dma2 semaphore(%arg14 : memref<!tpu.dma_semaphore, #tpu.memory_space<semaphore_mem>>) src(%arg6 : memref<24576xf32, #tpu.memory_space<vmem>>) dst(%dma_wait3A_879 : memref<24576xf32, #tpu.memory_space<hbm>>)
    %add3A_880 = arith.constant 0 : i32
    %add3A_881 = arith.addi %add3A_880, %mul3A_4 : i32
    %add3A_882 = arith.constant 172032 : i32
    %add3A_883 = arith.addi %add3A_881, %add3A_882 : i32
    %dma_start3A_884 = tpu.memref_slice %arg2[%add3A_883] : memref<25165824xf32, #tpu.memory_space<hbm>> -> memref<24576xf32, #tpu.memory_space<hbm>>
    %dma_start3A_885 = tpu.memref_slice %arg2[%add3A_883] : memref<25165824xf32, #tpu.memory_space<hbm>> -> memref<24576xf32, #tpu.memory_space<hbm>>
    tpu.enqueue_dma source(%dma_start3A_885 : memref<24576xf32, #tpu.memory_space<hbm>>) target(%arg6 : memref<24576xf32, #tpu.memory_space<vmem>>) target_semaphore(%arg11 : memref<!tpu.dma_semaphore, #tpu.memory_space<semaphore_mem>>)
    %add3A_886 = arith.constant 12582912 : i32
    %add3A_887 = arith.addi %add3A_886, %mul3A_4 : i32
    %add3A_888 = arith.constant 147456 : i32
    %add3A_889 = arith.addi %add3A_887, %add3A_888 : i32
    %dma_wait3A_890 = tpu.memref_slice %arg2[%add3A_889] : memref<25165824xf32, #tpu.memory_space<hbm>> -> memref<24576xf32, #tpu.memory_space<hbm>>
    %dma_wait3A_891 = tpu.memref_slice %arg2[%add3A_889] : memref<25165824xf32, #tpu.memory_space<hbm>> -> memref<24576xf32, #tpu.memory_space<hbm>>
    tpu.wait_dma2 semaphore(%arg12 : memref<!tpu.dma_semaphore, #tpu.memory_space<semaphore_mem>>) src(%dma_wait3A_891 : memref<24576xf32, #tpu.memory_space<hbm>>) dst(%arg7 : memref<24576xf32, #tpu.memory_space<vmem>>)
    %scan3A_892 = arith.constant 0 : i32
    %scan3A_893 = arith.constant 0 : i32
    %scan3A_894 = arith.constant 192 : i32
    %scan3A_895 = arith.addi %scan3A_893, %scan3A_894 : i32
    %scan3A_896 = arith.constant 1 : i32
    %scan3A_897 = scf.for %scan3A_1058 = %scan3A_893 to %scan3A_895 step %scan3A_896 iter_args(%scan3A_1059 = %scan3A_892) -> (i32)  : i32 {
      %mul3A_1060 = arith.constant 8 : i32
      %mul3A_1061 = arith.muli %scan3A_1058, %mul3A_1060 : i32
      %add3A_1062 = arith.constant 0 : i32
      %add3A_1063 = arith.addi %mul3A_1061, %add3A_1062 : i32
      %mul3A_1064 = arith.constant 16 : i32
      %mul3A_1065 = arith.muli %add3A_1063, %mul3A_1064 : i32
      %get3A = arith.index_cast %mul3A_1065 : i32 to index
      %get3A_1066 = tpu.vector_load %arg8[%get3A] {strides = array<i32>} : memref<24576xf32, #tpu.memory_space<vmem>>, vector<16xf32>,
      %get3A_1067 = vector.shape_cast %get3A_1066 : vector<16xf32> to vector<16xf32>
      %swap3A = arith.index_cast %mul3A_1065 : i32 to index
      %swap3A_1068 = tpu.vector_load %arg7[%swap3A] {strides = array<i32>} : memref<24576xf32, #tpu.memory_space<vmem>>, vector<16xf32>,
      %swap3A_1069 = vector.shape_cast %swap3A_1068 : vector<16xf32> to vector<16xf32>
      %swap3A_1070 = vector.shape_cast %get3A_1067 : vector<16xf32> to vector<16xf32>
      tpu.vector_store %arg7[%swap3A], %swap3A_1070 {add = true, strides = array<i32>} : memref<24576xf32, #tpu.memory_space<vmem>>, vector<16xf32>,
      %mul3A_1071 = arith.constant 8 : i32
      %mul3A_1072 = arith.muli %scan3A_1058, %mul3A_1071 : i32
      %add3A_1073 = arith.constant 1 : i32
      %add3A_1074 = arith.addi %mul3A_1072, %add3A_1073 : i32
      %mul3A_1075 = arith.constant 16 : i32
      %mul3A_1076 = arith.muli %add3A_1074, %mul3A_1075 : i32
      %get3A_1077 = arith.index_cast %mul3A_1076 : i32 to index
      %get3A_1078 = tpu.vector_load %arg8[%get3A_1077] {strides = array<i32>} : memref<24576xf32, #tpu.memory_space<vmem>>, vector<16xf32>,
      %get3A_1079 = vector.shape_cast %get3A_1078 : vector<16xf32> to vector<16xf32>
      %swap3A_1080 = arith.index_cast %mul3A_1076 : i32 to index
      %swap3A_1081 = tpu.vector_load %arg7[%swap3A_1080] {strides = array<i32>} : memref<24576xf32, #tpu.memory_space<vmem>>, vector<16xf32>,
      %swap3A_1082 = vector.shape_cast %swap3A_1081 : vector<16xf32> to vector<16xf32>
      %swap3A_1083 = vector.shape_cast %get3A_1079 : vector<16xf32> to vector<16xf32>
      tpu.vector_store %arg7[%swap3A_1080], %swap3A_1083 {add = true, strides = array<i32>} : memref<24576xf32, #tpu.memory_space<vmem>>, vector<16xf32>,
      %mul3A_1084 = arith.constant 8 : i32
      %mul3A_1085 = arith.muli %scan3A_1058, %mul3A_1084 : i32
      %add3A_1086 = arith.constant 2 : i32
      %add3A_1087 = arith.addi %mul3A_1085, %add3A_1086 : i32
      %mul3A_1088 = arith.constant 16 : i32
      %mul3A_1089 = arith.muli %add3A_1087, %mul3A_1088 : i32
      %get3A_1090 = arith.index_cast %mul3A_1089 : i32 to index
      %get3A_1091 = tpu.vector_load %arg8[%get3A_1090] {strides = array<i32>} : memref<24576xf32, #tpu.memory_space<vmem>>, vector<16xf32>,
      %get3A_1092 = vector.shape_cast %get3A_1091 : vector<16xf32> to vector<16xf32>
      %swap3A_1093 = arith.index_cast %mul3A_1089 : i32 to index
      %swap3A_1094 = tpu.vector_load %arg7[%swap3A_1093] {strides = array<i32>} : memref<24576xf32, #tpu.memory_space<vmem>>, vector<16xf32>,
      %swap3A_1095 = vector.shape_cast %swap3A_1094 : vector<16xf32> to vector<16xf32>
      %swap3A_1096 = vector.shape_cast %get3A_1092 : vector<16xf32> to vector<16xf32>
      tpu.vector_store %arg7[%swap3A_1093], %swap3A_1096 {add = true, strides = array<i32>} : memref<24576xf32, #tpu.memory_space<vmem>>, vector<16xf32>,
      %mul3A_1097 = arith.constant 8 : i32
      %mul3A_1098 = arith.muli %scan3A_1058, %mul3A_1097 : i32
      %add3A_1099 = arith.constant 3 : i32
      %add3A_1100 = arith.addi %mul3A_1098, %add3A_1099 : i32
      %mul3A_1101 = arith.constant 16 : i32
      %mul3A_1102 = arith.muli %add3A_1100, %mul3A_1101 : i32
      %get3A_1103 = arith.index_cast %mul3A_1102 : i32 to index
      %get3A_1104 = tpu.vector_load %arg8[%get3A_1103] {strides = array<i32>} : memref<24576xf32, #tpu.memory_space<vmem>>, vector<16xf32>,
      %get3A_1105 = vector.shape_cast %get3A_1104 : vector<16xf32> to vector<16xf32>
      %swap3A_1106 = arith.index_cast %mul3A_1102 : i32 to index
      %swap3A_1107 = tpu.vector_load %arg7[%swap3A_1106] {strides = array<i32>} : memref<24576xf32, #tpu.memory_space<vmem>>, vector<16xf32>,
      %swap3A_1108 = vector.shape_cast %swap3A_1107 : vector<16xf32> to vector<16xf32>
      %swap3A_1109 = vector.shape_cast %get3A_1105 : vector<16xf32> to vector<16xf32>
      tpu.vector_store %arg7[%swap3A_1106], %swap3A_1109 {add = true, strides = array<i32>} : memref<24576xf32, #tpu.memory_space<vmem>>, vector<16xf32>,
      %mul3A_1110 = arith.constant 8 : i32
      %mul3A_1111 = arith.muli %scan3A_1058, %mul3A_1110 : i32
      %add3A_1112 = arith.constant 4 : i32
      %add3A_1113 = arith.addi %mul3A_1111, %add3A_1112 : i32
      %mul3A_1114 = arith.constant 16 : i32
      %mul3A_1115 = arith.muli %add3A_1113, %mul3A_1114 : i32
      %get3A_1116 = arith.index_cast %mul3A_1115 : i32 to index
      %get3A_1117 = tpu.vector_load %arg8[%get3A_1116] {strides = array<i32>} : memref<24576xf32, #tpu.memory_space<vmem>>, vector<16xf32>,
      %get3A_1118 = vector.shape_cast %get3A_1117 : vector<16xf32> to vector<16xf32>
      %swap3A_1119 = arith.index_cast %mul3A_1115 : i32 to index
      %swap3A_1120 = tpu.vector_load %arg7[%swap3A_1119] {strides = array<i32>} : memref<24576xf32, #tpu.memory_space<vmem>>, vector<16xf32>,
      %swap3A_1121 = vector.shape_cast %swap3A_1120 : vector<16xf32> to vector<16xf32>
      %swap3A_1122 = vector.shape_cast %get3A_1118 : vector<16xf32> to vector<16xf32>
      tpu.vector_store %arg7[%swap3A_1119], %swap3A_1122 {add = true, strides = array<i32>} : memref<24576xf32, #tpu.memory_space<vmem>>, vector<16xf32>,
      %mul3A_1123 = arith.constant 8 : i32
      %mul3A_1124 = arith.muli %scan3A_1058, %mul3A_1123 : i32
      %add3A_1125 = arith.constant 5 : i32
      %add3A_1126 = arith.addi %mul3A_1124, %add3A_1125 : i32
      %mul3A_1127 = arith.constant 16 : i32
      %mul3A_1128 = arith.muli %add3A_1126, %mul3A_1127 : i32
      %get3A_1129 = arith.index_cast %mul3A_1128 : i32 to index
      %get3A_1130 = tpu.vector_load %arg8[%get3A_1129] {strides = array<i32>} : memref<24576xf32, #tpu.memory_space<vmem>>, vector<16xf32>,
      %get3A_1131 = vector.shape_cast %get3A_1130 : vector<16xf32> to vector<16xf32>
      %swap3A_1132 = arith.index_cast %mul3A_1128 : i32 to index
      %swap3A_1133 = tpu.vector_load %arg7[%swap3A_1132] {strides = array<i32>} : memref<24576xf32, #tpu.memory_space<vmem>>, vector<16xf32>,
      %swap3A_1134 = vector.shape_cast %swap3A_1133 : vector<16xf32> to vector<16xf32>
      %swap3A_1135 = vector.shape_cast %get3A_1131 : vector<16xf32> to vector<16xf32>
      tpu.vector_store %arg7[%swap3A_1132], %swap3A_1135 {add = true, strides = array<i32>} : memref<24576xf32, #tpu.memory_space<vmem>>, vector<16xf32>,
      %mul3A_1136 = arith.constant 8 : i32
      %mul3A_1137 = arith.muli %scan3A_1058, %mul3A_1136 : i32
      %add3A_1138 = arith.constant 6 : i32
      %add3A_1139 = arith.addi %mul3A_1137, %add3A_1138 : i32
      %mul3A_1140 = arith.constant 16 : i32
      %mul3A_1141 = arith.muli %add3A_1139, %mul3A_1140 : i32
      %get3A_1142 = arith.index_cast %mul3A_1141 : i32 to index
      %get3A_1143 = tpu.vector_load %arg8[%get3A_1142] {strides = array<i32>} : memref<24576xf32, #tpu.memory_space<vmem>>, vector<16xf32>,
      %get3A_1144 = vector.shape_cast %get3A_1143 : vector<16xf32> to vector<16xf32>
      %swap3A_1145 = arith.index_cast %mul3A_1141 : i32 to index
      %swap3A_1146 = tpu.vector_load %arg7[%swap3A_1145] {strides = array<i32>} : memref<24576xf32, #tpu.memory_space<vmem>>, vector<16xf32>,
      %swap3A_1147 = vector.shape_cast %swap3A_1146 : vector<16xf32> to vector<16xf32>
      %swap3A_1148 = vector.shape_cast %get3A_1144 : vector<16xf32> to vector<16xf32>
      tpu.vector_store %arg7[%swap3A_1145], %swap3A_1148 {add = true, strides = array<i32>} : memref<24576xf32, #tpu.memory_space<vmem>>, vector<16xf32>,
      %mul3A_1149 = arith.constant 8 : i32
      %mul3A_1150 = arith.muli %scan3A_1058, %mul3A_1149 : i32
      %add3A_1151 = arith.constant 7 : i32
      %add3A_1152 = arith.addi %mul3A_1150, %add3A_1151 : i32
      %mul3A_1153 = arith.constant 16 : i32
      %mul3A_1154 = arith.muli %add3A_1152, %mul3A_1153 : i32
      %get3A_1155 = arith.index_cast %mul3A_1154 : i32 to index
      %get3A_1156 = tpu.vector_load %arg8[%get3A_1155] {strides = array<i32>} : memref<24576xf32, #tpu.memory_space<vmem>>, vector<16xf32>,
      %get3A_1157 = vector.shape_cast %get3A_1156 : vector<16xf32> to vector<16xf32>
      %swap3A_1158 = arith.index_cast %mul3A_1154 : i32 to index
      %swap3A_1159 = tpu.vector_load %arg7[%swap3A_1158] {strides = array<i32>} : memref<24576xf32, #tpu.memory_space<vmem>>, vector<16xf32>,
      %swap3A_1160 = vector.shape_cast %swap3A_1159 : vector<16xf32> to vector<16xf32>
      %swap3A_1161 = vector.shape_cast %get3A_1157 : vector<16xf32> to vector<16xf32>
      tpu.vector_store %arg7[%swap3A_1158], %swap3A_1161 {add = true, strides = array<i32>} : memref<24576xf32, #tpu.memory_space<vmem>>, vector<16xf32>,
      %scan3A_1162 = arith.constant 0 : i32
      scf.yield %scan3A_1162 : i32
    }
    %scan3A_898 = arith.constant 192 : i32
    %add3A_899 = arith.constant 12582912 : i32
    %add3A_900 = arith.addi %add3A_899, %mul3A_4 : i32
    %add3A_901 = arith.constant 147456 : i32
    %add3A_902 = arith.addi %add3A_900, %add3A_901 : i32
    %dma_start3A_903 = tpu.memref_slice %arg4[%add3A_902] : memref<25165824xf32, #tpu.memory_space<hbm>> -> memref<24576xf32, #tpu.memory_space<hbm>>
    %dma_start3A_904 = tpu.memref_slice %arg4[%add3A_902] : memref<25165824xf32, #tpu.memory_space<hbm>> -> memref<24576xf32, #tpu.memory_space<hbm>>
    tpu.enqueue_dma source(%arg7 : memref<24576xf32, #tpu.memory_space<vmem>>) target(%dma_start3A_904 : memref<24576xf32, #tpu.memory_space<hbm>>) target_semaphore(%arg15 : memref<!tpu.dma_semaphore, #tpu.memory_space<semaphore_mem>>)
    %add3A_905 = arith.constant 12582912 : i32
    %add3A_906 = arith.addi %add3A_905, %mul3A_4 : i32
    %add3A_907 = arith.constant 147456 : i32
    %add3A_908 = arith.addi %add3A_906, %add3A_907 : i32
    %dma_wait3A_909 = tpu.memref_slice %arg4[%add3A_908] : memref<25165824xf32, #tpu.memory_space<hbm>> -> memref<24576xf32, #tpu.memory_space<hbm>>
    %dma_wait3A_910 = tpu.memref_slice %arg4[%add3A_908] : memref<25165824xf32, #tpu.memory_space<hbm>> -> memref<24576xf32, #tpu.memory_space<hbm>>
    tpu.wait_dma2 semaphore(%arg15 : memref<!tpu.dma_semaphore, #tpu.memory_space<semaphore_mem>>) src(%arg7 : memref<24576xf32, #tpu.memory_space<vmem>>) dst(%dma_wait3A_910 : memref<24576xf32, #tpu.memory_space<hbm>>)
    %add3A_911 = arith.constant 6291456 : i32
    %add3A_912 = arith.addi %add3A_911, %mul3A_4 : i32
    %add3A_913 = arith.constant 172032 : i32
    %add3A_914 = arith.addi %add3A_912, %add3A_913 : i32
    %dma_start3A_915 = tpu.memref_slice %arg2[%add3A_914] : memref<25165824xf32, #tpu.memory_space<hbm>> -> memref<24576xf32, #tpu.memory_space<hbm>>
    %dma_start3A_916 = tpu.memref_slice %arg2[%add3A_914] : memref<25165824xf32, #tpu.memory_space<hbm>> -> memref<24576xf32, #tpu.memory_space<hbm>>
    tpu.enqueue_dma source(%dma_start3A_916 : memref<24576xf32, #tpu.memory_space<hbm>>) target(%arg7 : memref<24576xf32, #tpu.memory_space<vmem>>) target_semaphore(%arg12 : memref<!tpu.dma_semaphore, #tpu.memory_space<semaphore_mem>>)
    %add3A_917 = arith.constant 18874368 : i32
    %add3A_918 = arith.addi %add3A_917, %mul3A_4 : i32
    %add3A_919 = arith.constant 147456 : i32
    %add3A_920 = arith.addi %add3A_918, %add3A_919 : i32
    %dma_wait3A_921 = tpu.memref_slice %arg2[%add3A_920] : memref<25165824xf32, #tpu.memory_space<hbm>> -> memref<24576xf32, #tpu.memory_space<hbm>>
    %dma_wait3A_922 = tpu.memref_slice %arg2[%add3A_920] : memref<25165824xf32, #tpu.memory_space<hbm>> -> memref<24576xf32, #tpu.memory_space<hbm>>
    tpu.wait_dma2 semaphore(%arg10 : memref<!tpu.dma_semaphore, #tpu.memory_space<semaphore_mem>>) src(%dma_wait3A_922 : memref<24576xf32, #tpu.memory_space<hbm>>) dst(%arg5 : memref<24576xf32, #tpu.memory_space<vmem>>)
    %scan3A_923 = arith.constant 0 : i32
    %scan3A_924 = arith.constant 0 : i32
    %scan3A_925 = arith.constant 192 : i32
    %scan3A_926 = arith.addi %scan3A_924, %scan3A_925 : i32
    %scan3A_927 = arith.constant 1 : i32
    %scan3A_928 = scf.for %scan3A_1058 = %scan3A_924 to %scan3A_926 step %scan3A_927 iter_args(%scan3A_1059 = %scan3A_923) -> (i32)  : i32 {
      %mul3A_1060 = arith.constant 8 : i32
      %mul3A_1061 = arith.muli %scan3A_1058, %mul3A_1060 : i32
      %add3A_1062 = arith.constant 0 : i32
      %add3A_1063 = arith.addi %mul3A_1061, %add3A_1062 : i32
      %mul3A_1064 = arith.constant 16 : i32
      %mul3A_1065 = arith.muli %add3A_1063, %mul3A_1064 : i32
      %get3A = arith.index_cast %mul3A_1065 : i32 to index
      %get3A_1066 = tpu.vector_load %arg8[%get3A] {strides = array<i32>} : memref<24576xf32, #tpu.memory_space<vmem>>, vector<16xf32>,
      %get3A_1067 = vector.shape_cast %get3A_1066 : vector<16xf32> to vector<16xf32>
      %swap3A = arith.index_cast %mul3A_1065 : i32 to index
      %swap3A_1068 = tpu.vector_load %arg5[%swap3A] {strides = array<i32>} : memref<24576xf32, #tpu.memory_space<vmem>>, vector<16xf32>,
      %swap3A_1069 = vector.shape_cast %swap3A_1068 : vector<16xf32> to vector<16xf32>
      %swap3A_1070 = vector.shape_cast %get3A_1067 : vector<16xf32> to vector<16xf32>
      tpu.vector_store %arg5[%swap3A], %swap3A_1070 {add = true, strides = array<i32>} : memref<24576xf32, #tpu.memory_space<vmem>>, vector<16xf32>,
      %mul3A_1071 = arith.constant 8 : i32
      %mul3A_1072 = arith.muli %scan3A_1058, %mul3A_1071 : i32
      %add3A_1073 = arith.constant 1 : i32
      %add3A_1074 = arith.addi %mul3A_1072, %add3A_1073 : i32
      %mul3A_1075 = arith.constant 16 : i32
      %mul3A_1076 = arith.muli %add3A_1074, %mul3A_1075 : i32
      %get3A_1077 = arith.index_cast %mul3A_1076 : i32 to index
      %get3A_1078 = tpu.vector_load %arg8[%get3A_1077] {strides = array<i32>} : memref<24576xf32, #tpu.memory_space<vmem>>, vector<16xf32>,
      %get3A_1079 = vector.shape_cast %get3A_1078 : vector<16xf32> to vector<16xf32>
      %swap3A_1080 = arith.index_cast %mul3A_1076 : i32 to index
      %swap3A_1081 = tpu.vector_load %arg5[%swap3A_1080] {strides = array<i32>} : memref<24576xf32, #tpu.memory_space<vmem>>, vector<16xf32>,
      %swap3A_1082 = vector.shape_cast %swap3A_1081 : vector<16xf32> to vector<16xf32>
      %swap3A_1083 = vector.shape_cast %get3A_1079 : vector<16xf32> to vector<16xf32>
      tpu.vector_store %arg5[%swap3A_1080], %swap3A_1083 {add = true, strides = array<i32>} : memref<24576xf32, #tpu.memory_space<vmem>>, vector<16xf32>,
      %mul3A_1084 = arith.constant 8 : i32
      %mul3A_1085 = arith.muli %scan3A_1058, %mul3A_1084 : i32
      %add3A_1086 = arith.constant 2 : i32
      %add3A_1087 = arith.addi %mul3A_1085, %add3A_1086 : i32
      %mul3A_1088 = arith.constant 16 : i32
      %mul3A_1089 = arith.muli %add3A_1087, %mul3A_1088 : i32
      %get3A_1090 = arith.index_cast %mul3A_1089 : i32 to index
      %get3A_1091 = tpu.vector_load %arg8[%get3A_1090] {strides = array<i32>} : memref<24576xf32, #tpu.memory_space<vmem>>, vector<16xf32>,
      %get3A_1092 = vector.shape_cast %get3A_1091 : vector<16xf32> to vector<16xf32>
      %swap3A_1093 = arith.index_cast %mul3A_1089 : i32 to index
      %swap3A_1094 = tpu.vector_load %arg5[%swap3A_1093] {strides = array<i32>} : memref<24576xf32, #tpu.memory_space<vmem>>, vector<16xf32>,
      %swap3A_1095 = vector.shape_cast %swap3A_1094 : vector<16xf32> to vector<16xf32>
      %swap3A_1096 = vector.shape_cast %get3A_1092 : vector<16xf32> to vector<16xf32>
      tpu.vector_store %arg5[%swap3A_1093], %swap3A_1096 {add = true, strides = array<i32>} : memref<24576xf32, #tpu.memory_space<vmem>>, vector<16xf32>,
      %mul3A_1097 = arith.constant 8 : i32
      %mul3A_1098 = arith.muli %scan3A_1058, %mul3A_1097 : i32
      %add3A_1099 = arith.constant 3 : i32
      %add3A_1100 = arith.addi %mul3A_1098, %add3A_1099 : i32
      %mul3A_1101 = arith.constant 16 : i32
      %mul3A_1102 = arith.muli %add3A_1100, %mul3A_1101 : i32
      %get3A_1103 = arith.index_cast %mul3A_1102 : i32 to index
      %get3A_1104 = tpu.vector_load %arg8[%get3A_1103] {strides = array<i32>} : memref<24576xf32, #tpu.memory_space<vmem>>, vector<16xf32>,
      %get3A_1105 = vector.shape_cast %get3A_1104 : vector<16xf32> to vector<16xf32>
      %swap3A_1106 = arith.index_cast %mul3A_1102 : i32 to index
      %swap3A_1107 = tpu.vector_load %arg5[%swap3A_1106] {strides = array<i32>} : memref<24576xf32, #tpu.memory_space<vmem>>, vector<16xf32>,
      %swap3A_1108 = vector.shape_cast %swap3A_1107 : vector<16xf32> to vector<16xf32>
      %swap3A_1109 = vector.shape_cast %get3A_1105 : vector<16xf32> to vector<16xf32>
      tpu.vector_store %arg5[%swap3A_1106], %swap3A_1109 {add = true, strides = array<i32>} : memref<24576xf32, #tpu.memory_space<vmem>>, vector<16xf32>,
      %mul3A_1110 = arith.constant 8 : i32
      %mul3A_1111 = arith.muli %scan3A_1058, %mul3A_1110 : i32
      %add3A_1112 = arith.constant 4 : i32
      %add3A_1113 = arith.addi %mul3A_1111, %add3A_1112 : i32
      %mul3A_1114 = arith.constant 16 : i32
      %mul3A_1115 = arith.muli %add3A_1113, %mul3A_1114 : i32
      %get3A_1116 = arith.index_cast %mul3A_1115 : i32 to index
      %get3A_1117 = tpu.vector_load %arg8[%get3A_1116] {strides = array<i32>} : memref<24576xf32, #tpu.memory_space<vmem>>, vector<16xf32>,
      %get3A_1118 = vector.shape_cast %get3A_1117 : vector<16xf32> to vector<16xf32>
      %swap3A_1119 = arith.index_cast %mul3A_1115 : i32 to index
      %swap3A_1120 = tpu.vector_load %arg5[%swap3A_1119] {strides = array<i32>} : memref<24576xf32, #tpu.memory_space<vmem>>, vector<16xf32>,
      %swap3A_1121 = vector.shape_cast %swap3A_1120 : vector<16xf32> to vector<16xf32>
      %swap3A_1122 = vector.shape_cast %get3A_1118 : vector<16xf32> to vector<16xf32>
      tpu.vector_store %arg5[%swap3A_1119], %swap3A_1122 {add = true, strides = array<i32>} : memref<24576xf32, #tpu.memory_space<vmem>>, vector<16xf32>,
      %mul3A_1123 = arith.constant 8 : i32
      %mul3A_1124 = arith.muli %scan3A_1058, %mul3A_1123 : i32
      %add3A_1125 = arith.constant 5 : i32
      %add3A_1126 = arith.addi %mul3A_1124, %add3A_1125 : i32
      %mul3A_1127 = arith.constant 16 : i32
      %mul3A_1128 = arith.muli %add3A_1126, %mul3A_1127 : i32
      %get3A_1129 = arith.index_cast %mul3A_1128 : i32 to index
      %get3A_1130 = tpu.vector_load %arg8[%get3A_1129] {strides = array<i32>} : memref<24576xf32, #tpu.memory_space<vmem>>, vector<16xf32>,
      %get3A_1131 = vector.shape_cast %get3A_1130 : vector<16xf32> to vector<16xf32>
      %swap3A_1132 = arith.index_cast %mul3A_1128 : i32 to index
      %swap3A_1133 = tpu.vector_load %arg5[%swap3A_1132] {strides = array<i32>} : memref<24576xf32, #tpu.memory_space<vmem>>, vector<16xf32>,
      %swap3A_1134 = vector.shape_cast %swap3A_1133 : vector<16xf32> to vector<16xf32>
      %swap3A_1135 = vector.shape_cast %get3A_1131 : vector<16xf32> to vector<16xf32>
      tpu.vector_store %arg5[%swap3A_1132], %swap3A_1135 {add = true, strides = array<i32>} : memref<24576xf32, #tpu.memory_space<vmem>>, vector<16xf32>,
      %mul3A_1136 = arith.constant 8 : i32
      %mul3A_1137 = arith.muli %scan3A_1058, %mul3A_1136 : i32
      %add3A_1138 = arith.constant 6 : i32
      %add3A_1139 = arith.addi %mul3A_1137, %add3A_1138 : i32
      %mul3A_1140 = arith.constant 16 : i32
      %mul3A_1141 = arith.muli %add3A_1139, %mul3A_1140 : i32
      %get3A_1142 = arith.index_cast %mul3A_1141 : i32 to index
      %get3A_1143 = tpu.vector_load %arg8[%get3A_1142] {strides = array<i32>} : memref<24576xf32, #tpu.memory_space<vmem>>, vector<16xf32>,
      %get3A_1144 = vector.shape_cast %get3A_1143 : vector<16xf32> to vector<16xf32>
      %swap3A_1145 = arith.index_cast %mul3A_1141 : i32 to index
      %swap3A_1146 = tpu.vector_load %arg5[%swap3A_1145] {strides = array<i32>} : memref<24576xf32, #tpu.memory_space<vmem>>, vector<16xf32>,
      %swap3A_1147 = vector.shape_cast %swap3A_1146 : vector<16xf32> to vector<16xf32>
      %swap3A_1148 = vector.shape_cast %get3A_1144 : vector<16xf32> to vector<16xf32>
      tpu.vector_store %arg5[%swap3A_1145], %swap3A_1148 {add = true, strides = array<i32>} : memref<24576xf32, #tpu.memory_space<vmem>>, vector<16xf32>,
      %mul3A_1149 = arith.constant 8 : i32
      %mul3A_1150 = arith.muli %scan3A_1058, %mul3A_1149 : i32
      %add3A_1151 = arith.constant 7 : i32
      %add3A_1152 = arith.addi %mul3A_1150, %add3A_1151 : i32
      %mul3A_1153 = arith.constant 16 : i32
      %mul3A_1154 = arith.muli %add3A_1152, %mul3A_1153 : i32
      %get3A_1155 = arith.index_cast %mul3A_1154 : i32 to index
      %get3A_1156 = tpu.vector_load %arg8[%get3A_1155] {strides = array<i32>} : memref<24576xf32, #tpu.memory_space<vmem>>, vector<16xf32>,
      %get3A_1157 = vector.shape_cast %get3A_1156 : vector<16xf32> to vector<16xf32>
      %swap3A_1158 = arith.index_cast %mul3A_1154 : i32 to index
      %swap3A_1159 = tpu.vector_load %arg5[%swap3A_1158] {strides = array<i32>} : memref<24576xf32, #tpu.memory_space<vmem>>, vector<16xf32>,
      %swap3A_1160 = vector.shape_cast %swap3A_1159 : vector<16xf32> to vector<16xf32>
      %swap3A_1161 = vector.shape_cast %get3A_1157 : vector<16xf32> to vector<16xf32>
      tpu.vector_store %arg5[%swap3A_1158], %swap3A_1161 {add = true, strides = array<i32>} : memref<24576xf32, #tpu.memory_space<vmem>>, vector<16xf32>,
      %scan3A_1162 = arith.constant 0 : i32
      scf.yield %scan3A_1162 : i32
    }
    %scan3A_929 = arith.constant 192 : i32
    %add3A_930 = arith.constant 18874368 : i32
    %add3A_931 = arith.addi %add3A_930, %mul3A_4 : i32
    %add3A_932 = arith.constant 147456 : i32
    %add3A_933 = arith.addi %add3A_931, %add3A_932 : i32
    %dma_start3A_934 = tpu.memref_slice %arg4[%add3A_933] : memref<25165824xf32, #tpu.memory_space<hbm>> -> memref<24576xf32, #tpu.memory_space<hbm>>
    %dma_start3A_935 = tpu.memref_slice %arg4[%add3A_933] : memref<25165824xf32, #tpu.memory_space<hbm>> -> memref<24576xf32, #tpu.memory_space<hbm>>
    tpu.enqueue_dma source(%arg5 : memref<24576xf32, #tpu.memory_space<vmem>>) target(%dma_start3A_935 : memref<24576xf32, #tpu.memory_space<hbm>>) target_semaphore(%arg13 : memref<!tpu.dma_semaphore, #tpu.memory_space<semaphore_mem>>)
    %add3A_936 = arith.constant 18874368 : i32
    %add3A_937 = arith.addi %add3A_936, %mul3A_4 : i32
    %add3A_938 = arith.constant 147456 : i32
    %add3A_939 = arith.addi %add3A_937, %add3A_938 : i32
    %dma_wait3A_940 = tpu.memref_slice %arg4[%add3A_939] : memref<25165824xf32, #tpu.memory_space<hbm>> -> memref<24576xf32, #tpu.memory_space<hbm>>
    %dma_wait3A_941 = tpu.memref_slice %arg4[%add3A_939] : memref<25165824xf32, #tpu.memory_space<hbm>> -> memref<24576xf32, #tpu.memory_space<hbm>>
    tpu.wait_dma2 semaphore(%arg13 : memref<!tpu.dma_semaphore, #tpu.memory_space<semaphore_mem>>) src(%arg5 : memref<24576xf32, #tpu.memory_space<vmem>>) dst(%dma_wait3A_941 : memref<24576xf32, #tpu.memory_space<hbm>>)
    %add3A_942 = arith.constant 12582912 : i32
    %add3A_943 = arith.addi %add3A_942, %mul3A_4 : i32
    %add3A_944 = arith.constant 172032 : i32
    %add3A_945 = arith.addi %add3A_943, %add3A_944 : i32
    %dma_start3A_946 = tpu.memref_slice %arg2[%add3A_945] : memref<25165824xf32, #tpu.memory_space<hbm>> -> memref<24576xf32, #tpu.memory_space<hbm>>
    %dma_start3A_947 = tpu.memref_slice %arg2[%add3A_945] : memref<25165824xf32, #tpu.memory_space<hbm>> -> memref<24576xf32, #tpu.memory_space<hbm>>
    tpu.enqueue_dma source(%dma_start3A_947 : memref<24576xf32, #tpu.memory_space<hbm>>) target(%arg5 : memref<24576xf32, #tpu.memory_space<vmem>>) target_semaphore(%arg10 : memref<!tpu.dma_semaphore, #tpu.memory_space<semaphore_mem>>)
    %add3A_948 = arith.constant 0 : i32
    %add3A_949 = arith.addi %add3A_948, %mul3A_4 : i32
    %add3A_950 = arith.constant 172032 : i32
    %add3A_951 = arith.addi %add3A_949, %add3A_950 : i32
    %dma_wait3A_952 = tpu.memref_slice %arg2[%add3A_951] : memref<25165824xf32, #tpu.memory_space<hbm>> -> memref<24576xf32, #tpu.memory_space<hbm>>
    %dma_wait3A_953 = tpu.memref_slice %arg2[%add3A_951] : memref<25165824xf32, #tpu.memory_space<hbm>> -> memref<24576xf32, #tpu.memory_space<hbm>>
    tpu.wait_dma2 semaphore(%arg11 : memref<!tpu.dma_semaphore, #tpu.memory_space<semaphore_mem>>) src(%dma_wait3A_953 : memref<24576xf32, #tpu.memory_space<hbm>>) dst(%arg6 : memref<24576xf32, #tpu.memory_space<vmem>>)
    %add3A_954 = arith.constant 172032 : i32
    %add3A_955 = arith.addi %mul3A_4, %add3A_954 : i32
    %dma_wait3A_956 = tpu.memref_slice %arg3[%add3A_955] : memref<6291456xf32, #tpu.memory_space<hbm>> -> memref<24576xf32, #tpu.memory_space<hbm>>
    %dma_wait3A_957 = tpu.memref_slice %arg3[%add3A_955] : memref<6291456xf32, #tpu.memory_space<hbm>> -> memref<24576xf32, #tpu.memory_space<hbm>>
    tpu.wait_dma2 semaphore(%arg17 : memref<!tpu.dma_semaphore, #tpu.memory_space<semaphore_mem>>) src(%dma_wait3A_957 : memref<24576xf32, #tpu.memory_space<hbm>>) dst(%arg9 : memref<24576xf32, #tpu.memory_space<vmem>>)
    %scan3A_958 = arith.constant 0 : i32
    %scan3A_959 = arith.constant 0 : i32
    %scan3A_960 = arith.constant 192 : i32
    %scan3A_961 = arith.addi %scan3A_959, %scan3A_960 : i32
    %scan3A_962 = arith.constant 1 : i32
    %scan3A_963 = scf.for %scan3A_1058 = %scan3A_959 to %scan3A_961 step %scan3A_962 iter_args(%scan3A_1059 = %scan3A_958) -> (i32)  : i32 {
      %mul3A_1060 = arith.constant 8 : i32
      %mul3A_1061 = arith.muli %scan3A_1058, %mul3A_1060 : i32
      %add3A_1062 = arith.constant 0 : i32
      %add3A_1063 = arith.addi %mul3A_1061, %add3A_1062 : i32
      %mul3A_1064 = arith.constant 16 : i32
      %mul3A_1065 = arith.muli %add3A_1063, %mul3A_1064 : i32
      %get3A = arith.index_cast %mul3A_1065 : i32 to index
      %get3A_1066 = tpu.vector_load %arg9[%get3A] {strides = array<i32>} : memref<24576xf32, #tpu.memory_space<vmem>>, vector<16xf32>,
      %get3A_1067 = vector.shape_cast %get3A_1066 : vector<16xf32> to vector<16xf32>
      %swap3A = arith.index_cast %mul3A_1065 : i32 to index
      %swap3A_1068 = tpu.vector_load %arg6[%swap3A] {strides = array<i32>} : memref<24576xf32, #tpu.memory_space<vmem>>, vector<16xf32>,
      %swap3A_1069 = vector.shape_cast %swap3A_1068 : vector<16xf32> to vector<16xf32>
      %swap3A_1070 = vector.shape_cast %get3A_1067 : vector<16xf32> to vector<16xf32>
      tpu.vector_store %arg6[%swap3A], %swap3A_1070 {add = true, strides = array<i32>} : memref<24576xf32, #tpu.memory_space<vmem>>, vector<16xf32>,
      %mul3A_1071 = arith.constant 8 : i32
      %mul3A_1072 = arith.muli %scan3A_1058, %mul3A_1071 : i32
      %add3A_1073 = arith.constant 1 : i32
      %add3A_1074 = arith.addi %mul3A_1072, %add3A_1073 : i32
      %mul3A_1075 = arith.constant 16 : i32
      %mul3A_1076 = arith.muli %add3A_1074, %mul3A_1075 : i32
      %get3A_1077 = arith.index_cast %mul3A_1076 : i32 to index
      %get3A_1078 = tpu.vector_load %arg9[%get3A_1077] {strides = array<i32>} : memref<24576xf32, #tpu.memory_space<vmem>>, vector<16xf32>,
      %get3A_1079 = vector.shape_cast %get3A_1078 : vector<16xf32> to vector<16xf32>
      %swap3A_1080 = arith.index_cast %mul3A_1076 : i32 to index
      %swap3A_1081 = tpu.vector_load %arg6[%swap3A_1080] {strides = array<i32>} : memref<24576xf32, #tpu.memory_space<vmem>>, vector<16xf32>,
      %swap3A_1082 = vector.shape_cast %swap3A_1081 : vector<16xf32> to vector<16xf32>
      %swap3A_1083 = vector.shape_cast %get3A_1079 : vector<16xf32> to vector<16xf32>
      tpu.vector_store %arg6[%swap3A_1080], %swap3A_1083 {add = true, strides = array<i32>} : memref<24576xf32, #tpu.memory_space<vmem>>, vector<16xf32>,
      %mul3A_1084 = arith.constant 8 : i32
      %mul3A_1085 = arith.muli %scan3A_1058, %mul3A_1084 : i32
      %add3A_1086 = arith.constant 2 : i32
      %add3A_1087 = arith.addi %mul3A_1085, %add3A_1086 : i32
      %mul3A_1088 = arith.constant 16 : i32
      %mul3A_1089 = arith.muli %add3A_1087, %mul3A_1088 : i32
      %get3A_1090 = arith.index_cast %mul3A_1089 : i32 to index
      %get3A_1091 = tpu.vector_load %arg9[%get3A_1090] {strides = array<i32>} : memref<24576xf32, #tpu.memory_space<vmem>>, vector<16xf32>,
      %get3A_1092 = vector.shape_cast %get3A_1091 : vector<16xf32> to vector<16xf32>
      %swap3A_1093 = arith.index_cast %mul3A_1089 : i32 to index
      %swap3A_1094 = tpu.vector_load %arg6[%swap3A_1093] {strides = array<i32>} : memref<24576xf32, #tpu.memory_space<vmem>>, vector<16xf32>,
      %swap3A_1095 = vector.shape_cast %swap3A_1094 : vector<16xf32> to vector<16xf32>
      %swap3A_1096 = vector.shape_cast %get3A_1092 : vector<16xf32> to vector<16xf32>
      tpu.vector_store %arg6[%swap3A_1093], %swap3A_1096 {add = true, strides = array<i32>} : memref<24576xf32, #tpu.memory_space<vmem>>, vector<16xf32>,
      %mul3A_1097 = arith.constant 8 : i32
      %mul3A_1098 = arith.muli %scan3A_1058, %mul3A_1097 : i32
      %add3A_1099 = arith.constant 3 : i32
      %add3A_1100 = arith.addi %mul3A_1098, %add3A_1099 : i32
      %mul3A_1101 = arith.constant 16 : i32
      %mul3A_1102 = arith.muli %add3A_1100, %mul3A_1101 : i32
      %get3A_1103 = arith.index_cast %mul3A_1102 : i32 to index
      %get3A_1104 = tpu.vector_load %arg9[%get3A_1103] {strides = array<i32>} : memref<24576xf32, #tpu.memory_space<vmem>>, vector<16xf32>,
      %get3A_1105 = vector.shape_cast %get3A_1104 : vector<16xf32> to vector<16xf32>
      %swap3A_1106 = arith.index_cast %mul3A_1102 : i32 to index
      %swap3A_1107 = tpu.vector_load %arg6[%swap3A_1106] {strides = array<i32>} : memref<24576xf32, #tpu.memory_space<vmem>>, vector<16xf32>,
      %swap3A_1108 = vector.shape_cast %swap3A_1107 : vector<16xf32> to vector<16xf32>
      %swap3A_1109 = vector.shape_cast %get3A_1105 : vector<16xf32> to vector<16xf32>
      tpu.vector_store %arg6[%swap3A_1106], %swap3A_1109 {add = true, strides = array<i32>} : memref<24576xf32, #tpu.memory_space<vmem>>, vector<16xf32>,
      %mul3A_1110 = arith.constant 8 : i32
      %mul3A_1111 = arith.muli %scan3A_1058, %mul3A_1110 : i32
      %add3A_1112 = arith.constant 4 : i32
      %add3A_1113 = arith.addi %mul3A_1111, %add3A_1112 : i32
      %mul3A_1114 = arith.constant 16 : i32
      %mul3A_1115 = arith.muli %add3A_1113, %mul3A_1114 : i32
      %get3A_1116 = arith.index_cast %mul3A_1115 : i32 to index
      %get3A_1117 = tpu.vector_load %arg9[%get3A_1116] {strides = array<i32>} : memref<24576xf32, #tpu.memory_space<vmem>>, vector<16xf32>,
      %get3A_1118 = vector.shape_cast %get3A_1117 : vector<16xf32> to vector<16xf32>
      %swap3A_1119 = arith.index_cast %mul3A_1115 : i32 to index
      %swap3A_1120 = tpu.vector_load %arg6[%swap3A_1119] {strides = array<i32>} : memref<24576xf32, #tpu.memory_space<vmem>>, vector<16xf32>,
      %swap3A_1121 = vector.shape_cast %swap3A_1120 : vector<16xf32> to vector<16xf32>
      %swap3A_1122 = vector.shape_cast %get3A_1118 : vector<16xf32> to vector<16xf32>
      tpu.vector_store %arg6[%swap3A_1119], %swap3A_1122 {add = true, strides = array<i32>} : memref<24576xf32, #tpu.memory_space<vmem>>, vector<16xf32>,
      %mul3A_1123 = arith.constant 8 : i32
      %mul3A_1124 = arith.muli %scan3A_1058, %mul3A_1123 : i32
      %add3A_1125 = arith.constant 5 : i32
      %add3A_1126 = arith.addi %mul3A_1124, %add3A_1125 : i32
      %mul3A_1127 = arith.constant 16 : i32
      %mul3A_1128 = arith.muli %add3A_1126, %mul3A_1127 : i32
      %get3A_1129 = arith.index_cast %mul3A_1128 : i32 to index
      %get3A_1130 = tpu.vector_load %arg9[%get3A_1129] {strides = array<i32>} : memref<24576xf32, #tpu.memory_space<vmem>>, vector<16xf32>,
      %get3A_1131 = vector.shape_cast %get3A_1130 : vector<16xf32> to vector<16xf32>
      %swap3A_1132 = arith.index_cast %mul3A_1128 : i32 to index
      %swap3A_1133 = tpu.vector_load %arg6[%swap3A_1132] {strides = array<i32>} : memref<24576xf32, #tpu.memory_space<vmem>>, vector<16xf32>,
      %swap3A_1134 = vector.shape_cast %swap3A_1133 : vector<16xf32> to vector<16xf32>
      %swap3A_1135 = vector.shape_cast %get3A_1131 : vector<16xf32> to vector<16xf32>
      tpu.vector_store %arg6[%swap3A_1132], %swap3A_1135 {add = true, strides = array<i32>} : memref<24576xf32, #tpu.memory_space<vmem>>, vector<16xf32>,
      %mul3A_1136 = arith.constant 8 : i32
      %mul3A_1137 = arith.muli %scan3A_1058, %mul3A_1136 : i32
      %add3A_1138 = arith.constant 6 : i32
      %add3A_1139 = arith.addi %mul3A_1137, %add3A_1138 : i32
      %mul3A_1140 = arith.constant 16 : i32
      %mul3A_1141 = arith.muli %add3A_1139, %mul3A_1140 : i32
      %get3A_1142 = arith.index_cast %mul3A_1141 : i32 to index
      %get3A_1143 = tpu.vector_load %arg9[%get3A_1142] {strides = array<i32>} : memref<24576xf32, #tpu.memory_space<vmem>>, vector<16xf32>,
      %get3A_1144 = vector.shape_cast %get3A_1143 : vector<16xf32> to vector<16xf32>
      %swap3A_1145 = arith.index_cast %mul3A_1141 : i32 to index
      %swap3A_1146 = tpu.vector_load %arg6[%swap3A_1145] {strides = array<i32>} : memref<24576xf32, #tpu.memory_space<vmem>>, vector<16xf32>,
      %swap3A_1147 = vector.shape_cast %swap3A_1146 : vector<16xf32> to vector<16xf32>
      %swap3A_1148 = vector.shape_cast %get3A_1144 : vector<16xf32> to vector<16xf32>
      tpu.vector_store %arg6[%swap3A_1145], %swap3A_1148 {add = true, strides = array<i32>} : memref<24576xf32, #tpu.memory_space<vmem>>, vector<16xf32>,
      %mul3A_1149 = arith.constant 8 : i32
      %mul3A_1150 = arith.muli %scan3A_1058, %mul3A_1149 : i32
      %add3A_1151 = arith.constant 7 : i32
      %add3A_1152 = arith.addi %mul3A_1150, %add3A_1151 : i32
      %mul3A_1153 = arith.constant 16 : i32
      %mul3A_1154 = arith.muli %add3A_1152, %mul3A_1153 : i32
      %get3A_1155 = arith.index_cast %mul3A_1154 : i32 to index
      %get3A_1156 = tpu.vector_load %arg9[%get3A_1155] {strides = array<i32>} : memref<24576xf32, #tpu.memory_space<vmem>>, vector<16xf32>,
      %get3A_1157 = vector.shape_cast %get3A_1156 : vector<16xf32> to vector<16xf32>
      %swap3A_1158 = arith.index_cast %mul3A_1154 : i32 to index
      %swap3A_1159 = tpu.vector_load %arg6[%swap3A_1158] {strides = array<i32>} : memref<24576xf32, #tpu.memory_space<vmem>>, vector<16xf32>,
      %swap3A_1160 = vector.shape_cast %swap3A_1159 : vector<16xf32> to vector<16xf32>
      %swap3A_1161 = vector.shape_cast %get3A_1157 : vector<16xf32> to vector<16xf32>
      tpu.vector_store %arg6[%swap3A_1158], %swap3A_1161 {add = true, strides = array<i32>} : memref<24576xf32, #tpu.memory_space<vmem>>, vector<16xf32>,
      %scan3A_1162 = arith.constant 0 : i32
      scf.yield %scan3A_1162 : i32
    }
    %scan3A_964 = arith.constant 192 : i32
    %add3A_965 = arith.constant 0 : i32
    %add3A_966 = arith.addi %add3A_965, %mul3A_4 : i32
    %add3A_967 = arith.constant 172032 : i32
    %add3A_968 = arith.addi %add3A_966, %add3A_967 : i32
    %dma_start3A_969 = tpu.memref_slice %arg4[%add3A_968] : memref<25165824xf32, #tpu.memory_space<hbm>> -> memref<24576xf32, #tpu.memory_space<hbm>>
    %dma_start3A_970 = tpu.memref_slice %arg4[%add3A_968] : memref<25165824xf32, #tpu.memory_space<hbm>> -> memref<24576xf32, #tpu.memory_space<hbm>>
    tpu.enqueue_dma source(%arg6 : memref<24576xf32, #tpu.memory_space<vmem>>) target(%dma_start3A_970 : memref<24576xf32, #tpu.memory_space<hbm>>) target_semaphore(%arg14 : memref<!tpu.dma_semaphore, #tpu.memory_space<semaphore_mem>>)
    %add3A_971 = arith.constant 0 : i32
    %add3A_972 = arith.addi %add3A_971, %mul3A_4 : i32
    %add3A_973 = arith.constant 172032 : i32
    %add3A_974 = arith.addi %add3A_972, %add3A_973 : i32
    %dma_wait3A_975 = tpu.memref_slice %arg4[%add3A_974] : memref<25165824xf32, #tpu.memory_space<hbm>> -> memref<24576xf32, #tpu.memory_space<hbm>>
    %dma_wait3A_976 = tpu.memref_slice %arg4[%add3A_974] : memref<25165824xf32, #tpu.memory_space<hbm>> -> memref<24576xf32, #tpu.memory_space<hbm>>
    tpu.wait_dma2 semaphore(%arg14 : memref<!tpu.dma_semaphore, #tpu.memory_space<semaphore_mem>>) src(%arg6 : memref<24576xf32, #tpu.memory_space<vmem>>) dst(%dma_wait3A_976 : memref<24576xf32, #tpu.memory_space<hbm>>)
    %add3A_977 = arith.constant 18874368 : i32
    %add3A_978 = arith.addi %add3A_977, %mul3A_4 : i32
    %add3A_979 = arith.constant 172032 : i32
    %add3A_980 = arith.addi %add3A_978, %add3A_979 : i32
    %dma_start3A_981 = tpu.memref_slice %arg2[%add3A_980] : memref<25165824xf32, #tpu.memory_space<hbm>> -> memref<24576xf32, #tpu.memory_space<hbm>>
    %dma_start3A_982 = tpu.memref_slice %arg2[%add3A_980] : memref<25165824xf32, #tpu.memory_space<hbm>> -> memref<24576xf32, #tpu.memory_space<hbm>>
    tpu.enqueue_dma source(%dma_start3A_982 : memref<24576xf32, #tpu.memory_space<hbm>>) target(%arg6 : memref<24576xf32, #tpu.memory_space<vmem>>) target_semaphore(%arg11 : memref<!tpu.dma_semaphore, #tpu.memory_space<semaphore_mem>>)
    %add3A_983 = arith.constant 6291456 : i32
    %add3A_984 = arith.addi %add3A_983, %mul3A_4 : i32
    %add3A_985 = arith.constant 172032 : i32
    %add3A_986 = arith.addi %add3A_984, %add3A_985 : i32
    %dma_wait3A_987 = tpu.memref_slice %arg2[%add3A_986] : memref<25165824xf32, #tpu.memory_space<hbm>> -> memref<24576xf32, #tpu.memory_space<hbm>>
    %dma_wait3A_988 = tpu.memref_slice %arg2[%add3A_986] : memref<25165824xf32, #tpu.memory_space<hbm>> -> memref<24576xf32, #tpu.memory_space<hbm>>
    tpu.wait_dma2 semaphore(%arg12 : memref<!tpu.dma_semaphore, #tpu.memory_space<semaphore_mem>>) src(%dma_wait3A_988 : memref<24576xf32, #tpu.memory_space<hbm>>) dst(%arg7 : memref<24576xf32, #tpu.memory_space<vmem>>)
    %scan3A_989 = arith.constant 0 : i32
    %scan3A_990 = arith.constant 0 : i32
    %scan3A_991 = arith.constant 192 : i32
    %scan3A_992 = arith.addi %scan3A_990, %scan3A_991 : i32
    %scan3A_993 = arith.constant 1 : i32
    %scan3A_994 = scf.for %scan3A_1058 = %scan3A_990 to %scan3A_992 step %scan3A_993 iter_args(%scan3A_1059 = %scan3A_989) -> (i32)  : i32 {
      %mul3A_1060 = arith.constant 8 : i32
      %mul3A_1061 = arith.muli %scan3A_1058, %mul3A_1060 : i32
      %add3A_1062 = arith.constant 0 : i32
      %add3A_1063 = arith.addi %mul3A_1061, %add3A_1062 : i32
      %mul3A_1064 = arith.constant 16 : i32
      %mul3A_1065 = arith.muli %add3A_1063, %mul3A_1064 : i32
      %get3A = arith.index_cast %mul3A_1065 : i32 to index
      %get3A_1066 = tpu.vector_load %arg9[%get3A] {strides = array<i32>} : memref<24576xf32, #tpu.memory_space<vmem>>, vector<16xf32>,
      %get3A_1067 = vector.shape_cast %get3A_1066 : vector<16xf32> to vector<16xf32>
      %swap3A = arith.index_cast %mul3A_1065 : i32 to index
      %swap3A_1068 = tpu.vector_load %arg7[%swap3A] {strides = array<i32>} : memref<24576xf32, #tpu.memory_space<vmem>>, vector<16xf32>,
      %swap3A_1069 = vector.shape_cast %swap3A_1068 : vector<16xf32> to vector<16xf32>
      %swap3A_1070 = vector.shape_cast %get3A_1067 : vector<16xf32> to vector<16xf32>
      tpu.vector_store %arg7[%swap3A], %swap3A_1070 {add = true, strides = array<i32>} : memref<24576xf32, #tpu.memory_space<vmem>>, vector<16xf32>,
      %mul3A_1071 = arith.constant 8 : i32
      %mul3A_1072 = arith.muli %scan3A_1058, %mul3A_1071 : i32
      %add3A_1073 = arith.constant 1 : i32
      %add3A_1074 = arith.addi %mul3A_1072, %add3A_1073 : i32
      %mul3A_1075 = arith.constant 16 : i32
      %mul3A_1076 = arith.muli %add3A_1074, %mul3A_1075 : i32
      %get3A_1077 = arith.index_cast %mul3A_1076 : i32 to index
      %get3A_1078 = tpu.vector_load %arg9[%get3A_1077] {strides = array<i32>} : memref<24576xf32, #tpu.memory_space<vmem>>, vector<16xf32>,
      %get3A_1079 = vector.shape_cast %get3A_1078 : vector<16xf32> to vector<16xf32>
      %swap3A_1080 = arith.index_cast %mul3A_1076 : i32 to index
      %swap3A_1081 = tpu.vector_load %arg7[%swap3A_1080] {strides = array<i32>} : memref<24576xf32, #tpu.memory_space<vmem>>, vector<16xf32>,
      %swap3A_1082 = vector.shape_cast %swap3A_1081 : vector<16xf32> to vector<16xf32>
      %swap3A_1083 = vector.shape_cast %get3A_1079 : vector<16xf32> to vector<16xf32>
      tpu.vector_store %arg7[%swap3A_1080], %swap3A_1083 {add = true, strides = array<i32>} : memref<24576xf32, #tpu.memory_space<vmem>>, vector<16xf32>,
      %mul3A_1084 = arith.constant 8 : i32
      %mul3A_1085 = arith.muli %scan3A_1058, %mul3A_1084 : i32
      %add3A_1086 = arith.constant 2 : i32
      %add3A_1087 = arith.addi %mul3A_1085, %add3A_1086 : i32
      %mul3A_1088 = arith.constant 16 : i32
      %mul3A_1089 = arith.muli %add3A_1087, %mul3A_1088 : i32
      %get3A_1090 = arith.index_cast %mul3A_1089 : i32 to index
      %get3A_1091 = tpu.vector_load %arg9[%get3A_1090] {strides = array<i32>} : memref<24576xf32, #tpu.memory_space<vmem>>, vector<16xf32>,
      %get3A_1092 = vector.shape_cast %get3A_1091 : vector<16xf32> to vector<16xf32>
      %swap3A_1093 = arith.index_cast %mul3A_1089 : i32 to index
      %swap3A_1094 = tpu.vector_load %arg7[%swap3A_1093] {strides = array<i32>} : memref<24576xf32, #tpu.memory_space<vmem>>, vector<16xf32>,
      %swap3A_1095 = vector.shape_cast %swap3A_1094 : vector<16xf32> to vector<16xf32>
      %swap3A_1096 = vector.shape_cast %get3A_1092 : vector<16xf32> to vector<16xf32>
      tpu.vector_store %arg7[%swap3A_1093], %swap3A_1096 {add = true, strides = array<i32>} : memref<24576xf32, #tpu.memory_space<vmem>>, vector<16xf32>,
      %mul3A_1097 = arith.constant 8 : i32
      %mul3A_1098 = arith.muli %scan3A_1058, %mul3A_1097 : i32
      %add3A_1099 = arith.constant 3 : i32
      %add3A_1100 = arith.addi %mul3A_1098, %add3A_1099 : i32
      %mul3A_1101 = arith.constant 16 : i32
      %mul3A_1102 = arith.muli %add3A_1100, %mul3A_1101 : i32
      %get3A_1103 = arith.index_cast %mul3A_1102 : i32 to index
      %get3A_1104 = tpu.vector_load %arg9[%get3A_1103] {strides = array<i32>} : memref<24576xf32, #tpu.memory_space<vmem>>, vector<16xf32>,
      %get3A_1105 = vector.shape_cast %get3A_1104 : vector<16xf32> to vector<16xf32>
      %swap3A_1106 = arith.index_cast %mul3A_1102 : i32 to index
      %swap3A_1107 = tpu.vector_load %arg7[%swap3A_1106] {strides = array<i32>} : memref<24576xf32, #tpu.memory_space<vmem>>, vector<16xf32>,
      %swap3A_1108 = vector.shape_cast %swap3A_1107 : vector<16xf32> to vector<16xf32>
      %swap3A_1109 = vector.shape_cast %get3A_1105 : vector<16xf32> to vector<16xf32>
      tpu.vector_store %arg7[%swap3A_1106], %swap3A_1109 {add = true, strides = array<i32>} : memref<24576xf32, #tpu.memory_space<vmem>>, vector<16xf32>,
      %mul3A_1110 = arith.constant 8 : i32
      %mul3A_1111 = arith.muli %scan3A_1058, %mul3A_1110 : i32
      %add3A_1112 = arith.constant 4 : i32
      %add3A_1113 = arith.addi %mul3A_1111, %add3A_1112 : i32
      %mul3A_1114 = arith.constant 16 : i32
      %mul3A_1115 = arith.muli %add3A_1113, %mul3A_1114 : i32
      %get3A_1116 = arith.index_cast %mul3A_1115 : i32 to index
      %get3A_1117 = tpu.vector_load %arg9[%get3A_1116] {strides = array<i32>} : memref<24576xf32, #tpu.memory_space<vmem>>, vector<16xf32>,
      %get3A_1118 = vector.shape_cast %get3A_1117 : vector<16xf32> to vector<16xf32>
      %swap3A_1119 = arith.index_cast %mul3A_1115 : i32 to index
      %swap3A_1120 = tpu.vector_load %arg7[%swap3A_1119] {strides = array<i32>} : memref<24576xf32, #tpu.memory_space<vmem>>, vector<16xf32>,
      %swap3A_1121 = vector.shape_cast %swap3A_1120 : vector<16xf32> to vector<16xf32>
      %swap3A_1122 = vector.shape_cast %get3A_1118 : vector<16xf32> to vector<16xf32>
      tpu.vector_store %arg7[%swap3A_1119], %swap3A_1122 {add = true, strides = array<i32>} : memref<24576xf32, #tpu.memory_space<vmem>>, vector<16xf32>,
      %mul3A_1123 = arith.constant 8 : i32
      %mul3A_1124 = arith.muli %scan3A_1058, %mul3A_1123 : i32
      %add3A_1125 = arith.constant 5 : i32
      %add3A_1126 = arith.addi %mul3A_1124, %add3A_1125 : i32
      %mul3A_1127 = arith.constant 16 : i32
      %mul3A_1128 = arith.muli %add3A_1126, %mul3A_1127 : i32
      %get3A_1129 = arith.index_cast %mul3A_1128 : i32 to index
      %get3A_1130 = tpu.vector_load %arg9[%get3A_1129] {strides = array<i32>} : memref<24576xf32, #tpu.memory_space<vmem>>, vector<16xf32>,
      %get3A_1131 = vector.shape_cast %get3A_1130 : vector<16xf32> to vector<16xf32>
      %swap3A_1132 = arith.index_cast %mul3A_1128 : i32 to index
      %swap3A_1133 = tpu.vector_load %arg7[%swap3A_1132] {strides = array<i32>} : memref<24576xf32, #tpu.memory_space<vmem>>, vector<16xf32>,
      %swap3A_1134 = vector.shape_cast %swap3A_1133 : vector<16xf32> to vector<16xf32>
      %swap3A_1135 = vector.shape_cast %get3A_1131 : vector<16xf32> to vector<16xf32>
      tpu.vector_store %arg7[%swap3A_1132], %swap3A_1135 {add = true, strides = array<i32>} : memref<24576xf32, #tpu.memory_space<vmem>>, vector<16xf32>,
      %mul3A_1136 = arith.constant 8 : i32
      %mul3A_1137 = arith.muli %scan3A_1058, %mul3A_1136 : i32
      %add3A_1138 = arith.constant 6 : i32
      %add3A_1139 = arith.addi %mul3A_1137, %add3A_1138 : i32
      %mul3A_1140 = arith.constant 16 : i32
      %mul3A_1141 = arith.muli %add3A_1139, %mul3A_1140 : i32
      %get3A_1142 = arith.index_cast %mul3A_1141 : i32 to index
      %get3A_1143 = tpu.vector_load %arg9[%get3A_1142] {strides = array<i32>} : memref<24576xf32, #tpu.memory_space<vmem>>, vector<16xf32>,
      %get3A_1144 = vector.shape_cast %get3A_1143 : vector<16xf32> to vector<16xf32>
      %swap3A_1145 = arith.index_cast %mul3A_1141 : i32 to index
      %swap3A_1146 = tpu.vector_load %arg7[%swap3A_1145] {strides = array<i32>} : memref<24576xf32, #tpu.memory_space<vmem>>, vector<16xf32>,
      %swap3A_1147 = vector.shape_cast %swap3A_1146 : vector<16xf32> to vector<16xf32>
      %swap3A_1148 = vector.shape_cast %get3A_1144 : vector<16xf32> to vector<16xf32>
      tpu.vector_store %arg7[%swap3A_1145], %swap3A_1148 {add = true, strides = array<i32>} : memref<24576xf32, #tpu.memory_space<vmem>>, vector<16xf32>,
      %mul3A_1149 = arith.constant 8 : i32
      %mul3A_1150 = arith.muli %scan3A_1058, %mul3A_1149 : i32
      %add3A_1151 = arith.constant 7 : i32
      %add3A_1152 = arith.addi %mul3A_1150, %add3A_1151 : i32
      %mul3A_1153 = arith.constant 16 : i32
      %mul3A_1154 = arith.muli %add3A_1152, %mul3A_1153 : i32
      %get3A_1155 = arith.index_cast %mul3A_1154 : i32 to index
      %get3A_1156 = tpu.vector_load %arg9[%get3A_1155] {strides = array<i32>} : memref<24576xf32, #tpu.memory_space<vmem>>, vector<16xf32>,
      %get3A_1157 = vector.shape_cast %get3A_1156 : vector<16xf32> to vector<16xf32>
      %swap3A_1158 = arith.index_cast %mul3A_1154 : i32 to index
      %swap3A_1159 = tpu.vector_load %arg7[%swap3A_1158] {strides = array<i32>} : memref<24576xf32, #tpu.memory_space<vmem>>, vector<16xf32>,
      %swap3A_1160 = vector.shape_cast %swap3A_1159 : vector<16xf32> to vector<16xf32>
      %swap3A_1161 = vector.shape_cast %get3A_1157 : vector<16xf32> to vector<16xf32>
      tpu.vector_store %arg7[%swap3A_1158], %swap3A_1161 {add = true, strides = array<i32>} : memref<24576xf32, #tpu.memory_space<vmem>>, vector<16xf32>,
      %scan3A_1162 = arith.constant 0 : i32
      scf.yield %scan3A_1162 : i32
    }
    %scan3A_995 = arith.constant 192 : i32
    %add3A_996 = arith.constant 6291456 : i32
    %add3A_997 = arith.addi %add3A_996, %mul3A_4 : i32
    %add3A_998 = arith.constant 172032 : i32
    %add3A_999 = arith.addi %add3A_997, %add3A_998 : i32
    %dma_start3A_1000 = tpu.memref_slice %arg4[%add3A_999] : memref<25165824xf32, #tpu.memory_space<hbm>> -> memref<24576xf32, #tpu.memory_space<hbm>>
    %dma_start3A_1001 = tpu.memref_slice %arg4[%add3A_999] : memref<25165824xf32, #tpu.memory_space<hbm>> -> memref<24576xf32, #tpu.memory_space<hbm>>
    tpu.enqueue_dma source(%arg7 : memref<24576xf32, #tpu.memory_space<vmem>>) target(%dma_start3A_1001 : memref<24576xf32, #tpu.memory_space<hbm>>) target_semaphore(%arg15 : memref<!tpu.dma_semaphore, #tpu.memory_space<semaphore_mem>>)
    %add3A_1002 = arith.constant 12582912 : i32
    %add3A_1003 = arith.addi %add3A_1002, %mul3A_4 : i32
    %add3A_1004 = arith.constant 172032 : i32
    %add3A_1005 = arith.addi %add3A_1003, %add3A_1004 : i32
    %dma_wait3A_1006 = tpu.memref_slice %arg2[%add3A_1005] : memref<25165824xf32, #tpu.memory_space<hbm>> -> memref<24576xf32, #tpu.memory_space<hbm>>
    %dma_wait3A_1007 = tpu.memref_slice %arg2[%add3A_1005] : memref<25165824xf32, #tpu.memory_space<hbm>> -> memref<24576xf32, #tpu.memory_space<hbm>>
    tpu.wait_dma2 semaphore(%arg10 : memref<!tpu.dma_semaphore, #tpu.memory_space<semaphore_mem>>) src(%dma_wait3A_1007 : memref<24576xf32, #tpu.memory_space<hbm>>) dst(%arg5 : memref<24576xf32, #tpu.memory_space<vmem>>)
    %scan3A_1008 = arith.constant 0 : i32
    %scan3A_1009 = arith.constant 0 : i32
    %scan3A_1010 = arith.constant 192 : i32
    %scan3A_1011 = arith.addi %scan3A_1009, %scan3A_1010 : i32
    %scan3A_1012 = arith.constant 1 : i32
    %scan3A_1013 = scf.for %scan3A_1058 = %scan3A_1009 to %scan3A_1011 step %scan3A_1012 iter_args(%scan3A_1059 = %scan3A_1008) -> (i32)  : i32 {
      %mul3A_1060 = arith.constant 8 : i32
      %mul3A_1061 = arith.muli %scan3A_1058, %mul3A_1060 : i32
      %add3A_1062 = arith.constant 0 : i32
      %add3A_1063 = arith.addi %mul3A_1061, %add3A_1062 : i32
      %mul3A_1064 = arith.constant 16 : i32
      %mul3A_1065 = arith.muli %add3A_1063, %mul3A_1064 : i32
      %get3A = arith.index_cast %mul3A_1065 : i32 to index
      %get3A_1066 = tpu.vector_load %arg9[%get3A] {strides = array<i32>} : memref<24576xf32, #tpu.memory_space<vmem>>, vector<16xf32>,
      %get3A_1067 = vector.shape_cast %get3A_1066 : vector<16xf32> to vector<16xf32>
      %swap3A = arith.index_cast %mul3A_1065 : i32 to index
      %swap3A_1068 = tpu.vector_load %arg5[%swap3A] {strides = array<i32>} : memref<24576xf32, #tpu.memory_space<vmem>>, vector<16xf32>,
      %swap3A_1069 = vector.shape_cast %swap3A_1068 : vector<16xf32> to vector<16xf32>
      %swap3A_1070 = vector.shape_cast %get3A_1067 : vector<16xf32> to vector<16xf32>
      tpu.vector_store %arg5[%swap3A], %swap3A_1070 {add = true, strides = array<i32>} : memref<24576xf32, #tpu.memory_space<vmem>>, vector<16xf32>,
      %mul3A_1071 = arith.constant 8 : i32
      %mul3A_1072 = arith.muli %scan3A_1058, %mul3A_1071 : i32
      %add3A_1073 = arith.constant 1 : i32
      %add3A_1074 = arith.addi %mul3A_1072, %add3A_1073 : i32
      %mul3A_1075 = arith.constant 16 : i32
      %mul3A_1076 = arith.muli %add3A_1074, %mul3A_1075 : i32
      %get3A_1077 = arith.index_cast %mul3A_1076 : i32 to index
      %get3A_1078 = tpu.vector_load %arg9[%get3A_1077] {strides = array<i32>} : memref<24576xf32, #tpu.memory_space<vmem>>, vector<16xf32>,
      %get3A_1079 = vector.shape_cast %get3A_1078 : vector<16xf32> to vector<16xf32>
      %swap3A_1080 = arith.index_cast %mul3A_1076 : i32 to index
      %swap3A_1081 = tpu.vector_load %arg5[%swap3A_1080] {strides = array<i32>} : memref<24576xf32, #tpu.memory_space<vmem>>, vector<16xf32>,
      %swap3A_1082 = vector.shape_cast %swap3A_1081 : vector<16xf32> to vector<16xf32>
      %swap3A_1083 = vector.shape_cast %get3A_1079 : vector<16xf32> to vector<16xf32>
      tpu.vector_store %arg5[%swap3A_1080], %swap3A_1083 {add = true, strides = array<i32>} : memref<24576xf32, #tpu.memory_space<vmem>>, vector<16xf32>,
      %mul3A_1084 = arith.constant 8 : i32
      %mul3A_1085 = arith.muli %scan3A_1058, %mul3A_1084 : i32
      %add3A_1086 = arith.constant 2 : i32
      %add3A_1087 = arith.addi %mul3A_1085, %add3A_1086 : i32
      %mul3A_1088 = arith.constant 16 : i32
      %mul3A_1089 = arith.muli %add3A_1087, %mul3A_1088 : i32
      %get3A_1090 = arith.index_cast %mul3A_1089 : i32 to index
      %get3A_1091 = tpu.vector_load %arg9[%get3A_1090] {strides = array<i32>} : memref<24576xf32, #tpu.memory_space<vmem>>, vector<16xf32>,
      %get3A_1092 = vector.shape_cast %get3A_1091 : vector<16xf32> to vector<16xf32>
      %swap3A_1093 = arith.index_cast %mul3A_1089 : i32 to index
      %swap3A_1094 = tpu.vector_load %arg5[%swap3A_1093] {strides = array<i32>} : memref<24576xf32, #tpu.memory_space<vmem>>, vector<16xf32>,
      %swap3A_1095 = vector.shape_cast %swap3A_1094 : vector<16xf32> to vector<16xf32>
      %swap3A_1096 = vector.shape_cast %get3A_1092 : vector<16xf32> to vector<16xf32>
      tpu.vector_store %arg5[%swap3A_1093], %swap3A_1096 {add = true, strides = array<i32>} : memref<24576xf32, #tpu.memory_space<vmem>>, vector<16xf32>,
      %mul3A_1097 = arith.constant 8 : i32
      %mul3A_1098 = arith.muli %scan3A_1058, %mul3A_1097 : i32
      %add3A_1099 = arith.constant 3 : i32
      %add3A_1100 = arith.addi %mul3A_1098, %add3A_1099 : i32
      %mul3A_1101 = arith.constant 16 : i32
      %mul3A_1102 = arith.muli %add3A_1100, %mul3A_1101 : i32
      %get3A_1103 = arith.index_cast %mul3A_1102 : i32 to index
      %get3A_1104 = tpu.vector_load %arg9[%get3A_1103] {strides = array<i32>} : memref<24576xf32, #tpu.memory_space<vmem>>, vector<16xf32>,
      %get3A_1105 = vector.shape_cast %get3A_1104 : vector<16xf32> to vector<16xf32>
      %swap3A_1106 = arith.index_cast %mul3A_1102 : i32 to index
      %swap3A_1107 = tpu.vector_load %arg5[%swap3A_1106] {strides = array<i32>} : memref<24576xf32, #tpu.memory_space<vmem>>, vector<16xf32>,
      %swap3A_1108 = vector.shape_cast %swap3A_1107 : vector<16xf32> to vector<16xf32>
      %swap3A_1109 = vector.shape_cast %get3A_1105 : vector<16xf32> to vector<16xf32>
      tpu.vector_store %arg5[%swap3A_1106], %swap3A_1109 {add = true, strides = array<i32>} : memref<24576xf32, #tpu.memory_space<vmem>>, vector<16xf32>,
      %mul3A_1110 = arith.constant 8 : i32
      %mul3A_1111 = arith.muli %scan3A_1058, %mul3A_1110 : i32
      %add3A_1112 = arith.constant 4 : i32
      %add3A_1113 = arith.addi %mul3A_1111, %add3A_1112 : i32
      %mul3A_1114 = arith.constant 16 : i32
      %mul3A_1115 = arith.muli %add3A_1113, %mul3A_1114 : i32
      %get3A_1116 = arith.index_cast %mul3A_1115 : i32 to index
      %get3A_1117 = tpu.vector_load %arg9[%get3A_1116] {strides = array<i32>} : memref<24576xf32, #tpu.memory_space<vmem>>, vector<16xf32>,
      %get3A_1118 = vector.shape_cast %get3A_1117 : vector<16xf32> to vector<16xf32>
      %swap3A_1119 = arith.index_cast %mul3A_1115 : i32 to index
      %swap3A_1120 = tpu.vector_load %arg5[%swap3A_1119] {strides = array<i32>} : memref<24576xf32, #tpu.memory_space<vmem>>, vector<16xf32>,
      %swap3A_1121 = vector.shape_cast %swap3A_1120 : vector<16xf32> to vector<16xf32>
      %swap3A_1122 = vector.shape_cast %get3A_1118 : vector<16xf32> to vector<16xf32>
      tpu.vector_store %arg5[%swap3A_1119], %swap3A_1122 {add = true, strides = array<i32>} : memref<24576xf32, #tpu.memory_space<vmem>>, vector<16xf32>,
      %mul3A_1123 = arith.constant 8 : i32
      %mul3A_1124 = arith.muli %scan3A_1058, %mul3A_1123 : i32
      %add3A_1125 = arith.constant 5 : i32
      %add3A_1126 = arith.addi %mul3A_1124, %add3A_1125 : i32
      %mul3A_1127 = arith.constant 16 : i32
      %mul3A_1128 = arith.muli %add3A_1126, %mul3A_1127 : i32
      %get3A_1129 = arith.index_cast %mul3A_1128 : i32 to index
      %get3A_1130 = tpu.vector_load %arg9[%get3A_1129] {strides = array<i32>} : memref<24576xf32, #tpu.memory_space<vmem>>, vector<16xf32>,
      %get3A_1131 = vector.shape_cast %get3A_1130 : vector<16xf32> to vector<16xf32>
      %swap3A_1132 = arith.index_cast %mul3A_1128 : i32 to index
      %swap3A_1133 = tpu.vector_load %arg5[%swap3A_1132] {strides = array<i32>} : memref<24576xf32, #tpu.memory_space<vmem>>, vector<16xf32>,
      %swap3A_1134 = vector.shape_cast %swap3A_1133 : vector<16xf32> to vector<16xf32>
      %swap3A_1135 = vector.shape_cast %get3A_1131 : vector<16xf32> to vector<16xf32>
      tpu.vector_store %arg5[%swap3A_1132], %swap3A_1135 {add = true, strides = array<i32>} : memref<24576xf32, #tpu.memory_space<vmem>>, vector<16xf32>,
      %mul3A_1136 = arith.constant 8 : i32
      %mul3A_1137 = arith.muli %scan3A_1058, %mul3A_1136 : i32
      %add3A_1138 = arith.constant 6 : i32
      %add3A_1139 = arith.addi %mul3A_1137, %add3A_1138 : i32
      %mul3A_1140 = arith.constant 16 : i32
      %mul3A_1141 = arith.muli %add3A_1139, %mul3A_1140 : i32
      %get3A_1142 = arith.index_cast %mul3A_1141 : i32 to index
      %get3A_1143 = tpu.vector_load %arg9[%get3A_1142] {strides = array<i32>} : memref<24576xf32, #tpu.memory_space<vmem>>, vector<16xf32>,
      %get3A_1144 = vector.shape_cast %get3A_1143 : vector<16xf32> to vector<16xf32>
      %swap3A_1145 = arith.index_cast %mul3A_1141 : i32 to index
      %swap3A_1146 = tpu.vector_load %arg5[%swap3A_1145] {strides = array<i32>} : memref<24576xf32, #tpu.memory_space<vmem>>, vector<16xf32>,
      %swap3A_1147 = vector.shape_cast %swap3A_1146 : vector<16xf32> to vector<16xf32>
      %swap3A_1148 = vector.shape_cast %get3A_1144 : vector<16xf32> to vector<16xf32>
      tpu.vector_store %arg5[%swap3A_1145], %swap3A_1148 {add = true, strides = array<i32>} : memref<24576xf32, #tpu.memory_space<vmem>>, vector<16xf32>,
      %mul3A_1149 = arith.constant 8 : i32
      %mul3A_1150 = arith.muli %scan3A_1058, %mul3A_1149 : i32
      %add3A_1151 = arith.constant 7 : i32
      %add3A_1152 = arith.addi %mul3A_1150, %add3A_1151 : i32
      %mul3A_1153 = arith.constant 16 : i32
      %mul3A_1154 = arith.muli %add3A_1152, %mul3A_1153 : i32
      %get3A_1155 = arith.index_cast %mul3A_1154 : i32 to index
      %get3A_1156 = tpu.vector_load %arg9[%get3A_1155] {strides = array<i32>} : memref<24576xf32, #tpu.memory_space<vmem>>, vector<16xf32>,
      %get3A_1157 = vector.shape_cast %get3A_1156 : vector<16xf32> to vector<16xf32>
      %swap3A_1158 = arith.index_cast %mul3A_1154 : i32 to index
      %swap3A_1159 = tpu.vector_load %arg5[%swap3A_1158] {strides = array<i32>} : memref<24576xf32, #tpu.memory_space<vmem>>, vector<16xf32>,
      %swap3A_1160 = vector.shape_cast %swap3A_1159 : vector<16xf32> to vector<16xf32>
      %swap3A_1161 = vector.shape_cast %get3A_1157 : vector<16xf32> to vector<16xf32>
      tpu.vector_store %arg5[%swap3A_1158], %swap3A_1161 {add = true, strides = array<i32>} : memref<24576xf32, #tpu.memory_space<vmem>>, vector<16xf32>,
      %scan3A_1162 = arith.constant 0 : i32
      scf.yield %scan3A_1162 : i32
    }
    %scan3A_1014 = arith.constant 192 : i32
    %add3A_1015 = arith.constant 12582912 : i32
    %add3A_1016 = arith.addi %add3A_1015, %mul3A_4 : i32
    %add3A_1017 = arith.constant 172032 : i32
    %add3A_1018 = arith.addi %add3A_1016, %add3A_1017 : i32
    %dma_start3A_1019 = tpu.memref_slice %arg4[%add3A_1018] : memref<25165824xf32, #tpu.memory_space<hbm>> -> memref<24576xf32, #tpu.memory_space<hbm>>
    %dma_start3A_1020 = tpu.memref_slice %arg4[%add3A_1018] : memref<25165824xf32, #tpu.memory_space<hbm>> -> memref<24576xf32, #tpu.memory_space<hbm>>
    tpu.enqueue_dma source(%arg5 : memref<24576xf32, #tpu.memory_space<vmem>>) target(%dma_start3A_1020 : memref<24576xf32, #tpu.memory_space<hbm>>) target_semaphore(%arg13 : memref<!tpu.dma_semaphore, #tpu.memory_space<semaphore_mem>>)
    %add3A_1021 = arith.constant 18874368 : i32
    %add3A_1022 = arith.addi %add3A_1021, %mul3A_4 : i32
    %add3A_1023 = arith.constant 172032 : i32
    %add3A_1024 = arith.addi %add3A_1022, %add3A_1023 : i32
    %dma_wait3A_1025 = tpu.memref_slice %arg2[%add3A_1024] : memref<25165824xf32, #tpu.memory_space<hbm>> -> memref<24576xf32, #tpu.memory_space<hbm>>
    %dma_wait3A_1026 = tpu.memref_slice %arg2[%add3A_1024] : memref<25165824xf32, #tpu.memory_space<hbm>> -> memref<24576xf32, #tpu.memory_space<hbm>>
    tpu.wait_dma2 semaphore(%arg11 : memref<!tpu.dma_semaphore, #tpu.memory_space<semaphore_mem>>) src(%dma_wait3A_1026 : memref<24576xf32, #tpu.memory_space<hbm>>) dst(%arg6 : memref<24576xf32, #tpu.memory_space<vmem>>)
    %scan3A_1027 = arith.constant 0 : i32
    %scan3A_1028 = arith.constant 0 : i32
    %scan3A_1029 = arith.constant 192 : i32
    %scan3A_1030 = arith.addi %scan3A_1028, %scan3A_1029 : i32
    %scan3A_1031 = arith.constant 1 : i32
    %scan3A_1032 = scf.for %scan3A_1058 = %scan3A_1028 to %scan3A_1030 step %scan3A_1031 iter_args(%scan3A_1059 = %scan3A_1027) -> (i32)  : i32 {
      %mul3A_1060 = arith.constant 8 : i32
      %mul3A_1061 = arith.muli %scan3A_1058, %mul3A_1060 : i32
      %add3A_1062 = arith.constant 0 : i32
      %add3A_1063 = arith.addi %mul3A_1061, %add3A_1062 : i32
      %mul3A_1064 = arith.constant 16 : i32
      %mul3A_1065 = arith.muli %add3A_1063, %mul3A_1064 : i32
      %get3A = arith.index_cast %mul3A_1065 : i32 to index
      %get3A_1066 = tpu.vector_load %arg9[%get3A] {strides = array<i32>} : memref<24576xf32, #tpu.memory_space<vmem>>, vector<16xf32>,
      %get3A_1067 = vector.shape_cast %get3A_1066 : vector<16xf32> to vector<16xf32>
      %swap3A = arith.index_cast %mul3A_1065 : i32 to index
      %swap3A_1068 = tpu.vector_load %arg6[%swap3A] {strides = array<i32>} : memref<24576xf32, #tpu.memory_space<vmem>>, vector<16xf32>,
      %swap3A_1069 = vector.shape_cast %swap3A_1068 : vector<16xf32> to vector<16xf32>
      %swap3A_1070 = vector.shape_cast %get3A_1067 : vector<16xf32> to vector<16xf32>
      tpu.vector_store %arg6[%swap3A], %swap3A_1070 {add = true, strides = array<i32>} : memref<24576xf32, #tpu.memory_space<vmem>>, vector<16xf32>,
      %mul3A_1071 = arith.constant 8 : i32
      %mul3A_1072 = arith.muli %scan3A_1058, %mul3A_1071 : i32
      %add3A_1073 = arith.constant 1 : i32
      %add3A_1074 = arith.addi %mul3A_1072, %add3A_1073 : i32
      %mul3A_1075 = arith.constant 16 : i32
      %mul3A_1076 = arith.muli %add3A_1074, %mul3A_1075 : i32
      %get3A_1077 = arith.index_cast %mul3A_1076 : i32 to index
      %get3A_1078 = tpu.vector_load %arg9[%get3A_1077] {strides = array<i32>} : memref<24576xf32, #tpu.memory_space<vmem>>, vector<16xf32>,
      %get3A_1079 = vector.shape_cast %get3A_1078 : vector<16xf32> to vector<16xf32>
      %swap3A_1080 = arith.index_cast %mul3A_1076 : i32 to index
      %swap3A_1081 = tpu.vector_load %arg6[%swap3A_1080] {strides = array<i32>} : memref<24576xf32, #tpu.memory_space<vmem>>, vector<16xf32>,
      %swap3A_1082 = vector.shape_cast %swap3A_1081 : vector<16xf32> to vector<16xf32>
      %swap3A_1083 = vector.shape_cast %get3A_1079 : vector<16xf32> to vector<16xf32>
      tpu.vector_store %arg6[%swap3A_1080], %swap3A_1083 {add = true, strides = array<i32>} : memref<24576xf32, #tpu.memory_space<vmem>>, vector<16xf32>,
      %mul3A_1084 = arith.constant 8 : i32
      %mul3A_1085 = arith.muli %scan3A_1058, %mul3A_1084 : i32
      %add3A_1086 = arith.constant 2 : i32
      %add3A_1087 = arith.addi %mul3A_1085, %add3A_1086 : i32
      %mul3A_1088 = arith.constant 16 : i32
      %mul3A_1089 = arith.muli %add3A_1087, %mul3A_1088 : i32
      %get3A_1090 = arith.index_cast %mul3A_1089 : i32 to index
      %get3A_1091 = tpu.vector_load %arg9[%get3A_1090] {strides = array<i32>} : memref<24576xf32, #tpu.memory_space<vmem>>, vector<16xf32>,
      %get3A_1092 = vector.shape_cast %get3A_1091 : vector<16xf32> to vector<16xf32>
      %swap3A_1093 = arith.index_cast %mul3A_1089 : i32 to index
      %swap3A_1094 = tpu.vector_load %arg6[%swap3A_1093] {strides = array<i32>} : memref<24576xf32, #tpu.memory_space<vmem>>, vector<16xf32>,
      %swap3A_1095 = vector.shape_cast %swap3A_1094 : vector<16xf32> to vector<16xf32>
      %swap3A_1096 = vector.shape_cast %get3A_1092 : vector<16xf32> to vector<16xf32>
      tpu.vector_store %arg6[%swap3A_1093], %swap3A_1096 {add = true, strides = array<i32>} : memref<24576xf32, #tpu.memory_space<vmem>>, vector<16xf32>,
      %mul3A_1097 = arith.constant 8 : i32
      %mul3A_1098 = arith.muli %scan3A_1058, %mul3A_1097 : i32
      %add3A_1099 = arith.constant 3 : i32
      %add3A_1100 = arith.addi %mul3A_1098, %add3A_1099 : i32
      %mul3A_1101 = arith.constant 16 : i32
      %mul3A_1102 = arith.muli %add3A_1100, %mul3A_1101 : i32
      %get3A_1103 = arith.index_cast %mul3A_1102 : i32 to index
      %get3A_1104 = tpu.vector_load %arg9[%get3A_1103] {strides = array<i32>} : memref<24576xf32, #tpu.memory_space<vmem>>, vector<16xf32>,
      %get3A_1105 = vector.shape_cast %get3A_1104 : vector<16xf32> to vector<16xf32>
      %swap3A_1106 = arith.index_cast %mul3A_1102 : i32 to index
      %swap3A_1107 = tpu.vector_load %arg6[%swap3A_1106] {strides = array<i32>} : memref<24576xf32, #tpu.memory_space<vmem>>, vector<16xf32>,
      %swap3A_1108 = vector.shape_cast %swap3A_1107 : vector<16xf32> to vector<16xf32>
      %swap3A_1109 = vector.shape_cast %get3A_1105 : vector<16xf32> to vector<16xf32>
      tpu.vector_store %arg6[%swap3A_1106], %swap3A_1109 {add = true, strides = array<i32>} : memref<24576xf32, #tpu.memory_space<vmem>>, vector<16xf32>,
      %mul3A_1110 = arith.constant 8 : i32
      %mul3A_1111 = arith.muli %scan3A_1058, %mul3A_1110 : i32
      %add3A_1112 = arith.constant 4 : i32
      %add3A_1113 = arith.addi %mul3A_1111, %add3A_1112 : i32
      %mul3A_1114 = arith.constant 16 : i32
      %mul3A_1115 = arith.muli %add3A_1113, %mul3A_1114 : i32
      %get3A_1116 = arith.index_cast %mul3A_1115 : i32 to index
      %get3A_1117 = tpu.vector_load %arg9[%get3A_1116] {strides = array<i32>} : memref<24576xf32, #tpu.memory_space<vmem>>, vector<16xf32>,
      %get3A_1118 = vector.shape_cast %get3A_1117 : vector<16xf32> to vector<16xf32>
      %swap3A_1119 = arith.index_cast %mul3A_1115 : i32 to index
      %swap3A_1120 = tpu.vector_load %arg6[%swap3A_1119] {strides = array<i32>} : memref<24576xf32, #tpu.memory_space<vmem>>, vector<16xf32>,
      %swap3A_1121 = vector.shape_cast %swap3A_1120 : vector<16xf32> to vector<16xf32>
      %swap3A_1122 = vector.shape_cast %get3A_1118 : vector<16xf32> to vector<16xf32>
      tpu.vector_store %arg6[%swap3A_1119], %swap3A_1122 {add = true, strides = array<i32>} : memref<24576xf32, #tpu.memory_space<vmem>>, vector<16xf32>,
      %mul3A_1123 = arith.constant 8 : i32
      %mul3A_1124 = arith.muli %scan3A_1058, %mul3A_1123 : i32
      %add3A_1125 = arith.constant 5 : i32
      %add3A_1126 = arith.addi %mul3A_1124, %add3A_1125 : i32
      %mul3A_1127 = arith.constant 16 : i32
      %mul3A_1128 = arith.muli %add3A_1126, %mul3A_1127 : i32
      %get3A_1129 = arith.index_cast %mul3A_1128 : i32 to index
      %get3A_1130 = tpu.vector_load %arg9[%get3A_1129] {strides = array<i32>} : memref<24576xf32, #tpu.memory_space<vmem>>, vector<16xf32>,
      %get3A_1131 = vector.shape_cast %get3A_1130 : vector<16xf32> to vector<16xf32>
      %swap3A_1132 = arith.index_cast %mul3A_1128 : i32 to index
      %swap3A_1133 = tpu.vector_load %arg6[%swap3A_1132] {strides = array<i32>} : memref<24576xf32, #tpu.memory_space<vmem>>, vector<16xf32>,
      %swap3A_1134 = vector.shape_cast %swap3A_1133 : vector<16xf32> to vector<16xf32>
      %swap3A_1135 = vector.shape_cast %get3A_1131 : vector<16xf32> to vector<16xf32>
      tpu.vector_store %arg6[%swap3A_1132], %swap3A_1135 {add = true, strides = array<i32>} : memref<24576xf32, #tpu.memory_space<vmem>>, vector<16xf32>,
      %mul3A_1136 = arith.constant 8 : i32
      %mul3A_1137 = arith.muli %scan3A_1058, %mul3A_1136 : i32
      %add3A_1138 = arith.constant 6 : i32
      %add3A_1139 = arith.addi %mul3A_1137, %add3A_1138 : i32
      %mul3A_1140 = arith.constant 16 : i32
      %mul3A_1141 = arith.muli %add3A_1139, %mul3A_1140 : i32
      %get3A_1142 = arith.index_cast %mul3A_1141 : i32 to index
      %get3A_1143 = tpu.vector_load %arg9[%get3A_1142] {strides = array<i32>} : memref<24576xf32, #tpu.memory_space<vmem>>, vector<16xf32>,
      %get3A_1144 = vector.shape_cast %get3A_1143 : vector<16xf32> to vector<16xf32>
      %swap3A_1145 = arith.index_cast %mul3A_1141 : i32 to index
      %swap3A_1146 = tpu.vector_load %arg6[%swap3A_1145] {strides = array<i32>} : memref<24576xf32, #tpu.memory_space<vmem>>, vector<16xf32>,
      %swap3A_1147 = vector.shape_cast %swap3A_1146 : vector<16xf32> to vector<16xf32>
      %swap3A_1148 = vector.shape_cast %get3A_1144 : vector<16xf32> to vector<16xf32>
      tpu.vector_store %arg6[%swap3A_1145], %swap3A_1148 {add = true, strides = array<i32>} : memref<24576xf32, #tpu.memory_space<vmem>>, vector<16xf32>,
      %mul3A_1149 = arith.constant 8 : i32
      %mul3A_1150 = arith.muli %scan3A_1058, %mul3A_1149 : i32
      %add3A_1151 = arith.constant 7 : i32
      %add3A_1152 = arith.addi %mul3A_1150, %add3A_1151 : i32
      %mul3A_1153 = arith.constant 16 : i32
      %mul3A_1154 = arith.muli %add3A_1152, %mul3A_1153 : i32
      %get3A_1155 = arith.index_cast %mul3A_1154 : i32 to index
      %get3A_1156 = tpu.vector_load %arg9[%get3A_1155] {strides = array<i32>} : memref<24576xf32, #tpu.memory_space<vmem>>, vector<16xf32>,
      %get3A_1157 = vector.shape_cast %get3A_1156 : vector<16xf32> to vector<16xf32>
      %swap3A_1158 = arith.index_cast %mul3A_1154 : i32 to index
      %swap3A_1159 = tpu.vector_load %arg6[%swap3A_1158] {strides = array<i32>} : memref<24576xf32, #tpu.memory_space<vmem>>, vector<16xf32>,
      %swap3A_1160 = vector.shape_cast %swap3A_1159 : vector<16xf32> to vector<16xf32>
      %swap3A_1161 = vector.shape_cast %get3A_1157 : vector<16xf32> to vector<16xf32>
      tpu.vector_store %arg6[%swap3A_1158], %swap3A_1161 {add = true, strides = array<i32>} : memref<24576xf32, #tpu.memory_space<vmem>>, vector<16xf32>,
      %scan3A_1162 = arith.constant 0 : i32
      scf.yield %scan3A_1162 : i32
    }
    %scan3A_1033 = arith.constant 192 : i32
    %add3A_1034 = arith.constant 18874368 : i32
    %add3A_1035 = arith.addi %add3A_1034, %mul3A_4 : i32
    %add3A_1036 = arith.constant 172032 : i32
    %add3A_1037 = arith.addi %add3A_1035, %add3A_1036 : i32
    %dma_start3A_1038 = tpu.memref_slice %arg4[%add3A_1037] : memref<25165824xf32, #tpu.memory_space<hbm>> -> memref<24576xf32, #tpu.memory_space<hbm>>
    %dma_start3A_1039 = tpu.memref_slice %arg4[%add3A_1037] : memref<25165824xf32, #tpu.memory_space<hbm>> -> memref<24576xf32, #tpu.memory_space<hbm>>
    tpu.enqueue_dma source(%arg6 : memref<24576xf32, #tpu.memory_space<vmem>>) target(%dma_start3A_1039 : memref<24576xf32, #tpu.memory_space<hbm>>) target_semaphore(%arg14 : memref<!tpu.dma_semaphore, #tpu.memory_space<semaphore_mem>>)
    %add3A_1040 = arith.constant 6291456 : i32
    %add3A_1041 = arith.addi %add3A_1040, %mul3A_4 : i32
    %add3A_1042 = arith.constant 172032 : i32
    %add3A_1043 = arith.addi %add3A_1041, %add3A_1042 : i32
    %dma_wait3A_1044 = tpu.memref_slice %arg4[%add3A_1043] : memref<25165824xf32, #tpu.memory_space<hbm>> -> memref<24576xf32, #tpu.memory_space<hbm>>
    %dma_wait3A_1045 = tpu.memref_slice %arg4[%add3A_1043] : memref<25165824xf32, #tpu.memory_space<hbm>> -> memref<24576xf32, #tpu.memory_space<hbm>>
    tpu.wait_dma2 semaphore(%arg15 : memref<!tpu.dma_semaphore, #tpu.memory_space<semaphore_mem>>) src(%arg7 : memref<24576xf32, #tpu.memory_space<vmem>>) dst(%dma_wait3A_1045 : memref<24576xf32, #tpu.memory_space<hbm>>)
    %add3A_1046 = arith.constant 12582912 : i32
    %add3A_1047 = arith.addi %add3A_1046, %mul3A_4 : i32
    %add3A_1048 = arith.constant 172032 : i32
    %add3A_1049 = arith.addi %add3A_1047, %add3A_1048 : i32
    %dma_wait3A_1050 = tpu.memref_slice %arg4[%add3A_1049] : memref<25165824xf32, #tpu.memory_space<hbm>> -> memref<24576xf32, #tpu.memory_space<hbm>>
    %dma_wait3A_1051 = tpu.memref_slice %arg4[%add3A_1049] : memref<25165824xf32, #tpu.memory_space<hbm>> -> memref<24576xf32, #tpu.memory_space<hbm>>
    tpu.wait_dma2 semaphore(%arg13 : memref<!tpu.dma_semaphore, #tpu.memory_space<semaphore_mem>>) src(%arg5 : memref<24576xf32, #tpu.memory_space<vmem>>) dst(%dma_wait3A_1051 : memref<24576xf32, #tpu.memory_space<hbm>>)
    %add3A_1052 = arith.constant 18874368 : i32
    %add3A_1053 = arith.addi %add3A_1052, %mul3A_4 : i32
    %add3A_1054 = arith.constant 172032 : i32
    %add3A_1055 = arith.addi %add3A_1053, %add3A_1054 : i32
    %dma_wait3A_1056 = tpu.memref_slice %arg4[%add3A_1055] : memref<25165824xf32, #tpu.memory_space<hbm>> -> memref<24576xf32, #tpu.memory_space<hbm>>
    %dma_wait3A_1057 = tpu.memref_slice %arg4[%add3A_1055] : memref<25165824xf32, #tpu.memory_space<hbm>> -> memref<24576xf32, #tpu.memory_space<hbm>>
    tpu.wait_dma2 semaphore(%arg14 : memref<!tpu.dma_semaphore, #tpu.memory_space<semaphore_mem>>) src(%arg6 : memref<24576xf32, #tpu.memory_space<vmem>>) dst(%dma_wait3A_1057 : memref<24576xf32, #tpu.memory_space<hbm>>)
    return
  }
}

</mosaic_0001>

<sc_bundles>
// kernel: kernel.3.cloned.1.call-start
scs
__scs_entry_jumppad:
0x0: {  	(pc) =	sbr.rel $0x88, $3  }
0x1: {  	(tag) =	ssettag $0x0;
	lr =	simm.s32 $0x1  }
0x2: {  	[smem:$0x3F9F] =	sst lr;
	_ =	strace $0xD0000000  }
0x3: {  	_ = 	snop  }
0x4: {  	_ = 	snop  }
0x5: {  	_ = 	snop  }
0x6: {  	_ = 	snop  }
0x7: {  	_ = 	snop  }
__scs_overlays_trampoline_lowered:
0x8: {  	[smem:$0x3FAE] =	sst s0  }
0x9: {  	[smem:$0x3FAF] =	sst s1  }
0xa: {  	[smem:$0x3FB0] =	sst s2  }
0xb: {  	[smem:$0x3FB1] =	sst s3  }
0xc: {  	[smem:$0x3FB2] =	sst s4  }
0xd: {  	[smem:$0x3FB3] =	sst s5  }
0xe: {  	[smem:$0x3FB4] =	sst s6  }
0xf: {  	[smem:$0x3FB5] =	sst s7  }
0x10: {  	[smem:$0x3FB6] =	sst s8  }
0x11: {  	[smem:$0x3FB7] =	sst s9;
	s0 =	simm.s32 @!p0 $0x0  }
0x12: {  	s1 =	sld [smem:$0x3F9D];
	s0 =	simm.s32 @p0 $0x1  }
0x13: {  	[smem:$0x3FB8] =	sst s0;
	s0 =	simm.s32 @!p1 $0x0  }
0x14: {  	s2 =	sld [smem:$0x3F9C];
	s0 =	simm.s32 @p1 $0x1  }
0x15: {  	[smem:$0x3FB9] =	sst s0;
	s0 =	simm.s32 @!p2 $0x0  }
0x16: {  	s3 =	sld [smem:$0x3FDB];
	s0 =	simm.s32 @p2 $0x1  }
0x17: {  	s4 =	simm.s32 $0x1BF5;
	[smem:$0x3FBB] =	sst s0  }
0x18: {  	s0 =	sld [smem:$0x3F9E];
	_ =	swait.ge [sflag:s4], $0x0  }
0x19: {  	s7 =	sld [smem:$0x3F9F]  }
0x1a: {  	s8 =	sadd.s32 $0xFFFFE003, lr  }
0x1b: {  	s9 =	sadd.s32 $0xFFFFFEF7, lr;
	s5 =	simm.s32 $0xFFFFFFFF;
	p2 =	slt.u32 s8, $0xFFFFF086  }
0x1c: {  	p1 =	slt.u32 s9, $0xF7A;
	s5 =	simm.s32 @!p2 $0x0  }
0x1d: {  	s5 =	simm.s32 @p1 $0x1;
	p0 =	seq.s32 s7, s2  }
0x1e: {  	s7 =	smul.u32 @!p0 $0xF7A, s2;
	p2 =	seq.s32 @!p0 s5, $0x0  }
0x1f: {  	s9 =	smul.u32 $0xF7A, s1;
	s8 =	simm.s32 @!p0 $0x1BF5;
	p2 =	por !p2, p0  }
0x20: {  	[sflag:s8] =	ssyncset.s32 @!p0 $0xFFFFF086;
	s6 =	sadd.s32 @!p0 s3, s7;
	s7 =	simm.s32 @!p0 $0x108  }
0x21: {  	s3 =	sadd.s32 s3, s9;
	s6 =	sadd.s32 @!p0 $0x88, s6;
	s7 =	simm.s32 @p2 $0x1082  }
0x22: {  	[simem:s7], [sflag:s8] =	dma.local @!p0 [hbm:s6], $0xF7A  }
0x23: {  	s9 =	sor.u32 $0xD0000000, s2;
	s6 =	simm.s32 $0x108;
	_ =	swait.ge @!p0 [sflag:s8], $0x0  }
0x24: {  	s3 =	sadd.s32 $0x88, s3;
	s6 =	simm.s32 @!p1 $0x1082;
	[sflag:s4] =	ssyncset.s32 $0xFFFFF086  }
0x25: {  	[simem:s6], [sflag:s4] =	dma.local [hbm:s3], $0xF7A  }
0x26: {  	[smem:$0x3F9F] =	sst s1;
	(tag) =	ssettag s2;
	_ =	strace s9  }
0x27: {  	s1 =	sld [smem:$0x3FAF]  }
0x28: {  	s2 =	sld [smem:$0x3FB0]  }
0x29: {  	s4 =	sld [smem:$0x3FB2]  }
0x2a: {  	p0 =	seq.s32 s5, $0x0;
	s5 =	sld [smem:$0x3FB3]  }
0x2b: {  	s6 =	sld [smem:$0x3FB4]  }
0x2c: {  	s7 =	sld [smem:$0x3FB5]  }
0x2d: {  	s3 =	simm.s32 $0x108;
	s8 =	sld [smem:$0x3FB6]  }
0x2e: {  	s3 =	simm.s32 @!p0 $0x1082;
	s9 =	sld [smem:$0x3FB7]  }
0x2f: {  	lr =	sadd.s32 s0, s3;
	s0 =	sld [smem:$0x3FAE]  }
0x30: {  	s3 =	sld [smem:$0x3FB1]  }
0x31: {  	[smem:$0x3FBA] =	sst s10  }
0x32: {  	s10 =	sld [smem:$0x3FB8];
	_ =	sdelay $0x3  }
0x33: {  	p0 =	seq.s32 s10, $0x1;
	s10 =	sld [smem:$0x3FBA];
	_ =	sdelay $0x3  }
0x34: {  	[smem:$0x3FBA] =	sst s10  }
0x35: {  	s10 =	sld [smem:$0x3FB9];
	_ =	sdelay $0x3  }
0x36: {  	p1 =	seq.s32 s10, $0x1;
	s10 =	sld [smem:$0x3FBA];
	_ =	sdelay $0x3  }
0x37: {  	[smem:$0x3FBA] =	sst s10  }
0x38: {  	s10 =	sld [smem:$0x3FBB]  }
0x39: {  	_ = 	snop;
	(pc) =	sbr.ind lr, $3  }
0x3a: {  	_ = 	snop  }
0x3b: {  	_ = 	snop  }
0x3c: {  	p2 =	seq.s32 s10, $0x1;
	s10 =	sld [smem:$0x3FBA]  }
0x3d: {  	_ =	shalt  }
0x3e: {  	_ =	shalt  }
0x3f: {  	_ =	shalt  }
0x40: {  	_ =	shalt  }
0x41: {  	_ =	shalt  }
0x42: {  	_ =	shalt  }
0x43: {  	_ =	shalt  }
0x44: {  	_ =	shalt  }
0x45: {  	_ =	shalt  }
0x46: {  	_ =	shalt  }
0x47: {  	_ =	shalt  }
0x48: {  	_ =	shalt  }
0x49: {  	_ =	shalt  }
0x4a: {  	_ =	shalt  }
0x4b: {  	_ =	shalt  }
0x4c: {  	_ =	shalt  }
0x4d: {  	_ =	shalt  }
0x4e: {  	_ =	shalt  }
0x4f: {  	_ =	shalt  }
0x50: {  	_ =	shalt  }
0x51: {  	_ =	shalt  }
0x52: {  	_ =	shalt  }
0x53: {  	_ =	shalt  }
0x54: {  	_ =	shalt  }
0x55: {  	_ =	shalt  }
0x56: {  	_ =	shalt  }
0x57: {  	_ =	shalt  }
0x58: {  	_ =	shalt  }
0x59: {  	_ =	shalt  }
0x5a: {  	_ =	shalt  }
0x5b: {  	_ =	shalt  }
0x5c: {  	_ =	shalt  }
0x5d: {  	_ =	shalt  }
0x5e: {  	_ =	shalt  }
0x5f: {  	_ =	shalt  }
0x60: {  	_ =	shalt  }
0x61: {  	_ =	shalt  }
0x62: {  	_ =	shalt  }
0x63: {  	_ =	shalt  }
0x64: {  	_ =	shalt  }
0x65: {  	_ =	shalt  }
0x66: {  	_ =	shalt  }
0x67: {  	_ =	shalt  }
0x68: {  	_ =	shalt  }
0x69: {  	_ =	shalt  }
0x6a: {  	_ =	shalt  }
0x6b: {  	_ =	shalt  }
0x6c: {  	_ =	shalt  }
0x6d: {  	_ =	shalt  }
0x6e: {  	_ =	shalt  }
0x6f: {  	_ =	shalt  }
0x70: {  	_ =	shalt  }
0x71: {  	_ =	shalt  }
0x72: {  	_ =	shalt  }
0x73: {  	_ =	shalt  }
0x74: {  	_ =	shalt  }
0x75: {  	_ =	shalt  }
0x76: {  	_ =	shalt  }
0x77: {  	_ =	shalt  }
0x78: {  	_ =	shalt  }
0x79: {  	_ =	shalt  }
0x7a: {  	_ =	shalt  }
0x7b: {  	_ =	shalt  }
0x7c: {  	_ =	shalt  }
0x7d: {  	_ =	shalt  }
0x7e: {  	_ =	shalt  }
0x7f: {  	_ =	shalt  }
0x80: {  	_ =	shalt  }
0x81: {  	_ =	shalt  }
0x82: {  	_ =	shalt  }
0x83: {  	_ =	shalt  }
0x84: {  	_ =	shalt  }
0x85: {  	_ =	shalt  }
0x86: {  	_ =	shalt  }
0x87: {  	_ =	shalt  }
.Lfunc_end0:
.L_simem_size_0:
called_computation_lowered:
.L_overlay_start_0:
0x88: {  	s2 =	sld [smem:$0x3FD9]  }
0x89: {  	s3 =	sld [smem:$0x3FFE];
	_ =	sdelay $0x1  }
0x8a: {  	s1 =	srdreg.scid  }
0x8b: {  	s0 =	sand.u32 $0x1, s1  }
0x8c: {  	s17 =	sshll.u32 s0, $0xA;
	s2 =	sadd.s32 s3, s2  }
0x8d: {  	s2 =	sadd.s32 s2, s17  }
0x8e: {  	[smem:$0x3FC6] =	sst s2  }
0x8f: {  	_ = 	snop  }
0x90: {  	s2 =	sld [smem:$0x3FD0];
	(tm) =	ssettm $0x1  }
0x91: {  	s18 =	sld [smem:$0x3FFB];
	_ =	sdelay $0x3  }
0x92: {  	_ =	strace s18  }
0x93: {  	s3 =	sld [smem:$0x3FFC];
	_ =	sdelay $0x3  }
0x94: {  	_ =	strace s3  }
0x95: {  	s3 =	sld [smem:$0x3FFD];
	_ =	sdelay $0x3  }
0x96: {  	_ =	strace s3  }
0x97: {  	_ =	strace $0x8FFFFFFF  }
0x98: {  	s19 =	sld [smem:$0x3FDB];
	_ =	sdelay $0x1  }
0x99: {  	s4 =	simm.s32 $_scs_section_size  }
0x9a: {  	s5 =	simm.s32 $_size__tile_overlayer_lowered;
	s6 =	simm.s32 $_tile_overlayer_lowered  }
0x9b: {  	s22 =	simm.s32 $0x1BFF;
	s21 =	sshll.u32 s6, $0x1;
	s3 =	sadd.s32 s4, s19  }
0x9c: {  	s7 =	simm.s32 $0x0;
	s20 =	sshll.u32 s5, $0x1;
	s5 =	sadd.s32 s21, s3  }
0x9d: {  	[timem:s7], [sflag:s22] =	dma.local [hbm:s5], s20  }
0x9e: {  	_ =	swait.ge [sflag:s22], s20  }
0x9f: {  	s4 =	ssub.s32 $0x0, s20;
	[sflag:s22] =	ssyncset.done $0x0  }
0xa0: {  	[sflag:s22] =	ssyncadd.s32 s4;
	_ =	sdelay $0x1  }
0xa1: {  	s23 =	simm.s32 $0x1B8B  }
0xa2: {  	_ =	swait.ge [sflag:s23], $0x1  }
0xa3: {  	[sflag:s23] =	ssyncset.done $0x0  }
0xa4: {  	s25 =	simm.s32 $0x1B8E;
	s24 =	sld [smem:$0x3FFE];
	[sflag:s23] =	ssyncadd.s32 $0xFFFFFFFF  }
0xa5: {  	s26 =	simm.s32 $execute0_lowered;
	[smem:$0x3FD2] =	sst s25  }
0xa6: {  	s5 =	sshll.u32 s26, $0x1;
	_ =	strace $0x80000046;
	[dreg:$0x1] =	wrdreg $0xFFFFFFFF  }
0xa7: {  	s28 =	simm.s32 $_size_execute0_lowered;
	s3 =	sadd.s32 s3, s5;
	[dreg:$0x0] =	wrdreg $0x0  }
0xa8: {  	s5 =	sshll.u32 s28, $0x1;
	[dreg:$0x2] =	wrdreg s3  }
0xa9: {  	[dreg:$0x3] =	wrdreg s5  }
0xaa: {  	[dreg:$0x4] =	wrdreg $0xC0  }
0xab: {  	_ =	task [dreg:s7], $0x5FFFF  }
0xac: {  	[dreg:$0x1] =	wrdreg $0xFFFFFFFF  }
0xad: {  	[dreg:$0x0] =	wrdreg $0x60  }
0xae: {  	[dreg:$0x2] =	wrdreg s2  }
0xaf: {  	[dreg:$0x3] =	wrdreg s24  }
0xb0: {  	[dreg:$0x4] =	wrdreg $0x9  }
0xb1: {  	_ =	task.clear_ibuf [dreg:s7], $0x5FFFF;
	_ =	strace $0x90000046  }
0xb2: {  	s29 =	simm.s32 $0x9;
	_ =	strace $0x80000048  }
0xb3: {  	_ =	swait.ge [sflag:s29], $0x1  }
0xb4: {  	[sflag:s29] =	ssyncadd.s32 $0xFFFFFFFF  }
0xb5: {  	_ =	strace $0x90000048  }
0xb6: {  	_ =	sfence  }
0xb7: {  	s30 =	sld [smem:$0x0];
	_ =	sdelay $0x2  }
0xb8: {  	s31 =	sshll.u32 s1, $0xD;
	s1 =	sshrl.u32 s1, $0x2  }
0xb9: {  	s3 =	sand.u32 $0x4000, s31;
	s1 =	sadd.s32 s1, s30  }
0xba: {  	s0 =	sor.u32 s3, s0;
	s1 =	sshll.u32 s1, $0x11  }
0xbb: {  	s0 =	sor.u32 s1, s0  }
0xbc: {  	s0 =	sadd.s32 $0x8F2B, s0  }
0xbd: {  	[sflag:s0] =	ssyncadd.remote.s32 $0x1  }
0xbe: {  	_ =	sfence.sel $0xFFFF  }
0xbf: {  	[dreg:$0x0] =	wrdreg $0xFFFFFFFF;
	(pc) =	sbr.abs _section_cstart, $3  }
0xc0: {  	[dreg:$0x1] =	wrdreg $0xFFFFFFFF  }
0xc1: {  	_ =	task.clear_ibuf [dreg:s7], $0x2FFFF;
	_ =	strace $0x9FFFFFFF  }
0xc2: {  	(tm) =	ssettm $0x7FFFFFFF  }
0xc3: {  	_ =	shalt  }
tec
execute0_lowered:
.L_overlay_start_1:
0x0: {  	(tag) =	ssettag $0x1  }
0x1: {  	s0 =	srdreg.scid;
	s1 =	stileid.u32  }
0x2: {  	s0 =	sand.u32 $0x1, s0;
	s1 =	sshll.u32 s1, $0x1  }
0x3: {  	s1 =	sor.u32 s0, s1  }
0x4: {  	s2 =	smul.u32 $0x30000, s1  }
0x5: {  	s10 =	rddreg [dreg:$0x0]  }
0x6: {  	s3 =	rddreg [dreg:$0x1];
	s4 =	ssub.s32 $0x2, s0;
	s8 =	sshrl.u32 s2, $0x3  }
0x7: {  	s0 =	sadd.s32 $0x400, s3;
	s1 =	simm.s32 $0x0;
	s5 =	sadd.s32 $0xC0000, s8  }
0x8: {  	[smem:$0x7FF] =	sst s1;
	s9 =	sor.u32 $0xC00, s8;
	s6 =	sadd.s32 s10, s5  }
0x9: {  	s11 =	sadd.s32 $0x240000, s8;
	s12 =	sadd.s32 s0, s9;
	[dreg:$0x3] =	wrdreg s6  }
0xa: {  	s13 =	sadd.s32 $0xC0400, s3;
	s15 =	sadd.s32 s10, s11;
	[dreg:$0x5] =	wrdreg s12  }
0xb: {  	s30 =	sshrl.u32 s4, $0x1;
	s5 =	sadd.s32 s13, s5;
	[dreg:$0x6] =	wrdreg s15  }
0xc: {  	s7 =	sadd.s32 $0x180000, s8;
	s16 =	sadd.s32 s10, s9;
	[dreg:$0x7] =	wrdreg s5  }
0xd: {  	s17 =	sadd.s32 $0xC0C00, s8;
	s2 =	sadd.s32 s13, s7;
	[dreg:$0x8] =	wrdreg s16  }
0xe: {  	s14 =	ssub.s32 s4, s30;
	s18 =	sadd.s32 s10, s17;
	[dreg:$0x9] =	wrdreg s2  }
0xf: {  	s19 =	sor.u32 $0x1800, s8;
	s4 =	sadd.s32 s13, s11;
	[dreg:$0xa] =	wrdreg s18  }
0x10: {  	s21 =	sadd.s32 $0x180C00, s8;
	s20 =	sadd.s32 s0, s19;
	[dreg:$0xb] =	wrdreg s4  }
0x11: {  	s22 =	sadd.s32 s10, s21;
	[dreg:$0xc] =	wrdreg s20  }
0x12: {  	s23 =	sadd.s32 $0x240C00, s8;
	s3 =	sadd.s32 s13, s9;
	[dreg:$0xd] =	wrdreg s22  }
0x13: {  	s24 =	sadd.s32 s10, s23;
	[dreg:$0xe] =	wrdreg s3  }
0x14: {  	s26 =	sadd.s32 $0xC1800, s8;
	s25 =	sadd.s32 s10, s19;
	[dreg:$0xf] =	wrdreg s24  }
0x15: {  	s29 =	sadd.s32 s10, s26;
	[dreg:$0x11] =	wrdreg s25  }
0x16: {  	s6 =	sadd.s32 s10, s7;
	[dreg:$0x15] =	wrdreg s29  }
0x17: {  	s5 =	sadd.s32 s13, s17;
	[dreg:$0x4] =	wrdreg s6  }
0x18: {  	s4 =	sadd.s32 s13, s21;
	[dreg:$0x10] =	wrdreg s5  }
0x19: {  	s3 =	sadd.s32 s13, s23;
	[dreg:$0x12] =	wrdreg s4  }
0x1a: {  	s2 =	sadd.s32 s13, s19;
	[dreg:$0x13] =	wrdreg s3  }
0x1b: {  	s30 =	sadd.s32 $0x181800, s8;
	[dreg:$0x14] =	wrdreg s2;
	s4 =	sadd.s32 s13, s26  }
0x1c: {  	s5 =	sadd.s32 s10, s30;
	[dreg:$0x16] =	wrdreg s4  }
0x1d: {  	s7 =	sadd.s32 $0x2400, s8;
	s2 =	sadd.s32 s13, s30;
	[dreg:$0x17] =	wrdreg s5  }
0x1e: {  	s11 =	sadd.s32 s0, s7;
	[dreg:$0x18] =	wrdreg s2  }
0x1f: {  	s15 =	sadd.s32 $0xC2400, s8;
	s12 =	sadd.s32 s10, s7;
	[dreg:$0x1b] =	wrdreg s11  }
0x20: {  	s16 =	sadd.s32 $0x182400, s8;
	s17 =	sadd.s32 s10, s15;
	[dreg:$0x1c] =	wrdreg s12  }
0x21: {  	s28 =	simm.s32 $0x0;
	s18 =	sadd.s32 s10, s16;
	[dreg:$0x1e] =	wrdreg s17  }
0x22: {  	s21 =	sadd.s32 $0x242400, s8;
	s19 =	sadd.s32 s13, s16;
	[smem:$0x7E1] =	sst s18  }
0x23: {  	s20 =	sadd.s32 $0x3000, s8;
	s22 =	sadd.s32 s10, s21;
	[smem:$0x7E2] =	sst s19  }
0x24: {  	s14 =	smax.u32 s14, $0x1;
	s23 =	sadd.s32 s0, s20;
	[smem:$0x7E3] =	sst s22  }
0x25: {  	s25 =	sadd.s32 $0xC3000, s8;
	s24 =	sadd.s32 s10, s20;
	[smem:$0x7E5] =	sst s23  }
0x26: {  	s29 =	sadd.s32 $0x183000, s8;
	s26 =	sadd.s32 s10, s25;
	[smem:$0x7E6] =	sst s24  }
0x27: {  	s6 =	sadd.s32 $0x241800, s8;
	s30 =	sadd.s32 s10, s29;
	[smem:$0x7E8] =	sst s26  }
0x28: {  	s9 =	sadd.s32 s10, s6;
	s3 =	sadd.s32 s13, s6;
	[smem:$0x7EA] =	sst s30  }
0x29: {  	s2 =	sadd.s32 s13, s7;
	s4 =	sadd.s32 $0x243000, s8;
	[dreg:$0x19] =	wrdreg s9  }
0x2a: {  	s6 =	sadd.s32 $0x3C00, s8;
	s11 =	sadd.s32 $0xC3C00, s8;
	[dreg:$0x1a] =	wrdreg s3  }
0x2b: {  	s17 =	sadd.s32 $0x243C00, s8;
	[dreg:$0x1d] =	wrdreg s2;
	s2 =	sadd.s32 s13, s15  }
0x2c: {  	s22 =	sadd.s32 $0x5400, s8;
	s3 =	sadd.s32 s13, s21;
	[dreg:$0x1f] =	wrdreg s2  }
0x2d: {  	s24 =	sadd.s32 $0xC4800, s8;
	s5 =	sadd.s32 s10, s4;
	[smem:$0x7E4] =	sst s3  }
0x2e: {  	s30 =	sadd.s32 $0x244800, s8;
	s7 =	sadd.s32 s0, s6;
	[smem:$0x7EC] =	sst s5  }
0x2f: {  	s9 =	sadd.s32 s10, s6;
	s12 =	sadd.s32 s10, s11;
	[smem:$0x7EE] =	sst s7  }
0x30: {  	s15 =	sadd.s32 $0x183C00, s8;
	s18 =	sadd.s32 s10, s17;
	[smem:$0x7EF] =	sst s9  }
0x31: {  	s19 =	sadd.s32 s13, s17;
	s21 =	sadd.s32 $0x4800, s8;
	[smem:$0x7F1] =	sst s12  }
0x32: {  	s26 =	sadd.s32 s10, s24;
	s17 =	simm.s32 $0x12000;
	[smem:$0x7F5] =	sst s18  }
0x33: {  	s2 =	sadd.s32 s13, s20;
	s3 =	sadd.s32 s13, s11;
	[smem:$0x7F6] =	sst s19  }
0x34: {  	s16 =	sadd.s32 s10, s15;
	s20 =	sadd.s32 s0, s8;
	[smem:$0x7FC] =	sst s26  }
0x35: {  	s23 =	sadd.s32 s0, s21;
	s0 =	sadd.s32 s0, s22;
	[smem:$0x7E7] =	sst s2  }
0x36: {  	s5 =	sadd.s32 s13, s22;
	s7 =	sadd.s32 s13, s8;
	[smem:$0x7F2] =	sst s3  }
0x37: {  	s11 =	sadd.s32 $0xC5400, s8;
	s12 =	sadd.s32 $0x185400, s8;
	[smem:$0x7F3] =	sst s16  }
0x38: {  	s18 =	simm.s32 $0x18000;
	s19 =	simm.s32 $0x1;
	[smem:$0x7F7] =	sst s20  }
0x39: {  	s26 =	simm.s32 $0x8;
	s2 =	sadd.s32 s13, s25;
	[smem:$0x7F8] =	sst s23  }
0x3a: {  	[smem:$0x7F9] =	sst s0;
	s25 =	sadd.s32 s10, s21;
	s0 =	sadd.s32 s13, s24  }
0x3b: {  	s3 =	sadd.s32 s13, s30;
	s9 =	sadd.s32 s10, s12;
	s12 =	sadd.s32 s13, s12  }
0x3c: {  	s16 =	simm.s32 $0xC000;
	s20 =	simm.s32 $0x7;
	[smem:$0x7E9] =	sst s2  }
0x3d: {  	s23 =	simm.s32 $0x5;
	s24 =	simm.s32 $0x3;
	[smem:$0x7FA] =	sst s25  }
0x3e: {  	s2 =	sadd.s32 s13, s29;
	[smem:$0x7FD] =	sst s0;
	s29 =	sadd.s32 $0x184800, s8  }
0x3f: {  	s25 =	simm.s32 $0x6;
	[smem:$0x7EB] =	sst s2;
	s2 =	sadd.s32 s13, s4  }
0x40: {  	s31 =	sadd.s32 s10, s29;
	s0 =	sadd.s32 s13, s29;
	s4 =	sadd.s32 s10, s22  }
0x41: {  	s22 =	simm.s32 $0x2;
	[smem:$0x7ED] =	sst s2;
	s2 =	sadd.s32 s13, s6  }
0x42: {  	s6 =	sadd.s32 s10, s8;
	[smem:$0x7F0] =	sst s2;
	s2 =	sadd.s32 s13, s15  }
0x43: {  	s15 =	sadd.s32 $0x245400, s8;
	s8 =	sadd.s32 s10, s11;
	s11 =	sadd.s32 s13, s11  }
0x44: {  	[smem:$0x7F4] =	sst s2;
	s2 =	sadd.s32 s13, s21;
	s13 =	sadd.s32 s13, s15  }
0x45: {  	s21 =	simm.s32 $0x4;
	[smem:$0x7FB] =	sst s2;
	s2 =	sadd.s32 s10, s30  }
0x46: {  	s10 =	sadd.s32 s10, s15;
	s15 =	simm.s32 $0x6000;
	_ =	strace $0x80000047  }
.LBB2_1:
0x47: {  	[tilespmem:s1], [sflag:$0x1] =	stream.linear.gather [hbm4b:s6+s1], $0x6000, $0x38;
	[tilespmem:$0x1E000] =	vst v63  }
0x48: {  	s29 =	rddreg [dreg:$0x3]  }
0x49: {  	[tilespmem:s15], [sflag:$0x2] =	stream.linear.gather [hbm4b:s29+s1], $0x6000, $0x38;
	[tilespmem:$0x1E000] =	vst v63  }
0x4a: {  	s29 =	rddreg [dreg:$0x4]  }
0x4b: {  	[tilespmem:s16], [sflag:$0x3] =	stream.linear.gather [hbm4b:s29+s1], $0x6000, $0x38;
	[tilespmem:$0x1E000] =	vst v63  }
0x4c: {  	s29 =	sld [smem:$0x7F7];
	_ =	sdelay $0x2  }
0x4d: {  	[tilespmem:s17], [sflag:$0x7] =	stream.linear.gather [hbm4b:s29+s1], $0x6000, $0x38;
	[tilespmem:$0x1E000] =	vst v63  }
0x4e: {  	s29 =	rddreg [dreg:$0x5]  }
0x4f: {  	[tilespmem:s18], [sflag:$0x8] =	stream.linear.gather [hbm4b:s29+s1], $0x6000, $0x38;
	[tilespmem:$0x1E000] =	vst v63  }
0x50: {  	_ =	swait.ge [sflag:s19], $0x6000  }
0x51: {  	[sflag:s19] =	ssyncset.done $0x0  }
0x52: {  	[sflag:s19] =	ssyncadd.s32 $0xFFFFA000  }
0x53: {  	_ =	swait.ge [sflag:s20], $0x6000  }
0x54: {  	[sflag:s20] =	ssyncset.done $0x0  }
0x55: {  	s30 =	simm.s32 $0x200;
	s29 =	simm.s32 $0x0;
	[sflag:s20] =	ssyncadd.s32 $0xFFFFA000  }
.LBB2_2:
0x56: {  	p0 =	sne.s32 s30, $0x17E00;
	v0 =	vld [tilespmem:s29+$0x12070]  }
0x57: {  	v1 =	vld [tilespmem:s29+$0x12000]  }
0x58: {  	v2 =	vld [tilespmem:s29+$0x12010]  }
0x59: {  	v3 =	vld [tilespmem:s29+$0x12020]  }
0x5a: {  	v4 =	vld [tilespmem:s29+$0x12030]  }
0x5b: {  	[tilespmem:s29+$0x70] =	vst.add.f32.msk $0xffff, v0  }
0x5c: {  	v0 =	vld [tilespmem:s29+$0x12040]  }
0x5d: {  	v5 =	vld [tilespmem:s29+$0x12050]  }
0x5e: {  	v6 =	vld [tilespmem:s29+$0x12060]  }
0x5f: {  	[tilespmem:s29+$0x0] =	vst.add.f32.msk $0xffff, v1  }
0x60: {  	[tilespmem:s29+$0x10] =	vst.add.f32.msk $0xffff, v2  }
.Ltmp0:
0x61: {  	[tilespmem:s29+$0x20] =	vst.add.f32.msk $0xffff, v3;
	(pc) =	sbr.rel @p0 .LBB2_2-.Ltmp0, $4  }
0x62: {  	[tilespmem:s29+$0x30] =	vst.add.f32.msk $0xffff, v4  }
0x63: {  	[tilespmem:s29+$0x40] =	vst.add.f32.msk $0xffff, v0  }
0x64: {  	[tilespmem:s29+$0x50] =	vst.add.f32.msk $0xffff, v5  }
0x65: {  	[tilespmem:s29+$0x60] =	vst.add.f32.msk $0xffff, v6;
	s29 =	sshra.s32 s30, $0x2;
	s30 =	sadd.s32 $0x200, s30  }
0x66: {  	v0 =	vld [tilespmem:s29+$0x12070]  }
0x67: {  	v1 =	vld [tilespmem:s29+$0x12000]  }
0x68: {  	v2 =	vld [tilespmem:s29+$0x12010]  }
0x69: {  	v3 =	vld [tilespmem:s29+$0x12020]  }
0x6a: {  	v4 =	vld [tilespmem:s29+$0x12030]  }
0x6b: {  	v63 =	vld [tilespmem:s29+$0x12040]  }
0x6c: {  	v5 =	vld [tilespmem:s29+$0x12050]  }
0x6d: {  	v6 =	vld [tilespmem:s29+$0x12060]  }
0x6e: {  	[tilespmem:s29+$0x70] =	vst.add.f32.msk $0xffff, v0  }
0x6f: {  	[tilespmem:s29+$0x0] =	vst.add.f32.msk $0xffff, v1  }
0x70: {  	[tilespmem:s29+$0x10] =	vst.add.f32.msk $0xffff, v2  }
0x71: {  	[tilespmem:s29+$0x20] =	vst.add.f32.msk $0xffff, v3  }
0x72: {  	[tilespmem:s29+$0x30] =	vst.add.f32.msk $0xffff, v4  }
0x73: {  	[tilespmem:s29+$0x40] =	vst.add.f32.msk $0xffff, v63  }
0x74: {  	[tilespmem:s29+$0x50] =	vst.add.f32.msk $0xffff, v5  }
0x75: {  	[tilespmem:s29+$0x60] =	vst.add.f32.msk $0xffff, v6;
	s29 =	simm.s32 $0x0  }
0x76: {  	[hbm4b:s7+s29] =	stream.linear.scatter [tilespmem:s29], [sflag:$0x4], $0x6000, $0x38;
	[tilespmem:$0x1E000] =	vst v63  }
0x77: {  	_ =	swait.ge [sflag:s21], $0x6000  }
0x78: {  	[sflag:s21] =	ssyncset.done $0x0  }
0x79: {  	s30 =	rddreg [dreg:$0x6];
	[sflag:s21] =	ssyncadd.s32 $0xFFFFA000  }
0x7a: {  	[tilespmem:s29], [sflag:$0x1] =	stream.linear.gather [hbm4b:s30+s29], $0x6000, $0x38;
	[tilespmem:$0x1E000] =	vst v63  }
0x7b: {  	_ =	swait.ge [sflag:s22], $0x6000  }
0x7c: {  	[sflag:s22] =	ssyncset.done $0x0  }
0x7d: {  	s29 =	simm.s32 $0x0;
	s30 =	simm.s32 $0x200;
	[sflag:s22] =	ssyncadd.s32 $0xFFFFA000  }
.LBB2_4:
0x7e: {  	p0 =	sne.s32 s30, $0x17E00;
	v0 =	vld [tilespmem:s29+$0x12070]  }
0x7f: {  	v1 =	vld [tilespmem:s29+$0x12000]  }
0x80: {  	v2 =	vld [tilespmem:s29+$0x12010]  }
0x81: {  	v3 =	vld [tilespmem:s29+$0x12020]  }
0x82: {  	v4 =	vld [tilespmem:s29+$0x12030]  }
0x83: {  	[tilespmem:s29+$0x6070] =	vst.add.f32.msk $0xffff, v0  }
0x84: {  	v0 =	vld [tilespmem:s29+$0x12040]  }
0x85: {  	v5 =	vld [tilespmem:s29+$0x12050]  }
0x86: {  	v6 =	vld [tilespmem:s29+$0x12060]  }
0x87: {  	[tilespmem:s29+$0x6000] =	vst.add.f32.msk $0xffff, v1  }
0x88: {  	[tilespmem:s29+$0x6010] =	vst.add.f32.msk $0xffff, v2  }
.Ltmp1:
0x89: {  	[tilespmem:s29+$0x6020] =	vst.add.f32.msk $0xffff, v3;
	(pc) =	sbr.rel @p0 .LBB2_4-.Ltmp1, $4  }
0x8a: {  	[tilespmem:s29+$0x6030] =	vst.add.f32.msk $0xffff, v4  }
0x8b: {  	[tilespmem:s29+$0x6040] =	vst.add.f32.msk $0xffff, v0  }
0x8c: {  	[tilespmem:s29+$0x6050] =	vst.add.f32.msk $0xffff, v5  }
0x8d: {  	[tilespmem:s29+$0x6060] =	vst.add.f32.msk $0xffff, v6;
	s29 =	sshra.s32 s30, $0x2;
	s30 =	sadd.s32 $0x200, s30  }
0x8e: {  	v0 =	vld [tilespmem:s29+$0x12070]  }
0x8f: {  	v1 =	vld [tilespmem:s29+$0x12000]  }
0x90: {  	v2 =	vld [tilespmem:s29+$0x12010]  }
0x91: {  	v3 =	vld [tilespmem:s29+$0x12020]  }
0x92: {  	v4 =	vld [tilespmem:s29+$0x12030]  }
0x93: {  	v63 =	vld [tilespmem:s29+$0x12040]  }
0x94: {  	v5 =	vld [tilespmem:s29+$0x12050]  }
0x95: {  	v6 =	vld [tilespmem:s29+$0x12060]  }
0x96: {  	[tilespmem:s29+$0x6070] =	vst.add.f32.msk $0xffff, v0  }
0x97: {  	[tilespmem:s29+$0x6000] =	vst.add.f32.msk $0xffff, v1  }
0x98: {  	[tilespmem:s29+$0x6010] =	vst.add.f32.msk $0xffff, v2  }
0x99: {  	[tilespmem:s29+$0x6020] =	vst.add.f32.msk $0xffff, v3  }
0x9a: {  	[tilespmem:s29+$0x6030] =	vst.add.f32.msk $0xffff, v4  }
0x9b: {  	[tilespmem:s29+$0x6040] =	vst.add.f32.msk $0xffff, v63  }
0x9c: {  	[tilespmem:s29+$0x6050] =	vst.add.f32.msk $0xffff, v5  }
0x9d: {  	s30 =	rddreg [dreg:$0x7];
	[tilespmem:s29+$0x6060] =	vst.add.f32.msk $0xffff, v6;
	s29 =	simm.s32 $0x0  }
0x9e: {  	[hbm4b:s30+s29] =	stream.linear.scatter [tilespmem:s15], [sflag:$0x5], $0x6000, $0x38;
	[tilespmem:$0x1E000] =	vst v63  }
0x9f: {  	_ =	swait.ge [sflag:s23], $0x6000  }
0xa0: {  	[sflag:s23] =	ssyncset.done $0x0  }
0xa1: {  	s30 =	rddreg [dreg:$0x8];
	[sflag:s23] =	ssyncadd.s32 $0xFFFFA000  }
0xa2: {  	[tilespmem:s15], [sflag:$0x2] =	stream.linear.gather [hbm4b:s30+s29], $0x6000, $0x38;
	[tilespmem:$0x1E000] =	vst v63  }
0xa3: {  	_ =	swait.ge [sflag:s24], $0x6000  }
0xa4: {  	[sflag:s24] =	ssyncset.done $0x0  }
0xa5: {  	s29 =	simm.s32 $0x0;
	s30 =	simm.s32 $0x200;
	[sflag:s24] =	ssyncadd.s32 $0xFFFFA000  }
.LBB2_6:
0xa6: {  	p0 =	sne.s32 s30, $0x17E00;
	v0 =	vld [tilespmem:s29+$0x12070]  }
0xa7: {  	v1 =	vld [tilespmem:s29+$0x12000]  }
0xa8: {  	v2 =	vld [tilespmem:s29+$0x12010]  }
0xa9: {  	v3 =	vld [tilespmem:s29+$0x12020]  }
0xaa: {  	v4 =	vld [tilespmem:s29+$0x12030]  }
0xab: {  	[tilespmem:s29+$0xC070] =	vst.add.f32.msk $0xffff, v0  }
0xac: {  	v0 =	vld [tilespmem:s29+$0x12040]  }
0xad: {  	v5 =	vld [tilespmem:s29+$0x12050]  }
0xae: {  	v6 =	vld [tilespmem:s29+$0x12060]  }
0xaf: {  	[tilespmem:s29+$0xC000] =	vst.add.f32.msk $0xffff, v1  }
0xb0: {  	[tilespmem:s29+$0xC010] =	vst.add.f32.msk $0xffff, v2  }
.Ltmp2:
0xb1: {  	[tilespmem:s29+$0xC020] =	vst.add.f32.msk $0xffff, v3;
	(pc) =	sbr.rel @p0 .LBB2_6-.Ltmp2, $4  }
0xb2: {  	[tilespmem:s29+$0xC030] =	vst.add.f32.msk $0xffff, v4  }
0xb3: {  	[tilespmem:s29+$0xC040] =	vst.add.f32.msk $0xffff, v0  }
0xb4: {  	[tilespmem:s29+$0xC050] =	vst.add.f32.msk $0xffff, v5  }
0xb5: {  	[tilespmem:s29+$0xC060] =	vst.add.f32.msk $0xffff, v6;
	s29 =	sshra.s32 s30, $0x2;
	s30 =	sadd.s32 $0x200, s30  }
0xb6: {  	v0 =	vld [tilespmem:s29+$0x12070]  }
0xb7: {  	v1 =	vld [tilespmem:s29+$0x12000]  }
0xb8: {  	v2 =	vld [tilespmem:s29+$0x12010]  }
0xb9: {  	v3 =	vld [tilespmem:s29+$0x12020]  }
0xba: {  	v4 =	vld [tilespmem:s29+$0x12030]  }
0xbb: {  	v63 =	vld [tilespmem:s29+$0x12040]  }
0xbc: {  	v5 =	vld [tilespmem:s29+$0x12050]  }
0xbd: {  	v6 =	vld [tilespmem:s29+$0x12060]  }
0xbe: {  	[tilespmem:s29+$0xC070] =	vst.add.f32.msk $0xffff, v0  }
0xbf: {  	[tilespmem:s29+$0xC000] =	vst.add.f32.msk $0xffff, v1  }
0xc0: {  	[tilespmem:s29+$0xC010] =	vst.add.f32.msk $0xffff, v2  }
0xc1: {  	[tilespmem:s29+$0xC020] =	vst.add.f32.msk $0xffff, v3  }
0xc2: {  	[tilespmem:s29+$0xC030] =	vst.add.f32.msk $0xffff, v4  }
0xc3: {  	[tilespmem:s29+$0xC040] =	vst.add.f32.msk $0xffff, v63  }
0xc4: {  	[tilespmem:s29+$0xC050] =	vst.add.f32.msk $0xffff, v5  }
0xc5: {  	s30 =	rddreg [dreg:$0x9];
	[tilespmem:s29+$0xC060] =	vst.add.f32.msk $0xffff, v6;
	s29 =	simm.s32 $0x0  }
0xc6: {  	[hbm4b:s30+s29] =	stream.linear.scatter [tilespmem:s16], [sflag:$0x6], $0x6000, $0x38;
	[tilespmem:$0x1E000] =	vst v63  }
0xc7: {  	_ =	swait.ge [sflag:s25], $0x6000  }
0xc8: {  	[sflag:s25] =	ssyncset.done $0x0  }
0xc9: {  	s30 =	rddreg [dreg:$0xa];
	[sflag:s25] =	ssyncadd.s32 $0xFFFFA000  }
0xca: {  	[tilespmem:s16], [sflag:$0x3] =	stream.linear.gather [hbm4b:s30+s29], $0x6000, $0x38;
	[tilespmem:$0x1E000] =	vst v63  }
0xcb: {  	_ =	swait.ge [sflag:s19], $0x6000  }
0xcc: {  	[sflag:s19] =	ssyncset.done $0x0  }
0xcd: {  	s29 =	simm.s32 $0x0;
	s30 =	simm.s32 $0x200;
	[sflag:s19] =	ssyncadd.s32 $0xFFFFA000  }
.LBB2_8:
0xce: {  	p0 =	sne.s32 s30, $0x17E00;
	v0 =	vld [tilespmem:s29+$0x12070]  }
0xcf: {  	v1 =	vld [tilespmem:s29+$0x12000]  }
0xd0: {  	v2 =	vld [tilespmem:s29+$0x12010]  }
0xd1: {  	v3 =	vld [tilespmem:s29+$0x12020]  }
0xd2: {  	v4 =	vld [tilespmem:s29+$0x12030]  }
0xd3: {  	[tilespmem:s29+$0x70] =	vst.add.f32.msk $0xffff, v0  }
0xd4: {  	v0 =	vld [tilespmem:s29+$0x12040]  }
0xd5: {  	v5 =	vld [tilespmem:s29+$0x12050]  }
0xd6: {  	v6 =	vld [tilespmem:s29+$0x12060]  }
0xd7: {  	[tilespmem:s29+$0x0] =	vst.add.f32.msk $0xffff, v1  }
0xd8: {  	[tilespmem:s29+$0x10] =	vst.add.f32.msk $0xffff, v2  }
.Ltmp3:
0xd9: {  	[tilespmem:s29+$0x20] =	vst.add.f32.msk $0xffff, v3;
	(pc) =	sbr.rel @p0 .LBB2_8-.Ltmp3, $4  }
0xda: {  	[tilespmem:s29+$0x30] =	vst.add.f32.msk $0xffff, v4  }
0xdb: {  	[tilespmem:s29+$0x40] =	vst.add.f32.msk $0xffff, v0  }
0xdc: {  	[tilespmem:s29+$0x50] =	vst.add.f32.msk $0xffff, v5  }
0xdd: {  	[tilespmem:s29+$0x60] =	vst.add.f32.msk $0xffff, v6;
	s29 =	sshra.s32 s30, $0x2;
	s30 =	sadd.s32 $0x200, s30  }
0xde: {  	v0 =	vld [tilespmem:s29+$0x12070]  }
0xdf: {  	v1 =	vld [tilespmem:s29+$0x12000]  }
0xe0: {  	v2 =	vld [tilespmem:s29+$0x12010]  }
0xe1: {  	v3 =	vld [tilespmem:s29+$0x12020]  }
0xe2: {  	v4 =	vld [tilespmem:s29+$0x12030]  }
0xe3: {  	v63 =	vld [tilespmem:s29+$0x12040]  }
0xe4: {  	v5 =	vld [tilespmem:s29+$0x12050]  }
0xe5: {  	v6 =	vld [tilespmem:s29+$0x12060]  }
0xe6: {  	[tilespmem:s29+$0x70] =	vst.add.f32.msk $0xffff, v0  }
0xe7: {  	[tilespmem:s29+$0x0] =	vst.add.f32.msk $0xffff, v1  }
0xe8: {  	[tilespmem:s29+$0x10] =	vst.add.f32.msk $0xffff, v2  }
0xe9: {  	[tilespmem:s29+$0x20] =	vst.add.f32.msk $0xffff, v3  }
0xea: {  	[tilespmem:s29+$0x30] =	vst.add.f32.msk $0xffff, v4  }
0xeb: {  	[tilespmem:s29+$0x40] =	vst.add.f32.msk $0xffff, v63  }
0xec: {  	[tilespmem:s29+$0x50] =	vst.add.f32.msk $0xffff, v5  }
0xed: {  	s30 =	rddreg [dreg:$0xb];
	[tilespmem:s29+$0x60] =	vst.add.f32.msk $0xffff, v6;
	s29 =	simm.s32 $0x0  }
0xee: {  	[hbm4b:s30+s29] =	stream.linear.scatter [tilespmem:s29], [sflag:$0x4], $0x6000, $0x38;
	[tilespmem:$0x1E000] =	vst v63  }
0xef: {  	s30 =	rddreg [dreg:$0xc]  }
0xf0: {  	[tilespmem:s17], [sflag:$0x7] =	stream.linear.gather [hbm4b:s30+s29], $0x6000, $0x38;
	[tilespmem:$0x1E000] =	vst v63  }
0xf1: {  	_ =	swait.ge [sflag:s21], $0x6000  }
0xf2: {  	[sflag:s21] =	ssyncset.done $0x0  }
0xf3: {  	s30 =	rddreg [dreg:$0xd];
	[sflag:s21] =	ssyncadd.s32 $0xFFFFA000  }
0xf4: {  	[tilespmem:s29], [sflag:$0x1] =	stream.linear.gather [hbm4b:s30+s29], $0x6000, $0x38;
	[tilespmem:$0x1E000] =	vst v63  }
0xf5: {  	_ =	swait.ge [sflag:s22], $0x6000  }
0xf6: {  	[sflag:s22] =	ssyncset.done $0x0  }
0xf7: {  	[sflag:s22] =	ssyncadd.s32 $0xFFFFA000  }
0xf8: {  	_ =	swait.ge [sflag:s26], $0x6000  }
0xf9: {  	[sflag:s26] =	ssyncset.done $0x0  }
0xfa: {  	s29 =	simm.s32 $0x0;
	s30 =	simm.s32 $0x200;
	[sflag:s26] =	ssyncadd.s32 $0xFFFFA000  }
.LBB2_10:
0xfb: {  	p0 =	sne.s32 s30, $0x17E00;
	v0 =	vld [tilespmem:s29+$0x18070]  }
0xfc: {  	v1 =	vld [tilespmem:s29+$0x18000]  }
0xfd: {  	v2 =	vld [tilespmem:s29+$0x18010]  }
0xfe: {  	v3 =	vld [tilespmem:s29+$0x18020]  }
0xff: {  	v4 =	vld [tilespmem:s29+$0x18030]  }
0x100: {  	[tilespmem:s29+$0x6070] =	vst.add.f32.msk $0xffff, v0  }
0x101: {  	v0 =	vld [tilespmem:s29+$0x18040]  }
0x102: {  	v5 =	vld [tilespmem:s29+$0x18050]  }
0x103: {  	v6 =	vld [tilespmem:s29+$0x18060]  }
0x104: {  	[tilespmem:s29+$0x6000] =	vst.add.f32.msk $0xffff, v1  }
0x105: {  	[tilespmem:s29+$0x6010] =	vst.add.f32.msk $0xffff, v2  }
.Ltmp4:
0x106: {  	[tilespmem:s29+$0x6020] =	vst.add.f32.msk $0xffff, v3;
	(pc) =	sbr.rel @p0 .LBB2_10-.Ltmp4, $4  }
0x107: {  	[tilespmem:s29+$0x6030] =	vst.add.f32.msk $0xffff, v4  }
0x108: {  	[tilespmem:s29+$0x6040] =	vst.add.f32.msk $0xffff, v0  }
0x109: {  	[tilespmem:s29+$0x6050] =	vst.add.f32.msk $0xffff, v5  }
0x10a: {  	[tilespmem:s29+$0x6060] =	vst.add.f32.msk $0xffff, v6;
	s29 =	sshra.s32 s30, $0x2;
	s30 =	sadd.s32 $0x200, s30  }
0x10b: {  	v0 =	vld [tilespmem:s29+$0x18070]  }
0x10c: {  	v1 =	vld [tilespmem:s29+$0x18000]  }
0x10d: {  	v2 =	vld [tilespmem:s29+$0x18010]  }
0x10e: {  	v3 =	vld [tilespmem:s29+$0x18020]  }
0x10f: {  	v4 =	vld [tilespmem:s29+$0x18030]  }
0x110: {  	v63 =	vld [tilespmem:s29+$0x18040]  }
0x111: {  	v5 =	vld [tilespmem:s29+$0x18050]  }
0x112: {  	v6 =	vld [tilespmem:s29+$0x18060]  }
0x113: {  	[tilespmem:s29+$0x6070] =	vst.add.f32.msk $0xffff, v0  }
0x114: {  	[tilespmem:s29+$0x6000] =	vst.add.f32.msk $0xffff, v1  }
0x115: {  	[tilespmem:s29+$0x6010] =	vst.add.f32.msk $0xffff, v2  }
0x116: {  	[tilespmem:s29+$0x6020] =	vst.add.f32.msk $0xffff, v3  }
0x117: {  	[tilespmem:s29+$0x6030] =	vst.add.f32.msk $0xffff, v4  }
0x118: {  	[tilespmem:s29+$0x6040] =	vst.add.f32.msk $0xffff, v63  }
0x119: {  	[tilespmem:s29+$0x6050] =	vst.add.f32.msk $0xffff, v5  }
0x11a: {  	s30 =	rddreg [dreg:$0xe];
	[tilespmem:s29+$0x6060] =	vst.add.f32.msk $0xffff, v6;
	s29 =	simm.s32 $0x0  }
0x11b: {  	[hbm4b:s30+s29] =	stream.linear.scatter [tilespmem:s15], [sflag:$0x5], $0x6000, $0x38;
	[tilespmem:$0x1E000] =	vst v63  }
0x11c: {  	_ =	swait.ge [sflag:s23], $0x6000  }
0x11d: {  	[sflag:s23] =	ssyncset.done $0x0  }
0x11e: {  	s30 =	rddreg [dreg:$0xf];
	[sflag:s23] =	ssyncadd.s32 $0xFFFFA000  }
0x11f: {  	[tilespmem:s15], [sflag:$0x2] =	stream.linear.gather [hbm4b:s30+s29], $0x6000, $0x38;
	[tilespmem:$0x1E000] =	vst v63  }
0x120: {  	_ =	swait.ge [sflag:s24], $0x6000  }
0x121: {  	[sflag:s24] =	ssyncset.done $0x0  }
0x122: {  	s29 =	simm.s32 $0x0;
	s30 =	simm.s32 $0x200;
	[sflag:s24] =	ssyncadd.s32 $0xFFFFA000  }
.LBB2_12:
0x123: {  	p0 =	sne.s32 s30, $0x17E00;
	v0 =	vld [tilespmem:s29+$0x18070]  }
0x124: {  	v1 =	vld [tilespmem:s29+$0x18000]  }
0x125: {  	v2 =	vld [tilespmem:s29+$0x18010]  }
0x126: {  	v3 =	vld [tilespmem:s29+$0x18020]  }
0x127: {  	v4 =	vld [tilespmem:s29+$0x18030]  }
0x128: {  	[tilespmem:s29+$0xC070] =	vst.add.f32.msk $0xffff, v0  }
0x129: {  	v0 =	vld [tilespmem:s29+$0x18040]  }
0x12a: {  	v5 =	vld [tilespmem:s29+$0x18050]  }
0x12b: {  	v6 =	vld [tilespmem:s29+$0x18060]  }
0x12c: {  	[tilespmem:s29+$0xC000] =	vst.add.f32.msk $0xffff, v1  }
0x12d: {  	[tilespmem:s29+$0xC010] =	vst.add.f32.msk $0xffff, v2  }
.Ltmp5:
0x12e: {  	[tilespmem:s29+$0xC020] =	vst.add.f32.msk $0xffff, v3;
	(pc) =	sbr.rel @p0 .LBB2_12-.Ltmp5, $4  }
0x12f: {  	[tilespmem:s29+$0xC030] =	vst.add.f32.msk $0xffff, v4  }
0x130: {  	[tilespmem:s29+$0xC040] =	vst.add.f32.msk $0xffff, v0  }
0x131: {  	[tilespmem:s29+$0xC050] =	vst.add.f32.msk $0xffff, v5  }
0x132: {  	[tilespmem:s29+$0xC060] =	vst.add.f32.msk $0xffff, v6;
	s29 =	sshra.s32 s30, $0x2;
	s30 =	sadd.s32 $0x200, s30  }
0x133: {  	v0 =	vld [tilespmem:s29+$0x18070]  }
0x134: {  	v1 =	vld [tilespmem:s29+$0x18000]  }
0x135: {  	v2 =	vld [tilespmem:s29+$0x18010]  }
0x136: {  	v3 =	vld [tilespmem:s29+$0x18020]  }
0x137: {  	v4 =	vld [tilespmem:s29+$0x18030]  }
0x138: {  	v63 =	vld [tilespmem:s29+$0x18040]  }
0x139: {  	v5 =	vld [tilespmem:s29+$0x18050]  }
0x13a: {  	v6 =	vld [tilespmem:s29+$0x18060]  }
0x13b: {  	[tilespmem:s29+$0xC070] =	vst.add.f32.msk $0xffff, v0  }
0x13c: {  	[tilespmem:s29+$0xC000] =	vst.add.f32.msk $0xffff, v1  }
0x13d: {  	[tilespmem:s29+$0xC010] =	vst.add.f32.msk $0xffff, v2  }
0x13e: {  	[tilespmem:s29+$0xC020] =	vst.add.f32.msk $0xffff, v3  }
0x13f: {  	[tilespmem:s29+$0xC030] =	vst.add.f32.msk $0xffff, v4  }
0x140: {  	[tilespmem:s29+$0xC040] =	vst.add.f32.msk $0xffff, v63  }
0x141: {  	[tilespmem:s29+$0xC050] =	vst.add.f32.msk $0xffff, v5  }
0x142: {  	s30 =	rddreg [dreg:$0x10];
	[tilespmem:s29+$0xC060] =	vst.add.f32.msk $0xffff, v6;
	s29 =	simm.s32 $0x0  }
0x143: {  	[hbm4b:s30+s29] =	stream.linear.scatter [tilespmem:s16], [sflag:$0x6], $0x6000, $0x38;
	[tilespmem:$0x1E000] =	vst v63  }
0x144: {  	_ =	swait.ge [sflag:s25], $0x6000  }
0x145: {  	[sflag:s25] =	ssyncset.done $0x0  }
0x146: {  	s30 =	rddreg [dreg:$0x11];
	[sflag:s25] =	ssyncadd.s32 $0xFFFFA000  }
0x147: {  	[tilespmem:s16], [sflag:$0x3] =	stream.linear.gather [hbm4b:s30+s29], $0x6000, $0x38;
	[tilespmem:$0x1E000] =	vst v63  }
0x148: {  	_ =	swait.ge [sflag:s19], $0x6000  }
0x149: {  	[sflag:s19] =	ssyncset.done $0x0  }
0x14a: {  	s29 =	simm.s32 $0x0;
	s30 =	simm.s32 $0x200;
	[sflag:s19] =	ssyncadd.s32 $0xFFFFA000  }
.LBB2_14:
0x14b: {  	p0 =	sne.s32 s30, $0x17E00;
	v0 =	vld [tilespmem:s29+$0x18070]  }
0x14c: {  	v1 =	vld [tilespmem:s29+$0x18000]  }
0x14d: {  	v2 =	vld [tilespmem:s29+$0x18010]  }
0x14e: {  	v3 =	vld [tilespmem:s29+$0x18020]  }
0x14f: {  	v4 =	vld [tilespmem:s29+$0x18030]  }
0x150: {  	[tilespmem:s29+$0x70] =	vst.add.f32.msk $0xffff, v0  }
0x151: {  	v0 =	vld [tilespmem:s29+$0x18040]  }
0x152: {  	v5 =	vld [tilespmem:s29+$0x18050]  }
0x153: {  	v6 =	vld [tilespmem:s29+$0x18060]  }
0x154: {  	[tilespmem:s29+$0x0] =	vst.add.f32.msk $0xffff, v1  }
0x155: {  	[tilespmem:s29+$0x10] =	vst.add.f32.msk $0xffff, v2  }
.Ltmp6:
0x156: {  	[tilespmem:s29+$0x20] =	vst.add.f32.msk $0xffff, v3;
	(pc) =	sbr.rel @p0 .LBB2_14-.Ltmp6, $4  }
0x157: {  	[tilespmem:s29+$0x30] =	vst.add.f32.msk $0xffff, v4  }
0x158: {  	[tilespmem:s29+$0x40] =	vst.add.f32.msk $0xffff, v0  }
0x159: {  	[tilespmem:s29+$0x50] =	vst.add.f32.msk $0xffff, v5  }
0x15a: {  	[tilespmem:s29+$0x60] =	vst.add.f32.msk $0xffff, v6;
	s29 =	sshra.s32 s30, $0x2;
	s30 =	sadd.s32 $0x200, s30  }
0x15b: {  	v0 =	vld [tilespmem:s29+$0x18070]  }
0x15c: {  	v1 =	vld [tilespmem:s29+$0x18000]  }
0x15d: {  	v2 =	vld [tilespmem:s29+$0x18010]  }
0x15e: {  	v3 =	vld [tilespmem:s29+$0x18020]  }
0x15f: {  	v4 =	vld [tilespmem:s29+$0x18030]  }
0x160: {  	v63 =	vld [tilespmem:s29+$0x18040]  }
0x161: {  	v5 =	vld [tilespmem:s29+$0x18050]  }
0x162: {  	v6 =	vld [tilespmem:s29+$0x18060]  }
0x163: {  	[tilespmem:s29+$0x70] =	vst.add.f32.msk $0xffff, v0  }
0x164: {  	[tilespmem:s29+$0x0] =	vst.add.f32.msk $0xffff, v1  }
0x165: {  	[tilespmem:s29+$0x10] =	vst.add.f32.msk $0xffff, v2  }
0x166: {  	[tilespmem:s29+$0x20] =	vst.add.f32.msk $0xffff, v3  }
0x167: {  	[tilespmem:s29+$0x30] =	vst.add.f32.msk $0xffff, v4  }
0x168: {  	[tilespmem:s29+$0x40] =	vst.add.f32.msk $0xffff, v63  }
0x169: {  	[tilespmem:s29+$0x50] =	vst.add.f32.msk $0xffff, v5  }
0x16a: {  	s30 =	rddreg [dreg:$0x12];
	[tilespmem:s29+$0x60] =	vst.add.f32.msk $0xffff, v6;
	s29 =	simm.s32 $0x0  }
0x16b: {  	[hbm4b:s30+s29] =	stream.linear.scatter [tilespmem:s29], [sflag:$0x4], $0x6000, $0x38;
	[tilespmem:$0x1E000] =	vst v63  }
0x16c: {  	_ =	swait.ge [sflag:s21], $0x6000  }
0x16d: {  	[sflag:s21] =	ssyncset.done $0x0  }
0x16e: {  	s30 =	rddreg [dreg:$0x15];
	[sflag:s21] =	ssyncadd.s32 $0xFFFFA000  }
0x16f: {  	[tilespmem:s29], [sflag:$0x1] =	stream.linear.gather [hbm4b:s30+s29], $0x6000, $0x38;
	[tilespmem:$0x1E000] =	vst v63  }
0x170: {  	_ =	swait.ge [sflag:s22], $0x6000  }
0x171: {  	[sflag:s22] =	ssyncset.done $0x0  }
0x172: {  	s29 =	simm.s32 $0x0;
	s30 =	simm.s32 $0x200;
	[sflag:s22] =	ssyncadd.s32 $0xFFFFA000  }
.LBB2_16:
0x173: {  	p0 =	sne.s32 s30, $0x17E00;
	v0 =	vld [tilespmem:s29+$0x18070]  }
0x174: {  	v1 =	vld [tilespmem:s29+$0x18000]  }
0x175: {  	v2 =	vld [tilespmem:s29+$0x18010]  }
0x176: {  	v3 =	vld [tilespmem:s29+$0x18020]  }
0x177: {  	v4 =	vld [tilespmem:s29+$0x18030]  }
0x178: {  	[tilespmem:s29+$0x6070] =	vst.add.f32.msk $0xffff, v0  }
0x179: {  	v0 =	vld [tilespmem:s29+$0x18040]  }
0x17a: {  	v5 =	vld [tilespmem:s29+$0x18050]  }
0x17b: {  	v6 =	vld [tilespmem:s29+$0x18060]  }
0x17c: {  	[tilespmem:s29+$0x6000] =	vst.add.f32.msk $0xffff, v1  }
0x17d: {  	[tilespmem:s29+$0x6010] =	vst.add.f32.msk $0xffff, v2  }
.Ltmp7:
0x17e: {  	[tilespmem:s29+$0x6020] =	vst.add.f32.msk $0xffff, v3;
	(pc) =	sbr.rel @p0 .LBB2_16-.Ltmp7, $4  }
0x17f: {  	[tilespmem:s29+$0x6030] =	vst.add.f32.msk $0xffff, v4  }
0x180: {  	[tilespmem:s29+$0x6040] =	vst.add.f32.msk $0xffff, v0  }
0x181: {  	[tilespmem:s29+$0x6050] =	vst.add.f32.msk $0xffff, v5  }
0x182: {  	[tilespmem:s29+$0x6060] =	vst.add.f32.msk $0xffff, v6;
	s29 =	sshra.s32 s30, $0x2;
	s30 =	sadd.s32 $0x200, s30  }
0x183: {  	v0 =	vld [tilespmem:s29+$0x18070]  }
0x184: {  	v1 =	vld [tilespmem:s29+$0x18000]  }
0x185: {  	v2 =	vld [tilespmem:s29+$0x18010]  }
0x186: {  	v3 =	vld [tilespmem:s29+$0x18020]  }
0x187: {  	v4 =	vld [tilespmem:s29+$0x18030]  }
0x188: {  	v63 =	vld [tilespmem:s29+$0x18040]  }
0x189: {  	v5 =	vld [tilespmem:s29+$0x18050]  }
0x18a: {  	v6 =	vld [tilespmem:s29+$0x18060]  }
0x18b: {  	[tilespmem:s29+$0x6070] =	vst.add.f32.msk $0xffff, v0  }
0x18c: {  	[tilespmem:s29+$0x6000] =	vst.add.f32.msk $0xffff, v1  }
0x18d: {  	[tilespmem:s29+$0x6010] =	vst.add.f32.msk $0xffff, v2  }
0x18e: {  	[tilespmem:s29+$0x6020] =	vst.add.f32.msk $0xffff, v3  }
0x18f: {  	[tilespmem:s29+$0x6030] =	vst.add.f32.msk $0xffff, v4  }
0x190: {  	[tilespmem:s29+$0x6040] =	vst.add.f32.msk $0xffff, v63  }
0x191: {  	[tilespmem:s29+$0x6050] =	vst.add.f32.msk $0xffff, v5  }
0x192: {  	s30 =	rddreg [dreg:$0x13];
	[tilespmem:s29+$0x6060] =	vst.add.f32.msk $0xffff, v6;
	s29 =	simm.s32 $0x0  }
0x193: {  	[hbm4b:s30+s29] =	stream.linear.scatter [tilespmem:s15], [sflag:$0x5], $0x6000, $0x38;
	[tilespmem:$0x1E000] =	vst v63  }
0x194: {  	s30 =	rddreg [dreg:$0x1b]  }
0x195: {  	[tilespmem:s18], [sflag:$0x8] =	stream.linear.gather [hbm4b:s30+s29], $0x6000, $0x38;
	[tilespmem:$0x1E000] =	vst v63  }
0x196: {  	_ =	swait.ge [sflag:s23], $0x6000  }
0x197: {  	[sflag:s23] =	ssyncset.done $0x0  }
0x198: {  	s30 =	rddreg [dreg:$0x17];
	[sflag:s23] =	ssyncadd.s32 $0xFFFFA000  }
0x199: {  	[tilespmem:s15], [sflag:$0x2] =	stream.linear.gather [hbm4b:s30+s29], $0x6000, $0x38;
	[tilespmem:$0x1E000] =	vst v63  }
0x19a: {  	_ =	swait.ge [sflag:s24], $0x6000  }
0x19b: {  	[sflag:s24] =	ssyncset.done $0x0  }
0x19c: {  	[sflag:s24] =	ssyncadd.s32 $0xFFFFA000  }
0x19d: {  	_ =	swait.ge [sflag:s20], $0x6000  }
0x19e: {  	[sflag:s20] =	ssyncset.done $0x0  }
0x19f: {  	s29 =	simm.s32 $0x0;
	s30 =	simm.s32 $0x200;
	[sflag:s20] =	ssyncadd.s32 $0xFFFFA000  }
.LBB2_18:
0x1a0: {  	p0 =	sne.s32 s30, $0x17E00;
	v0 =	vld [tilespmem:s29+$0x12070]  }
0x1a1: {  	v1 =	vld [tilespmem:s29+$0x12000]  }
0x1a2: {  	v2 =	vld [tilespmem:s29+$0x12010]  }
0x1a3: {  	v3 =	vld [tilespmem:s29+$0x12020]  }
0x1a4: {  	v4 =	vld [tilespmem:s29+$0x12030]  }
0x1a5: {  	[tilespmem:s29+$0xC070] =	vst.add.f32.msk $0xffff, v0  }
0x1a6: {  	v0 =	vld [tilespmem:s29+$0x12040]  }
0x1a7: {  	v5 =	vld [tilespmem:s29+$0x12050]  }
0x1a8: {  	v6 =	vld [tilespmem:s29+$0x12060]  }
0x1a9: {  	[tilespmem:s29+$0xC000] =	vst.add.f32.msk $0xffff, v1  }
0x1aa: {  	[tilespmem:s29+$0xC010] =	vst.add.f32.msk $0xffff, v2  }
.Ltmp8:
0x1ab: {  	[tilespmem:s29+$0xC020] =	vst.add.f32.msk $0xffff, v3;
	(pc) =	sbr.rel @p0 .LBB2_18-.Ltmp8, $4  }
0x1ac: {  	[tilespmem:s29+$0xC030] =	vst.add.f32.msk $0xffff, v4  }
0x1ad: {  	[tilespmem:s29+$0xC040] =	vst.add.f32.msk $0xffff, v0  }
0x1ae: {  	[tilespmem:s29+$0xC050] =	vst.add.f32.msk $0xffff, v5  }
0x1af: {  	[tilespmem:s29+$0xC060] =	vst.add.f32.msk $0xffff, v6;
	s29 =	sshra.s32 s30, $0x2;
	s30 =	sadd.s32 $0x200, s30  }
0x1b0: {  	v0 =	vld [tilespmem:s29+$0x12070]  }
0x1b1: {  	v1 =	vld [tilespmem:s29+$0x12000]  }
0x1b2: {  	v2 =	vld [tilespmem:s29+$0x12010]  }
0x1b3: {  	v3 =	vld [tilespmem:s29+$0x12020]  }
0x1b4: {  	v4 =	vld [tilespmem:s29+$0x12030]  }
0x1b5: {  	v63 =	vld [tilespmem:s29+$0x12040]  }
0x1b6: {  	v5 =	vld [tilespmem:s29+$0x12050]  }
0x1b7: {  	v6 =	vld [tilespmem:s29+$0x12060]  }
0x1b8: {  	[tilespmem:s29+$0xC070] =	vst.add.f32.msk $0xffff, v0  }
0x1b9: {  	[tilespmem:s29+$0xC000] =	vst.add.f32.msk $0xffff, v1  }
0x1ba: {  	[tilespmem:s29+$0xC010] =	vst.add.f32.msk $0xffff, v2  }
0x1bb: {  	[tilespmem:s29+$0xC020] =	vst.add.f32.msk $0xffff, v3  }
0x1bc: {  	[tilespmem:s29+$0xC030] =	vst.add.f32.msk $0xffff, v4  }
0x1bd: {  	[tilespmem:s29+$0xC040] =	vst.add.f32.msk $0xffff, v63  }
0x1be: {  	[tilespmem:s29+$0xC050] =	vst.add.f32.msk $0xffff, v5  }
0x1bf: {  	s30 =	rddreg [dreg:$0x14];
	[tilespmem:s29+$0xC060] =	vst.add.f32.msk $0xffff, v6;
	s29 =	simm.s32 $0x0  }
0x1c0: {  	[hbm4b:s30+s29] =	stream.linear.scatter [tilespmem:s16], [sflag:$0x6], $0x6000, $0x38;
	[tilespmem:$0x1E000] =	vst v63  }
0x1c1: {  	_ =	swait.ge [sflag:s25], $0x6000  }
0x1c2: {  	[sflag:s25] =	ssyncset.done $0x0  }
0x1c3: {  	s30 =	rddreg [dreg:$0x19];
	[sflag:s25] =	ssyncadd.s32 $0xFFFFA000  }
0x1c4: {  	[tilespmem:s16], [sflag:$0x3] =	stream.linear.gather [hbm4b:s30+s29], $0x6000, $0x38;
	[tilespmem:$0x1E000] =	vst v63  }
0x1c5: {  	_ =	swait.ge [sflag:s19], $0x6000  }
0x1c6: {  	[sflag:s19] =	ssyncset.done $0x0  }
0x1c7: {  	s29 =	simm.s32 $0x0;
	s30 =	simm.s32 $0x200;
	[sflag:s19] =	ssyncadd.s32 $0xFFFFA000  }
.LBB2_20:
0x1c8: {  	p0 =	sne.s32 s30, $0x17E00;
	v0 =	vld [tilespmem:s29+$0x12070]  }
0x1c9: {  	v1 =	vld [tilespmem:s29+$0x12000]  }
0x1ca: {  	v2 =	vld [tilespmem:s29+$0x12010]  }
0x1cb: {  	v3 =	vld [tilespmem:s29+$0x12020]  }
0x1cc: {  	v4 =	vld [tilespmem:s29+$0x12030]  }
0x1cd: {  	[tilespmem:s29+$0x70] =	vst.add.f32.msk $0xffff, v0  }
0x1ce: {  	v0 =	vld [tilespmem:s29+$0x12040]  }
0x1cf: {  	v5 =	vld [tilespmem:s29+$0x12050]  }
0x1d0: {  	v6 =	vld [tilespmem:s29+$0x12060]  }
0x1d1: {  	[tilespmem:s29+$0x0] =	vst.add.f32.msk $0xffff, v1  }
0x1d2: {  	[tilespmem:s29+$0x10] =	vst.add.f32.msk $0xffff, v2  }
.Ltmp9:
0x1d3: {  	[tilespmem:s29+$0x20] =	vst.add.f32.msk $0xffff, v3;
	(pc) =	sbr.rel @p0 .LBB2_20-.Ltmp9, $4  }
0x1d4: {  	[tilespmem:s29+$0x30] =	vst.add.f32.msk $0xffff, v4  }
0x1d5: {  	[tilespmem:s29+$0x40] =	vst.add.f32.msk $0xffff, v0  }
0x1d6: {  	[tilespmem:s29+$0x50] =	vst.add.f32.msk $0xffff, v5  }
0x1d7: {  	[tilespmem:s29+$0x60] =	vst.add.f32.msk $0xffff, v6;
	s29 =	sshra.s32 s30, $0x2;
	s30 =	sadd.s32 $0x200, s30  }
0x1d8: {  	v0 =	vld [tilespmem:s29+$0x12070]  }
0x1d9: {  	v1 =	vld [tilespmem:s29+$0x12000]  }
0x1da: {  	v2 =	vld [tilespmem:s29+$0x12010]  }
0x1db: {  	v3 =	vld [tilespmem:s29+$0x12020]  }
0x1dc: {  	v4 =	vld [tilespmem:s29+$0x12030]  }
0x1dd: {  	v63 =	vld [tilespmem:s29+$0x12040]  }
0x1de: {  	v5 =	vld [tilespmem:s29+$0x12050]  }
0x1df: {  	v6 =	vld [tilespmem:s29+$0x12060]  }
0x1e0: {  	[tilespmem:s29+$0x70] =	vst.add.f32.msk $0xffff, v0  }
0x1e1: {  	[tilespmem:s29+$0x0] =	vst.add.f32.msk $0xffff, v1  }
0x1e2: {  	[tilespmem:s29+$0x10] =	vst.add.f32.msk $0xffff, v2  }
0x1e3: {  	[tilespmem:s29+$0x20] =	vst.add.f32.msk $0xffff, v3  }
0x1e4: {  	[tilespmem:s29+$0x30] =	vst.add.f32.msk $0xffff, v4  }
0x1e5: {  	[tilespmem:s29+$0x40] =	vst.add.f32.msk $0xffff, v63  }
0x1e6: {  	[tilespmem:s29+$0x50] =	vst.add.f32.msk $0xffff, v5  }
0x1e7: {  	s30 =	rddreg [dreg:$0x16];
	[tilespmem:s29+$0x60] =	vst.add.f32.msk $0xffff, v6;
	s29 =	simm.s32 $0x0  }
0x1e8: {  	[hbm4b:s30+s29] =	stream.linear.scatter [tilespmem:s29], [sflag:$0x4], $0x6000, $0x38;
	[tilespmem:$0x1E000] =	vst v63  }
0x1e9: {  	_ =	swait.ge [sflag:s21], $0x6000  }
0x1ea: {  	[sflag:s21] =	ssyncset.done $0x0  }
0x1eb: {  	s30 =	rddreg [dreg:$0x1c];
	[sflag:s21] =	ssyncadd.s32 $0xFFFFA000  }
0x1ec: {  	[tilespmem:s29], [sflag:$0x1] =	stream.linear.gather [hbm4b:s30+s29], $0x6000, $0x38;
	[tilespmem:$0x1E000] =	vst v63  }
0x1ed: {  	_ =	swait.ge [sflag:s22], $0x6000  }
0x1ee: {  	[sflag:s22] =	ssyncset.done $0x0  }
0x1ef: {  	s29 =	simm.s32 $0x0;
	s30 =	simm.s32 $0x200;
	[sflag:s22] =	ssyncadd.s32 $0xFFFFA000  }
.LBB2_22:
0x1f0: {  	p0 =	sne.s32 s30, $0x17E00;
	v0 =	vld [tilespmem:s29+$0x12070]  }
0x1f1: {  	v1 =	vld [tilespmem:s29+$0x12000]  }
0x1f2: {  	v2 =	vld [tilespmem:s29+$0x12010]  }
0x1f3: {  	v3 =	vld [tilespmem:s29+$0x12020]  }
0x1f4: {  	v4 =	vld [tilespmem:s29+$0x12030]  }
0x1f5: {  	[tilespmem:s29+$0x6070] =	vst.add.f32.msk $0xffff, v0  }
0x1f6: {  	v0 =	vld [tilespmem:s29+$0x12040]  }
0x1f7: {  	v5 =	vld [tilespmem:s29+$0x12050]  }
0x1f8: {  	v6 =	vld [tilespmem:s29+$0x12060]  }
0x1f9: {  	[tilespmem:s29+$0x6000] =	vst.add.f32.msk $0xffff, v1  }
0x1fa: {  	[tilespmem:s29+$0x6010] =	vst.add.f32.msk $0xffff, v2  }
.Ltmp10:
0x1fb: {  	[tilespmem:s29+$0x6020] =	vst.add.f32.msk $0xffff, v3;
	(pc) =	sbr.rel @p0 .LBB2_22-.Ltmp10, $4  }
0x1fc: {  	[tilespmem:s29+$0x6030] =	vst.add.f32.msk $0xffff, v4  }
0x1fd: {  	[tilespmem:s29+$0x6040] =	vst.add.f32.msk $0xffff, v0  }
0x1fe: {  	[tilespmem:s29+$0x6050] =	vst.add.f32.msk $0xffff, v5  }
0x1ff: {  	[tilespmem:s29+$0x6060] =	vst.add.f32.msk $0xffff, v6;
	s29 =	sshra.s32 s30, $0x2;
	s30 =	sadd.s32 $0x200, s30  }
0x200: {  	v0 =	vld [tilespmem:s29+$0x12070]  }
0x201: {  	v1 =	vld [tilespmem:s29+$0x12000]  }
0x202: {  	v2 =	vld [tilespmem:s29+$0x12010]  }
0x203: {  	v3 =	vld [tilespmem:s29+$0x12020]  }
0x204: {  	v4 =	vld [tilespmem:s29+$0x12030]  }
0x205: {  	v63 =	vld [tilespmem:s29+$0x12040]  }
0x206: {  	v5 =	vld [tilespmem:s29+$0x12050]  }
0x207: {  	v6 =	vld [tilespmem:s29+$0x12060]  }
0x208: {  	[tilespmem:s29+$0x6070] =	vst.add.f32.msk $0xffff, v0  }
0x209: {  	[tilespmem:s29+$0x6000] =	vst.add.f32.msk $0xffff, v1  }
0x20a: {  	[tilespmem:s29+$0x6010] =	vst.add.f32.msk $0xffff, v2  }
0x20b: {  	[tilespmem:s29+$0x6020] =	vst.add.f32.msk $0xffff, v3  }
0x20c: {  	[tilespmem:s29+$0x6030] =	vst.add.f32.msk $0xffff, v4  }
0x20d: {  	[tilespmem:s29+$0x6040] =	vst.add.f32.msk $0xffff, v63  }
0x20e: {  	[tilespmem:s29+$0x6050] =	vst.add.f32.msk $0xffff, v5  }
0x20f: {  	s30 =	rddreg [dreg:$0x18];
	[tilespmem:s29+$0x6060] =	vst.add.f32.msk $0xffff, v6;
	s29 =	simm.s32 $0x0  }
0x210: {  	[hbm4b:s30+s29] =	stream.linear.scatter [tilespmem:s15], [sflag:$0x5], $0x6000, $0x38;
	[tilespmem:$0x1E000] =	vst v63  }
0x211: {  	_ =	swait.ge [sflag:s23], $0x6000  }
0x212: {  	[sflag:s23] =	ssyncset.done $0x0  }
0x213: {  	s30 =	rddreg [dreg:$0x1e];
	[sflag:s23] =	ssyncadd.s32 $0xFFFFA000  }
0x214: {  	[tilespmem:s15], [sflag:$0x2] =	stream.linear.gather [hbm4b:s30+s29], $0x6000, $0x38;
	[tilespmem:$0x1E000] =	vst v63  }
0x215: {  	_ =	swait.ge [sflag:s24], $0x6000  }
0x216: {  	[sflag:s24] =	ssyncset.done $0x0  }
0x217: {  	s29 =	simm.s32 $0x0;
	s30 =	simm.s32 $0x200;
	[sflag:s24] =	ssyncadd.s32 $0xFFFFA000  }
.LBB2_24:
0x218: {  	p0 =	sne.s32 s30, $0x17E00;
	v0 =	vld [tilespmem:s29+$0x12070]  }
0x219: {  	v1 =	vld [tilespmem:s29+$0x12000]  }
0x21a: {  	v2 =	vld [tilespmem:s29+$0x12010]  }
0x21b: {  	v3 =	vld [tilespmem:s29+$0x12020]  }
0x21c: {  	v4 =	vld [tilespmem:s29+$0x12030]  }
0x21d: {  	[tilespmem:s29+$0xC070] =	vst.add.f32.msk $0xffff, v0  }
0x21e: {  	v0 =	vld [tilespmem:s29+$0x12040]  }
0x21f: {  	v5 =	vld [tilespmem:s29+$0x12050]  }
0x220: {  	v6 =	vld [tilespmem:s29+$0x12060]  }
0x221: {  	[tilespmem:s29+$0xC000] =	vst.add.f32.msk $0xffff, v1  }
0x222: {  	[tilespmem:s29+$0xC010] =	vst.add.f32.msk $0xffff, v2  }
.Ltmp11:
0x223: {  	[tilespmem:s29+$0xC020] =	vst.add.f32.msk $0xffff, v3;
	(pc) =	sbr.rel @p0 .LBB2_24-.Ltmp11, $4  }
0x224: {  	[tilespmem:s29+$0xC030] =	vst.add.f32.msk $0xffff, v4  }
0x225: {  	[tilespmem:s29+$0xC040] =	vst.add.f32.msk $0xffff, v0  }
0x226: {  	[tilespmem:s29+$0xC050] =	vst.add.f32.msk $0xffff, v5  }
0x227: {  	[tilespmem:s29+$0xC060] =	vst.add.f32.msk $0xffff, v6;
	s29 =	sshra.s32 s30, $0x2;
	s30 =	sadd.s32 $0x200, s30  }
0x228: {  	v0 =	vld [tilespmem:s29+$0x12070]  }
0x229: {  	v1 =	vld [tilespmem:s29+$0x12000]  }
0x22a: {  	v2 =	vld [tilespmem:s29+$0x12010]  }
0x22b: {  	v3 =	vld [tilespmem:s29+$0x12020]  }
0x22c: {  	v4 =	vld [tilespmem:s29+$0x12030]  }
0x22d: {  	v63 =	vld [tilespmem:s29+$0x12040]  }
0x22e: {  	v5 =	vld [tilespmem:s29+$0x12050]  }
0x22f: {  	v6 =	vld [tilespmem:s29+$0x12060]  }
0x230: {  	[tilespmem:s29+$0xC070] =	vst.add.f32.msk $0xffff, v0  }
0x231: {  	[tilespmem:s29+$0xC000] =	vst.add.f32.msk $0xffff, v1  }
0x232: {  	[tilespmem:s29+$0xC010] =	vst.add.f32.msk $0xffff, v2  }
0x233: {  	[tilespmem:s29+$0xC020] =	vst.add.f32.msk $0xffff, v3  }
0x234: {  	[tilespmem:s29+$0xC030] =	vst.add.f32.msk $0xffff, v4  }
0x235: {  	[tilespmem:s29+$0xC040] =	vst.add.f32.msk $0xffff, v63  }
0x236: {  	[tilespmem:s29+$0xC050] =	vst.add.f32.msk $0xffff, v5  }
0x237: {  	s30 =	rddreg [dreg:$0x1a];
	[tilespmem:s29+$0xC060] =	vst.add.f32.msk $0xffff, v6;
	s29 =	simm.s32 $0x0  }
0x238: {  	[hbm4b:s30+s29] =	stream.linear.scatter [tilespmem:s16], [sflag:$0x6], $0x6000, $0x38;
	[tilespmem:$0x1E000] =	vst v63  }
0x239: {  	s30 =	sld [smem:$0x7E5];
	_ =	sdelay $0x2  }
0x23a: {  	[tilespmem:s17], [sflag:$0x7] =	stream.linear.gather [hbm4b:s30+s29], $0x6000, $0x38;
	[tilespmem:$0x1E000] =	vst v63  }
0x23b: {  	_ =	swait.ge [sflag:s25], $0x6000  }
0x23c: {  	s30 =	sld [smem:$0x7E1]  }
0x23d: {  	[sflag:s25] =	ssyncset.done $0x0  }
0x23e: {  	[sflag:s25] =	ssyncadd.s32 $0xFFFFA000  }
0x23f: {  	[tilespmem:s16], [sflag:$0x3] =	stream.linear.gather [hbm4b:s30+s29], $0x6000, $0x38;
	[tilespmem:$0x1E000] =	vst v63  }
0x240: {  	_ =	swait.ge [sflag:s19], $0x6000  }
0x241: {  	[sflag:s19] =	ssyncset.done $0x0  }
0x242: {  	[sflag:s19] =	ssyncadd.s32 $0xFFFFA000  }
0x243: {  	_ =	swait.ge [sflag:s26], $0x6000  }
0x244: {  	[sflag:s26] =	ssyncset.done $0x0  }
0x245: {  	s29 =	simm.s32 $0x0;
	s30 =	simm.s32 $0x200;
	[sflag:s26] =	ssyncadd.s32 $0xFFFFA000  }
.LBB2_26:
0x246: {  	p0 =	sne.s32 s30, $0x17E00;
	v0 =	vld [tilespmem:s29+$0x18070]  }
0x247: {  	v1 =	vld [tilespmem:s29+$0x18000]  }
0x248: {  	v2 =	vld [tilespmem:s29+$0x18010]  }
0x249: {  	v3 =	vld [tilespmem:s29+$0x18020]  }
0x24a: {  	v4 =	vld [tilespmem:s29+$0x18030]  }
0x24b: {  	[tilespmem:s29+$0x70] =	vst.add.f32.msk $0xffff, v0  }
0x24c: {  	v0 =	vld [tilespmem:s29+$0x18040]  }
0x24d: {  	v5 =	vld [tilespmem:s29+$0x18050]  }
0x24e: {  	v6 =	vld [tilespmem:s29+$0x18060]  }
0x24f: {  	[tilespmem:s29+$0x0] =	vst.add.f32.msk $0xffff, v1  }
0x250: {  	[tilespmem:s29+$0x10] =	vst.add.f32.msk $0xffff, v2  }
.Ltmp12:
0x251: {  	[tilespmem:s29+$0x20] =	vst.add.f32.msk $0xffff, v3;
	(pc) =	sbr.rel @p0 .LBB2_26-.Ltmp12, $4  }
0x252: {  	[tilespmem:s29+$0x30] =	vst.add.f32.msk $0xffff, v4  }
0x253: {  	[tilespmem:s29+$0x40] =	vst.add.f32.msk $0xffff, v0  }
0x254: {  	[tilespmem:s29+$0x50] =	vst.add.f32.msk $0xffff, v5  }
0x255: {  	[tilespmem:s29+$0x60] =	vst.add.f32.msk $0xffff, v6;
	s29 =	sshra.s32 s30, $0x2;
	s30 =	sadd.s32 $0x200, s30  }
0x256: {  	v0 =	vld [tilespmem:s29+$0x18070]  }
0x257: {  	v1 =	vld [tilespmem:s29+$0x18000]  }
0x258: {  	v2 =	vld [tilespmem:s29+$0x18010]  }
0x259: {  	v3 =	vld [tilespmem:s29+$0x18020]  }
0x25a: {  	v4 =	vld [tilespmem:s29+$0x18030]  }
0x25b: {  	v63 =	vld [tilespmem:s29+$0x18040]  }
0x25c: {  	v5 =	vld [tilespmem:s29+$0x18050]  }
0x25d: {  	v6 =	vld [tilespmem:s29+$0x18060]  }
0x25e: {  	[tilespmem:s29+$0x70] =	vst.add.f32.msk $0xffff, v0  }
0x25f: {  	[tilespmem:s29+$0x0] =	vst.add.f32.msk $0xffff, v1  }
0x260: {  	[tilespmem:s29+$0x10] =	vst.add.f32.msk $0xffff, v2  }
0x261: {  	[tilespmem:s29+$0x20] =	vst.add.f32.msk $0xffff, v3  }
0x262: {  	[tilespmem:s29+$0x30] =	vst.add.f32.msk $0xffff, v4  }
0x263: {  	[tilespmem:s29+$0x40] =	vst.add.f32.msk $0xffff, v63  }
0x264: {  	[tilespmem:s29+$0x50] =	vst.add.f32.msk $0xffff, v5  }
0x265: {  	s30 =	rddreg [dreg:$0x1d];
	[tilespmem:s29+$0x60] =	vst.add.f32.msk $0xffff, v6;
	s29 =	simm.s32 $0x0  }
0x266: {  	[hbm4b:s30+s29] =	stream.linear.scatter [tilespmem:s29], [sflag:$0x4], $0x6000, $0x38;
	[tilespmem:$0x1E000] =	vst v63  }
0x267: {  	_ =	swait.ge [sflag:s21], $0x6000  }
0x268: {  	s30 =	sld [smem:$0x7E3]  }
0x269: {  	[sflag:s21] =	ssyncset.done $0x0  }
0x26a: {  	[sflag:s21] =	ssyncadd.s32 $0xFFFFA000  }
0x26b: {  	[tilespmem:s29], [sflag:$0x1] =	stream.linear.gather [hbm4b:s30+s29], $0x6000, $0x38;
	[tilespmem:$0x1E000] =	vst v63  }
0x26c: {  	_ =	swait.ge [sflag:s22], $0x6000  }
0x26d: {  	[sflag:s22] =	ssyncset.done $0x0  }
0x26e: {  	s29 =	simm.s32 $0x0;
	s30 =	simm.s32 $0x200;
	[sflag:s22] =	ssyncadd.s32 $0xFFFFA000  }
.LBB2_28:
0x26f: {  	p0 =	sne.s32 s30, $0x17E00;
	v0 =	vld [tilespmem:s29+$0x18070]  }
0x270: {  	v1 =	vld [tilespmem:s29+$0x18000]  }
0x271: {  	v2 =	vld [tilespmem:s29+$0x18010]  }
0x272: {  	v3 =	vld [tilespmem:s29+$0x18020]  }
0x273: {  	v4 =	vld [tilespmem:s29+$0x18030]  }
0x274: {  	[tilespmem:s29+$0x6070] =	vst.add.f32.msk $0xffff, v0  }
0x275: {  	v0 =	vld [tilespmem:s29+$0x18040]  }
0x276: {  	v5 =	vld [tilespmem:s29+$0x18050]  }
0x277: {  	v6 =	vld [tilespmem:s29+$0x18060]  }
0x278: {  	[tilespmem:s29+$0x6000] =	vst.add.f32.msk $0xffff, v1  }
0x279: {  	[tilespmem:s29+$0x6010] =	vst.add.f32.msk $0xffff, v2  }
.Ltmp13:
0x27a: {  	[tilespmem:s29+$0x6020] =	vst.add.f32.msk $0xffff, v3;
	(pc) =	sbr.rel @p0 .LBB2_28-.Ltmp13, $4  }
0x27b: {  	[tilespmem:s29+$0x6030] =	vst.add.f32.msk $0xffff, v4  }
0x27c: {  	[tilespmem:s29+$0x6040] =	vst.add.f32.msk $0xffff, v0  }
0x27d: {  	[tilespmem:s29+$0x6050] =	vst.add.f32.msk $0xffff, v5  }
0x27e: {  	[tilespmem:s29+$0x6060] =	vst.add.f32.msk $0xffff, v6;
	s29 =	sshra.s32 s30, $0x2;
	s30 =	sadd.s32 $0x200, s30  }
0x27f: {  	v0 =	vld [tilespmem:s29+$0x18070]  }
0x280: {  	v1 =	vld [tilespmem:s29+$0x18000]  }
0x281: {  	v2 =	vld [tilespmem:s29+$0x18010]  }
0x282: {  	v3 =	vld [tilespmem:s29+$0x18020]  }
0x283: {  	v4 =	vld [tilespmem:s29+$0x18030]  }
0x284: {  	v63 =	vld [tilespmem:s29+$0x18040]  }
0x285: {  	v5 =	vld [tilespmem:s29+$0x18050]  }
0x286: {  	v6 =	vld [tilespmem:s29+$0x18060]  }
0x287: {  	[tilespmem:s29+$0x6070] =	vst.add.f32.msk $0xffff, v0  }
0x288: {  	[tilespmem:s29+$0x6000] =	vst.add.f32.msk $0xffff, v1  }
0x289: {  	[tilespmem:s29+$0x6010] =	vst.add.f32.msk $0xffff, v2  }
0x28a: {  	[tilespmem:s29+$0x6020] =	vst.add.f32.msk $0xffff, v3  }
0x28b: {  	[tilespmem:s29+$0x6030] =	vst.add.f32.msk $0xffff, v4  }
0x28c: {  	[tilespmem:s29+$0x6040] =	vst.add.f32.msk $0xffff, v63  }
0x28d: {  	[tilespmem:s29+$0x6050] =	vst.add.f32.msk $0xffff, v5  }
0x28e: {  	s30 =	rddreg [dreg:$0x1f];
	[tilespmem:s29+$0x6060] =	vst.add.f32.msk $0xffff, v6;
	s29 =	simm.s32 $0x0  }
0x28f: {  	[hbm4b:s30+s29] =	stream.linear.scatter [tilespmem:s15], [sflag:$0x5], $0x6000, $0x38;
	[tilespmem:$0x1E000] =	vst v63  }
0x290: {  	_ =	swait.ge [sflag:s23], $0x6000  }
0x291: {  	s30 =	sld [smem:$0x7E6]  }
0x292: {  	[sflag:s23] =	ssyncset.done $0x0  }
0x293: {  	[sflag:s23] =	ssyncadd.s32 $0xFFFFA000  }
0x294: {  	[tilespmem:s15], [sflag:$0x2] =	stream.linear.gather [hbm4b:s30+s29], $0x6000, $0x38;
	[tilespmem:$0x1E000] =	vst v63  }
0x295: {  	_ =	swait.ge [sflag:s24], $0x6000  }
0x296: {  	[sflag:s24] =	ssyncset.done $0x0  }
0x297: {  	s29 =	simm.s32 $0x0;
	s30 =	simm.s32 $0x200;
	[sflag:s24] =	ssyncadd.s32 $0xFFFFA000  }
.LBB2_30:
0x298: {  	p0 =	sne.s32 s30, $0x17E00;
	v0 =	vld [tilespmem:s29+$0x18070]  }
0x299: {  	v1 =	vld [tilespmem:s29+$0x18000]  }
0x29a: {  	v2 =	vld [tilespmem:s29+$0x18010]  }
0x29b: {  	v3 =	vld [tilespmem:s29+$0x18020]  }
0x29c: {  	v4 =	vld [tilespmem:s29+$0x18030]  }
0x29d: {  	[tilespmem:s29+$0xC070] =	vst.add.f32.msk $0xffff, v0  }
0x29e: {  	v0 =	vld [tilespmem:s29+$0x18040]  }
0x29f: {  	v5 =	vld [tilespmem:s29+$0x18050]  }
0x2a0: {  	v6 =	vld [tilespmem:s29+$0x18060]  }
0x2a1: {  	[tilespmem:s29+$0xC000] =	vst.add.f32.msk $0xffff, v1  }
0x2a2: {  	[tilespmem:s29+$0xC010] =	vst.add.f32.msk $0xffff, v2  }
.Ltmp14:
0x2a3: {  	[tilespmem:s29+$0xC020] =	vst.add.f32.msk $0xffff, v3;
	(pc) =	sbr.rel @p0 .LBB2_30-.Ltmp14, $4  }
0x2a4: {  	[tilespmem:s29+$0xC030] =	vst.add.f32.msk $0xffff, v4  }
0x2a5: {  	[tilespmem:s29+$0xC040] =	vst.add.f32.msk $0xffff, v0  }
0x2a6: {  	[tilespmem:s29+$0xC050] =	vst.add.f32.msk $0xffff, v5  }
0x2a7: {  	[tilespmem:s29+$0xC060] =	vst.add.f32.msk $0xffff, v6;
	s29 =	sshra.s32 s30, $0x2;
	s30 =	sadd.s32 $0x200, s30  }
0x2a8: {  	v0 =	vld [tilespmem:s29+$0x18070]  }
0x2a9: {  	v1 =	vld [tilespmem:s29+$0x18000]  }
0x2aa: {  	v2 =	vld [tilespmem:s29+$0x18010]  }
0x2ab: {  	v3 =	vld [tilespmem:s29+$0x18020]  }
0x2ac: {  	v4 =	vld [tilespmem:s29+$0x18030]  }
0x2ad: {  	v63 =	vld [tilespmem:s29+$0x18040]  }
0x2ae: {  	v5 =	vld [tilespmem:s29+$0x18050]  }
0x2af: {  	v6 =	vld [tilespmem:s29+$0x18060]  }
0x2b0: {  	[tilespmem:s29+$0xC070] =	vst.add.f32.msk $0xffff, v0  }
0x2b1: {  	[tilespmem:s29+$0xC000] =	vst.add.f32.msk $0xffff, v1  }
0x2b2: {  	[tilespmem:s29+$0xC010] =	vst.add.f32.msk $0xffff, v2  }
0x2b3: {  	[tilespmem:s29+$0xC020] =	vst.add.f32.msk $0xffff, v3  }
0x2b4: {  	[tilespmem:s29+$0xC030] =	vst.add.f32.msk $0xffff, v4  }
0x2b5: {  	s30 =	sld [smem:$0x7E2];
	[tilespmem:s29+$0xC040] =	vst.add.f32.msk $0xffff, v63  }
0x2b6: {  	[tilespmem:s29+$0xC050] =	vst.add.f32.msk $0xffff, v5  }
0x2b7: {  	[tilespmem:s29+$0xC060] =	vst.add.f32.msk $0xffff, v6;
	s29 =	simm.s32 $0x0  }
0x2b8: {  	[hbm4b:s30+s29] =	stream.linear.scatter [tilespmem:s16], [sflag:$0x6], $0x6000, $0x38;
	[tilespmem:$0x1E000] =	vst v63  }
0x2b9: {  	_ =	swait.ge [sflag:s25], $0x6000  }
0x2ba: {  	s30 =	sld [smem:$0x7E8]  }
0x2bb: {  	[sflag:s25] =	ssyncset.done $0x0  }
0x2bc: {  	[sflag:s25] =	ssyncadd.s32 $0xFFFFA000  }
0x2bd: {  	[tilespmem:s16], [sflag:$0x3] =	stream.linear.gather [hbm4b:s30+s29], $0x6000, $0x38;
	[tilespmem:$0x1E000] =	vst v63  }
0x2be: {  	_ =	swait.ge [sflag:s19], $0x6000  }
0x2bf: {  	[sflag:s19] =	ssyncset.done $0x0  }
0x2c0: {  	s29 =	simm.s32 $0x0;
	s30 =	simm.s32 $0x200;
	[sflag:s19] =	ssyncadd.s32 $0xFFFFA000  }
.LBB2_32:
0x2c1: {  	p0 =	sne.s32 s30, $0x17E00;
	v0 =	vld [tilespmem:s29+$0x18070]  }
0x2c2: {  	v1 =	vld [tilespmem:s29+$0x18000]  }
0x2c3: {  	v2 =	vld [tilespmem:s29+$0x18010]  }
0x2c4: {  	v3 =	vld [tilespmem:s29+$0x18020]  }
0x2c5: {  	v4 =	vld [tilespmem:s29+$0x18030]  }
0x2c6: {  	[tilespmem:s29+$0x70] =	vst.add.f32.msk $0xffff, v0  }
0x2c7: {  	v0 =	vld [tilespmem:s29+$0x18040]  }
0x2c8: {  	v5 =	vld [tilespmem:s29+$0x18050]  }
0x2c9: {  	v6 =	vld [tilespmem:s29+$0x18060]  }
0x2ca: {  	[tilespmem:s29+$0x0] =	vst.add.f32.msk $0xffff, v1  }
0x2cb: {  	[tilespmem:s29+$0x10] =	vst.add.f32.msk $0xffff, v2  }
.Ltmp15:
0x2cc: {  	[tilespmem:s29+$0x20] =	vst.add.f32.msk $0xffff, v3;
	(pc) =	sbr.rel @p0 .LBB2_32-.Ltmp15, $4  }
0x2cd: {  	[tilespmem:s29+$0x30] =	vst.add.f32.msk $0xffff, v4  }
0x2ce: {  	[tilespmem:s29+$0x40] =	vst.add.f32.msk $0xffff, v0  }
0x2cf: {  	[tilespmem:s29+$0x50] =	vst.add.f32.msk $0xffff, v5  }
0x2d0: {  	[tilespmem:s29+$0x60] =	vst.add.f32.msk $0xffff, v6;
	s29 =	sshra.s32 s30, $0x2;
	s30 =	sadd.s32 $0x200, s30  }
0x2d1: {  	v0 =	vld [tilespmem:s29+$0x18070]  }
0x2d2: {  	v1 =	vld [tilespmem:s29+$0x18000]  }
0x2d3: {  	v2 =	vld [tilespmem:s29+$0x18010]  }
0x2d4: {  	v3 =	vld [tilespmem:s29+$0x18020]  }
0x2d5: {  	v4 =	vld [tilespmem:s29+$0x18030]  }
0x2d6: {  	v63 =	vld [tilespmem:s29+$0x18040]  }
0x2d7: {  	v5 =	vld [tilespmem:s29+$0x18050]  }
0x2d8: {  	v6 =	vld [tilespmem:s29+$0x18060]  }
0x2d9: {  	[tilespmem:s29+$0x70] =	vst.add.f32.msk $0xffff, v0  }
0x2da: {  	[tilespmem:s29+$0x0] =	vst.add.f32.msk $0xffff, v1  }
0x2db: {  	[tilespmem:s29+$0x10] =	vst.add.f32.msk $0xffff, v2  }
0x2dc: {  	[tilespmem:s29+$0x20] =	vst.add.f32.msk $0xffff, v3  }
0x2dd: {  	[tilespmem:s29+$0x30] =	vst.add.f32.msk $0xffff, v4  }
0x2de: {  	s30 =	sld [smem:$0x7E4];
	[tilespmem:s29+$0x40] =	vst.add.f32.msk $0xffff, v63  }
0x2df: {  	[tilespmem:s29+$0x50] =	vst.add.f32.msk $0xffff, v5  }
0x2e0: {  	[tilespmem:s29+$0x60] =	vst.add.f32.msk $0xffff, v6;
	s29 =	simm.s32 $0x0  }
0x2e1: {  	[hbm4b:s30+s29] =	stream.linear.scatter [tilespmem:s29], [sflag:$0x4], $0x6000, $0x38;
	[tilespmem:$0x1E000] =	vst v63  }
0x2e2: {  	s30 =	sld [smem:$0x7EE];
	_ =	sdelay $0x2  }
0x2e3: {  	[tilespmem:s18], [sflag:$0x8] =	stream.linear.gather [hbm4b:s30+s29], $0x6000, $0x38;
	[tilespmem:$0x1E000] =	vst v63  }
0x2e4: {  	_ =	swait.ge [sflag:s21], $0x6000  }
0x2e5: {  	s30 =	sld [smem:$0x7EA]  }
0x2e6: {  	[sflag:s21] =	ssyncset.done $0x0  }
0x2e7: {  	[sflag:s21] =	ssyncadd.s32 $0xFFFFA000  }
0x2e8: {  	[tilespmem:s29], [sflag:$0x1] =	stream.linear.gather [hbm4b:s30+s29], $0x6000, $0x38;
	[tilespmem:$0x1E000] =	vst v63  }
0x2e9: {  	_ =	swait.ge [sflag:s22], $0x6000  }
0x2ea: {  	[sflag:s22] =	ssyncset.done $0x0  }
0x2eb: {  	[sflag:s22] =	ssyncadd.s32 $0xFFFFA000  }
0x2ec: {  	_ =	swait.ge [sflag:s20], $0x6000  }
0x2ed: {  	[sflag:s20] =	ssyncset.done $0x0  }
0x2ee: {  	s29 =	simm.s32 $0x0;
	s30 =	simm.s32 $0x200;
	[sflag:s20] =	ssyncadd.s32 $0xFFFFA000  }
.LBB2_34:
0x2ef: {  	p0 =	sne.s32 s30, $0x17E00;
	v0 =	vld [tilespmem:s29+$0x12070]  }
0x2f0: {  	v1 =	vld [tilespmem:s29+$0x12000]  }
0x2f1: {  	v2 =	vld [tilespmem:s29+$0x12010]  }
0x2f2: {  	v3 =	vld [tilespmem:s29+$0x12020]  }
0x2f3: {  	v4 =	vld [tilespmem:s29+$0x12030]  }
0x2f4: {  	[tilespmem:s29+$0x6070] =	vst.add.f32.msk $0xffff, v0  }
0x2f5: {  	v0 =	vld [tilespmem:s29+$0x12040]  }
0x2f6: {  	v5 =	vld [tilespmem:s29+$0x12050]  }
0x2f7: {  	v6 =	vld [tilespmem:s29+$0x12060]  }
0x2f8: {  	[tilespmem:s29+$0x6000] =	vst.add.f32.msk $0xffff, v1  }
0x2f9: {  	[tilespmem:s29+$0x6010] =	vst.add.f32.msk $0xffff, v2  }
.Ltmp16:
0x2fa: {  	[tilespmem:s29+$0x6020] =	vst.add.f32.msk $0xffff, v3;
	(pc) =	sbr.rel @p0 .LBB2_34-.Ltmp16, $4  }
0x2fb: {  	[tilespmem:s29+$0x6030] =	vst.add.f32.msk $0xffff, v4  }
0x2fc: {  	[tilespmem:s29+$0x6040] =	vst.add.f32.msk $0xffff, v0  }
0x2fd: {  	[tilespmem:s29+$0x6050] =	vst.add.f32.msk $0xffff, v5  }
0x2fe: {  	[tilespmem:s29+$0x6060] =	vst.add.f32.msk $0xffff, v6;
	s29 =	sshra.s32 s30, $0x2;
	s30 =	sadd.s32 $0x200, s30  }
0x2ff: {  	v0 =	vld [tilespmem:s29+$0x12070]  }
0x300: {  	v1 =	vld [tilespmem:s29+$0x12000]  }
0x301: {  	v2 =	vld [tilespmem:s29+$0x12010]  }
0x302: {  	v3 =	vld [tilespmem:s29+$0x12020]  }
0x303: {  	v4 =	vld [tilespmem:s29+$0x12030]  }
0x304: {  	v63 =	vld [tilespmem:s29+$0x12040]  }
0x305: {  	v5 =	vld [tilespmem:s29+$0x12050]  }
0x306: {  	v6 =	vld [tilespmem:s29+$0x12060]  }
0x307: {  	[tilespmem:s29+$0x6070] =	vst.add.f32.msk $0xffff, v0  }
0x308: {  	[tilespmem:s29+$0x6000] =	vst.add.f32.msk $0xffff, v1  }
0x309: {  	[tilespmem:s29+$0x6010] =	vst.add.f32.msk $0xffff, v2  }
0x30a: {  	[tilespmem:s29+$0x6020] =	vst.add.f32.msk $0xffff, v3  }
0x30b: {  	[tilespmem:s29+$0x6030] =	vst.add.f32.msk $0xffff, v4  }
0x30c: {  	s30 =	sld [smem:$0x7E7];
	[tilespmem:s29+$0x6040] =	vst.add.f32.msk $0xffff, v63  }
0x30d: {  	[tilespmem:s29+$0x6050] =	vst.add.f32.msk $0xffff, v5  }
0x30e: {  	[tilespmem:s29+$0x6060] =	vst.add.f32.msk $0xffff, v6;
	s29 =	simm.s32 $0x0  }
0x30f: {  	[hbm4b:s30+s29] =	stream.linear.scatter [tilespmem:s15], [sflag:$0x5], $0x6000, $0x38;
	[tilespmem:$0x1E000] =	vst v63  }
0x310: {  	_ =	swait.ge [sflag:s23], $0x6000  }
0x311: {  	s30 =	sld [smem:$0x7EC]  }
0x312: {  	[sflag:s23] =	ssyncset.done $0x0  }
0x313: {  	[sflag:s23] =	ssyncadd.s32 $0xFFFFA000  }
0x314: {  	[tilespmem:s15], [sflag:$0x2] =	stream.linear.gather [hbm4b:s30+s29], $0x6000, $0x38;
	[tilespmem:$0x1E000] =	vst v63  }
0x315: {  	_ =	swait.ge [sflag:s24], $0x6000  }
0x316: {  	[sflag:s24] =	ssyncset.done $0x0  }
0x317: {  	s29 =	simm.s32 $0x0;
	s30 =	simm.s32 $0x200;
	[sflag:s24] =	ssyncadd.s32 $0xFFFFA000  }
.LBB2_36:
0x318: {  	p0 =	sne.s32 s30, $0x17E00;
	v0 =	vld [tilespmem:s29+$0x12070]  }
0x319: {  	v1 =	vld [tilespmem:s29+$0x12000]  }
0x31a: {  	v2 =	vld [tilespmem:s29+$0x12010]  }
0x31b: {  	v3 =	vld [tilespmem:s29+$0x12020]  }
0x31c: {  	v4 =	vld [tilespmem:s29+$0x12030]  }
0x31d: {  	[tilespmem:s29+$0xC070] =	vst.add.f32.msk $0xffff, v0  }
0x31e: {  	v0 =	vld [tilespmem:s29+$0x12040]  }
0x31f: {  	v5 =	vld [tilespmem:s29+$0x12050]  }
0x320: {  	v6 =	vld [tilespmem:s29+$0x12060]  }
0x321: {  	[tilespmem:s29+$0xC000] =	vst.add.f32.msk $0xffff, v1  }
0x322: {  	[tilespmem:s29+$0xC010] =	vst.add.f32.msk $0xffff, v2  }
.Ltmp17:
0x323: {  	[tilespmem:s29+$0xC020] =	vst.add.f32.msk $0xffff, v3;
	(pc) =	sbr.rel @p0 .LBB2_36-.Ltmp17, $4  }
0x324: {  	[tilespmem:s29+$0xC030] =	vst.add.f32.msk $0xffff, v4  }
0x325: {  	[tilespmem:s29+$0xC040] =	vst.add.f32.msk $0xffff, v0  }
0x326: {  	[tilespmem:s29+$0xC050] =	vst.add.f32.msk $0xffff, v5  }
0x327: {  	[tilespmem:s29+$0xC060] =	vst.add.f32.msk $0xffff, v6;
	s29 =	sshra.s32 s30, $0x2;
	s30 =	sadd.s32 $0x200, s30  }
0x328: {  	v0 =	vld [tilespmem:s29+$0x12070]  }
0x329: {  	v1 =	vld [tilespmem:s29+$0x12000]  }
0x32a: {  	v2 =	vld [tilespmem:s29+$0x12010]  }
0x32b: {  	v3 =	vld [tilespmem:s29+$0x12020]  }
0x32c: {  	v4 =	vld [tilespmem:s29+$0x12030]  }
0x32d: {  	v63 =	vld [tilespmem:s29+$0x12040]  }
0x32e: {  	v5 =	vld [tilespmem:s29+$0x12050]  }
0x32f: {  	v6 =	vld [tilespmem:s29+$0x12060]  }
0x330: {  	[tilespmem:s29+$0xC070] =	vst.add.f32.msk $0xffff, v0  }
0x331: {  	[tilespmem:s29+$0xC000] =	vst.add.f32.msk $0xffff, v1  }
0x332: {  	[tilespmem:s29+$0xC010] =	vst.add.f32.msk $0xffff, v2  }
0x333: {  	[tilespmem:s29+$0xC020] =	vst.add.f32.msk $0xffff, v3  }
0x334: {  	[tilespmem:s29+$0xC030] =	vst.add.f32.msk $0xffff, v4  }
0x335: {  	s30 =	sld [smem:$0x7E9];
	[tilespmem:s29+$0xC040] =	vst.add.f32.msk $0xffff, v63  }
0x336: {  	[tilespmem:s29+$0xC050] =	vst.add.f32.msk $0xffff, v5  }
0x337: {  	[tilespmem:s29+$0xC060] =	vst.add.f32.msk $0xffff, v6;
	s29 =	simm.s32 $0x0  }
0x338: {  	[hbm4b:s30+s29] =	stream.linear.scatter [tilespmem:s16], [sflag:$0x6], $0x6000, $0x38;
	[tilespmem:$0x1E000] =	vst v63  }
0x339: {  	_ =	swait.ge [sflag:s25], $0x6000  }
0x33a: {  	s30 =	sld [smem:$0x7EF]  }
0x33b: {  	[sflag:s25] =	ssyncset.done $0x0  }
0x33c: {  	[sflag:s25] =	ssyncadd.s32 $0xFFFFA000  }
0x33d: {  	[tilespmem:s16], [sflag:$0x3] =	stream.linear.gather [hbm4b:s30+s29], $0x6000, $0x38;
	[tilespmem:$0x1E000] =	vst v63  }
0x33e: {  	_ =	swait.ge [sflag:s19], $0x6000  }
0x33f: {  	[sflag:s19] =	ssyncset.done $0x0  }
0x340: {  	s29 =	simm.s32 $0x0;
	s30 =	simm.s32 $0x200;
	[sflag:s19] =	ssyncadd.s32 $0xFFFFA000  }
.LBB2_38:
0x341: {  	p0 =	sne.s32 s30, $0x17E00;
	v0 =	vld [tilespmem:s29+$0x12070]  }
0x342: {  	v1 =	vld [tilespmem:s29+$0x12000]  }
0x343: {  	v2 =	vld [tilespmem:s29+$0x12010]  }
0x344: {  	v3 =	vld [tilespmem:s29+$0x12020]  }
0x345: {  	v4 =	vld [tilespmem:s29+$0x12030]  }
0x346: {  	[tilespmem:s29+$0x70] =	vst.add.f32.msk $0xffff, v0  }
0x347: {  	v0 =	vld [tilespmem:s29+$0x12040]  }
0x348: {  	v5 =	vld [tilespmem:s29+$0x12050]  }
0x349: {  	v6 =	vld [tilespmem:s29+$0x12060]  }
0x34a: {  	[tilespmem:s29+$0x0] =	vst.add.f32.msk $0xffff, v1  }
0x34b: {  	[tilespmem:s29+$0x10] =	vst.add.f32.msk $0xffff, v2  }
.Ltmp18:
0x34c: {  	[tilespmem:s29+$0x20] =	vst.add.f32.msk $0xffff, v3;
	(pc) =	sbr.rel @p0 .LBB2_38-.Ltmp18, $4  }
0x34d: {  	[tilespmem:s29+$0x30] =	vst.add.f32.msk $0xffff, v4  }
0x34e: {  	[tilespmem:s29+$0x40] =	vst.add.f32.msk $0xffff, v0  }
0x34f: {  	[tilespmem:s29+$0x50] =	vst.add.f32.msk $0xffff, v5  }
0x350: {  	[tilespmem:s29+$0x60] =	vst.add.f32.msk $0xffff, v6;
	s29 =	sshra.s32 s30, $0x2;
	s30 =	sadd.s32 $0x200, s30  }
0x351: {  	v0 =	vld [tilespmem:s29+$0x12070]  }
0x352: {  	v1 =	vld [tilespmem:s29+$0x12000]  }
0x353: {  	v2 =	vld [tilespmem:s29+$0x12010]  }
0x354: {  	v3 =	vld [tilespmem:s29+$0x12020]  }
0x355: {  	v4 =	vld [tilespmem:s29+$0x12030]  }
0x356: {  	v63 =	vld [tilespmem:s29+$0x12040]  }
0x357: {  	v5 =	vld [tilespmem:s29+$0x12050]  }
0x358: {  	v6 =	vld [tilespmem:s29+$0x12060]  }
0x359: {  	[tilespmem:s29+$0x70] =	vst.add.f32.msk $0xffff, v0  }
0x35a: {  	[tilespmem:s29+$0x0] =	vst.add.f32.msk $0xffff, v1  }
0x35b: {  	[tilespmem:s29+$0x10] =	vst.add.f32.msk $0xffff, v2  }
0x35c: {  	[tilespmem:s29+$0x20] =	vst.add.f32.msk $0xffff, v3  }
0x35d: {  	[tilespmem:s29+$0x30] =	vst.add.f32.msk $0xffff, v4  }
0x35e: {  	s30 =	sld [smem:$0x7EB];
	[tilespmem:s29+$0x40] =	vst.add.f32.msk $0xffff, v63  }
0x35f: {  	[tilespmem:s29+$0x50] =	vst.add.f32.msk $0xffff, v5  }
0x360: {  	[tilespmem:s29+$0x60] =	vst.add.f32.msk $0xffff, v6;
	s29 =	simm.s32 $0x0  }
0x361: {  	[hbm4b:s30+s29] =	stream.linear.scatter [tilespmem:s29], [sflag:$0x4], $0x6000, $0x38;
	[tilespmem:$0x1E000] =	vst v63  }
0x362: {  	_ =	swait.ge [sflag:s21], $0x6000  }
0x363: {  	s30 =	sld [smem:$0x7F1]  }
0x364: {  	[sflag:s21] =	ssyncset.done $0x0  }
0x365: {  	[sflag:s21] =	ssyncadd.s32 $0xFFFFA000  }
0x366: {  	[tilespmem:s29], [sflag:$0x1] =	stream.linear.gather [hbm4b:s30+s29], $0x6000, $0x38;
	[tilespmem:$0x1E000] =	vst v63  }
0x367: {  	_ =	swait.ge [sflag:s22], $0x6000  }
0x368: {  	[sflag:s22] =	ssyncset.done $0x0  }
0x369: {  	s29 =	simm.s32 $0x0;
	s30 =	simm.s32 $0x200;
	[sflag:s22] =	ssyncadd.s32 $0xFFFFA000  }
.LBB2_40:
0x36a: {  	p0 =	sne.s32 s30, $0x17E00;
	v0 =	vld [tilespmem:s29+$0x12070]  }
0x36b: {  	v1 =	vld [tilespmem:s29+$0x12000]  }
0x36c: {  	v2 =	vld [tilespmem:s29+$0x12010]  }
0x36d: {  	v3 =	vld [tilespmem:s29+$0x12020]  }
0x36e: {  	v4 =	vld [tilespmem:s29+$0x12030]  }
0x36f: {  	[tilespmem:s29+$0x6070] =	vst.add.f32.msk $0xffff, v0  }
0x370: {  	v0 =	vld [tilespmem:s29+$0x12040]  }
0x371: {  	v5 =	vld [tilespmem:s29+$0x12050]  }
0x372: {  	v6 =	vld [tilespmem:s29+$0x12060]  }
0x373: {  	[tilespmem:s29+$0x6000] =	vst.add.f32.msk $0xffff, v1  }
0x374: {  	[tilespmem:s29+$0x6010] =	vst.add.f32.msk $0xffff, v2  }
.Ltmp19:
0x375: {  	[tilespmem:s29+$0x6020] =	vst.add.f32.msk $0xffff, v3;
	(pc) =	sbr.rel @p0 .LBB2_40-.Ltmp19, $4  }
0x376: {  	[tilespmem:s29+$0x6030] =	vst.add.f32.msk $0xffff, v4  }
0x377: {  	[tilespmem:s29+$0x6040] =	vst.add.f32.msk $0xffff, v0  }
0x378: {  	[tilespmem:s29+$0x6050] =	vst.add.f32.msk $0xffff, v5  }
0x379: {  	[tilespmem:s29+$0x6060] =	vst.add.f32.msk $0xffff, v6;
	s29 =	sshra.s32 s30, $0x2;
	s30 =	sadd.s32 $0x200, s30  }
0x37a: {  	v0 =	vld [tilespmem:s29+$0x12070]  }
0x37b: {  	v1 =	vld [tilespmem:s29+$0x12000]  }
0x37c: {  	v2 =	vld [tilespmem:s29+$0x12010]  }
0x37d: {  	v3 =	vld [tilespmem:s29+$0x12020]  }
0x37e: {  	v4 =	vld [tilespmem:s29+$0x12030]  }
0x37f: {  	v63 =	vld [tilespmem:s29+$0x12040]  }
0x380: {  	v5 =	vld [tilespmem:s29+$0x12050]  }
0x381: {  	v6 =	vld [tilespmem:s29+$0x12060]  }
0x382: {  	[tilespmem:s29+$0x6070] =	vst.add.f32.msk $0xffff, v0  }
0x383: {  	[tilespmem:s29+$0x6000] =	vst.add.f32.msk $0xffff, v1  }
0x384: {  	[tilespmem:s29+$0x6010] =	vst.add.f32.msk $0xffff, v2  }
0x385: {  	[tilespmem:s29+$0x6020] =	vst.add.f32.msk $0xffff, v3  }
0x386: {  	[tilespmem:s29+$0x6030] =	vst.add.f32.msk $0xffff, v4  }
0x387: {  	s30 =	sld [smem:$0x7ED];
	[tilespmem:s29+$0x6040] =	vst.add.f32.msk $0xffff, v63  }
0x388: {  	[tilespmem:s29+$0x6050] =	vst.add.f32.msk $0xffff, v5  }
0x389: {  	[tilespmem:s29+$0x6060] =	vst.add.f32.msk $0xffff, v6;
	s29 =	simm.s32 $0x0  }
0x38a: {  	[hbm4b:s30+s29] =	stream.linear.scatter [tilespmem:s15], [sflag:$0x5], $0x6000, $0x38;
	[tilespmem:$0x1E000] =	vst v63  }
0x38b: {  	s30 =	sld [smem:$0x7F8];
	_ =	sdelay $0x2  }
0x38c: {  	[tilespmem:s17], [sflag:$0x7] =	stream.linear.gather [hbm4b:s30+s29], $0x6000, $0x38;
	[tilespmem:$0x1E000] =	vst v63  }
0x38d: {  	_ =	swait.ge [sflag:s23], $0x6000  }
0x38e: {  	s30 =	sld [smem:$0x7F3]  }
0x38f: {  	[sflag:s23] =	ssyncset.done $0x0  }
0x390: {  	[sflag:s23] =	ssyncadd.s32 $0xFFFFA000  }
0x391: {  	[tilespmem:s15], [sflag:$0x2] =	stream.linear.gather [hbm4b:s30+s29], $0x6000, $0x38;
	[tilespmem:$0x1E000] =	vst v63  }
0x392: {  	_ =	swait.ge [sflag:s24], $0x6000  }
0x393: {  	[sflag:s24] =	ssyncset.done $0x0  }
0x394: {  	[sflag:s24] =	ssyncadd.s32 $0xFFFFA000  }
0x395: {  	_ =	swait.ge [sflag:s26], $0x6000  }
0x396: {  	[sflag:s26] =	ssyncset.done $0x0  }
0x397: {  	s29 =	simm.s32 $0x0;
	s30 =	simm.s32 $0x200;
	[sflag:s26] =	ssyncadd.s32 $0xFFFFA000  }
.LBB2_42:
0x398: {  	p0 =	sne.s32 s30, $0x17E00;
	v0 =	vld [tilespmem:s29+$0x18070]  }
0x399: {  	v1 =	vld [tilespmem:s29+$0x18000]  }
0x39a: {  	v2 =	vld [tilespmem:s29+$0x18010]  }
0x39b: {  	v3 =	vld [tilespmem:s29+$0x18020]  }
0x39c: {  	v4 =	vld [tilespmem:s29+$0x18030]  }
0x39d: {  	[tilespmem:s29+$0xC070] =	vst.add.f32.msk $0xffff, v0  }
0x39e: {  	v0 =	vld [tilespmem:s29+$0x18040]  }
0x39f: {  	v5 =	vld [tilespmem:s29+$0x18050]  }
0x3a0: {  	v6 =	vld [tilespmem:s29+$0x18060]  }
0x3a1: {  	[tilespmem:s29+$0xC000] =	vst.add.f32.msk $0xffff, v1  }
0x3a2: {  	[tilespmem:s29+$0xC010] =	vst.add.f32.msk $0xffff, v2  }
.Ltmp20:
0x3a3: {  	[tilespmem:s29+$0xC020] =	vst.add.f32.msk $0xffff, v3;
	(pc) =	sbr.rel @p0 .LBB2_42-.Ltmp20, $4  }
0x3a4: {  	[tilespmem:s29+$0xC030] =	vst.add.f32.msk $0xffff, v4  }
0x3a5: {  	[tilespmem:s29+$0xC040] =	vst.add.f32.msk $0xffff, v0  }
0x3a6: {  	[tilespmem:s29+$0xC050] =	vst.add.f32.msk $0xffff, v5  }
0x3a7: {  	[tilespmem:s29+$0xC060] =	vst.add.f32.msk $0xffff, v6;
	s29 =	sshra.s32 s30, $0x2;
	s30 =	sadd.s32 $0x200, s30  }
0x3a8: {  	v0 =	vld [tilespmem:s29+$0x18070]  }
0x3a9: {  	v1 =	vld [tilespmem:s29+$0x18000]  }
0x3aa: {  	v2 =	vld [tilespmem:s29+$0x18010]  }
0x3ab: {  	v3 =	vld [tilespmem:s29+$0x18020]  }
0x3ac: {  	v4 =	vld [tilespmem:s29+$0x18030]  }
0x3ad: {  	v63 =	vld [tilespmem:s29+$0x18040]  }
0x3ae: {  	v5 =	vld [tilespmem:s29+$0x18050]  }
0x3af: {  	v6 =	vld [tilespmem:s29+$0x18060]  }
0x3b0: {  	[tilespmem:s29+$0xC070] =	vst.add.f32.msk $0xffff, v0  }
0x3b1: {  	[tilespmem:s29+$0xC000] =	vst.add.f32.msk $0xffff, v1  }
0x3b2: {  	[tilespmem:s29+$0xC010] =	vst.add.f32.msk $0xffff, v2  }
0x3b3: {  	[tilespmem:s29+$0xC020] =	vst.add.f32.msk $0xffff, v3  }
0x3b4: {  	[tilespmem:s29+$0xC030] =	vst.add.f32.msk $0xffff, v4  }
0x3b5: {  	s30 =	sld [smem:$0x7F0];
	[tilespmem:s29+$0xC040] =	vst.add.f32.msk $0xffff, v63  }
0x3b6: {  	[tilespmem:s29+$0xC050] =	vst.add.f32.msk $0xffff, v5  }
0x3b7: {  	[tilespmem:s29+$0xC060] =	vst.add.f32.msk $0xffff, v6;
	s29 =	simm.s32 $0x0  }
0x3b8: {  	[hbm4b:s30+s29] =	stream.linear.scatter [tilespmem:s16], [sflag:$0x6], $0x6000, $0x38;
	[tilespmem:$0x1E000] =	vst v63  }
0x3b9: {  	_ =	swait.ge [sflag:s25], $0x6000  }
0x3ba: {  	s30 =	sld [smem:$0x7F5]  }
0x3bb: {  	[sflag:s25] =	ssyncset.done $0x0  }
0x3bc: {  	[sflag:s25] =	ssyncadd.s32 $0xFFFFA000  }
0x3bd: {  	[tilespmem:s16], [sflag:$0x3] =	stream.linear.gather [hbm4b:s30+s29], $0x6000, $0x38;
	[tilespmem:$0x1E000] =	vst v63  }
0x3be: {  	_ =	swait.ge [sflag:s19], $0x6000  }
0x3bf: {  	[sflag:s19] =	ssyncset.done $0x0  }
0x3c0: {  	s29 =	simm.s32 $0x0;
	s30 =	simm.s32 $0x200;
	[sflag:s19] =	ssyncadd.s32 $0xFFFFA000  }
.LBB2_44:
0x3c1: {  	p0 =	sne.s32 s30, $0x17E00;
	v0 =	vld [tilespmem:s29+$0x18070]  }
0x3c2: {  	v1 =	vld [tilespmem:s29+$0x18000]  }
0x3c3: {  	v2 =	vld [tilespmem:s29+$0x18010]  }
0x3c4: {  	v3 =	vld [tilespmem:s29+$0x18020]  }
0x3c5: {  	v4 =	vld [tilespmem:s29+$0x18030]  }
0x3c6: {  	[tilespmem:s29+$0x70] =	vst.add.f32.msk $0xffff, v0  }
0x3c7: {  	v0 =	vld [tilespmem:s29+$0x18040]  }
0x3c8: {  	v5 =	vld [tilespmem:s29+$0x18050]  }
0x3c9: {  	v6 =	vld [tilespmem:s29+$0x18060]  }
0x3ca: {  	[tilespmem:s29+$0x0] =	vst.add.f32.msk $0xffff, v1  }
0x3cb: {  	[tilespmem:s29+$0x10] =	vst.add.f32.msk $0xffff, v2  }
.Ltmp21:
0x3cc: {  	[tilespmem:s29+$0x20] =	vst.add.f32.msk $0xffff, v3;
	(pc) =	sbr.rel @p0 .LBB2_44-.Ltmp21, $4  }
0x3cd: {  	[tilespmem:s29+$0x30] =	vst.add.f32.msk $0xffff, v4  }
0x3ce: {  	[tilespmem:s29+$0x40] =	vst.add.f32.msk $0xffff, v0  }
0x3cf: {  	[tilespmem:s29+$0x50] =	vst.add.f32.msk $0xffff, v5  }
0x3d0: {  	[tilespmem:s29+$0x60] =	vst.add.f32.msk $0xffff, v6;
	s29 =	sshra.s32 s30, $0x2;
	s30 =	sadd.s32 $0x200, s30  }
0x3d1: {  	v0 =	vld [tilespmem:s29+$0x18070]  }
0x3d2: {  	v1 =	vld [tilespmem:s29+$0x18000]  }
0x3d3: {  	v2 =	vld [tilespmem:s29+$0x18010]  }
0x3d4: {  	v3 =	vld [tilespmem:s29+$0x18020]  }
0x3d5: {  	v4 =	vld [tilespmem:s29+$0x18030]  }
0x3d6: {  	v63 =	vld [tilespmem:s29+$0x18040]  }
0x3d7: {  	v5 =	vld [tilespmem:s29+$0x18050]  }
0x3d8: {  	v6 =	vld [tilespmem:s29+$0x18060]  }
0x3d9: {  	[tilespmem:s29+$0x70] =	vst.add.f32.msk $0xffff, v0  }
0x3da: {  	[tilespmem:s29+$0x0] =	vst.add.f32.msk $0xffff, v1  }
0x3db: {  	[tilespmem:s29+$0x10] =	vst.add.f32.msk $0xffff, v2  }
0x3dc: {  	[tilespmem:s29+$0x20] =	vst.add.f32.msk $0xffff, v3  }
0x3dd: {  	[tilespmem:s29+$0x30] =	vst.add.f32.msk $0xffff, v4  }
0x3de: {  	s30 =	sld [smem:$0x7F2];
	[tilespmem:s29+$0x40] =	vst.add.f32.msk $0xffff, v63  }
0x3df: {  	[tilespmem:s29+$0x50] =	vst.add.f32.msk $0xffff, v5  }
0x3e0: {  	[tilespmem:s29+$0x60] =	vst.add.f32.msk $0xffff, v6;
	s29 =	simm.s32 $0x0  }
0x3e1: {  	[hbm4b:s30+s29] =	stream.linear.scatter [tilespmem:s29], [sflag:$0x4], $0x6000, $0x38;
	[tilespmem:$0x1E000] =	vst v63  }
0x3e2: {  	_ =	swait.ge [sflag:s21], $0x6000  }
0x3e3: {  	s30 =	sld [smem:$0x7FA]  }
0x3e4: {  	[sflag:s21] =	ssyncset.done $0x0  }
0x3e5: {  	[sflag:s21] =	ssyncadd.s32 $0xFFFFA000  }
0x3e6: {  	[tilespmem:s29], [sflag:$0x1] =	stream.linear.gather [hbm4b:s30+s29], $0x6000, $0x38;
	[tilespmem:$0x1E000] =	vst v63  }
0x3e7: {  	_ =	swait.ge [sflag:s22], $0x6000  }
0x3e8: {  	[sflag:s22] =	ssyncset.done $0x0  }
0x3e9: {  	s29 =	simm.s32 $0x0;
	s30 =	simm.s32 $0x200;
	[sflag:s22] =	ssyncadd.s32 $0xFFFFA000  }
.LBB2_46:
0x3ea: {  	p0 =	sne.s32 s30, $0x17E00;
	v0 =	vld [tilespmem:s29+$0x18070]  }
0x3eb: {  	v1 =	vld [tilespmem:s29+$0x18000]  }
0x3ec: {  	v2 =	vld [tilespmem:s29+$0x18010]  }
0x3ed: {  	v3 =	vld [tilespmem:s29+$0x18020]  }
0x3ee: {  	v4 =	vld [tilespmem:s29+$0x18030]  }
0x3ef: {  	[tilespmem:s29+$0x6070] =	vst.add.f32.msk $0xffff, v0  }
0x3f0: {  	v0 =	vld [tilespmem:s29+$0x18040]  }
0x3f1: {  	v5 =	vld [tilespmem:s29+$0x18050]  }
0x3f2: {  	v6 =	vld [tilespmem:s29+$0x18060]  }
0x3f3: {  	[tilespmem:s29+$0x6000] =	vst.add.f32.msk $0xffff, v1  }
0x3f4: {  	[tilespmem:s29+$0x6010] =	vst.add.f32.msk $0xffff, v2  }
.Ltmp22:
0x3f5: {  	[tilespmem:s29+$0x6020] =	vst.add.f32.msk $0xffff, v3;
	(pc) =	sbr.rel @p0 .LBB2_46-.Ltmp22, $4  }
0x3f6: {  	[tilespmem:s29+$0x6030] =	vst.add.f32.msk $0xffff, v4  }
0x3f7: {  	[tilespmem:s29+$0x6040] =	vst.add.f32.msk $0xffff, v0  }
0x3f8: {  	[tilespmem:s29+$0x6050] =	vst.add.f32.msk $0xffff, v5  }
0x3f9: {  	[tilespmem:s29+$0x6060] =	vst.add.f32.msk $0xffff, v6;
	s29 =	sshra.s32 s30, $0x2;
	s30 =	sadd.s32 $0x200, s30  }
0x3fa: {  	v0 =	vld [tilespmem:s29+$0x18070]  }
0x3fb: {  	v1 =	vld [tilespmem:s29+$0x18000]  }
0x3fc: {  	v2 =	vld [tilespmem:s29+$0x18010]  }
0x3fd: {  	v3 =	vld [tilespmem:s29+$0x18020]  }
0x3fe: {  	v4 =	vld [tilespmem:s29+$0x18030]  }
0x3ff: {  	v63 =	vld [tilespmem:s29+$0x18040]  }
0x400: {  	v5 =	vld [tilespmem:s29+$0x18050]  }
0x401: {  	v6 =	vld [tilespmem:s29+$0x18060]  }
0x402: {  	[tilespmem:s29+$0x6070] =	vst.add.f32.msk $0xffff, v0  }
0x403: {  	[tilespmem:s29+$0x6000] =	vst.add.f32.msk $0xffff, v1  }
0x404: {  	[tilespmem:s29+$0x6010] =	vst.add.f32.msk $0xffff, v2  }
0x405: {  	[tilespmem:s29+$0x6020] =	vst.add.f32.msk $0xffff, v3  }
0x406: {  	[tilespmem:s29+$0x6030] =	vst.add.f32.msk $0xffff, v4  }
0x407: {  	s30 =	sld [smem:$0x7F4];
	[tilespmem:s29+$0x6040] =	vst.add.f32.msk $0xffff, v63  }
0x408: {  	[tilespmem:s29+$0x6050] =	vst.add.f32.msk $0xffff, v5  }
0x409: {  	[tilespmem:s29+$0x6060] =	vst.add.f32.msk $0xffff, v6;
	s29 =	simm.s32 $0x0  }
0x40a: {  	[hbm4b:s30+s29] =	stream.linear.scatter [tilespmem:s15], [sflag:$0x5], $0x6000, $0x38;
	[tilespmem:$0x1E000] =	vst v63  }
0x40b: {  	_ =	swait.ge [sflag:s23], $0x6000  }
0x40c: {  	s30 =	sld [smem:$0x7FC]  }
0x40d: {  	[sflag:s23] =	ssyncset.done $0x0  }
0x40e: {  	[sflag:s23] =	ssyncadd.s32 $0xFFFFA000  }
0x40f: {  	[tilespmem:s15], [sflag:$0x2] =	stream.linear.gather [hbm4b:s30+s29], $0x6000, $0x38;
	[tilespmem:$0x1E000] =	vst v63  }
0x410: {  	_ =	swait.ge [sflag:s24], $0x6000  }
0x411: {  	[sflag:s24] =	ssyncset.done $0x0  }
0x412: {  	s29 =	simm.s32 $0x0;
	s30 =	simm.s32 $0x200;
	[sflag:s24] =	ssyncadd.s32 $0xFFFFA000  }
.LBB2_48:
0x413: {  	p0 =	sne.s32 s30, $0x17E00;
	v0 =	vld [tilespmem:s29+$0x18070]  }
0x414: {  	v1 =	vld [tilespmem:s29+$0x18000]  }
0x415: {  	v2 =	vld [tilespmem:s29+$0x18010]  }
0x416: {  	v3 =	vld [tilespmem:s29+$0x18020]  }
0x417: {  	v4 =	vld [tilespmem:s29+$0x18030]  }
0x418: {  	[tilespmem:s29+$0xC070] =	vst.add.f32.msk $0xffff, v0  }
0x419: {  	v0 =	vld [tilespmem:s29+$0x18040]  }
0x41a: {  	v5 =	vld [tilespmem:s29+$0x18050]  }
0x41b: {  	v6 =	vld [tilespmem:s29+$0x18060]  }
0x41c: {  	[tilespmem:s29+$0xC000] =	vst.add.f32.msk $0xffff, v1  }
0x41d: {  	[tilespmem:s29+$0xC010] =	vst.add.f32.msk $0xffff, v2  }
.Ltmp23:
0x41e: {  	[tilespmem:s29+$0xC020] =	vst.add.f32.msk $0xffff, v3;
	(pc) =	sbr.rel @p0 .LBB2_48-.Ltmp23, $4  }
0x41f: {  	[tilespmem:s29+$0xC030] =	vst.add.f32.msk $0xffff, v4  }
0x420: {  	[tilespmem:s29+$0xC040] =	vst.add.f32.msk $0xffff, v0  }
0x421: {  	[tilespmem:s29+$0xC050] =	vst.add.f32.msk $0xffff, v5  }
0x422: {  	[tilespmem:s29+$0xC060] =	vst.add.f32.msk $0xffff, v6;
	s29 =	sshra.s32 s30, $0x2;
	s30 =	sadd.s32 $0x200, s30  }
0x423: {  	v0 =	vld [tilespmem:s29+$0x18070]  }
0x424: {  	v1 =	vld [tilespmem:s29+$0x18000]  }
0x425: {  	v2 =	vld [tilespmem:s29+$0x18010]  }
0x426: {  	v3 =	vld [tilespmem:s29+$0x18020]  }
0x427: {  	v4 =	vld [tilespmem:s29+$0x18030]  }
0x428: {  	v63 =	vld [tilespmem:s29+$0x18040]  }
0x429: {  	v5 =	vld [tilespmem:s29+$0x18050]  }
0x42a: {  	v6 =	vld [tilespmem:s29+$0x18060]  }
0x42b: {  	[tilespmem:s29+$0xC070] =	vst.add.f32.msk $0xffff, v0  }
0x42c: {  	[tilespmem:s29+$0xC000] =	vst.add.f32.msk $0xffff, v1  }
0x42d: {  	[tilespmem:s29+$0xC010] =	vst.add.f32.msk $0xffff, v2  }
0x42e: {  	[tilespmem:s29+$0xC020] =	vst.add.f32.msk $0xffff, v3  }
0x42f: {  	[tilespmem:s29+$0xC030] =	vst.add.f32.msk $0xffff, v4  }
0x430: {  	s30 =	sld [smem:$0x7F6];
	[tilespmem:s29+$0xC040] =	vst.add.f32.msk $0xffff, v63  }
0x431: {  	[tilespmem:s29+$0xC050] =	vst.add.f32.msk $0xffff, v5  }
0x432: {  	[tilespmem:s29+$0xC060] =	vst.add.f32.msk $0xffff, v6;
	s29 =	simm.s32 $0x0  }
0x433: {  	[hbm4b:s30+s29] =	stream.linear.scatter [tilespmem:s16], [sflag:$0x6], $0x6000, $0x38;
	[tilespmem:$0x1E000] =	vst v63  }
0x434: {  	s30 =	sld [smem:$0x7F9];
	_ =	sdelay $0x2  }
0x435: {  	[tilespmem:s18], [sflag:$0x8] =	stream.linear.gather [hbm4b:s30+s29], $0x6000, $0x38;
	[tilespmem:$0x1E000] =	vst v63  }
0x436: {  	_ =	swait.ge [sflag:s25], $0x6000  }
0x437: {  	[sflag:s25] =	ssyncset.done $0x0  }
0x438: {  	[sflag:s25] =	ssyncadd.s32 $0xFFFFA000  }
0x439: {  	[tilespmem:s16], [sflag:$0x3] =	stream.linear.gather [hbm4b:s31+s29], $0x6000, $0x38;
	[tilespmem:$0x1E000] =	vst v63  }
0x43a: {  	_ =	swait.ge [sflag:s19], $0x6000  }
0x43b: {  	[sflag:s19] =	ssyncset.done $0x0  }
0x43c: {  	[sflag:s19] =	ssyncadd.s32 $0xFFFFA000  }
0x43d: {  	_ =	swait.ge [sflag:s20], $0x6000  }
0x43e: {  	[sflag:s20] =	ssyncset.done $0x0  }
0x43f: {  	s30 =	simm.s32 $0x200;
	s29 =	simm.s32 $0x0;
	[sflag:s20] =	ssyncadd.s32 $0xFFFFA000  }
.LBB2_50:
0x440: {  	p0 =	sne.s32 s30, $0x17E00;
	v0 =	vld [tilespmem:s29+$0x12070]  }
0x441: {  	v1 =	vld [tilespmem:s29+$0x12000]  }
0x442: {  	v2 =	vld [tilespmem:s29+$0x12010]  }
0x443: {  	v3 =	vld [tilespmem:s29+$0x12020]  }
0x444: {  	v4 =	vld [tilespmem:s29+$0x12030]  }
0x445: {  	[tilespmem:s29+$0x70] =	vst.add.f32.msk $0xffff, v0  }
0x446: {  	v0 =	vld [tilespmem:s29+$0x12040]  }
0x447: {  	v5 =	vld [tilespmem:s29+$0x12050]  }
0x448: {  	v6 =	vld [tilespmem:s29+$0x12060]  }
0x449: {  	[tilespmem:s29+$0x0] =	vst.add.f32.msk $0xffff, v1  }
0x44a: {  	[tilespmem:s29+$0x10] =	vst.add.f32.msk $0xffff, v2  }
.Ltmp24:
0x44b: {  	[tilespmem:s29+$0x20] =	vst.add.f32.msk $0xffff, v3;
	(pc) =	sbr.rel @p0 .LBB2_50-.Ltmp24, $4  }
0x44c: {  	[tilespmem:s29+$0x30] =	vst.add.f32.msk $0xffff, v4  }
0x44d: {  	[tilespmem:s29+$0x40] =	vst.add.f32.msk $0xffff, v0  }
0x44e: {  	[tilespmem:s29+$0x50] =	vst.add.f32.msk $0xffff, v5  }
0x44f: {  	[tilespmem:s29+$0x60] =	vst.add.f32.msk $0xffff, v6;
	s29 =	sshra.s32 s30, $0x2;
	s30 =	sadd.s32 $0x200, s30  }
0x450: {  	v0 =	vld [tilespmem:s29+$0x12070]  }
0x451: {  	v1 =	vld [tilespmem:s29+$0x12000]  }
0x452: {  	v2 =	vld [tilespmem:s29+$0x12010]  }
0x453: {  	v3 =	vld [tilespmem:s29+$0x12020]  }
0x454: {  	v4 =	vld [tilespmem:s29+$0x12030]  }
0x455: {  	v63 =	vld [tilespmem:s29+$0x12040]  }
0x456: {  	v5 =	vld [tilespmem:s29+$0x12050]  }
0x457: {  	v6 =	vld [tilespmem:s29+$0x12060]  }
0x458: {  	[tilespmem:s29+$0x70] =	vst.add.f32.msk $0xffff, v0  }
0x459: {  	[tilespmem:s29+$0x0] =	vst.add.f32.msk $0xffff, v1  }
0x45a: {  	[tilespmem:s29+$0x10] =	vst.add.f32.msk $0xffff, v2  }
0x45b: {  	[tilespmem:s29+$0x20] =	vst.add.f32.msk $0xffff, v3  }
0x45c: {  	[tilespmem:s29+$0x30] =	vst.add.f32.msk $0xffff, v4  }
0x45d: {  	s30 =	sld [smem:$0x7FB];
	[tilespmem:s29+$0x40] =	vst.add.f32.msk $0xffff, v63  }
0x45e: {  	[tilespmem:s29+$0x50] =	vst.add.f32.msk $0xffff, v5  }
0x45f: {  	[tilespmem:s29+$0x60] =	vst.add.f32.msk $0xffff, v6;
	s29 =	simm.s32 $0x0  }
0x460: {  	[hbm4b:s30+s29] =	stream.linear.scatter [tilespmem:s29], [sflag:$0x4], $0x6000, $0x38;
	[tilespmem:$0x1E000] =	vst v63  }
0x461: {  	_ =	swait.ge [sflag:s21], $0x6000  }
0x462: {  	[sflag:s21] =	ssyncset.done $0x0  }
0x463: {  	[sflag:s21] =	ssyncadd.s32 $0xFFFFA000  }
0x464: {  	[tilespmem:s29], [sflag:$0x1] =	stream.linear.gather [hbm4b:s2+s29], $0x6000, $0x38;
	[tilespmem:$0x1E000] =	vst v63  }
0x465: {  	_ =	swait.ge [sflag:s22], $0x6000  }
0x466: {  	[sflag:s22] =	ssyncset.done $0x0  }
0x467: {  	s30 =	simm.s32 $0x200;
	s29 =	simm.s32 $0x0;
	[sflag:s22] =	ssyncadd.s32 $0xFFFFA000  }
.LBB2_52:
0x468: {  	p0 =	sne.s32 s30, $0x17E00;
	v0 =	vld [tilespmem:s29+$0x12070]  }
0x469: {  	v1 =	vld [tilespmem:s29+$0x12000]  }
0x46a: {  	v2 =	vld [tilespmem:s29+$0x12010]  }
0x46b: {  	v3 =	vld [tilespmem:s29+$0x12020]  }
0x46c: {  	v4 =	vld [tilespmem:s29+$0x12030]  }
0x46d: {  	[tilespmem:s29+$0x6070] =	vst.add.f32.msk $0xffff, v0  }
0x46e: {  	v0 =	vld [tilespmem:s29+$0x12040]  }
0x46f: {  	v5 =	vld [tilespmem:s29+$0x12050]  }
0x470: {  	v6 =	vld [tilespmem:s29+$0x12060]  }
0x471: {  	[tilespmem:s29+$0x6000] =	vst.add.f32.msk $0xffff, v1  }
0x472: {  	[tilespmem:s29+$0x6010] =	vst.add.f32.msk $0xffff, v2  }
.Ltmp25:
0x473: {  	[tilespmem:s29+$0x6020] =	vst.add.f32.msk $0xffff, v3;
	(pc) =	sbr.rel @p0 .LBB2_52-.Ltmp25, $4  }
0x474: {  	[tilespmem:s29+$0x6030] =	vst.add.f32.msk $0xffff, v4  }
0x475: {  	[tilespmem:s29+$0x6040] =	vst.add.f32.msk $0xffff, v0  }
0x476: {  	[tilespmem:s29+$0x6050] =	vst.add.f32.msk $0xffff, v5  }
0x477: {  	[tilespmem:s29+$0x6060] =	vst.add.f32.msk $0xffff, v6;
	s29 =	sshra.s32 s30, $0x2;
	s30 =	sadd.s32 $0x200, s30  }
0x478: {  	v0 =	vld [tilespmem:s29+$0x12070]  }
0x479: {  	v1 =	vld [tilespmem:s29+$0x12000]  }
0x47a: {  	v2 =	vld [tilespmem:s29+$0x12010]  }
0x47b: {  	v3 =	vld [tilespmem:s29+$0x12020]  }
0x47c: {  	v4 =	vld [tilespmem:s29+$0x12030]  }
0x47d: {  	v63 =	vld [tilespmem:s29+$0x12040]  }
0x47e: {  	v5 =	vld [tilespmem:s29+$0x12050]  }
0x47f: {  	v6 =	vld [tilespmem:s29+$0x12060]  }
0x480: {  	[tilespmem:s29+$0x6070] =	vst.add.f32.msk $0xffff, v0  }
0x481: {  	[tilespmem:s29+$0x6000] =	vst.add.f32.msk $0xffff, v1  }
0x482: {  	[tilespmem:s29+$0x6010] =	vst.add.f32.msk $0xffff, v2  }
0x483: {  	[tilespmem:s29+$0x6020] =	vst.add.f32.msk $0xffff, v3  }
0x484: {  	[tilespmem:s29+$0x6030] =	vst.add.f32.msk $0xffff, v4  }
0x485: {  	s30 =	sld [smem:$0x7FD];
	[tilespmem:s29+$0x6040] =	vst.add.f32.msk $0xffff, v63  }
0x486: {  	[tilespmem:s29+$0x6050] =	vst.add.f32.msk $0xffff, v5  }
0x487: {  	[tilespmem:s29+$0x6060] =	vst.add.f32.msk $0xffff, v6;
	s29 =	simm.s32 $0x0  }
0x488: {  	[hbm4b:s30+s29] =	stream.linear.scatter [tilespmem:s15], [sflag:$0x5], $0x6000, $0x38;
	[tilespmem:$0x1E000] =	vst v63  }
0x489: {  	_ =	swait.ge [sflag:s23], $0x6000  }
0x48a: {  	[sflag:s23] =	ssyncset.done $0x0  }
0x48b: {  	[sflag:s23] =	ssyncadd.s32 $0xFFFFA000  }
0x48c: {  	[tilespmem:s15], [sflag:$0x2] =	stream.linear.gather [hbm4b:s4+s29], $0x6000, $0x38;
	[tilespmem:$0x1E000] =	vst v63  }
0x48d: {  	_ =	swait.ge [sflag:s24], $0x6000  }
0x48e: {  	[sflag:s24] =	ssyncset.done $0x0  }
0x48f: {  	s30 =	simm.s32 $0x200;
	s29 =	simm.s32 $0x0;
	[sflag:s24] =	ssyncadd.s32 $0xFFFFA000  }
.LBB2_54:
0x490: {  	p0 =	sne.s32 s30, $0x17E00;
	v0 =	vld [tilespmem:s29+$0x12070]  }
0x491: {  	v1 =	vld [tilespmem:s29+$0x12000]  }
0x492: {  	v2 =	vld [tilespmem:s29+$0x12010]  }
0x493: {  	v3 =	vld [tilespmem:s29+$0x12020]  }
0x494: {  	v4 =	vld [tilespmem:s29+$0x12030]  }
0x495: {  	[tilespmem:s29+$0xC070] =	vst.add.f32.msk $0xffff, v0  }
0x496: {  	v0 =	vld [tilespmem:s29+$0x12040]  }
0x497: {  	v5 =	vld [tilespmem:s29+$0x12050]  }
0x498: {  	v6 =	vld [tilespmem:s29+$0x12060]  }
0x499: {  	[tilespmem:s29+$0xC000] =	vst.add.f32.msk $0xffff, v1  }
0x49a: {  	[tilespmem:s29+$0xC010] =	vst.add.f32.msk $0xffff, v2  }
.Ltmp26:
0x49b: {  	[tilespmem:s29+$0xC020] =	vst.add.f32.msk $0xffff, v3;
	(pc) =	sbr.rel @p0 .LBB2_54-.Ltmp26, $4  }
0x49c: {  	[tilespmem:s29+$0xC030] =	vst.add.f32.msk $0xffff, v4  }
0x49d: {  	[tilespmem:s29+$0xC040] =	vst.add.f32.msk $0xffff, v0  }
0x49e: {  	[tilespmem:s29+$0xC050] =	vst.add.f32.msk $0xffff, v5  }
0x49f: {  	[tilespmem:s29+$0xC060] =	vst.add.f32.msk $0xffff, v6;
	s29 =	sshra.s32 s30, $0x2;
	s30 =	sadd.s32 $0x200, s30  }
0x4a0: {  	v0 =	vld [tilespmem:s29+$0x12070]  }
0x4a1: {  	v1 =	vld [tilespmem:s29+$0x12000]  }
0x4a2: {  	v2 =	vld [tilespmem:s29+$0x12010]  }
0x4a3: {  	v3 =	vld [tilespmem:s29+$0x12020]  }
0x4a4: {  	v4 =	vld [tilespmem:s29+$0x12030]  }
0x4a5: {  	v63 =	vld [tilespmem:s29+$0x12040]  }
0x4a6: {  	v5 =	vld [tilespmem:s29+$0x12050]  }
0x4a7: {  	v6 =	vld [tilespmem:s29+$0x12060]  }
0x4a8: {  	[tilespmem:s29+$0xC070] =	vst.add.f32.msk $0xffff, v0  }
0x4a9: {  	[tilespmem:s29+$0xC000] =	vst.add.f32.msk $0xffff, v1  }
0x4aa: {  	[tilespmem:s29+$0xC010] =	vst.add.f32.msk $0xffff, v2  }
0x4ab: {  	[tilespmem:s29+$0xC020] =	vst.add.f32.msk $0xffff, v3  }
0x4ac: {  	[tilespmem:s29+$0xC030] =	vst.add.f32.msk $0xffff, v4  }
0x4ad: {  	[tilespmem:s29+$0xC040] =	vst.add.f32.msk $0xffff, v63  }
0x4ae: {  	[tilespmem:s29+$0xC050] =	vst.add.f32.msk $0xffff, v5  }
0x4af: {  	[tilespmem:s29+$0xC060] =	vst.add.f32.msk $0xffff, v6;
	s29 =	simm.s32 $0x0  }
0x4b0: {  	[hbm4b:s0+s29] =	stream.linear.scatter [tilespmem:s16], [sflag:$0x6], $0x6000, $0x38;
	[tilespmem:$0x1E000] =	vst v63  }
0x4b1: {  	_ =	swait.ge [sflag:s25], $0x6000  }
0x4b2: {  	[sflag:s25] =	ssyncset.done $0x0  }
0x4b3: {  	[sflag:s25] =	ssyncadd.s32 $0xFFFFA000  }
0x4b4: {  	[tilespmem:s16], [sflag:$0x3] =	stream.linear.gather [hbm4b:s8+s29], $0x6000, $0x38;
	[tilespmem:$0x1E000] =	vst v63  }
0x4b5: {  	_ =	swait.ge [sflag:s19], $0x6000  }
0x4b6: {  	[sflag:s19] =	ssyncset.done $0x0  }
0x4b7: {  	s30 =	simm.s32 $0x200;
	s29 =	simm.s32 $0x0;
	[sflag:s19] =	ssyncadd.s32 $0xFFFFA000  }
.LBB2_56:
0x4b8: {  	p0 =	sne.s32 s30, $0x17E00;
	v0 =	vld [tilespmem:s29+$0x12070]  }
0x4b9: {  	v1 =	vld [tilespmem:s29+$0x12000]  }
0x4ba: {  	v2 =	vld [tilespmem:s29+$0x12010]  }
0x4bb: {  	v3 =	vld [tilespmem:s29+$0x12020]  }
0x4bc: {  	v4 =	vld [tilespmem:s29+$0x12030]  }
0x4bd: {  	[tilespmem:s29+$0x70] =	vst.add.f32.msk $0xffff, v0  }
0x4be: {  	v0 =	vld [tilespmem:s29+$0x12040]  }
0x4bf: {  	v5 =	vld [tilespmem:s29+$0x12050]  }
0x4c0: {  	v6 =	vld [tilespmem:s29+$0x12060]  }
0x4c1: {  	[tilespmem:s29+$0x0] =	vst.add.f32.msk $0xffff, v1  }
0x4c2: {  	[tilespmem:s29+$0x10] =	vst.add.f32.msk $0xffff, v2  }
.Ltmp27:
0x4c3: {  	[tilespmem:s29+$0x20] =	vst.add.f32.msk $0xffff, v3;
	(pc) =	sbr.rel @p0 .LBB2_56-.Ltmp27, $4  }
0x4c4: {  	[tilespmem:s29+$0x30] =	vst.add.f32.msk $0xffff, v4  }
0x4c5: {  	[tilespmem:s29+$0x40] =	vst.add.f32.msk $0xffff, v0  }
0x4c6: {  	[tilespmem:s29+$0x50] =	vst.add.f32.msk $0xffff, v5  }
0x4c7: {  	[tilespmem:s29+$0x60] =	vst.add.f32.msk $0xffff, v6;
	s29 =	sshra.s32 s30, $0x2;
	s30 =	sadd.s32 $0x200, s30  }
0x4c8: {  	v0 =	vld [tilespmem:s29+$0x12070]  }
0x4c9: {  	v1 =	vld [tilespmem:s29+$0x12000]  }
0x4ca: {  	v2 =	vld [tilespmem:s29+$0x12010]  }
0x4cb: {  	v3 =	vld [tilespmem:s29+$0x12020]  }
0x4cc: {  	v4 =	vld [tilespmem:s29+$0x12030]  }
0x4cd: {  	v63 =	vld [tilespmem:s29+$0x12040]  }
0x4ce: {  	v5 =	vld [tilespmem:s29+$0x12050]  }
0x4cf: {  	v6 =	vld [tilespmem:s29+$0x12060]  }
0x4d0: {  	[tilespmem:s29+$0x70] =	vst.add.f32.msk $0xffff, v0  }
0x4d1: {  	[tilespmem:s29+$0x0] =	vst.add.f32.msk $0xffff, v1  }
0x4d2: {  	[tilespmem:s29+$0x10] =	vst.add.f32.msk $0xffff, v2  }
0x4d3: {  	[tilespmem:s29+$0x20] =	vst.add.f32.msk $0xffff, v3  }
0x4d4: {  	[tilespmem:s29+$0x30] =	vst.add.f32.msk $0xffff, v4  }
0x4d5: {  	[tilespmem:s29+$0x40] =	vst.add.f32.msk $0xffff, v63  }
0x4d6: {  	[tilespmem:s29+$0x50] =	vst.add.f32.msk $0xffff, v5  }
0x4d7: {  	[tilespmem:s29+$0x60] =	vst.add.f32.msk $0xffff, v6;
	s29 =	simm.s32 $0x0  }
0x4d8: {  	[hbm4b:s3+s29] =	stream.linear.scatter [tilespmem:s29], [sflag:$0x4], $0x6000, $0x38;
	[tilespmem:$0x1E000] =	vst v63  }
0x4d9: {  	_ =	swait.ge [sflag:s21], $0x6000  }
0x4da: {  	[sflag:s21] =	ssyncset.done $0x0  }
0x4db: {  	[sflag:s21] =	ssyncadd.s32 $0xFFFFA000  }
0x4dc: {  	[tilespmem:s29], [sflag:$0x1] =	stream.linear.gather [hbm4b:s9+s29], $0x6000, $0x38;
	[tilespmem:$0x1E000] =	vst v63  }
0x4dd: {  	_ =	swait.ge [sflag:s22], $0x6000  }
0x4de: {  	[sflag:s22] =	ssyncset.done $0x0  }
0x4df: {  	[sflag:s22] =	ssyncadd.s32 $0xFFFFA000  }
0x4e0: {  	_ =	swait.ge [sflag:s26], $0x6000  }
0x4e1: {  	[sflag:s26] =	ssyncset.done $0x0  }
0x4e2: {  	s30 =	simm.s32 $0x200;
	s29 =	simm.s32 $0x0;
	[sflag:s26] =	ssyncadd.s32 $0xFFFFA000  }
.LBB2_58:
0x4e3: {  	p0 =	sne.s32 s30, $0x17E00;
	v0 =	vld [tilespmem:s29+$0x18070]  }
0x4e4: {  	v1 =	vld [tilespmem:s29+$0x18000]  }
0x4e5: {  	v2 =	vld [tilespmem:s29+$0x18010]  }
0x4e6: {  	v3 =	vld [tilespmem:s29+$0x18020]  }
0x4e7: {  	v4 =	vld [tilespmem:s29+$0x18030]  }
0x4e8: {  	[tilespmem:s29+$0x6070] =	vst.add.f32.msk $0xffff, v0  }
0x4e9: {  	v0 =	vld [tilespmem:s29+$0x18040]  }
0x4ea: {  	v5 =	vld [tilespmem:s29+$0x18050]  }
0x4eb: {  	v6 =	vld [tilespmem:s29+$0x18060]  }
0x4ec: {  	[tilespmem:s29+$0x6000] =	vst.add.f32.msk $0xffff, v1  }
0x4ed: {  	[tilespmem:s29+$0x6010] =	vst.add.f32.msk $0xffff, v2  }
.Ltmp28:
0x4ee: {  	[tilespmem:s29+$0x6020] =	vst.add.f32.msk $0xffff, v3;
	(pc) =	sbr.rel @p0 .LBB2_58-.Ltmp28, $4  }
0x4ef: {  	[tilespmem:s29+$0x6030] =	vst.add.f32.msk $0xffff, v4  }
0x4f0: {  	[tilespmem:s29+$0x6040] =	vst.add.f32.msk $0xffff, v0  }
0x4f1: {  	[tilespmem:s29+$0x6050] =	vst.add.f32.msk $0xffff, v5  }
0x4f2: {  	[tilespmem:s29+$0x6060] =	vst.add.f32.msk $0xffff, v6;
	s29 =	sshra.s32 s30, $0x2;
	s30 =	sadd.s32 $0x200, s30  }
0x4f3: {  	v0 =	vld [tilespmem:s29+$0x18070]  }
0x4f4: {  	v1 =	vld [tilespmem:s29+$0x18000]  }
0x4f5: {  	v2 =	vld [tilespmem:s29+$0x18010]  }
0x4f6: {  	v3 =	vld [tilespmem:s29+$0x18020]  }
0x4f7: {  	v4 =	vld [tilespmem:s29+$0x18030]  }
0x4f8: {  	v63 =	vld [tilespmem:s29+$0x18040]  }
0x4f9: {  	v5 =	vld [tilespmem:s29+$0x18050]  }
0x4fa: {  	v6 =	vld [tilespmem:s29+$0x18060]  }
0x4fb: {  	[tilespmem:s29+$0x6070] =	vst.add.f32.msk $0xffff, v0  }
0x4fc: {  	[tilespmem:s29+$0x6000] =	vst.add.f32.msk $0xffff, v1  }
0x4fd: {  	[tilespmem:s29+$0x6010] =	vst.add.f32.msk $0xffff, v2  }
0x4fe: {  	[tilespmem:s29+$0x6020] =	vst.add.f32.msk $0xffff, v3  }
0x4ff: {  	[tilespmem:s29+$0x6030] =	vst.add.f32.msk $0xffff, v4  }
0x500: {  	[tilespmem:s29+$0x6040] =	vst.add.f32.msk $0xffff, v63  }
0x501: {  	[tilespmem:s29+$0x6050] =	vst.add.f32.msk $0xffff, v5  }
0x502: {  	[tilespmem:s29+$0x6060] =	vst.add.f32.msk $0xffff, v6;
	s29 =	simm.s32 $0x0  }
0x503: {  	[hbm4b:s5+s29] =	stream.linear.scatter [tilespmem:s15], [sflag:$0x5], $0x6000, $0x38;
	[tilespmem:$0x1E000] =	vst v63  }
0x504: {  	_ =	swait.ge [sflag:s23], $0x6000  }
0x505: {  	[sflag:s23] =	ssyncset.done $0x0  }
0x506: {  	[sflag:s23] =	ssyncadd.s32 $0xFFFFA000  }
0x507: {  	[tilespmem:s15], [sflag:$0x2] =	stream.linear.gather [hbm4b:s10+s29], $0x6000, $0x38;
	[tilespmem:$0x1E000] =	vst v63  }
0x508: {  	_ =	swait.ge [sflag:s24], $0x6000  }
0x509: {  	[sflag:s24] =	ssyncset.done $0x0  }
0x50a: {  	s30 =	simm.s32 $0x200;
	s29 =	simm.s32 $0x0;
	[sflag:s24] =	ssyncadd.s32 $0xFFFFA000  }
.LBB2_60:
0x50b: {  	p0 =	sne.s32 s30, $0x17E00;
	v0 =	vld [tilespmem:s29+$0x18070]  }
0x50c: {  	v1 =	vld [tilespmem:s29+$0x18000]  }
0x50d: {  	v2 =	vld [tilespmem:s29+$0x18010]  }
0x50e: {  	v3 =	vld [tilespmem:s29+$0x18020]  }
0x50f: {  	v4 =	vld [tilespmem:s29+$0x18030]  }
0x510: {  	[tilespmem:s29+$0xC070] =	vst.add.f32.msk $0xffff, v0  }
0x511: {  	v0 =	vld [tilespmem:s29+$0x18040]  }
0x512: {  	v5 =	vld [tilespmem:s29+$0x18050]  }
0x513: {  	v6 =	vld [tilespmem:s29+$0x18060]  }
0x514: {  	[tilespmem:s29+$0xC000] =	vst.add.f32.msk $0xffff, v1  }
0x515: {  	[tilespmem:s29+$0xC010] =	vst.add.f32.msk $0xffff, v2  }
.Ltmp29:
0x516: {  	[tilespmem:s29+$0xC020] =	vst.add.f32.msk $0xffff, v3;
	(pc) =	sbr.rel @p0 .LBB2_60-.Ltmp29, $4  }
0x517: {  	[tilespmem:s29+$0xC030] =	vst.add.f32.msk $0xffff, v4  }
0x518: {  	[tilespmem:s29+$0xC040] =	vst.add.f32.msk $0xffff, v0  }
0x519: {  	[tilespmem:s29+$0xC050] =	vst.add.f32.msk $0xffff, v5  }
0x51a: {  	[tilespmem:s29+$0xC060] =	vst.add.f32.msk $0xffff, v6;
	s29 =	sshra.s32 s30, $0x2;
	s30 =	sadd.s32 $0x200, s30  }
0x51b: {  	v0 =	vld [tilespmem:s29+$0x18070]  }
0x51c: {  	v1 =	vld [tilespmem:s29+$0x18000]  }
0x51d: {  	v2 =	vld [tilespmem:s29+$0x18010]  }
0x51e: {  	v3 =	vld [tilespmem:s29+$0x18020]  }
0x51f: {  	v4 =	vld [tilespmem:s29+$0x18030]  }
0x520: {  	v63 =	vld [tilespmem:s29+$0x18040]  }
0x521: {  	v5 =	vld [tilespmem:s29+$0x18050]  }
0x522: {  	v6 =	vld [tilespmem:s29+$0x18060]  }
0x523: {  	[tilespmem:s29+$0xC070] =	vst.add.f32.msk $0xffff, v0  }
0x524: {  	[tilespmem:s29+$0xC000] =	vst.add.f32.msk $0xffff, v1  }
0x525: {  	[tilespmem:s29+$0xC010] =	vst.add.f32.msk $0xffff, v2  }
0x526: {  	[tilespmem:s29+$0xC020] =	vst.add.f32.msk $0xffff, v3  }
0x527: {  	[tilespmem:s29+$0xC030] =	vst.add.f32.msk $0xffff, v4  }
0x528: {  	[tilespmem:s29+$0xC040] =	vst.add.f32.msk $0xffff, v63  }
0x529: {  	[tilespmem:s29+$0xC050] =	vst.add.f32.msk $0xffff, v5  }
0x52a: {  	[tilespmem:s29+$0xC060] =	vst.add.f32.msk $0xffff, v6;
	s29 =	simm.s32 $0x0  }
0x52b: {  	[hbm4b:s11+s29] =	stream.linear.scatter [tilespmem:s16], [sflag:$0x6], $0x6000, $0x38;
	[tilespmem:$0x1E000] =	vst v63  }
0x52c: {  	_ =	swait.ge [sflag:s19], $0x6000  }
0x52d: {  	[sflag:s19] =	ssyncset.done $0x0  }
0x52e: {  	s30 =	simm.s32 $0x200;
	s29 =	simm.s32 $0x0;
	[sflag:s19] =	ssyncadd.s32 $0xFFFFA000  }
.LBB2_62:
0x52f: {  	p0 =	sne.s32 s30, $0x17E00;
	v0 =	vld [tilespmem:s29+$0x18070]  }
0x530: {  	v1 =	vld [tilespmem:s29+$0x18000]  }
0x531: {  	v2 =	vld [tilespmem:s29+$0x18010]  }
0x532: {  	v3 =	vld [tilespmem:s29+$0x18020]  }
0x533: {  	v4 =	vld [tilespmem:s29+$0x18030]  }
0x534: {  	[tilespmem:s29+$0x70] =	vst.add.f32.msk $0xffff, v0  }
0x535: {  	v0 =	vld [tilespmem:s29+$0x18040]  }
0x536: {  	v5 =	vld [tilespmem:s29+$0x18050]  }
0x537: {  	v6 =	vld [tilespmem:s29+$0x18060]  }
0x538: {  	[tilespmem:s29+$0x0] =	vst.add.f32.msk $0xffff, v1  }
0x539: {  	[tilespmem:s29+$0x10] =	vst.add.f32.msk $0xffff, v2  }
.Ltmp30:
0x53a: {  	[tilespmem:s29+$0x20] =	vst.add.f32.msk $0xffff, v3;
	(pc) =	sbr.rel @p0 .LBB2_62-.Ltmp30, $4  }
0x53b: {  	[tilespmem:s29+$0x30] =	vst.add.f32.msk $0xffff, v4  }
0x53c: {  	[tilespmem:s29+$0x40] =	vst.add.f32.msk $0xffff, v0  }
0x53d: {  	[tilespmem:s29+$0x50] =	vst.add.f32.msk $0xffff, v5  }
0x53e: {  	[tilespmem:s29+$0x60] =	vst.add.f32.msk $0xffff, v6;
	s29 =	sshra.s32 s30, $0x2;
	s30 =	sadd.s32 $0x200, s30  }
0x53f: {  	v0 =	vld [tilespmem:s29+$0x18070]  }
0x540: {  	v1 =	vld [tilespmem:s29+$0x18000]  }
0x541: {  	v2 =	vld [tilespmem:s29+$0x18010]  }
0x542: {  	v3 =	vld [tilespmem:s29+$0x18020]  }
0x543: {  	v4 =	vld [tilespmem:s29+$0x18030]  }
0x544: {  	v63 =	vld [tilespmem:s29+$0x18040]  }
0x545: {  	v5 =	vld [tilespmem:s29+$0x18050]  }
0x546: {  	v6 =	vld [tilespmem:s29+$0x18060]  }
0x547: {  	[tilespmem:s29+$0x70] =	vst.add.f32.msk $0xffff, v0  }
0x548: {  	[tilespmem:s29+$0x0] =	vst.add.f32.msk $0xffff, v1  }
0x549: {  	[tilespmem:s29+$0x10] =	vst.add.f32.msk $0xffff, v2  }
0x54a: {  	[tilespmem:s29+$0x20] =	vst.add.f32.msk $0xffff, v3  }
0x54b: {  	[tilespmem:s29+$0x30] =	vst.add.f32.msk $0xffff, v4  }
0x54c: {  	[tilespmem:s29+$0x40] =	vst.add.f32.msk $0xffff, v63  }
0x54d: {  	[tilespmem:s29+$0x50] =	vst.add.f32.msk $0xffff, v5  }
0x54e: {  	[tilespmem:s29+$0x60] =	vst.add.f32.msk $0xffff, v6;
	s29 =	simm.s32 $0x0  }
0x54f: {  	[hbm4b:s12+s29] =	stream.linear.scatter [tilespmem:s29], [sflag:$0x4], $0x6000, $0x38;
	[tilespmem:$0x1E000] =	vst v63  }
0x550: {  	_ =	swait.ge [sflag:s22], $0x6000  }
0x551: {  	[sflag:s22] =	ssyncset.done $0x0  }
0x552: {  	s30 =	simm.s32 $0x200;
	s29 =	simm.s32 $0x0;
	[sflag:s22] =	ssyncadd.s32 $0xFFFFA000  }
.LBB2_64:
0x553: {  	p0 =	sne.s32 s30, $0x17E00;
	v0 =	vld [tilespmem:s29+$0x18070]  }
0x554: {  	v1 =	vld [tilespmem:s29+$0x18000]  }
0x555: {  	v2 =	vld [tilespmem:s29+$0x18010]  }
0x556: {  	v3 =	vld [tilespmem:s29+$0x18020]  }
0x557: {  	v4 =	vld [tilespmem:s29+$0x18030]  }
0x558: {  	[tilespmem:s29+$0x6070] =	vst.add.f32.msk $0xffff, v0  }
0x559: {  	v0 =	vld [tilespmem:s29+$0x18040]  }
0x55a: {  	v5 =	vld [tilespmem:s29+$0x18050]  }
0x55b: {  	v6 =	vld [tilespmem:s29+$0x18060]  }
0x55c: {  	[tilespmem:s29+$0x6000] =	vst.add.f32.msk $0xffff, v1  }
0x55d: {  	[tilespmem:s29+$0x6010] =	vst.add.f32.msk $0xffff, v2  }
.Ltmp31:
0x55e: {  	[tilespmem:s29+$0x6020] =	vst.add.f32.msk $0xffff, v3;
	(pc) =	sbr.rel @p0 .LBB2_64-.Ltmp31, $4  }
0x55f: {  	[tilespmem:s29+$0x6030] =	vst.add.f32.msk $0xffff, v4  }
0x560: {  	[tilespmem:s29+$0x6040] =	vst.add.f32.msk $0xffff, v0  }
0x561: {  	[tilespmem:s29+$0x6050] =	vst.add.f32.msk $0xffff, v5  }
0x562: {  	[tilespmem:s29+$0x6060] =	vst.add.f32.msk $0xffff, v6;
	s29 =	sshra.s32 s30, $0x2;
	s30 =	sadd.s32 $0x200, s30  }
0x563: {  	v0 =	vld [tilespmem:s29+$0x18070]  }
0x564: {  	v1 =	vld [tilespmem:s29+$0x18000]  }
0x565: {  	v2 =	vld [tilespmem:s29+$0x18010]  }
0x566: {  	v3 =	vld [tilespmem:s29+$0x18020]  }
0x567: {  	v4 =	vld [tilespmem:s29+$0x18030]  }
0x568: {  	v63 =	vld [tilespmem:s29+$0x18040]  }
0x569: {  	v5 =	vld [tilespmem:s29+$0x18050]  }
0x56a: {  	v6 =	vld [tilespmem:s29+$0x18060]  }
0x56b: {  	[tilespmem:s29+$0x6070] =	vst.add.f32.msk $0xffff, v0  }
0x56c: {  	[tilespmem:s29+$0x6000] =	vst.add.f32.msk $0xffff, v1  }
0x56d: {  	[tilespmem:s29+$0x6010] =	vst.add.f32.msk $0xffff, v2  }
0x56e: {  	[tilespmem:s29+$0x6020] =	vst.add.f32.msk $0xffff, v3  }
0x56f: {  	[tilespmem:s29+$0x6030] =	vst.add.f32.msk $0xffff, v4  }
0x570: {  	[tilespmem:s29+$0x6040] =	vst.add.f32.msk $0xffff, v63  }
0x571: {  	[tilespmem:s29+$0x6050] =	vst.add.f32.msk $0xffff, v5  }
0x572: {  	[tilespmem:s29+$0x6060] =	vst.add.f32.msk $0xffff, v6  }
0x573: {  	[hbm4b:s13+s1] =	stream.linear.scatter [tilespmem:s15], [sflag:$0x5], $0x6000, $0x38;
	[tilespmem:$0x1E000] =	vst v63  }
0x574: {  	_ =	swait.ge [sflag:s25], $0x6000  }
0x575: {  	[sflag:s25] =	ssyncset.done $0x0  }
0x576: {  	s28 =	sadd.s32 $0x1, s28;
	[sflag:s25] =	ssyncadd.s32 $0xFFFFA000  }
0x577: {  	p0 =	sne.s32 s28, s14;
	_ =	swait.ge [sflag:s21], $0x6000  }
.Ltmp32:
0x578: {  	[sflag:s21] =	ssyncset.done $0x0;
	(pc) =	sbr.rel @p0 .LBB2_1-.Ltmp32, $4  }
0x579: {  	[sflag:s21] =	ssyncadd.s32 $0xFFFFA000  }
0x57a: {  	_ =	swait.ge [sflag:s23], $0x6000  }
0x57b: {  	[sflag:s23] =	ssyncset.done $0x0  }
0x57c: {  	[sflag:s23] =	ssyncadd.s32 $0xFFFFA000  }
0x57d: {  	_ =	sfence.sel $0x180000  }
0x57e: {  	[bflag:$0x0] =	sbarrier.arrive $0xFFFF  }
0x57f: {  	_ =	strace $0x90000047  }
0x580: {  	s0 =	stileid.u32;
	[bflag:$0x2] =	sbarrier.arrive $0xFFFF  }
0x581: {  	p0 =	sne.s32 s0, $0x0;
	s0 =	rddreg [dreg:$0x2]  }
0x582: {  	s0 =	sadd.s32 @!p0 $0x100000, s0  }
0x583: {  	[sflag:s0] =	ssyncadd.tile.s32 @!p0 $0x1;
	_ =	shalt  }
.Lfunc_end2:
_tile_overlayer_lowered:
.L_overlay_start_2:
0x584: {  	(tag) =	ssettag $0x2  }
0x585: {  	s0 =	rddreg [dreg:$0x0];
	s2 =	stileid.u32  }
0x586: {  	s1 =	rddreg [dreg:$0x1];
	p0 =	sne.s32 s2, $0x0  }
0x587: {  	s3 =	rddreg [dreg:$0x2];
	[bflag:$0x3] =	sbarrier.arrive $0xFFFF;
	s2 =	simm.s32 @!p0 $0x1C09  }
0x588: {  	[timem:s3], [sflag:s2] =	dma.local @!p0 [hbm:s0], s1  }
0x589: {  	s0 =	simm.s32 @!p0 $0x9  }
0x58a: {  	_ =	swait.ge @!p0 [sflag:s0], s1  }
0x58b: {  	s1 =	ssub.s32 @!p0 $0x0, s1;
	[sflag:s0] =	ssyncset.done @!p0 $0x0  }
0x58c: {  	[sflag:s0] =	ssyncadd.s32 @!p0 s1  }
0x58d: {  	[bflag:$0x3] =	sbarrier.arrive $0xFFFF  }
0x58e: {  	_ =	shalt  }

</sc_bundles>
